<compile_context>
chip_gen: v7x
topology: tpu7x:2x2x1
jax: 0.10.2.dev20260603
libtpu: 0.0.44.dev20260713+nightly
codegen_flags: <defaults>
</compile_context>

<pallas_src>
import functools

import jax
import jax.numpy as jnp
from jax import lax
from jax.experimental import pallas as pl
from jax.experimental.pallas import tpu as pltpu
from jax.experimental.pallas import tpu_sc as plsc

N_NODES = 10000
N_EDGES = 160000
DIM = 128
NC = 2
NS = 16
NW = NC * NS
CH = 128
N_PAD = 10240
BE = 2048
SPLIT = 40 * BE
E_H = (SPLIT, N_EDGES - SPLIT)

_mesh = plsc.VectorSubcoreMesh(core_axis_name="c", subcore_axis_name="s")


def _make_gather(eh):
    ech = eh // CH

    @functools.partial(
        pl.kernel,
        out_type=(
            jax.ShapeDtypeStruct((eh, DIM), jnp.float32),
            jax.ShapeDtypeStruct((eh, DIM), jnp.float32),
        ),
        mesh=_mesh,
        scratch_types=[
            pltpu.VMEM((CH,), jnp.int32),
            pltpu.VMEM((CH,), jnp.int32),
            pltpu.VMEM((CH, DIM), jnp.float32),
            pltpu.VMEM((CH, DIM), jnp.float32),
            pltpu.SemaphoreType.DMA,
            pltpu.SemaphoreType.DMA,
            pltpu.SemaphoreType.DMA,
            pltpu.SemaphoreType.DMA,
        ],
    )
    def _gather(nf_hbm, src_hbm, dst_hbm, osrc_hbm, odst_hbm,
                idx0, idx1, rows0, rows1, sg0, sg1, sw0, sw1):
        wid = lax.axis_index("c") * NS + lax.axis_index("s")
        total = 2 * ech
        idx_v = (idx0, idx1)
        rows_v = (rows0, rows1)
        sg = (sg0, sg1)
        sw = (sw0, sw1)

        def load_idx(ch, b):
            @pl.when(ch < ech)
            def _():
                pltpu.sync_copy(src_hbm.at[pl.ds(ch * CH, CH)], idx_v[b])

            @pl.when(ch >= ech)
            def _():
                pltpu.sync_copy(dst_hbm.at[pl.ds((ch - ech) * CH, CH)], idx_v[b])

        def start_gather(ch, b):
            @pl.when(ch < total)
            def _():
                load_idx(ch, b)
                pltpu.async_copy(nf_hbm.at[idx_v[b]], rows_v[b], sg[b])

        def start_write(ch, b):
            @pl.when(ch < ech)
            def _():
                pltpu.async_copy(rows_v[b], osrc_hbm.at[pl.ds(ch * CH, CH)], sw[b])

            @pl.when(jnp.logical_and(ch >= ech, ch < total))
            def _():
                pltpu.async_copy(
                    rows_v[b], odst_hbm.at[pl.ds((ch - ech) * CH, CH)], sw[b]
                )

        def wait_gather(b):
            pltpu.make_async_copy(nf_hbm.at[idx_v[b]], rows_v[b], sg[b]).wait()

        def wait_write(b):
            pltpu.make_async_copy(rows_v[b], osrc_hbm.at[pl.ds(0, CH)], sw[b]).wait()

        start_gather(wid, 0)
        start_gather(wid + NW, 1)
        nloop = (total + 2 * NW - 1) // (2 * NW)

        def body(g, carry):
            for b in range(2):
                ch = wid + (2 * g + b) * NW

                @pl.when(ch < total)
                def _():
                    wait_gather(b)
                    start_write(ch, b)

            for b in range(2):
                chn = wid + (2 * g + b + 2) * NW

                @pl.when(chn < total)
                def _():
                    wait_write(b)
                    start_gather(chn, b)

            return carry

        lax.fori_loop(0, nloop, body, 0)
        for b in range(2):
            @pl.when(wid + b * NW < total)
            def _():
                wait_write(b)

    return _gather


_gather_h = tuple(_make_gather(eh) for eh in E_H)


def _mlp_body(ef_r, s_r, d_r, w1_r, b1_r, we2_r, be2_r, wa2_r, ba2_r,
              upd_r, m_r, ex_r):
    w1 = w1_r[...]
    pre = (
        jnp.dot(ef_r[...], w1[0:DIM], preferred_element_type=jnp.float32)
        + jnp.dot(s_r[...], w1[DIM:2 * DIM], preferred_element_type=jnp.float32)
        + jnp.dot(d_r[...], w1[2 * DIM:3 * DIM], preferred_element_type=jnp.float32)
        + b1_r[...]
    )
    h = jnp.maximum(pre, 0.0)
    upd = (
        jnp.dot(h[:, :DIM], we2_r[...], preferred_element_type=jnp.float32)
        + be2_r[...]
    )
    upd_r[...] = upd
    lg = jnp.dot(h[:, DIM:], wa2_r[...], preferred_element_type=jnp.float32) + ba2_r[...]
    ex = jnp.exp(lg)
    m_r[...] = upd * ex
    ex_r[...] = ex.reshape(BE // CH, CH)


def _alias_mlp_body(ef_r, s_r, d_r, w1_r, b1_r, we2_r, be2_r, wa2_r, ba2_r,
                    prev_r, upd_r, m_r, ex_r):
    _mlp_body(ef_r, s_r, d_r, w1_r, b1_r, we2_r, be2_r, wa2_r, ba2_r,
              upd_r, m_r, ex_r)


def _edge_mlp(h, ef, srcnf, dstnf, w1, b1, we2, be2, wa2, ba2, upd_prev=None):
    eh = E_H[h]
    boff = 0 if h == 0 else SPLIT // BE
    nblk = (eh + BE - 1) // BE
    erows = nblk * (BE // CH)
    row_spec = pl.BlockSpec((BE, DIM), lambda i: (i, 0))
    off_spec = pl.BlockSpec((BE, DIM), lambda i, o=boff: (i + o, 0))
    full = lambda shape: pl.BlockSpec(shape, lambda i: (0,) * len(shape))
    in_specs = [
        off_spec, row_spec, row_spec,
        full((3 * DIM, 2 * DIM)), full((1, 2 * DIM)),
        full((DIM, DIM)), full((1, DIM)),
        full((DIM, 1)), full((1, 1)),
    ]
    args = [ef, srcnf, dstnf, w1, b1, we2, be2, wa2, ba2]
    kwargs = {}
    body = _mlp_body
    if upd_prev is not None:
        in_specs.append(pl.BlockSpec(memory_space=pl.ANY))
        args.append(upd_prev)
        kwargs["input_output_aliases"] = {9: 0}
        body = _alias_mlp_body
    return pl.pallas_call(
        body,
        grid=(nblk,),
        in_specs=in_specs,
        out_specs=[
            pl.BlockSpec((BE, DIM), lambda i: (i + boff, 0)),
            row_spec,
            pl.BlockSpec((BE // CH, CH), lambda i: (i, 0)),
        ],
        out_shape=[
            jax.ShapeDtypeStruct((N_EDGES, DIM), jnp.float32),
            jax.ShapeDtypeStruct((eh, DIM), jnp.float32),
            jax.ShapeDtypeStruct((erows, CH), jnp.float32),
        ],
        **kwargs,
    )(*args)


def _make_aggregate(eh, erows):
    total = eh // CH

    @functools.partial(
        pl.kernel,
        out_type=(
            jax.ShapeDtypeStruct((NC, N_PAD, DIM), jnp.float32),
            jax.ShapeDtypeStruct((NC, N_PAD), jnp.float32),
        ),
        mesh=_mesh,
        scratch_types=[
            pltpu.VMEM((CH,), jnp.int32),
            pltpu.VMEM((CH,), jnp.int32),
            pltpu.VMEM((CH,), jnp.float32),
            pltpu.VMEM((CH,), jnp.float32),
            pltpu.VMEM((CH, DIM), jnp.float32),
            pltpu.VMEM((CH, DIM), jnp.float32),
            pltpu.VMEM_SHARED((N_PAD, DIM), jnp.float32),
            pltpu.VMEM_SHARED((N_PAD,), jnp.float32),
            pltpu.SemaphoreType.DMA,
            pltpu.SemaphoreType.DMA,
            pltpu.SemaphoreType.DMA,
            pltpu.SemaphoreType.DMA,
            pltpu.SemaphoreType.DMA,
            pltpu.SemaphoreType.DMA,
        ],
    )
    def _aggregate(rows_hbm, dst2d_hbm, ex2d_hbm, num_out, den_out,
                   idxa, idxb, exa, exb_, rowsa, rowsb,
                   acc_num, acc_den, sla, slb, sra, srb, sea, seb):
        cix = lax.axis_index("c")
        six = lax.axis_index("s")
        wid = cix * NS + six
        z16 = jnp.zeros((16,), jnp.float32)
        idx_v = (idxa, idxb)
        ex_v = (exa, exb_)
        rows_v = (rowsa, rowsb)
        sl = (sla, slb)
        sr = (sra, srb)
        se = (sea, seb)

        def zrow(e, carry):
            for k in range(DIM // 16):
                rowsa[e, pl.ds(k * 16, 16)] = z16
            return carry

        lax.fori_loop(0, CH, zrow, 0)

        def zl(k, carry):
            exa[pl.ds(k * 16, 16)] = z16
            return carry

        lax.fori_loop(0, CH // 16, zl, 0)

        slab = N_PAD // NS
        for k in range(slab // CH):
            pltpu.sync_copy(rowsa, acc_num.at[pl.ds(six * slab + k * CH, CH)])
            pltpu.sync_copy(exa, acc_den.at[pl.ds(six * slab + k * CH, CH)])
        plsc.subcore_barrier()

        def drain_scatter(b):
            pltpu.make_async_copy(rows_v[b], acc_num.at[idx_v[b]], sr[b]).wait()
            pltpu.make_async_copy(ex_v[b], acc_den.at[idx_v[b]], se[b]).wait()

        def start_load(ch, b):
            pltpu.sync_copy(dst2d_hbm.at[ch], idx_v[b])
            pltpu.async_copy(ex2d_hbm.at[ch], ex_v[b], se[b])
            pltpu.async_copy(rows_hbm.at[pl.ds(ch * CH, CH)], rows_v[b], sl[b])

        def scatter(ch, b):
            pltpu.make_async_copy(rows_hbm.at[pl.ds(0, CH)], rows_v[b], sl[b]).wait()
            pltpu.make_async_copy(ex2d_hbm.at[0], ex_v[b], se[b]).wait()
            pltpu.async_copy(rows_v[b], acc_num.at[idx_v[b]], sr[b], add=True)
            pltpu.async_copy(ex_v[b], acc_den.at[idx_v[b]], se[b], add=True)

        @pl.when(wid < total)
        def _():
            start_load(wid, 0)

        nloop = (total + 2 * NW - 1) // (2 * NW)

        def body(g, carry):
            for b in range(2):
                jj = wid + (2 * g + b) * NW
                jn = jj + NW

                @pl.when(jj < total)
                def _():
                    scatter(jj, b)

                @pl.when(jn < total)
                def _():
                    @pl.when(jn >= wid + 2 * NW)
                    def _():
                        drain_scatter(1 - b)

                    start_load(jn, 1 - b)

            return carry

        lax.fori_loop(0, nloop, body, 0)
        for b in range(2):
            @pl.when(wid + b * NW < total)
            def _():
                drain_scatter(b)

        plsc.subcore_barrier()

        for k in range(slab // CH):
            off = six * slab + k * CH
            pltpu.sync_copy(acc_num.at[pl.ds(off, CH)], num_out.at[cix, pl.ds(off, CH)])
            pltpu.sync_copy(acc_den.at[pl.ds(off, CH)], den_out.at[cix, pl.ds(off, CH)])

    return _aggregate


_aggregate_h = tuple(
    _make_aggregate(eh, ((eh + BE - 1) // BE) * (BE // CH)) for eh in E_H
)


def _fin_body(nf_r, num0_r, num1_r, d00_r, d01_r, d10_r, d11_r, out_r):
    den = d00_r[...] + d01_r[...] + d10_r[...] + d11_r[...]
    num = num0_r[0] + num0_r[1] + num1_r[0] + num1_r[1]
    agg = jnp.where(den > 0.0, num / jnp.where(den > 0.0, den, 1.0), 0.0)
    out_r[...] = jnp.maximum(nf_r[...], agg)


def _finalize(nf, num0, num1, d00, d01, d10, d11):
    bn = 1000
    grid = (N_NODES // bn,)
    row_spec = pl.BlockSpec((bn, DIM), lambda i: (i, 0))
    num_spec = pl.BlockSpec((NC, bn, DIM), lambda i: (0, i, 0))
    col_spec = pl.BlockSpec((bn, 1), lambda i: (i, 0))
    return pl.pallas_call(
        _fin_body,
        grid=grid,
        in_specs=[row_spec, num_spec, num_spec,
                  col_spec, col_spec, col_spec, col_spec],
        out_specs=row_spec,
        out_shape=jax.ShapeDtypeStruct((N_NODES, DIM), jnp.float32),
    )(nf, num0, num1, d00, d01, d10, d11)


def kernel(nf, ef, edge_index, We1, be1, We2, be2, Wa1, ba1, Wa2, ba2):
    src = edge_index[0].astype(jnp.int32)
    dst = edge_index[1].astype(jnp.int32)
    w1 = jnp.concatenate([We1, Wa1], axis=1)
    b1 = jnp.concatenate([be1, ba1], axis=0)[None, :]

    halves = []
    for h in range(2):
        lo = 0 if h == 0 else SPLIT
        hi = SPLIT if h == 0 else N_EDGES
        halves.append((src[lo:hi], dst[lo:hi]))

    s0, d0 = _gather_h[0](nf, halves[0][0], halves[0][1])
    s1, d1 = _gather_h[1](nf, halves[1][0], halves[1][1])

    upd0, m0, ex0 = _edge_mlp(
        0, ef, s0, d0, w1, b1, We2, be2[None, :], Wa2, ba2[None, :]
    )
    upd, m1, ex1 = _edge_mlp(
        1, ef, s1, d1, w1, b1, We2, be2[None, :], Wa2, ba2[None, :],
        upd_prev=upd0,
    )

    num0, den0 = _aggregate_h[0](
        m0, halves[0][1].reshape(E_H[0] // CH, CH), ex0
    )
    num1, den1 = _aggregate_h[1](
        m1, halves[1][1].reshape(E_H[1] // CH, CH), ex1
    )

    upd_nf = _finalize(
        nf, num0, num1,
        den0[0, :N_NODES, None], den0[1, :N_NODES, None],
        den1[0, :N_NODES, None], den1[1, :N_NODES, None],
    )
    return upd_nf, upd

# --- scband reference (transcript-rebuilt; emitter-appended) ---
"""Pipeline reference for scband-path-gnnlayer-17334488006961 (READ-ONLY COPY).

The authoritative reference and input builder live on the scoring server;
editing this copy changes nothing except your own understanding.
"""

import jax, jax.numpy as jnp
import numpy as np

N_NODES = 10000
N_EDGES = 160000
DIM = 128
HID = 128


def _mlp(x, W1, b1, W2, b2):
    h = jax.nn.relu(x @ W1 + b1)
    return h @ W2 + b2


def setup_inputs(seed: int = 0) -> dict:
    key = jax.random.key(seed)
    ks = jax.random.split(key, 12)
    nf = jax.random.normal(ks[0], (N_NODES, DIM), dtype=jnp.float32)
    ef = jax.random.normal(ks[1], (N_EDGES, DIM), dtype=jnp.float32)
    edge_index = jax.random.randint(ks[2], (2, N_EDGES), 0, N_NODES, dtype=jnp.int64)
    d_in = 3 * DIM
    # edge_model MLP: 3*dim -> hid -> dim
    We1 = jax.random.normal(ks[3], (d_in, HID), dtype=jnp.float32) / np.sqrt(d_in)
    be1 = jnp.zeros((HID,), dtype=jnp.float32)
    We2 = jax.random.normal(ks[4], (HID, DIM), dtype=jnp.float32) / np.sqrt(HID)
    be2 = jnp.zeros((DIM,), dtype=jnp.float32)
    # attn_model MLP: 3*dim -> hid -> 1
    Wa1 = jax.random.normal(ks[5], (d_in, HID), dtype=jnp.float32) / np.sqrt(d_in)
    ba1 = jnp.zeros((HID,), dtype=jnp.float32)
    Wa2 = jax.random.normal(ks[6], (HID, 1), dtype=jnp.float32) / np.sqrt(HID)
    ba2 = jnp.zeros((1,), dtype=jnp.float32)
    return {"nf": nf, "ef": ef, "edge_index": edge_index,
            "We1": We1, "be1": be1, "We2": We2, "be2": be2,
            "Wa1": Wa1, "ba1": ba1, "Wa2": Wa2, "ba2": ba2}


def reference(nf, ef, edge_index, We1, be1, We2, be2, Wa1, ba1, Wa2, ba2):
    src = edge_index[0]
    dst = edge_index[1]
    # edge_update: em_input = [ef, sender_nf, receiver_nf]
    em_input = jnp.concatenate([ef, nf[src], nf[dst]], axis=-1)  # [E, 3*dim]
    updated_ef = _mlp(em_input, We1, be1, We2, be2)              # [E, dim]
    # attention logits + edge_softmax over incoming edges of each dst node
    logits = _mlp(em_input, Wa1, ba1, Wa2, ba2)[:, 0]            # [E]
    seg_max = jax.ops.segment_max(logits, dst, num_segments=N_NODES)
    seg_max = jnp.where(jnp.isfinite(seg_max), seg_max, 0.0)
    ex = jnp.exp(logits - seg_max[dst])
    denom = jax.ops.segment_sum(ex, dst, num_segments=N_NODES)
    attn = ex / denom[dst]                                       # [E]
    # message passing: m = uh_e * attn, sum over incoming edges
    m = updated_ef * attn[:, None]
    agg_m = jax.ops.segment_sum(m, dst, num_segments=N_NODES)    # [N, dim]
    # node_update: uh = max(nf, agg_m)
    updated_nf = jnp.maximum(nf, agg_m)
    return updated_nf, updated_ef

if __name__ == "__main__":
    import jax
    _d = setup_inputs()
    print(jax.jit(kernel)(*tuple(_d.values())))

</pallas_src>

<mosaic_0001>
#map = affine_map<(d0, d1) -> (0, 0)>
#map1 = affine_map<(d0, d1) -> (0, 0, 0)>
module attributes {stable_mosaic.version = 14 : i64} {
  func.func @_aggregate(%arg0: i32, %arg1: i32, %arg2: memref<81920x128xf32, #tpu.memory_space<hbm>>, %arg3: memref<640x128xi32, #tpu.memory_space<hbm>>, %arg4: memref<640x128xf32, #tpu.memory_space<hbm>>, %arg5: memref<2x10240x128xf32, #tpu.memory_space<hbm>>, %arg6: memref<2x10240xf32, #tpu.memory_space<hbm>>, %arg7: memref<128xi32, #tpu.memory_space<vmem>>, %arg8: memref<128xi32, #tpu.memory_space<vmem>>, %arg9: memref<128xf32, #tpu.memory_space<vmem>>, %arg10: memref<128xf32, #tpu.memory_space<vmem>>, %arg11: memref<128x128xf32, #tpu.memory_space<vmem>>, %arg12: memref<128x128xf32, #tpu.memory_space<vmem>>, %arg13: memref<10240x128xf32, #tpu.memory_space<vmem_shared>>, %arg14: memref<10240xf32, #tpu.memory_space<vmem_shared>>, %arg15: memref<!tpu.dma_semaphore, #tpu.memory_space<semaphore_mem>>, %arg16: memref<!tpu.dma_semaphore, #tpu.memory_space<semaphore_mem>>, %arg17: memref<!tpu.dma_semaphore, #tpu.memory_space<semaphore_mem>>, %arg18: memref<!tpu.dma_semaphore, #tpu.memory_space<semaphore_mem>>, %arg19: memref<!tpu.dma_semaphore, #tpu.memory_space<semaphore_mem>>, %arg20: memref<!tpu.dma_semaphore, #tpu.memory_space<semaphore_mem>>) attributes {dimension_semantics = [#tpu.dimension_semantics<core_parallel>, #tpu.dimension_semantics<subcore_parallel>], iteration_bounds = array<i64: 2, 16>, scalar_prefetch = 0 : i64, scratch_operands = 14 : i64, tpu.core_type = #tpu.core_type<sc_vector_subcore>, window_params = [{transform_indices = #map}, {transform_indices = #map}, {transform_indices = #map}, {transform_indices = #map1}, {transform_indices = #map}]} {
    %mul3A = arith.constant 16 : i32
    %mul3A_0 = arith.muli %arg0, %mul3A : i32
    %add3A = arith.addi %mul3A_0, %arg1 : i32
    %broadcast_in_dim3A = arith.constant 0.000000e+00 : f32
    %broadcast_in_dim3A_1 = vector.broadcast %broadcast_in_dim3A : f32 to vector<16xf32>
    %scan3A = arith.constant 0 : i32
    %scan3A_2 = arith.constant 0 : i32
    %scan3A_3 = arith.constant 128 : i32
    %scan3A_4 = arith.addi %scan3A_2, %scan3A_3 : i32
    %scan3A_5 = arith.constant 1 : i32
    scf.for %scan3A_96 = %scan3A_2 to %scan3A_4 step %scan3A_5  : i32 {
      %swap3A = arith.index_cast %scan3A_96 : i32 to index
      %swap3A_97 = arith.constant 0 : index
      %swap3A_98 = tpu.vector_load %arg11[%swap3A, %swap3A_97] {strides = array<i32>} : memref<128x128xf32, #tpu.memory_space<vmem>>, vector<1x16xf32>,
      %swap3A_99 = vector.shape_cast %swap3A_98 : vector<1x16xf32> to vector<16xf32>
      %swap3A_100 = vector.shape_cast %broadcast_in_dim3A_1 : vector<16xf32> to vector<1x16xf32>
      tpu.vector_store %arg11[%swap3A, %swap3A_97], %swap3A_100 {strides = array<i32>} : memref<128x128xf32, #tpu.memory_space<vmem>>, vector<1x16xf32>,
      %swap3A_101 = arith.index_cast %scan3A_96 : i32 to index
      %swap3A_102 = arith.constant 16 : index
      %swap3A_103 = tpu.vector_load %arg11[%swap3A_101, %swap3A_102] {strides = array<i32>} : memref<128x128xf32, #tpu.memory_space<vmem>>, vector<1x16xf32>,
      %swap3A_104 = vector.shape_cast %swap3A_103 : vector<1x16xf32> to vector<16xf32>
      %swap3A_105 = vector.shape_cast %broadcast_in_dim3A_1 : vector<16xf32> to vector<1x16xf32>
      tpu.vector_store %arg11[%swap3A_101, %swap3A_102], %swap3A_105 {strides = array<i32>} : memref<128x128xf32, #tpu.memory_space<vmem>>, vector<1x16xf32>,
      %swap3A_106 = arith.index_cast %scan3A_96 : i32 to index
      %swap3A_107 = arith.constant 32 : index
      %swap3A_108 = tpu.vector_load %arg11[%swap3A_106, %swap3A_107] {strides = array<i32>} : memref<128x128xf32, #tpu.memory_space<vmem>>, vector<1x16xf32>,
      %swap3A_109 = vector.shape_cast %swap3A_108 : vector<1x16xf32> to vector<16xf32>
      %swap3A_110 = vector.shape_cast %broadcast_in_dim3A_1 : vector<16xf32> to vector<1x16xf32>
      tpu.vector_store %arg11[%swap3A_106, %swap3A_107], %swap3A_110 {strides = array<i32>} : memref<128x128xf32, #tpu.memory_space<vmem>>, vector<1x16xf32>,
      %swap3A_111 = arith.index_cast %scan3A_96 : i32 to index
      %swap3A_112 = arith.constant 48 : index
      %swap3A_113 = tpu.vector_load %arg11[%swap3A_111, %swap3A_112] {strides = array<i32>} : memref<128x128xf32, #tpu.memory_space<vmem>>, vector<1x16xf32>,
      %swap3A_114 = vector.shape_cast %swap3A_113 : vector<1x16xf32> to vector<16xf32>
      %swap3A_115 = vector.shape_cast %broadcast_in_dim3A_1 : vector<16xf32> to vector<1x16xf32>
      tpu.vector_store %arg11[%swap3A_111, %swap3A_112], %swap3A_115 {strides = array<i32>} : memref<128x128xf32, #tpu.memory_space<vmem>>, vector<1x16xf32>,
      %swap3A_116 = arith.index_cast %scan3A_96 : i32 to index
      %swap3A_117 = arith.constant 64 : index
      %swap3A_118 = tpu.vector_load %arg11[%swap3A_116, %swap3A_117] {strides = array<i32>} : memref<128x128xf32, #tpu.memory_space<vmem>>, vector<1x16xf32>,
      %swap3A_119 = vector.shape_cast %swap3A_118 : vector<1x16xf32> to vector<16xf32>
      %swap3A_120 = vector.shape_cast %broadcast_in_dim3A_1 : vector<16xf32> to vector<1x16xf32>
      tpu.vector_store %arg11[%swap3A_116, %swap3A_117], %swap3A_120 {strides = array<i32>} : memref<128x128xf32, #tpu.memory_space<vmem>>, vector<1x16xf32>,
      %swap3A_121 = arith.index_cast %scan3A_96 : i32 to index
      %swap3A_122 = arith.constant 80 : index
      %swap3A_123 = tpu.vector_load %arg11[%swap3A_121, %swap3A_122] {strides = array<i32>} : memref<128x128xf32, #tpu.memory_space<vmem>>, vector<1x16xf32>,
      %swap3A_124 = vector.shape_cast %swap3A_123 : vector<1x16xf32> to vector<16xf32>
      %swap3A_125 = vector.shape_cast %broadcast_in_dim3A_1 : vector<16xf32> to vector<1x16xf32>
      tpu.vector_store %arg11[%swap3A_121, %swap3A_122], %swap3A_125 {strides = array<i32>} : memref<128x128xf32, #tpu.memory_space<vmem>>, vector<1x16xf32>,
      %swap3A_126 = arith.index_cast %scan3A_96 : i32 to index
      %swap3A_127 = arith.constant 96 : index
      %swap3A_128 = tpu.vector_load %arg11[%swap3A_126, %swap3A_127] {strides = array<i32>} : memref<128x128xf32, #tpu.memory_space<vmem>>, vector<1x16xf32>,
      %swap3A_129 = vector.shape_cast %swap3A_128 : vector<1x16xf32> to vector<16xf32>
      %swap3A_130 = vector.shape_cast %broadcast_in_dim3A_1 : vector<16xf32> to vector<1x16xf32>
      tpu.vector_store %arg11[%swap3A_126, %swap3A_127], %swap3A_130 {strides = array<i32>} : memref<128x128xf32, #tpu.memory_space<vmem>>, vector<1x16xf32>,
      %swap3A_131 = arith.index_cast %scan3A_96 : i32 to index
      %swap3A_132 = arith.constant 112 : index
      %swap3A_133 = tpu.vector_load %arg11[%swap3A_131, %swap3A_132] {strides = array<i32>} : memref<128x128xf32, #tpu.memory_space<vmem>>, vector<1x16xf32>,
      %swap3A_134 = vector.shape_cast %swap3A_133 : vector<1x16xf32> to vector<16xf32>
      %swap3A_135 = vector.shape_cast %broadcast_in_dim3A_1 : vector<16xf32> to vector<1x16xf32>
      tpu.vector_store %arg11[%swap3A_131, %swap3A_132], %swap3A_135 {strides = array<i32>} : memref<128x128xf32, #tpu.memory_space<vmem>>, vector<1x16xf32>,
    }
    %scan3A_6 = arith.constant 128 : i32
    %scan3A_7 = arith.constant 0 : i32
    %scan3A_8 = arith.constant 0 : i32
    %scan3A_9 = arith.constant 8 : i32
    %scan3A_10 = arith.addi %scan3A_8, %scan3A_9 : i32
    %scan3A_11 = arith.constant 1 : i32
    scf.for %scan3A_96 = %scan3A_8 to %scan3A_10 step %scan3A_11  : i32 {
      %mul3A_97 = arith.constant 16 : i32
      %mul3A_98 = arith.muli %scan3A_96, %mul3A_97 : i32
      %swap3A = arith.index_cast %mul3A_98 : i32 to index
      %swap3A_99 = tpu.vector_load %arg9[%swap3A] {strides = array<i32>} : memref<128xf32, #tpu.memory_space<vmem>>, vector<16xf32>,
      %swap3A_100 = vector.shape_cast %swap3A_99 : vector<16xf32> to vector<16xf32>
      %swap3A_101 = vector.shape_cast %broadcast_in_dim3A_1 : vector<16xf32> to vector<16xf32>
      tpu.vector_store %arg9[%swap3A], %swap3A_101 {strides = array<i32>} : memref<128xf32, #tpu.memory_space<vmem>>, vector<16xf32>,
    }
    %scan3A_12 = arith.constant 8 : i32
    %mul3A_13 = arith.constant 640 : i32
    %mul3A_14 = arith.muli %arg1, %mul3A_13 : i32
    %add3A_15 = arith.constant 0 : i32
    %add3A_16 = arith.addi %mul3A_14, %add3A_15 : i32
    "tpu.region"() ({
      %run_scoped3A = tpu.sem_alloc : memref<!tpu.dma_semaphore, #tpu.memory_space<semaphore_mem>>
      %dma_start3A = arith.constant 0 : i32
      %dma_start3A_96 = tpu.memref_slice %arg13[%add3A_16, %dma_start3A] : memref<10240x128xf32, #tpu.memory_space<vmem_shared>> -> memref<128x128xf32, #tpu.memory_space<vmem_shared>>
      %dma_start3A_97 = arith.constant 0 : i32
      %dma_start3A_98 = tpu.memref_slice %arg13[%add3A_16, %dma_start3A_97] : memref<10240x128xf32, #tpu.memory_space<vmem_shared>> -> memref<128x128xf32, #tpu.memory_space<vmem_shared>>
      tpu.enqueue_dma source(%arg11 : memref<128x128xf32, #tpu.memory_space<vmem>>) target(%dma_start3A_98 : memref<128x128xf32, #tpu.memory_space<vmem_shared>>) target_semaphore(%run_scoped3A : memref<!tpu.dma_semaphore, #tpu.memory_space<semaphore_mem>>)
      %dma_wait3A = arith.constant 0 : i32
      %dma_wait3A_99 = tpu.memref_slice %arg13[%add3A_16, %dma_wait3A] : memref<10240x128xf32, #tpu.memory_space<vmem_shared>> -> memref<128x128xf32, #tpu.memory_space<vmem_shared>>
      %dma_wait3A_100 = arith.constant 0 : i32
      %dma_wait3A_101 = tpu.memref_slice %arg13[%add3A_16, %dma_wait3A_100] : memref<10240x128xf32, #tpu.memory_space<vmem_shared>> -> memref<128x128xf32, #tpu.memory_space<vmem_shared>>
      tpu.wait_dma2 semaphore(%run_scoped3A : memref<!tpu.dma_semaphore, #tpu.memory_space<semaphore_mem>>) src(%arg11 : memref<128x128xf32, #tpu.memory_space<vmem>>) dst(%dma_wait3A_101 : memref<128x128xf32, #tpu.memory_space<vmem_shared>>)
      tpu.yield
    }) : () -> ()
    %mul3A_17 = arith.constant 640 : i32
    %mul3A_18 = arith.muli %arg1, %mul3A_17 : i32
    %add3A_19 = arith.constant 0 : i32
    %add3A_20 = arith.addi %mul3A_18, %add3A_19 : i32
    "tpu.region"() ({
      %run_scoped3A = tpu.sem_alloc : memref<!tpu.dma_semaphore, #tpu.memory_space<semaphore_mem>>
      %dma_start3A = tpu.memref_slice %arg14[%add3A_20] : memref<10240xf32, #tpu.memory_space<vmem_shared>> -> memref<128xf32, #tpu.memory_space<vmem_shared>>
      %dma_start3A_96 = tpu.memref_slice %arg14[%add3A_20] : memref<10240xf32, #tpu.memory_space<vmem_shared>> -> memref<128xf32, #tpu.memory_space<vmem_shared>>
      tpu.enqueue_dma source(%arg9 : memref<128xf32, #tpu.memory_space<vmem>>) target(%dma_start3A_96 : memref<128xf32, #tpu.memory_space<vmem_shared>>) target_semaphore(%run_scoped3A : memref<!tpu.dma_semaphore, #tpu.memory_space<semaphore_mem>>)
      %dma_wait3A = tpu.memref_slice %arg14[%add3A_20] : memref<10240xf32, #tpu.memory_space<vmem_shared>> -> memref<128xf32, #tpu.memory_space<vmem_shared>>
      %dma_wait3A_97 = tpu.memref_slice %arg14[%add3A_20] : memref<10240xf32, #tpu.memory_space<vmem_shared>> -> memref<128xf32, #tpu.memory_space<vmem_shared>>
      tpu.wait_dma2 semaphore(%run_scoped3A : memref<!tpu.dma_semaphore, #tpu.memory_space<semaphore_mem>>) src(%arg9 : memref<128xf32, #tpu.memory_space<vmem>>) dst(%dma_wait3A_97 : memref<128xf32, #tpu.memory_space<vmem_shared>>)
      tpu.yield
    }) : () -> ()
    %mul3A_21 = arith.constant 640 : i32
    %mul3A_22 = arith.muli %arg1, %mul3A_21 : i32
    %add3A_23 = arith.constant 128 : i32
    %add3A_24 = arith.addi %mul3A_22, %add3A_23 : i32
    "tpu.region"() ({
      %run_scoped3A = tpu.sem_alloc : memref<!tpu.dma_semaphore, #tpu.memory_space<semaphore_mem>>
      %dma_start3A = arith.constant 0 : i32
      %dma_start3A_96 = tpu.memref_slice %arg13[%add3A_24, %dma_start3A] : memref<10240x128xf32, #tpu.memory_space<vmem_shared>> -> memref<128x128xf32, #tpu.memory_space<vmem_shared>>
      %dma_start3A_97 = arith.constant 0 : i32
      %dma_start3A_98 = tpu.memref_slice %arg13[%add3A_24, %dma_start3A_97] : memref<10240x128xf32, #tpu.memory_space<vmem_shared>> -> memref<128x128xf32, #tpu.memory_space<vmem_shared>>
      tpu.enqueue_dma source(%arg11 : memref<128x128xf32, #tpu.memory_space<vmem>>) target(%dma_start3A_98 : memref<128x128xf32, #tpu.memory_space<vmem_shared>>) target_semaphore(%run_scoped3A : memref<!tpu.dma_semaphore, #tpu.memory_space<semaphore_mem>>)
      %dma_wait3A = arith.constant 0 : i32
      %dma_wait3A_99 = tpu.memref_slice %arg13[%add3A_24, %dma_wait3A] : memref<10240x128xf32, #tpu.memory_space<vmem_shared>> -> memref<128x128xf32, #tpu.memory_space<vmem_shared>>
      %dma_wait3A_100 = arith.constant 0 : i32
      %dma_wait3A_101 = tpu.memref_slice %arg13[%add3A_24, %dma_wait3A_100] : memref<10240x128xf32, #tpu.memory_space<vmem_shared>> -> memref<128x128xf32, #tpu.memory_space<vmem_shared>>
      tpu.wait_dma2 semaphore(%run_scoped3A : memref<!tpu.dma_semaphore, #tpu.memory_space<semaphore_mem>>) src(%arg11 : memref<128x128xf32, #tpu.memory_space<vmem>>) dst(%dma_wait3A_101 : memref<128x128xf32, #tpu.memory_space<vmem_shared>>)
      tpu.yield
    }) : () -> ()
    %mul3A_25 = arith.constant 640 : i32
    %mul3A_26 = arith.muli %arg1, %mul3A_25 : i32
    %add3A_27 = arith.constant 128 : i32
    %add3A_28 = arith.addi %mul3A_26, %add3A_27 : i32
    "tpu.region"() ({
      %run_scoped3A = tpu.sem_alloc : memref<!tpu.dma_semaphore, #tpu.memory_space<semaphore_mem>>
      %dma_start3A = tpu.memref_slice %arg14[%add3A_28] : memref<10240xf32, #tpu.memory_space<vmem_shared>> -> memref<128xf32, #tpu.memory_space<vmem_shared>>
      %dma_start3A_96 = tpu.memref_slice %arg14[%add3A_28] : memref<10240xf32, #tpu.memory_space<vmem_shared>> -> memref<128xf32, #tpu.memory_space<vmem_shared>>
      tpu.enqueue_dma source(%arg9 : memref<128xf32, #tpu.memory_space<vmem>>) target(%dma_start3A_96 : memref<128xf32, #tpu.memory_space<vmem_shared>>) target_semaphore(%run_scoped3A : memref<!tpu.dma_semaphore, #tpu.memory_space<semaphore_mem>>)
      %dma_wait3A = tpu.memref_slice %arg14[%add3A_28] : memref<10240xf32, #tpu.memory_space<vmem_shared>> -> memref<128xf32, #tpu.memory_space<vmem_shared>>
      %dma_wait3A_97 = tpu.memref_slice %arg14[%add3A_28] : memref<10240xf32, #tpu.memory_space<vmem_shared>> -> memref<128xf32, #tpu.memory_space<vmem_shared>>
      tpu.wait_dma2 semaphore(%run_scoped3A : memref<!tpu.dma_semaphore, #tpu.memory_space<semaphore_mem>>) src(%arg9 : memref<128xf32, #tpu.memory_space<vmem>>) dst(%dma_wait3A_97 : memref<128xf32, #tpu.memory_space<vmem_shared>>)
      tpu.yield
    }) : () -> ()
    %mul3A_29 = arith.constant 640 : i32
    %mul3A_30 = arith.muli %arg1, %mul3A_29 : i32
    %add3A_31 = arith.constant 256 : i32
    %add3A_32 = arith.addi %mul3A_30, %add3A_31 : i32
    "tpu.region"() ({
      %run_scoped3A = tpu.sem_alloc : memref<!tpu.dma_semaphore, #tpu.memory_space<semaphore_mem>>
      %dma_start3A = arith.constant 0 : i32
      %dma_start3A_96 = tpu.memref_slice %arg13[%add3A_32, %dma_start3A] : memref<10240x128xf32, #tpu.memory_space<vmem_shared>> -> memref<128x128xf32, #tpu.memory_space<vmem_shared>>
      %dma_start3A_97 = arith.constant 0 : i32
      %dma_start3A_98 = tpu.memref_slice %arg13[%add3A_32, %dma_start3A_97] : memref<10240x128xf32, #tpu.memory_space<vmem_shared>> -> memref<128x128xf32, #tpu.memory_space<vmem_shared>>
      tpu.enqueue_dma source(%arg11 : memref<128x128xf32, #tpu.memory_space<vmem>>) target(%dma_start3A_98 : memref<128x128xf32, #tpu.memory_space<vmem_shared>>) target_semaphore(%run_scoped3A : memref<!tpu.dma_semaphore, #tpu.memory_space<semaphore_mem>>)
      %dma_wait3A = arith.constant 0 : i32
      %dma_wait3A_99 = tpu.memref_slice %arg13[%add3A_32, %dma_wait3A] : memref<10240x128xf32, #tpu.memory_space<vmem_shared>> -> memref<128x128xf32, #tpu.memory_space<vmem_shared>>
      %dma_wait3A_100 = arith.constant 0 : i32
      %dma_wait3A_101 = tpu.memref_slice %arg13[%add3A_32, %dma_wait3A_100] : memref<10240x128xf32, #tpu.memory_space<vmem_shared>> -> memref<128x128xf32, #tpu.memory_space<vmem_shared>>
      tpu.wait_dma2 semaphore(%run_scoped3A : memref<!tpu.dma_semaphore, #tpu.memory_space<semaphore_mem>>) src(%arg11 : memref<128x128xf32, #tpu.memory_space<vmem>>) dst(%dma_wait3A_101 : memref<128x128xf32, #tpu.memory_space<vmem_shared>>)
      tpu.yield
    }) : () -> ()
    %mul3A_33 = arith.constant 640 : i32
    %mul3A_34 = arith.muli %arg1, %mul3A_33 : i32
    %add3A_35 = arith.constant 256 : i32
    %add3A_36 = arith.addi %mul3A_34, %add3A_35 : i32
    "tpu.region"() ({
      %run_scoped3A = tpu.sem_alloc : memref<!tpu.dma_semaphore, #tpu.memory_space<semaphore_mem>>
      %dma_start3A = tpu.memref_slice %arg14[%add3A_36] : memref<10240xf32, #tpu.memory_space<vmem_shared>> -> memref<128xf32, #tpu.memory_space<vmem_shared>>
      %dma_start3A_96 = tpu.memref_slice %arg14[%add3A_36] : memref<10240xf32, #tpu.memory_space<vmem_shared>> -> memref<128xf32, #tpu.memory_space<vmem_shared>>
      tpu.enqueue_dma source(%arg9 : memref<128xf32, #tpu.memory_space<vmem>>) target(%dma_start3A_96 : memref<128xf32, #tpu.memory_space<vmem_shared>>) target_semaphore(%run_scoped3A : memref<!tpu.dma_semaphore, #tpu.memory_space<semaphore_mem>>)
      %dma_wait3A = tpu.memref_slice %arg14[%add3A_36] : memref<10240xf32, #tpu.memory_space<vmem_shared>> -> memref<128xf32, #tpu.memory_space<vmem_shared>>
      %dma_wait3A_97 = tpu.memref_slice %arg14[%add3A_36] : memref<10240xf32, #tpu.memory_space<vmem_shared>> -> memref<128xf32, #tpu.memory_space<vmem_shared>>
      tpu.wait_dma2 semaphore(%run_scoped3A : memref<!tpu.dma_semaphore, #tpu.memory_space<semaphore_mem>>) src(%arg9 : memref<128xf32, #tpu.memory_space<vmem>>) dst(%dma_wait3A_97 : memref<128xf32, #tpu.memory_space<vmem_shared>>)
      tpu.yield
    }) : () -> ()
    %mul3A_37 = arith.constant 640 : i32
    %mul3A_38 = arith.muli %arg1, %mul3A_37 : i32
    %add3A_39 = arith.constant 384 : i32
    %add3A_40 = arith.addi %mul3A_38, %add3A_39 : i32
    "tpu.region"() ({
      %run_scoped3A = tpu.sem_alloc : memref<!tpu.dma_semaphore, #tpu.memory_space<semaphore_mem>>
      %dma_start3A = arith.constant 0 : i32
      %dma_start3A_96 = tpu.memref_slice %arg13[%add3A_40, %dma_start3A] : memref<10240x128xf32, #tpu.memory_space<vmem_shared>> -> memref<128x128xf32, #tpu.memory_space<vmem_shared>>
      %dma_start3A_97 = arith.constant 0 : i32
      %dma_start3A_98 = tpu.memref_slice %arg13[%add3A_40, %dma_start3A_97] : memref<10240x128xf32, #tpu.memory_space<vmem_shared>> -> memref<128x128xf32, #tpu.memory_space<vmem_shared>>
      tpu.enqueue_dma source(%arg11 : memref<128x128xf32, #tpu.memory_space<vmem>>) target(%dma_start3A_98 : memref<128x128xf32, #tpu.memory_space<vmem_shared>>) target_semaphore(%run_scoped3A : memref<!tpu.dma_semaphore, #tpu.memory_space<semaphore_mem>>)
      %dma_wait3A = arith.constant 0 : i32
      %dma_wait3A_99 = tpu.memref_slice %arg13[%add3A_40, %dma_wait3A] : memref<10240x128xf32, #tpu.memory_space<vmem_shared>> -> memref<128x128xf32, #tpu.memory_space<vmem_shared>>
      %dma_wait3A_100 = arith.constant 0 : i32
      %dma_wait3A_101 = tpu.memref_slice %arg13[%add3A_40, %dma_wait3A_100] : memref<10240x128xf32, #tpu.memory_space<vmem_shared>> -> memref<128x128xf32, #tpu.memory_space<vmem_shared>>
      tpu.wait_dma2 semaphore(%run_scoped3A : memref<!tpu.dma_semaphore, #tpu.memory_space<semaphore_mem>>) src(%arg11 : memref<128x128xf32, #tpu.memory_space<vmem>>) dst(%dma_wait3A_101 : memref<128x128xf32, #tpu.memory_space<vmem_shared>>)
      tpu.yield
    }) : () -> ()
    %mul3A_41 = arith.constant 640 : i32
    %mul3A_42 = arith.muli %arg1, %mul3A_41 : i32
    %add3A_43 = arith.constant 384 : i32
    %add3A_44 = arith.addi %mul3A_42, %add3A_43 : i32
    "tpu.region"() ({
      %run_scoped3A = tpu.sem_alloc : memref<!tpu.dma_semaphore, #tpu.memory_space<semaphore_mem>>
      %dma_start3A = tpu.memref_slice %arg14[%add3A_44] : memref<10240xf32, #tpu.memory_space<vmem_shared>> -> memref<128xf32, #tpu.memory_space<vmem_shared>>
      %dma_start3A_96 = tpu.memref_slice %arg14[%add3A_44] : memref<10240xf32, #tpu.memory_space<vmem_shared>> -> memref<128xf32, #tpu.memory_space<vmem_shared>>
      tpu.enqueue_dma source(%arg9 : memref<128xf32, #tpu.memory_space<vmem>>) target(%dma_start3A_96 : memref<128xf32, #tpu.memory_space<vmem_shared>>) target_semaphore(%run_scoped3A : memref<!tpu.dma_semaphore, #tpu.memory_space<semaphore_mem>>)
      %dma_wait3A = tpu.memref_slice %arg14[%add3A_44] : memref<10240xf32, #tpu.memory_space<vmem_shared>> -> memref<128xf32, #tpu.memory_space<vmem_shared>>
      %dma_wait3A_97 = tpu.memref_slice %arg14[%add3A_44] : memref<10240xf32, #tpu.memory_space<vmem_shared>> -> memref<128xf32, #tpu.memory_space<vmem_shared>>
      tpu.wait_dma2 semaphore(%run_scoped3A : memref<!tpu.dma_semaphore, #tpu.memory_space<semaphore_mem>>) src(%arg9 : memref<128xf32, #tpu.memory_space<vmem>>) dst(%dma_wait3A_97 : memref<128xf32, #tpu.memory_space<vmem_shared>>)
      tpu.yield
    }) : () -> ()
    %mul3A_45 = arith.constant 640 : i32
    %mul3A_46 = arith.muli %arg1, %mul3A_45 : i32
    %add3A_47 = arith.constant 512 : i32
    %add3A_48 = arith.addi %mul3A_46, %add3A_47 : i32
    "tpu.region"() ({
      %run_scoped3A = tpu.sem_alloc : memref<!tpu.dma_semaphore, #tpu.memory_space<semaphore_mem>>
      %dma_start3A = arith.constant 0 : i32
      %dma_start3A_96 = tpu.memref_slice %arg13[%add3A_48, %dma_start3A] : memref<10240x128xf32, #tpu.memory_space<vmem_shared>> -> memref<128x128xf32, #tpu.memory_space<vmem_shared>>
      %dma_start3A_97 = arith.constant 0 : i32
      %dma_start3A_98 = tpu.memref_slice %arg13[%add3A_48, %dma_start3A_97] : memref<10240x128xf32, #tpu.memory_space<vmem_shared>> -> memref<128x128xf32, #tpu.memory_space<vmem_shared>>
      tpu.enqueue_dma source(%arg11 : memref<128x128xf32, #tpu.memory_space<vmem>>) target(%dma_start3A_98 : memref<128x128xf32, #tpu.memory_space<vmem_shared>>) target_semaphore(%run_scoped3A : memref<!tpu.dma_semaphore, #tpu.memory_space<semaphore_mem>>)
      %dma_wait3A = arith.constant 0 : i32
      %dma_wait3A_99 = tpu.memref_slice %arg13[%add3A_48, %dma_wait3A] : memref<10240x128xf32, #tpu.memory_space<vmem_shared>> -> memref<128x128xf32, #tpu.memory_space<vmem_shared>>
      %dma_wait3A_100 = arith.constant 0 : i32
      %dma_wait3A_101 = tpu.memref_slice %arg13[%add3A_48, %dma_wait3A_100] : memref<10240x128xf32, #tpu.memory_space<vmem_shared>> -> memref<128x128xf32, #tpu.memory_space<vmem_shared>>
      tpu.wait_dma2 semaphore(%run_scoped3A : memref<!tpu.dma_semaphore, #tpu.memory_space<semaphore_mem>>) src(%arg11 : memref<128x128xf32, #tpu.memory_space<vmem>>) dst(%dma_wait3A_101 : memref<128x128xf32, #tpu.memory_space<vmem_shared>>)
      tpu.yield
    }) : () -> ()
    %mul3A_49 = arith.constant 640 : i32
    %mul3A_50 = arith.muli %arg1, %mul3A_49 : i32
    %add3A_51 = arith.constant 512 : i32
    %add3A_52 = arith.addi %mul3A_50, %add3A_51 : i32
    "tpu.region"() ({
      %run_scoped3A = tpu.sem_alloc : memref<!tpu.dma_semaphore, #tpu.memory_space<semaphore_mem>>
      %dma_start3A = tpu.memref_slice %arg14[%add3A_52] : memref<10240xf32, #tpu.memory_space<vmem_shared>> -> memref<128xf32, #tpu.memory_space<vmem_shared>>
      %dma_start3A_96 = tpu.memref_slice %arg14[%add3A_52] : memref<10240xf32, #tpu.memory_space<vmem_shared>> -> memref<128xf32, #tpu.memory_space<vmem_shared>>
      tpu.enqueue_dma source(%arg9 : memref<128xf32, #tpu.memory_space<vmem>>) target(%dma_start3A_96 : memref<128xf32, #tpu.memory_space<vmem_shared>>) target_semaphore(%run_scoped3A : memref<!tpu.dma_semaphore, #tpu.memory_space<semaphore_mem>>)
      %dma_wait3A = tpu.memref_slice %arg14[%add3A_52] : memref<10240xf32, #tpu.memory_space<vmem_shared>> -> memref<128xf32, #tpu.memory_space<vmem_shared>>
      %dma_wait3A_97 = tpu.memref_slice %arg14[%add3A_52] : memref<10240xf32, #tpu.memory_space<vmem_shared>> -> memref<128xf32, #tpu.memory_space<vmem_shared>>
      tpu.wait_dma2 semaphore(%run_scoped3A : memref<!tpu.dma_semaphore, #tpu.memory_space<semaphore_mem>>) src(%arg9 : memref<128xf32, #tpu.memory_space<vmem>>) dst(%dma_wait3A_97 : memref<128xf32, #tpu.memory_space<vmem_shared>>)
      tpu.yield
    }) : () -> ()
    %barrier3A = arith.constant 0 : index
    tpu.barrier barrier_id(%barrier3A)
    %lt3A = arith.constant 640 : i32
    %lt3A_53 = arith.cmpi slt, %add3A, %lt3A : i32
    %convert_element_type3A = arith.extui %lt3A_53 : i1 to i32
    %cond3A = arith.constant 0 : i32
    %cond3A_54 = arith.cmpi ne, %convert_element_type3A, %cond3A : i32
    scf.if %cond3A_54 {
      "tpu.region"() ({
        %run_scoped3A = tpu.sem_alloc : memref<!tpu.dma_semaphore, #tpu.memory_space<semaphore_mem>>
        %dma_start3A_107 = arith.constant 0 : i32
        %dma_start3A_108 = tpu.memref_slice %arg3[%add3A, %dma_start3A_107] : memref<640x128xi32, #tpu.memory_space<hbm>> -> memref<1x128xi32, #tpu.memory_space<hbm>>
        %dma_start3A_109 = tpu.memref_squeeze %dma_start3A_108 : memref<1x128xi32, #tpu.memory_space<hbm>> -> memref<128xi32, #tpu.memory_space<hbm>>
        %dma_start3A_110 = arith.constant 0 : i32
        %dma_start3A_111 = tpu.memref_slice %arg3[%add3A, %dma_start3A_110] : memref<640x128xi32, #tpu.memory_space<hbm>> -> memref<1x128xi32, #tpu.memory_space<hbm>>
        %dma_start3A_112 = tpu.memref_squeeze %dma_start3A_111 : memref<1x128xi32, #tpu.memory_space<hbm>> -> memref<128xi32, #tpu.memory_space<hbm>>
        tpu.enqueue_dma source(%dma_start3A_112 : memref<128xi32, #tpu.memory_space<hbm>>) target(%arg7 : memref<128xi32, #tpu.memory_space<vmem>>) target_semaphore(%run_scoped3A : memref<!tpu.dma_semaphore, #tpu.memory_space<semaphore_mem>>)
        %dma_wait3A = arith.constant 0 : i32
        %dma_wait3A_113 = tpu.memref_slice %arg3[%add3A, %dma_wait3A] : memref<640x128xi32, #tpu.memory_space<hbm>> -> memref<1x128xi32, #tpu.memory_space<hbm>>
        %dma_wait3A_114 = tpu.memref_squeeze %dma_wait3A_113 : memref<1x128xi32, #tpu.memory_space<hbm>> -> memref<128xi32, #tpu.memory_space<hbm>>
        %dma_wait3A_115 = arith.constant 0 : i32
        %dma_wait3A_116 = tpu.memref_slice %arg3[%add3A, %dma_wait3A_115] : memref<640x128xi32, #tpu.memory_space<hbm>> -> memref<1x128xi32, #tpu.memory_space<hbm>>
        %dma_wait3A_117 = tpu.memref_squeeze %dma_wait3A_116 : memref<1x128xi32, #tpu.memory_space<hbm>> -> memref<128xi32, #tpu.memory_space<hbm>>
        tpu.wait_dma2 semaphore(%run_scoped3A : memref<!tpu.dma_semaphore, #tpu.memory_space<semaphore_mem>>) src(%dma_wait3A_117 : memref<128xi32, #tpu.memory_space<hbm>>) dst(%arg7 : memref<128xi32, #tpu.memory_space<vmem>>)
        tpu.yield
      }) : () -> ()
      %dma_start3A = arith.constant 0 : i32
      %dma_start3A_96 = tpu.memref_slice %arg4[%add3A, %dma_start3A] : memref<640x128xf32, #tpu.memory_space<hbm>> -> memref<1x128xf32, #tpu.memory_space<hbm>>
      %dma_start3A_97 = tpu.memref_squeeze %dma_start3A_96 : memref<1x128xf32, #tpu.memory_space<hbm>> -> memref<128xf32, #tpu.memory_space<hbm>>
      %dma_start3A_98 = arith.constant 0 : i32
      %dma_start3A_99 = tpu.memref_slice %arg4[%add3A, %dma_start3A_98] : memref<640x128xf32, #tpu.memory_space<hbm>> -> memref<1x128xf32, #tpu.memory_space<hbm>>
      %dma_start3A_100 = tpu.memref_squeeze %dma_start3A_99 : memref<1x128xf32, #tpu.memory_space<hbm>> -> memref<128xf32, #tpu.memory_space<hbm>>
      tpu.enqueue_dma source(%dma_start3A_100 : memref<128xf32, #tpu.memory_space<hbm>>) target(%arg9 : memref<128xf32, #tpu.memory_space<vmem>>) target_semaphore(%arg19 : memref<!tpu.dma_semaphore, #tpu.memory_space<semaphore_mem>>)
      %mul3A_101 = arith.constant 128 : i32
      %mul3A_102 = arith.muli %add3A, %mul3A_101 : i32
      %dma_start3A_103 = arith.constant 0 : i32
      %dma_start3A_104 = tpu.memref_slice %arg2[%mul3A_102, %dma_start3A_103] : memref<81920x128xf32, #tpu.memory_space<hbm>> -> memref<128x128xf32, #tpu.memory_space<hbm>>
      %dma_start3A_105 = arith.constant 0 : i32
      %dma_start3A_106 = tpu.memref_slice %arg2[%mul3A_102, %dma_start3A_105] : memref<81920x128xf32, #tpu.memory_space<hbm>> -> memref<128x128xf32, #tpu.memory_space<hbm>>
      tpu.enqueue_dma source(%dma_start3A_106 : memref<128x128xf32, #tpu.memory_space<hbm>>) target(%arg11 : memref<128x128xf32, #tpu.memory_space<vmem>>) target_semaphore(%arg15 : memref<!tpu.dma_semaphore, #tpu.memory_space<semaphore_mem>>)
    } else {
    }
    %scan3A_55 = arith.constant 0 : i32
    %scan3A_56 = arith.constant 0 : i32
    %scan3A_57 = arith.constant 10 : i32
    %scan3A_58 = arith.addi %scan3A_56, %scan3A_57 : i32
    %scan3A_59 = arith.constant 1 : i32
    scf.for %scan3A_96 = %scan3A_56 to %scan3A_58 step %scan3A_59  : i32 {
      %mul3A_97 = arith.constant 2 : i32
      %mul3A_98 = arith.muli %mul3A_97, %scan3A_96 : i32
      %add3A_99 = arith.constant 0 : i32
      %add3A_100 = arith.addi %mul3A_98, %add3A_99 : i32
      %mul3A_101 = arith.constant 32 : i32
      %mul3A_102 = arith.muli %add3A_100, %mul3A_101 : i32
      %add3A_103 = arith.addi %add3A, %mul3A_102 : i32
      %add3A_104 = arith.constant 32 : i32
      %add3A_105 = arith.addi %add3A_103, %add3A_104 : i32
      %lt3A_106 = arith.constant 640 : i32
      %lt3A_107 = arith.cmpi slt, %add3A_103, %lt3A_106 : i32
      %convert_element_type3A_108 = arith.extui %lt3A_107 : i1 to i32
      %cond3A_109 = arith.constant 0 : i32
      %cond3A_110 = arith.cmpi ne, %convert_element_type3A_108, %cond3A_109 : i32
      scf.if %cond3A_110 {
        %dma_wait3A = arith.constant 0 : i32
        %dma_wait3A_135 = arith.constant 0 : i32
        %dma_wait3A_136 = tpu.memref_slice %arg2[%dma_wait3A, %dma_wait3A_135] : memref<81920x128xf32, #tpu.memory_space<hbm>> -> memref<128x128xf32, #tpu.memory_space<hbm>>
        %dma_wait3A_137 = arith.constant 0 : i32
        %dma_wait3A_138 = arith.constant 0 : i32
        %dma_wait3A_139 = tpu.memref_slice %arg2[%dma_wait3A_137, %dma_wait3A_138] : memref<81920x128xf32, #tpu.memory_space<hbm>> -> memref<128x128xf32, #tpu.memory_space<hbm>>
        tpu.wait_dma2 semaphore(%arg15 : memref<!tpu.dma_semaphore, #tpu.memory_space<semaphore_mem>>) src(%dma_wait3A_139 : memref<128x128xf32, #tpu.memory_space<hbm>>) dst(%arg11 : memref<128x128xf32, #tpu.memory_space<vmem>>)
        %dma_wait3A_140 = arith.constant 0 : i32
        %dma_wait3A_141 = arith.constant 0 : i32
        %dma_wait3A_142 = tpu.memref_slice %arg4[%dma_wait3A_140, %dma_wait3A_141] : memref<640x128xf32, #tpu.memory_space<hbm>> -> memref<1x128xf32, #tpu.memory_space<hbm>>
        %dma_wait3A_143 = tpu.memref_squeeze %dma_wait3A_142 : memref<1x128xf32, #tpu.memory_space<hbm>> -> memref<128xf32, #tpu.memory_space<hbm>>
        %dma_wait3A_144 = arith.constant 0 : i32
        %dma_wait3A_145 = tpu.memref_slice %arg4[%dma_wait3A_140, %dma_wait3A_144] : memref<640x128xf32, #tpu.memory_space<hbm>> -> memref<1x128xf32, #tpu.memory_space<hbm>>
        %dma_wait3A_146 = tpu.memref_squeeze %dma_wait3A_145 : memref<1x128xf32, #tpu.memory_space<hbm>> -> memref<128xf32, #tpu.memory_space<hbm>>
        tpu.wait_dma2 semaphore(%arg19 : memref<!tpu.dma_semaphore, #tpu.memory_space<semaphore_mem>>) src(%dma_wait3A_146 : memref<128xf32, #tpu.memory_space<hbm>>) dst(%arg9 : memref<128xf32, #tpu.memory_space<vmem>>)
        %dma_start3A = arith.constant 0 : i32
        %dma_start3A_147 = arith.constant 0 : i32
        %dma_start3A_148 = tpu.memref_slice %arg13[%dma_start3A, %dma_start3A_147] : memref<10240x128xf32, #tpu.memory_space<vmem_shared>> -> memref<10240x128xf32, #tpu.memory_space<vmem_shared>>
        tpu.enqueue_indirect_dma source(%arg11 : memref<128x128xf32, #tpu.memory_space<vmem>>) target(%dma_start3A_148 : memref<10240x128xf32, #tpu.memory_space<vmem_shared>>) offsets(%arg7 : memref<128xi32, #tpu.memory_space<vmem>>) semaphore(%arg17 : memref<!tpu.dma_semaphore, #tpu.memory_space<semaphore_mem>>) {add = true}
        %dma_start3A_149 = arith.constant 0 : i32
        %dma_start3A_150 = tpu.memref_slice %arg14[%dma_start3A_149] : memref<10240xf32, #tpu.memory_space<vmem_shared>> -> memref<10240xf32, #tpu.memory_space<vmem_shared>>
        tpu.enqueue_indirect_dma source(%arg9 : memref<128xf32, #tpu.memory_space<vmem>>) target(%dma_start3A_150 : memref<10240xf32, #tpu.memory_space<vmem_shared>>) offsets(%arg7 : memref<128xi32, #tpu.memory_space<vmem>>) semaphore(%arg19 : memref<!tpu.dma_semaphore, #tpu.memory_space<semaphore_mem>>) {add = true}
      } else {
      }
      %lt3A_111 = arith.constant 640 : i32
      %lt3A_112 = arith.cmpi slt, %add3A_105, %lt3A_111 : i32
      %convert_element_type3A_113 = arith.extui %lt3A_112 : i1 to i32
      %cond3A_114 = arith.constant 0 : i32
      %cond3A_115 = arith.cmpi ne, %convert_element_type3A_113, %cond3A_114 : i32
      scf.if %cond3A_115 {
        %add3A_135 = arith.constant 64 : i32
        %add3A_136 = arith.addi %add3A, %add3A_135 : i32
        %ge3A = arith.cmpi sge, %add3A_105, %add3A_136 : i32
        %convert_element_type3A_137 = arith.extui %ge3A : i1 to i32
        %cond3A_138 = arith.constant 0 : i32
        %cond3A_139 = arith.cmpi ne, %convert_element_type3A_137, %cond3A_138 : i32
        scf.if %cond3A_139 {
          %dma_wait3A = arith.constant 0 : i32
          %dma_wait3A_151 = arith.constant 0 : i32
          %dma_wait3A_152 = tpu.memref_slice %arg13[%dma_wait3A, %dma_wait3A_151] : memref<10240x128xf32, #tpu.memory_space<vmem_shared>> -> memref<10240x128xf32, #tpu.memory_space<vmem_shared>>
          tpu.wait_indirect_dma semaphore(%arg18 : memref<!tpu.dma_semaphore, #tpu.memory_space<semaphore_mem>>) src(%arg12 : memref<128x128xf32, #tpu.memory_space<vmem>>) dst(%dma_wait3A_152 : memref<10240x128xf32, #tpu.memory_space<vmem_shared>>)
          %dma_wait3A_153 = arith.constant 0 : i32
          %dma_wait3A_154 = tpu.memref_slice %arg14[%dma_wait3A_153] : memref<10240xf32, #tpu.memory_space<vmem_shared>> -> memref<10240xf32, #tpu.memory_space<vmem_shared>>
          tpu.wait_indirect_dma semaphore(%arg20 : memref<!tpu.dma_semaphore, #tpu.memory_space<semaphore_mem>>) src(%arg10 : memref<128xf32, #tpu.memory_space<vmem>>) dst(%dma_wait3A_154 : memref<10240xf32, #tpu.memory_space<vmem_shared>>)
        } else {
        }
        "tpu.region"() ({
          %run_scoped3A = tpu.sem_alloc : memref<!tpu.dma_semaphore, #tpu.memory_space<semaphore_mem>>
          %dma_start3A_151 = arith.constant 0 : i32
          %dma_start3A_152 = tpu.memref_slice %arg3[%add3A_105, %dma_start3A_151] : memref<640x128xi32, #tpu.memory_space<hbm>> -> memref<1x128xi32, #tpu.memory_space<hbm>>
          %dma_start3A_153 = tpu.memref_squeeze %dma_start3A_152 : memref<1x128xi32, #tpu.memory_space<hbm>> -> memref<128xi32, #tpu.memory_space<hbm>>
          %dma_start3A_154 = arith.constant 0 : i32
          %dma_start3A_155 = tpu.memref_slice %arg3[%add3A_105, %dma_start3A_154] : memref<640x128xi32, #tpu.memory_space<hbm>> -> memref<1x128xi32, #tpu.memory_space<hbm>>
          %dma_start3A_156 = tpu.memref_squeeze %dma_start3A_155 : memref<1x128xi32, #tpu.memory_space<hbm>> -> memref<128xi32, #tpu.memory_space<hbm>>
          tpu.enqueue_dma source(%dma_start3A_156 : memref<128xi32, #tpu.memory_space<hbm>>) target(%arg8 : memref<128xi32, #tpu.memory_space<vmem>>) target_semaphore(%run_scoped3A : memref<!tpu.dma_semaphore, #tpu.memory_space<semaphore_mem>>)
          %dma_wait3A = arith.constant 0 : i32
          %dma_wait3A_157 = tpu.memref_slice %arg3[%add3A_105, %dma_wait3A] : memref<640x128xi32, #tpu.memory_space<hbm>> -> memref<1x128xi32, #tpu.memory_space<hbm>>
          %dma_wait3A_158 = tpu.memref_squeeze %dma_wait3A_157 : memref<1x128xi32, #tpu.memory_space<hbm>> -> memref<128xi32, #tpu.memory_space<hbm>>
          %dma_wait3A_159 = arith.constant 0 : i32
          %dma_wait3A_160 = tpu.memref_slice %arg3[%add3A_105, %dma_wait3A_159] : memref<640x128xi32, #tpu.memory_space<hbm>> -> memref<1x128xi32, #tpu.memory_space<hbm>>
          %dma_wait3A_161 = tpu.memref_squeeze %dma_wait3A_160 : memref<1x128xi32, #tpu.memory_space<hbm>> -> memref<128xi32, #tpu.memory_space<hbm>>
          tpu.wait_dma2 semaphore(%run_scoped3A : memref<!tpu.dma_semaphore, #tpu.memory_space<semaphore_mem>>) src(%dma_wait3A_161 : memref<128xi32, #tpu.memory_space<hbm>>) dst(%arg8 : memref<128xi32, #tpu.memory_space<vmem>>)
          tpu.yield
        }) : () -> ()
        %dma_start3A = arith.constant 0 : i32
        %dma_start3A_140 = tpu.memref_slice %arg4[%add3A_105, %dma_start3A] : memref<640x128xf32, #tpu.memory_space<hbm>> -> memref<1x128xf32, #tpu.memory_space<hbm>>
        %dma_start3A_141 = tpu.memref_squeeze %dma_start3A_140 : memref<1x128xf32, #tpu.memory_space<hbm>> -> memref<128xf32, #tpu.memory_space<hbm>>
        %dma_start3A_142 = arith.constant 0 : i32
        %dma_start3A_143 = tpu.memref_slice %arg4[%add3A_105, %dma_start3A_142] : memref<640x128xf32, #tpu.memory_space<hbm>> -> memref<1x128xf32, #tpu.memory_space<hbm>>
        %dma_start3A_144 = tpu.memref_squeeze %dma_start3A_143 : memref<1x128xf32, #tpu.memory_space<hbm>> -> memref<128xf32, #tpu.memory_space<hbm>>
        tpu.enqueue_dma source(%dma_start3A_144 : memref<128xf32, #tpu.memory_space<hbm>>) target(%arg10 : memref<128xf32, #tpu.memory_space<vmem>>) target_semaphore(%arg20 : memref<!tpu.dma_semaphore, #tpu.memory_space<semaphore_mem>>)
        %mul3A_145 = arith.constant 128 : i32
        %mul3A_146 = arith.muli %add3A_105, %mul3A_145 : i32
        %dma_start3A_147 = arith.constant 0 : i32
        %dma_start3A_148 = tpu.memref_slice %arg2[%mul3A_146, %dma_start3A_147] : memref<81920x128xf32, #tpu.memory_space<hbm>> -> memref<128x128xf32, #tpu.memory_space<hbm>>
        %dma_start3A_149 = arith.constant 0 : i32
        %dma_start3A_150 = tpu.memref_slice %arg2[%mul3A_146, %dma_start3A_149] : memref<81920x128xf32, #tpu.memory_space<hbm>> -> memref<128x128xf32, #tpu.memory_space<hbm>>
        tpu.enqueue_dma source(%dma_start3A_150 : memref<128x128xf32, #tpu.memory_space<hbm>>) target(%arg12 : memref<128x128xf32, #tpu.memory_space<vmem>>) target_semaphore(%arg16 : memref<!tpu.dma_semaphore, #tpu.memory_space<semaphore_mem>>)
      } else {
      }
      %mul3A_116 = arith.constant 2 : i32
      %mul3A_117 = arith.muli %mul3A_116, %scan3A_96 : i32
      %add3A_118 = arith.constant 1 : i32
      %add3A_119 = arith.addi %mul3A_117, %add3A_118 : i32
      %mul3A_120 = arith.constant 32 : i32
      %mul3A_121 = arith.muli %add3A_119, %mul3A_120 : i32
      %add3A_122 = arith.addi %add3A, %mul3A_121 : i32
      %add3A_123 = arith.constant 32 : i32
      %add3A_124 = arith.addi %add3A_122, %add3A_123 : i32
      %lt3A_125 = arith.constant 640 : i32
      %lt3A_126 = arith.cmpi slt, %add3A_122, %lt3A_125 : i32
      %convert_element_type3A_127 = arith.extui %lt3A_126 : i1 to i32
      %cond3A_128 = arith.constant 0 : i32
      %cond3A_129 = arith.cmpi ne, %convert_element_type3A_127, %cond3A_128 : i32
      scf.if %cond3A_129 {
        %dma_wait3A = arith.constant 0 : i32
        %dma_wait3A_135 = arith.constant 0 : i32
        %dma_wait3A_136 = tpu.memref_slice %arg2[%dma_wait3A, %dma_wait3A_135] : memref<81920x128xf32, #tpu.memory_space<hbm>> -> memref<128x128xf32, #tpu.memory_space<hbm>>
        %dma_wait3A_137 = arith.constant 0 : i32
        %dma_wait3A_138 = arith.constant 0 : i32
        %dma_wait3A_139 = tpu.memref_slice %arg2[%dma_wait3A_137, %dma_wait3A_138] : memref<81920x128xf32, #tpu.memory_space<hbm>> -> memref<128x128xf32, #tpu.memory_space<hbm>>
        tpu.wait_dma2 semaphore(%arg16 : memref<!tpu.dma_semaphore, #tpu.memory_space<semaphore_mem>>) src(%dma_wait3A_139 : memref<128x128xf32, #tpu.memory_space<hbm>>) dst(%arg12 : memref<128x128xf32, #tpu.memory_space<vmem>>)
        %dma_wait3A_140 = arith.constant 0 : i32
        %dma_wait3A_141 = arith.constant 0 : i32
        %dma_wait3A_142 = tpu.memref_slice %arg4[%dma_wait3A_140, %dma_wait3A_141] : memref<640x128xf32, #tpu.memory_space<hbm>> -> memref<1x128xf32, #tpu.memory_space<hbm>>
        %dma_wait3A_143 = tpu.memref_squeeze %dma_wait3A_142 : memref<1x128xf32, #tpu.memory_space<hbm>> -> memref<128xf32, #tpu.memory_space<hbm>>
        %dma_wait3A_144 = arith.constant 0 : i32
        %dma_wait3A_145 = tpu.memref_slice %arg4[%dma_wait3A_140, %dma_wait3A_144] : memref<640x128xf32, #tpu.memory_space<hbm>> -> memref<1x128xf32, #tpu.memory_space<hbm>>
        %dma_wait3A_146 = tpu.memref_squeeze %dma_wait3A_145 : memref<1x128xf32, #tpu.memory_space<hbm>> -> memref<128xf32, #tpu.memory_space<hbm>>
        tpu.wait_dma2 semaphore(%arg20 : memref<!tpu.dma_semaphore, #tpu.memory_space<semaphore_mem>>) src(%dma_wait3A_146 : memref<128xf32, #tpu.memory_space<hbm>>) dst(%arg10 : memref<128xf32, #tpu.memory_space<vmem>>)
        %dma_start3A = arith.constant 0 : i32
        %dma_start3A_147 = arith.constant 0 : i32
        %dma_start3A_148 = tpu.memref_slice %arg13[%dma_start3A, %dma_start3A_147] : memref<10240x128xf32, #tpu.memory_space<vmem_shared>> -> memref<10240x128xf32, #tpu.memory_space<vmem_shared>>
        tpu.enqueue_indirect_dma source(%arg12 : memref<128x128xf32, #tpu.memory_space<vmem>>) target(%dma_start3A_148 : memref<10240x128xf32, #tpu.memory_space<vmem_shared>>) offsets(%arg8 : memref<128xi32, #tpu.memory_space<vmem>>) semaphore(%arg18 : memref<!tpu.dma_semaphore, #tpu.memory_space<semaphore_mem>>) {add = true}
        %dma_start3A_149 = arith.constant 0 : i32
        %dma_start3A_150 = tpu.memref_slice %arg14[%dma_start3A_149] : memref<10240xf32, #tpu.memory_space<vmem_shared>> -> memref<10240xf32, #tpu.memory_space<vmem_shared>>
        tpu.enqueue_indirect_dma source(%arg10 : memref<128xf32, #tpu.memory_space<vmem>>) target(%dma_start3A_150 : memref<10240xf32, #tpu.memory_space<vmem_shared>>) offsets(%arg8 : memref<128xi32, #tpu.memory_space<vmem>>) semaphore(%arg20 : memref<!tpu.dma_semaphore, #tpu.memory_space<semaphore_mem>>) {add = true}
      } else {
      }
      %lt3A_130 = arith.constant 640 : i32
      %lt3A_131 = arith.cmpi slt, %add3A_124, %lt3A_130 : i32
      %convert_element_type3A_132 = arith.extui %lt3A_131 : i1 to i32
      %cond3A_133 = arith.constant 0 : i32
      %cond3A_134 = arith.cmpi ne, %convert_element_type3A_132, %cond3A_133 : i32
      scf.if %cond3A_134 {
        %add3A_135 = arith.constant 64 : i32
        %add3A_136 = arith.addi %add3A, %add3A_135 : i32
        %ge3A = arith.cmpi sge, %add3A_124, %add3A_136 : i32
        %convert_element_type3A_137 = arith.extui %ge3A : i1 to i32
        %cond3A_138 = arith.constant 0 : i32
        %cond3A_139 = arith.cmpi ne, %convert_element_type3A_137, %cond3A_138 : i32
        scf.if %cond3A_139 {
          %dma_wait3A = arith.constant 0 : i32
          %dma_wait3A_151 = arith.constant 0 : i32
          %dma_wait3A_152 = tpu.memref_slice %arg13[%dma_wait3A, %dma_wait3A_151] : memref<10240x128xf32, #tpu.memory_space<vmem_shared>> -> memref<10240x128xf32, #tpu.memory_space<vmem_shared>>
          tpu.wait_indirect_dma semaphore(%arg17 : memref<!tpu.dma_semaphore, #tpu.memory_space<semaphore_mem>>) src(%arg11 : memref<128x128xf32, #tpu.memory_space<vmem>>) dst(%dma_wait3A_152 : memref<10240x128xf32, #tpu.memory_space<vmem_shared>>)
          %dma_wait3A_153 = arith.constant 0 : i32
          %dma_wait3A_154 = tpu.memref_slice %arg14[%dma_wait3A_153] : memref<10240xf32, #tpu.memory_space<vmem_shared>> -> memref<10240xf32, #tpu.memory_space<vmem_shared>>
          tpu.wait_indirect_dma semaphore(%arg19 : memref<!tpu.dma_semaphore, #tpu.memory_space<semaphore_mem>>) src(%arg9 : memref<128xf32, #tpu.memory_space<vmem>>) dst(%dma_wait3A_154 : memref<10240xf32, #tpu.memory_space<vmem_shared>>)
        } else {
        }
        "tpu.region"() ({
          %run_scoped3A = tpu.sem_alloc : memref<!tpu.dma_semaphore, #tpu.memory_space<semaphore_mem>>
          %dma_start3A_151 = arith.constant 0 : i32
          %dma_start3A_152 = tpu.memref_slice %arg3[%add3A_124, %dma_start3A_151] : memref<640x128xi32, #tpu.memory_space<hbm>> -> memref<1x128xi32, #tpu.memory_space<hbm>>
          %dma_start3A_153 = tpu.memref_squeeze %dma_start3A_152 : memref<1x128xi32, #tpu.memory_space<hbm>> -> memref<128xi32, #tpu.memory_space<hbm>>
          %dma_start3A_154 = arith.constant 0 : i32
          %dma_start3A_155 = tpu.memref_slice %arg3[%add3A_124, %dma_start3A_154] : memref<640x128xi32, #tpu.memory_space<hbm>> -> memref<1x128xi32, #tpu.memory_space<hbm>>
          %dma_start3A_156 = tpu.memref_squeeze %dma_start3A_155 : memref<1x128xi32, #tpu.memory_space<hbm>> -> memref<128xi32, #tpu.memory_space<hbm>>
          tpu.enqueue_dma source(%dma_start3A_156 : memref<128xi32, #tpu.memory_space<hbm>>) target(%arg7 : memref<128xi32, #tpu.memory_space<vmem>>) target_semaphore(%run_scoped3A : memref<!tpu.dma_semaphore, #tpu.memory_space<semaphore_mem>>)
          %dma_wait3A = arith.constant 0 : i32
          %dma_wait3A_157 = tpu.memref_slice %arg3[%add3A_124, %dma_wait3A] : memref<640x128xi32, #tpu.memory_space<hbm>> -> memref<1x128xi32, #tpu.memory_space<hbm>>
          %dma_wait3A_158 = tpu.memref_squeeze %dma_wait3A_157 : memref<1x128xi32, #tpu.memory_space<hbm>> -> memref<128xi32, #tpu.memory_space<hbm>>
          %dma_wait3A_159 = arith.constant 0 : i32
          %dma_wait3A_160 = tpu.memref_slice %arg3[%add3A_124, %dma_wait3A_159] : memref<640x128xi32, #tpu.memory_space<hbm>> -> memref<1x128xi32, #tpu.memory_space<hbm>>
          %dma_wait3A_161 = tpu.memref_squeeze %dma_wait3A_160 : memref<1x128xi32, #tpu.memory_space<hbm>> -> memref<128xi32, #tpu.memory_space<hbm>>
          tpu.wait_dma2 semaphore(%run_scoped3A : memref<!tpu.dma_semaphore, #tpu.memory_space<semaphore_mem>>) src(%dma_wait3A_161 : memref<128xi32, #tpu.memory_space<hbm>>) dst(%arg7 : memref<128xi32, #tpu.memory_space<vmem>>)
          tpu.yield
        }) : () -> ()
        %dma_start3A = arith.constant 0 : i32
        %dma_start3A_140 = tpu.memref_slice %arg4[%add3A_124, %dma_start3A] : memref<640x128xf32, #tpu.memory_space<hbm>> -> memref<1x128xf32, #tpu.memory_space<hbm>>
        %dma_start3A_141 = tpu.memref_squeeze %dma_start3A_140 : memref<1x128xf32, #tpu.memory_space<hbm>> -> memref<128xf32, #tpu.memory_space<hbm>>
        %dma_start3A_142 = arith.constant 0 : i32
        %dma_start3A_143 = tpu.memref_slice %arg4[%add3A_124, %dma_start3A_142] : memref<640x128xf32, #tpu.memory_space<hbm>> -> memref<1x128xf32, #tpu.memory_space<hbm>>
        %dma_start3A_144 = tpu.memref_squeeze %dma_start3A_143 : memref<1x128xf32, #tpu.memory_space<hbm>> -> memref<128xf32, #tpu.memory_space<hbm>>
        tpu.enqueue_dma source(%dma_start3A_144 : memref<128xf32, #tpu.memory_space<hbm>>) target(%arg9 : memref<128xf32, #tpu.memory_space<vmem>>) target_semaphore(%arg19 : memref<!tpu.dma_semaphore, #tpu.memory_space<semaphore_mem>>)
        %mul3A_145 = arith.constant 128 : i32
        %mul3A_146 = arith.muli %add3A_124, %mul3A_145 : i32
        %dma_start3A_147 = arith.constant 0 : i32
        %dma_start3A_148 = tpu.memref_slice %arg2[%mul3A_146, %dma_start3A_147] : memref<81920x128xf32, #tpu.memory_space<hbm>> -> memref<128x128xf32, #tpu.memory_space<hbm>>
        %dma_start3A_149 = arith.constant 0 : i32
        %dma_start3A_150 = tpu.memref_slice %arg2[%mul3A_146, %dma_start3A_149] : memref<81920x128xf32, #tpu.memory_space<hbm>> -> memref<128x128xf32, #tpu.memory_space<hbm>>
        tpu.enqueue_dma source(%dma_start3A_150 : memref<128x128xf32, #tpu.memory_space<hbm>>) target(%arg11 : memref<128x128xf32, #tpu.memory_space<vmem>>) target_semaphore(%arg15 : memref<!tpu.dma_semaphore, #tpu.memory_space<semaphore_mem>>)
      } else {
      }
    }
    %scan3A_60 = arith.constant 10 : i32
    %add3A_61 = arith.constant 0 : i32
    %add3A_62 = arith.addi %add3A, %add3A_61 : i32
    %lt3A_63 = arith.constant 640 : i32
    %lt3A_64 = arith.cmpi slt, %add3A_62, %lt3A_63 : i32
    %convert_element_type3A_65 = arith.extui %lt3A_64 : i1 to i32
    %cond3A_66 = arith.constant 0 : i32
    %cond3A_67 = arith.cmpi ne, %convert_element_type3A_65, %cond3A_66 : i32
    scf.if %cond3A_67 {
      %dma_wait3A = arith.constant 0 : i32
      %dma_wait3A_96 = arith.constant 0 : i32
      %dma_wait3A_97 = tpu.memref_slice %arg13[%dma_wait3A, %dma_wait3A_96] : memref<10240x128xf32, #tpu.memory_space<vmem_shared>> -> memref<10240x128xf32, #tpu.memory_space<vmem_shared>>
      tpu.wait_indirect_dma semaphore(%arg17 : memref<!tpu.dma_semaphore, #tpu.memory_space<semaphore_mem>>) src(%arg11 : memref<128x128xf32, #tpu.memory_space<vmem>>) dst(%dma_wait3A_97 : memref<10240x128xf32, #tpu.memory_space<vmem_shared>>)
      %dma_wait3A_98 = arith.constant 0 : i32
      %dma_wait3A_99 = tpu.memref_slice %arg14[%dma_wait3A_98] : memref<10240xf32, #tpu.memory_space<vmem_shared>> -> memref<10240xf32, #tpu.memory_space<vmem_shared>>
      tpu.wait_indirect_dma semaphore(%arg19 : memref<!tpu.dma_semaphore, #tpu.memory_space<semaphore_mem>>) src(%arg9 : memref<128xf32, #tpu.memory_space<vmem>>) dst(%dma_wait3A_99 : memref<10240xf32, #tpu.memory_space<vmem_shared>>)
    } else {
    }
    %add3A_68 = arith.constant 32 : i32
    %add3A_69 = arith.addi %add3A, %add3A_68 : i32
    %lt3A_70 = arith.constant 640 : i32
    %lt3A_71 = arith.cmpi slt, %add3A_69, %lt3A_70 : i32
    %convert_element_type3A_72 = arith.extui %lt3A_71 : i1 to i32
    %cond3A_73 = arith.constant 0 : i32
    %cond3A_74 = arith.cmpi ne, %convert_element_type3A_72, %cond3A_73 : i32
    scf.if %cond3A_74 {
      %dma_wait3A = arith.constant 0 : i32
      %dma_wait3A_96 = arith.constant 0 : i32
      %dma_wait3A_97 = tpu.memref_slice %arg13[%dma_wait3A, %dma_wait3A_96] : memref<10240x128xf32, #tpu.memory_space<vmem_shared>> -> memref<10240x128xf32, #tpu.memory_space<vmem_shared>>
      tpu.wait_indirect_dma semaphore(%arg18 : memref<!tpu.dma_semaphore, #tpu.memory_space<semaphore_mem>>) src(%arg12 : memref<128x128xf32, #tpu.memory_space<vmem>>) dst(%dma_wait3A_97 : memref<10240x128xf32, #tpu.memory_space<vmem_shared>>)
      %dma_wait3A_98 = arith.constant 0 : i32
      %dma_wait3A_99 = tpu.memref_slice %arg14[%dma_wait3A_98] : memref<10240xf32, #tpu.memory_space<vmem_shared>> -> memref<10240xf32, #tpu.memory_space<vmem_shared>>
      tpu.wait_indirect_dma semaphore(%arg20 : memref<!tpu.dma_semaphore, #tpu.memory_space<semaphore_mem>>) src(%arg10 : memref<128xf32, #tpu.memory_space<vmem>>) dst(%dma_wait3A_99 : memref<10240xf32, #tpu.memory_space<vmem_shared>>)
    } else {
    }
    %barrier3A_75 = arith.constant 0 : index
    tpu.barrier barrier_id(%barrier3A_75)
    %mul3A_76 = arith.constant 640 : i32
    %mul3A_77 = arith.muli %arg1, %mul3A_76 : i32
    %add3A_78 = arith.constant 0 : i32
    %add3A_79 = arith.addi %mul3A_77, %add3A_78 : i32
    "tpu.region"() ({
      %run_scoped3A = tpu.sem_alloc : memref<!tpu.dma_semaphore, #tpu.memory_space<semaphore_mem>>
      %dma_start3A = arith.constant 0 : i32
      %dma_start3A_96 = tpu.memref_slice %arg5[%arg0, %add3A_79, %dma_start3A] : memref<2x10240x128xf32, #tpu.memory_space<hbm>> -> memref<1x128x128xf32, #tpu.memory_space<hbm>>
      %dma_start3A_97 = tpu.memref_squeeze %dma_start3A_96 : memref<1x128x128xf32, #tpu.memory_space<hbm>> -> memref<128x128xf32, #tpu.memory_space<hbm>>
      %dma_start3A_98 = arith.constant 0 : i32
      %dma_start3A_99 = tpu.memref_slice %arg13[%add3A_79, %dma_start3A_98] : memref<10240x128xf32, #tpu.memory_space<vmem_shared>> -> memref<128x128xf32, #tpu.memory_space<vmem_shared>>
      tpu.enqueue_dma source(%dma_start3A_99 : memref<128x128xf32, #tpu.memory_space<vmem_shared>>) target(%dma_start3A_97 : memref<128x128xf32, #tpu.memory_space<hbm>>) target_semaphore(%run_scoped3A : memref<!tpu.dma_semaphore, #tpu.memory_space<semaphore_mem>>)
      %dma_wait3A = arith.constant 0 : i32
      %dma_wait3A_100 = tpu.memref_slice %arg5[%arg0, %add3A_79, %dma_wait3A] : memref<2x10240x128xf32, #tpu.memory_space<hbm>> -> memref<1x128x128xf32, #tpu.memory_space<hbm>>
      %dma_wait3A_101 = tpu.memref_squeeze %dma_wait3A_100 : memref<1x128x128xf32, #tpu.memory_space<hbm>> -> memref<128x128xf32, #tpu.memory_space<hbm>>
      %dma_wait3A_102 = arith.constant 0 : i32
      %dma_wait3A_103 = tpu.memref_slice %arg13[%add3A_79, %dma_wait3A_102] : memref<10240x128xf32, #tpu.memory_space<vmem_shared>> -> memref<128x128xf32, #tpu.memory_space<vmem_shared>>
      tpu.wait_dma2 semaphore(%run_scoped3A : memref<!tpu.dma_semaphore, #tpu.memory_space<semaphore_mem>>) src(%dma_wait3A_103 : memref<128x128xf32, #tpu.memory_space<vmem_shared>>) dst(%dma_wait3A_101 : memref<128x128xf32, #tpu.memory_space<hbm>>)
      tpu.yield
    }) : () -> ()
    "tpu.region"() ({
      %run_scoped3A = tpu.sem_alloc : memref<!tpu.dma_semaphore, #tpu.memory_space<semaphore_mem>>
      %dma_start3A = tpu.memref_slice %arg6[%arg0, %add3A_79] : memref<2x10240xf32, #tpu.memory_space<hbm>> -> memref<1x128xf32, #tpu.memory_space<hbm>>
      %dma_start3A_96 = tpu.memref_squeeze %dma_start3A : memref<1x128xf32, #tpu.memory_space<hbm>> -> memref<128xf32, #tpu.memory_space<hbm>>
      %dma_start3A_97 = tpu.memref_slice %arg14[%add3A_79] : memref<10240xf32, #tpu.memory_space<vmem_shared>> -> memref<128xf32, #tpu.memory_space<vmem_shared>>
      tpu.enqueue_dma source(%dma_start3A_97 : memref<128xf32, #tpu.memory_space<vmem_shared>>) target(%dma_start3A_96 : memref<128xf32, #tpu.memory_space<hbm>>) target_semaphore(%run_scoped3A : memref<!tpu.dma_semaphore, #tpu.memory_space<semaphore_mem>>)
      %dma_wait3A = tpu.memref_slice %arg6[%arg0, %add3A_79] : memref<2x10240xf32, #tpu.memory_space<hbm>> -> memref<1x128xf32, #tpu.memory_space<hbm>>
      %dma_wait3A_98 = tpu.memref_squeeze %dma_wait3A : memref<1x128xf32, #tpu.memory_space<hbm>> -> memref<128xf32, #tpu.memory_space<hbm>>
      %dma_wait3A_99 = tpu.memref_slice %arg14[%add3A_79] : memref<10240xf32, #tpu.memory_space<vmem_shared>> -> memref<128xf32, #tpu.memory_space<vmem_shared>>
      tpu.wait_dma2 semaphore(%run_scoped3A : memref<!tpu.dma_semaphore, #tpu.memory_space<semaphore_mem>>) src(%dma_wait3A_99 : memref<128xf32, #tpu.memory_space<vmem_shared>>) dst(%dma_wait3A_98 : memref<128xf32, #tpu.memory_space<hbm>>)
      tpu.yield
    }) : () -> ()
    %mul3A_80 = arith.constant 640 : i32
    %mul3A_81 = arith.muli %arg1, %mul3A_80 : i32
    %add3A_82 = arith.constant 128 : i32
    %add3A_83 = arith.addi %mul3A_81, %add3A_82 : i32
    "tpu.region"() ({
      %run_scoped3A = tpu.sem_alloc : memref<!tpu.dma_semaphore, #tpu.memory_space<semaphore_mem>>
      %dma_start3A = arith.constant 0 : i32
      %dma_start3A_96 = tpu.memref_slice %arg5[%arg0, %add3A_83, %dma_start3A] : memref<2x10240x128xf32, #tpu.memory_space<hbm>> -> memref<1x128x128xf32, #tpu.memory_space<hbm>>
      %dma_start3A_97 = tpu.memref_squeeze %dma_start3A_96 : memref<1x128x128xf32, #tpu.memory_space<hbm>> -> memref<128x128xf32, #tpu.memory_space<hbm>>
      %dma_start3A_98 = arith.constant 0 : i32
      %dma_start3A_99 = tpu.memref_slice %arg13[%add3A_83, %dma_start3A_98] : memref<10240x128xf32, #tpu.memory_space<vmem_shared>> -> memref<128x128xf32, #tpu.memory_space<vmem_shared>>
      tpu.enqueue_dma source(%dma_start3A_99 : memref<128x128xf32, #tpu.memory_space<vmem_shared>>) target(%dma_start3A_97 : memref<128x128xf32, #tpu.memory_space<hbm>>) target_semaphore(%run_scoped3A : memref<!tpu.dma_semaphore, #tpu.memory_space<semaphore_mem>>)
      %dma_wait3A = arith.constant 0 : i32
      %dma_wait3A_100 = tpu.memref_slice %arg5[%arg0, %add3A_83, %dma_wait3A] : memref<2x10240x128xf32, #tpu.memory_space<hbm>> -> memref<1x128x128xf32, #tpu.memory_space<hbm>>
      %dma_wait3A_101 = tpu.memref_squeeze %dma_wait3A_100 : memref<1x128x128xf32, #tpu.memory_space<hbm>> -> memref<128x128xf32, #tpu.memory_space<hbm>>
      %dma_wait3A_102 = arith.constant 0 : i32
      %dma_wait3A_103 = tpu.memref_slice %arg13[%add3A_83, %dma_wait3A_102] : memref<10240x128xf32, #tpu.memory_space<vmem_shared>> -> memref<128x128xf32, #tpu.memory_space<vmem_shared>>
      tpu.wait_dma2 semaphore(%run_scoped3A : memref<!tpu.dma_semaphore, #tpu.memory_space<semaphore_mem>>) src(%dma_wait3A_103 : memref<128x128xf32, #tpu.memory_space<vmem_shared>>) dst(%dma_wait3A_101 : memref<128x128xf32, #tpu.memory_space<hbm>>)
      tpu.yield
    }) : () -> ()
    "tpu.region"() ({
      %run_scoped3A = tpu.sem_alloc : memref<!tpu.dma_semaphore, #tpu.memory_space<semaphore_mem>>
      %dma_start3A = tpu.memref_slice %arg6[%arg0, %add3A_83] : memref<2x10240xf32, #tpu.memory_space<hbm>> -> memref<1x128xf32, #tpu.memory_space<hbm>>
      %dma_start3A_96 = tpu.memref_squeeze %dma_start3A : memref<1x128xf32, #tpu.memory_space<hbm>> -> memref<128xf32, #tpu.memory_space<hbm>>
      %dma_start3A_97 = tpu.memref_slice %arg14[%add3A_83] : memref<10240xf32, #tpu.memory_space<vmem_shared>> -> memref<128xf32, #tpu.memory_space<vmem_shared>>
      tpu.enqueue_dma source(%dma_start3A_97 : memref<128xf32, #tpu.memory_space<vmem_shared>>) target(%dma_start3A_96 : memref<128xf32, #tpu.memory_space<hbm>>) target_semaphore(%run_scoped3A : memref<!tpu.dma_semaphore, #tpu.memory_space<semaphore_mem>>)
      %dma_wait3A = tpu.memref_slice %arg6[%arg0, %add3A_83] : memref<2x10240xf32, #tpu.memory_space<hbm>> -> memref<1x128xf32, #tpu.memory_space<hbm>>
      %dma_wait3A_98 = tpu.memref_squeeze %dma_wait3A : memref<1x128xf32, #tpu.memory_space<hbm>> -> memref<128xf32, #tpu.memory_space<hbm>>
      %dma_wait3A_99 = tpu.memref_slice %arg14[%add3A_83] : memref<10240xf32, #tpu.memory_space<vmem_shared>> -> memref<128xf32, #tpu.memory_space<vmem_shared>>
      tpu.wait_dma2 semaphore(%run_scoped3A : memref<!tpu.dma_semaphore, #tpu.memory_space<semaphore_mem>>) src(%dma_wait3A_99 : memref<128xf32, #tpu.memory_space<vmem_shared>>) dst(%dma_wait3A_98 : memref<128xf32, #tpu.memory_space<hbm>>)
      tpu.yield
    }) : () -> ()
    %mul3A_84 = arith.constant 640 : i32
    %mul3A_85 = arith.muli %arg1, %mul3A_84 : i32
    %add3A_86 = arith.constant 256 : i32
    %add3A_87 = arith.addi %mul3A_85, %add3A_86 : i32
    "tpu.region"() ({
      %run_scoped3A = tpu.sem_alloc : memref<!tpu.dma_semaphore, #tpu.memory_space<semaphore_mem>>
      %dma_start3A = arith.constant 0 : i32
      %dma_start3A_96 = tpu.memref_slice %arg5[%arg0, %add3A_87, %dma_start3A] : memref<2x10240x128xf32, #tpu.memory_space<hbm>> -> memref<1x128x128xf32, #tpu.memory_space<hbm>>
      %dma_start3A_97 = tpu.memref_squeeze %dma_start3A_96 : memref<1x128x128xf32, #tpu.memory_space<hbm>> -> memref<128x128xf32, #tpu.memory_space<hbm>>
      %dma_start3A_98 = arith.constant 0 : i32
      %dma_start3A_99 = tpu.memref_slice %arg13[%add3A_87, %dma_start3A_98] : memref<10240x128xf32, #tpu.memory_space<vmem_shared>> -> memref<128x128xf32, #tpu.memory_space<vmem_shared>>
      tpu.enqueue_dma source(%dma_start3A_99 : memref<128x128xf32, #tpu.memory_space<vmem_shared>>) target(%dma_start3A_97 : memref<128x128xf32, #tpu.memory_space<hbm>>) target_semaphore(%run_scoped3A : memref<!tpu.dma_semaphore, #tpu.memory_space<semaphore_mem>>)
      %dma_wait3A = arith.constant 0 : i32
      %dma_wait3A_100 = tpu.memref_slice %arg5[%arg0, %add3A_87, %dma_wait3A] : memref<2x10240x128xf32, #tpu.memory_space<hbm>> -> memref<1x128x128xf32, #tpu.memory_space<hbm>>
      %dma_wait3A_101 = tpu.memref_squeeze %dma_wait3A_100 : memref<1x128x128xf32, #tpu.memory_space<hbm>> -> memref<128x128xf32, #tpu.memory_space<hbm>>
      %dma_wait3A_102 = arith.constant 0 : i32
      %dma_wait3A_103 = tpu.memref_slice %arg13[%add3A_87, %dma_wait3A_102] : memref<10240x128xf32, #tpu.memory_space<vmem_shared>> -> memref<128x128xf32, #tpu.memory_space<vmem_shared>>
      tpu.wait_dma2 semaphore(%run_scoped3A : memref<!tpu.dma_semaphore, #tpu.memory_space<semaphore_mem>>) src(%dma_wait3A_103 : memref<128x128xf32, #tpu.memory_space<vmem_shared>>) dst(%dma_wait3A_101 : memref<128x128xf32, #tpu.memory_space<hbm>>)
      tpu.yield
    }) : () -> ()
    "tpu.region"() ({
      %run_scoped3A = tpu.sem_alloc : memref<!tpu.dma_semaphore, #tpu.memory_space<semaphore_mem>>
      %dma_start3A = tpu.memref_slice %arg6[%arg0, %add3A_87] : memref<2x10240xf32, #tpu.memory_space<hbm>> -> memref<1x128xf32, #tpu.memory_space<hbm>>
      %dma_start3A_96 = tpu.memref_squeeze %dma_start3A : memref<1x128xf32, #tpu.memory_space<hbm>> -> memref<128xf32, #tpu.memory_space<hbm>>
      %dma_start3A_97 = tpu.memref_slice %arg14[%add3A_87] : memref<10240xf32, #tpu.memory_space<vmem_shared>> -> memref<128xf32, #tpu.memory_space<vmem_shared>>
      tpu.enqueue_dma source(%dma_start3A_97 : memref<128xf32, #tpu.memory_space<vmem_shared>>) target(%dma_start3A_96 : memref<128xf32, #tpu.memory_space<hbm>>) target_semaphore(%run_scoped3A : memref<!tpu.dma_semaphore, #tpu.memory_space<semaphore_mem>>)
      %dma_wait3A = tpu.memref_slice %arg6[%arg0, %add3A_87] : memref<2x10240xf32, #tpu.memory_space<hbm>> -> memref<1x128xf32, #tpu.memory_space<hbm>>
      %dma_wait3A_98 = tpu.memref_squeeze %dma_wait3A : memref<1x128xf32, #tpu.memory_space<hbm>> -> memref<128xf32, #tpu.memory_space<hbm>>
      %dma_wait3A_99 = tpu.memref_slice %arg14[%add3A_87] : memref<10240xf32, #tpu.memory_space<vmem_shared>> -> memref<128xf32, #tpu.memory_space<vmem_shared>>
      tpu.wait_dma2 semaphore(%run_scoped3A : memref<!tpu.dma_semaphore, #tpu.memory_space<semaphore_mem>>) src(%dma_wait3A_99 : memref<128xf32, #tpu.memory_space<vmem_shared>>) dst(%dma_wait3A_98 : memref<128xf32, #tpu.memory_space<hbm>>)
      tpu.yield
    }) : () -> ()
    %mul3A_88 = arith.constant 640 : i32
    %mul3A_89 = arith.muli %arg1, %mul3A_88 : i32
    %add3A_90 = arith.constant 384 : i32
    %add3A_91 = arith.addi %mul3A_89, %add3A_90 : i32
    "tpu.region"() ({
      %run_scoped3A = tpu.sem_alloc : memref<!tpu.dma_semaphore, #tpu.memory_space<semaphore_mem>>
      %dma_start3A = arith.constant 0 : i32
      %dma_start3A_96 = tpu.memref_slice %arg5[%arg0, %add3A_91, %dma_start3A] : memref<2x10240x128xf32, #tpu.memory_space<hbm>> -> memref<1x128x128xf32, #tpu.memory_space<hbm>>
      %dma_start3A_97 = tpu.memref_squeeze %dma_start3A_96 : memref<1x128x128xf32, #tpu.memory_space<hbm>> -> memref<128x128xf32, #tpu.memory_space<hbm>>
      %dma_start3A_98 = arith.constant 0 : i32
      %dma_start3A_99 = tpu.memref_slice %arg13[%add3A_91, %dma_start3A_98] : memref<10240x128xf32, #tpu.memory_space<vmem_shared>> -> memref<128x128xf32, #tpu.memory_space<vmem_shared>>
      tpu.enqueue_dma source(%dma_start3A_99 : memref<128x128xf32, #tpu.memory_space<vmem_shared>>) target(%dma_start3A_97 : memref<128x128xf32, #tpu.memory_space<hbm>>) target_semaphore(%run_scoped3A : memref<!tpu.dma_semaphore, #tpu.memory_space<semaphore_mem>>)
      %dma_wait3A = arith.constant 0 : i32
      %dma_wait3A_100 = tpu.memref_slice %arg5[%arg0, %add3A_91, %dma_wait3A] : memref<2x10240x128xf32, #tpu.memory_space<hbm>> -> memref<1x128x128xf32, #tpu.memory_space<hbm>>
      %dma_wait3A_101 = tpu.memref_squeeze %dma_wait3A_100 : memref<1x128x128xf32, #tpu.memory_space<hbm>> -> memref<128x128xf32, #tpu.memory_space<hbm>>
      %dma_wait3A_102 = arith.constant 0 : i32
      %dma_wait3A_103 = tpu.memref_slice %arg13[%add3A_91, %dma_wait3A_102] : memref<10240x128xf32, #tpu.memory_space<vmem_shared>> -> memref<128x128xf32, #tpu.memory_space<vmem_shared>>
      tpu.wait_dma2 semaphore(%run_scoped3A : memref<!tpu.dma_semaphore, #tpu.memory_space<semaphore_mem>>) src(%dma_wait3A_103 : memref<128x128xf32, #tpu.memory_space<vmem_shared>>) dst(%dma_wait3A_101 : memref<128x128xf32, #tpu.memory_space<hbm>>)
      tpu.yield
    }) : () -> ()
    "tpu.region"() ({
      %run_scoped3A = tpu.sem_alloc : memref<!tpu.dma_semaphore, #tpu.memory_space<semaphore_mem>>
      %dma_start3A = tpu.memref_slice %arg6[%arg0, %add3A_91] : memref<2x10240xf32, #tpu.memory_space<hbm>> -> memref<1x128xf32, #tpu.memory_space<hbm>>
      %dma_start3A_96 = tpu.memref_squeeze %dma_start3A : memref<1x128xf32, #tpu.memory_space<hbm>> -> memref<128xf32, #tpu.memory_space<hbm>>
      %dma_start3A_97 = tpu.memref_slice %arg14[%add3A_91] : memref<10240xf32, #tpu.memory_space<vmem_shared>> -> memref<128xf32, #tpu.memory_space<vmem_shared>>
      tpu.enqueue_dma source(%dma_start3A_97 : memref<128xf32, #tpu.memory_space<vmem_shared>>) target(%dma_start3A_96 : memref<128xf32, #tpu.memory_space<hbm>>) target_semaphore(%run_scoped3A : memref<!tpu.dma_semaphore, #tpu.memory_space<semaphore_mem>>)
      %dma_wait3A = tpu.memref_slice %arg6[%arg0, %add3A_91] : memref<2x10240xf32, #tpu.memory_space<hbm>> -> memref<1x128xf32, #tpu.memory_space<hbm>>
      %dma_wait3A_98 = tpu.memref_squeeze %dma_wait3A : memref<1x128xf32, #tpu.memory_space<hbm>> -> memref<128xf32, #tpu.memory_space<hbm>>
      %dma_wait3A_99 = tpu.memref_slice %arg14[%add3A_91] : memref<10240xf32, #tpu.memory_space<vmem_shared>> -> memref<128xf32, #tpu.memory_space<vmem_shared>>
      tpu.wait_dma2 semaphore(%run_scoped3A : memref<!tpu.dma_semaphore, #tpu.memory_space<semaphore_mem>>) src(%dma_wait3A_99 : memref<128xf32, #tpu.memory_space<vmem_shared>>) dst(%dma_wait3A_98 : memref<128xf32, #tpu.memory_space<hbm>>)
      tpu.yield
    }) : () -> ()
    %mul3A_92 = arith.constant 640 : i32
    %mul3A_93 = arith.muli %arg1, %mul3A_92 : i32
    %add3A_94 = arith.constant 512 : i32
    %add3A_95 = arith.addi %mul3A_93, %add3A_94 : i32
    "tpu.region"() ({
      %run_scoped3A = tpu.sem_alloc : memref<!tpu.dma_semaphore, #tpu.memory_space<semaphore_mem>>
      %dma_start3A = arith.constant 0 : i32
      %dma_start3A_96 = tpu.memref_slice %arg5[%arg0, %add3A_95, %dma_start3A] : memref<2x10240x128xf32, #tpu.memory_space<hbm>> -> memref<1x128x128xf32, #tpu.memory_space<hbm>>
      %dma_start3A_97 = tpu.memref_squeeze %dma_start3A_96 : memref<1x128x128xf32, #tpu.memory_space<hbm>> -> memref<128x128xf32, #tpu.memory_space<hbm>>
      %dma_start3A_98 = arith.constant 0 : i32
      %dma_start3A_99 = tpu.memref_slice %arg13[%add3A_95, %dma_start3A_98] : memref<10240x128xf32, #tpu.memory_space<vmem_shared>> -> memref<128x128xf32, #tpu.memory_space<vmem_shared>>
      tpu.enqueue_dma source(%dma_start3A_99 : memref<128x128xf32, #tpu.memory_space<vmem_shared>>) target(%dma_start3A_97 : memref<128x128xf32, #tpu.memory_space<hbm>>) target_semaphore(%run_scoped3A : memref<!tpu.dma_semaphore, #tpu.memory_space<semaphore_mem>>)
      %dma_wait3A = arith.constant 0 : i32
      %dma_wait3A_100 = tpu.memref_slice %arg5[%arg0, %add3A_95, %dma_wait3A] : memref<2x10240x128xf32, #tpu.memory_space<hbm>> -> memref<1x128x128xf32, #tpu.memory_space<hbm>>
      %dma_wait3A_101 = tpu.memref_squeeze %dma_wait3A_100 : memref<1x128x128xf32, #tpu.memory_space<hbm>> -> memref<128x128xf32, #tpu.memory_space<hbm>>
      %dma_wait3A_102 = arith.constant 0 : i32
      %dma_wait3A_103 = tpu.memref_slice %arg13[%add3A_95, %dma_wait3A_102] : memref<10240x128xf32, #tpu.memory_space<vmem_shared>> -> memref<128x128xf32, #tpu.memory_space<vmem_shared>>
      tpu.wait_dma2 semaphore(%run_scoped3A : memref<!tpu.dma_semaphore, #tpu.memory_space<semaphore_mem>>) src(%dma_wait3A_103 : memref<128x128xf32, #tpu.memory_space<vmem_shared>>) dst(%dma_wait3A_101 : memref<128x128xf32, #tpu.memory_space<hbm>>)
      tpu.yield
    }) : () -> ()
    "tpu.region"() ({
      %run_scoped3A = tpu.sem_alloc : memref<!tpu.dma_semaphore, #tpu.memory_space<semaphore_mem>>
      %dma_start3A = tpu.memref_slice %arg6[%arg0, %add3A_95] : memref<2x10240xf32, #tpu.memory_space<hbm>> -> memref<1x128xf32, #tpu.memory_space<hbm>>
      %dma_start3A_96 = tpu.memref_squeeze %dma_start3A : memref<1x128xf32, #tpu.memory_space<hbm>> -> memref<128xf32, #tpu.memory_space<hbm>>
      %dma_start3A_97 = tpu.memref_slice %arg14[%add3A_95] : memref<10240xf32, #tpu.memory_space<vmem_shared>> -> memref<128xf32, #tpu.memory_space<vmem_shared>>
      tpu.enqueue_dma source(%dma_start3A_97 : memref<128xf32, #tpu.memory_space<vmem_shared>>) target(%dma_start3A_96 : memref<128xf32, #tpu.memory_space<hbm>>) target_semaphore(%run_scoped3A : memref<!tpu.dma_semaphore, #tpu.memory_space<semaphore_mem>>)
      %dma_wait3A = tpu.memref_slice %arg6[%arg0, %add3A_95] : memref<2x10240xf32, #tpu.memory_space<hbm>> -> memref<1x128xf32, #tpu.memory_space<hbm>>
      %dma_wait3A_98 = tpu.memref_squeeze %dma_wait3A : memref<1x128xf32, #tpu.memory_space<hbm>> -> memref<128xf32, #tpu.memory_space<hbm>>
      %dma_wait3A_99 = tpu.memref_slice %arg14[%add3A_95] : memref<10240xf32, #tpu.memory_space<vmem_shared>> -> memref<128xf32, #tpu.memory_space<vmem_shared>>
      tpu.wait_dma2 semaphore(%run_scoped3A : memref<!tpu.dma_semaphore, #tpu.memory_space<semaphore_mem>>) src(%dma_wait3A_99 : memref<128xf32, #tpu.memory_space<vmem_shared>>) dst(%dma_wait3A_98 : memref<128xf32, #tpu.memory_space<hbm>>)
      tpu.yield
    }) : () -> ()
    return
  }
}

#map = affine_map<(d0, d1) -> (0, 0)>
#map1 = affine_map<(d0, d1) -> (0, 0, 0)>
module attributes {stable_mosaic.version = 14 : i64} {
  func.func @_aggregate(%arg0: i32, %arg1: i32, %arg2: memref<78080x128xf32, #tpu.memory_space<hbm>>, %arg3: memref<610x128xi32, #tpu.memory_space<hbm>>, %arg4: memref<624x128xf32, #tpu.memory_space<hbm>>, %arg5: memref<2x10240x128xf32, #tpu.memory_space<hbm>>, %arg6: memref<2x10240xf32, #tpu.memory_space<hbm>>, %arg7: memref<128xi32, #tpu.memory_space<vmem>>, %arg8: memref<128xi32, #tpu.memory_space<vmem>>, %arg9: memref<128xf32, #tpu.memory_space<vmem>>, %arg10: memref<128xf32, #tpu.memory_space<vmem>>, %arg11: memref<128x128xf32, #tpu.memory_space<vmem>>, %arg12: memref<128x128xf32, #tpu.memory_space<vmem>>, %arg13: memref<10240x128xf32, #tpu.memory_space<vmem_shared>>, %arg14: memref<10240xf32, #tpu.memory_space<vmem_shared>>, %arg15: memref<!tpu.dma_semaphore, #tpu.memory_space<semaphore_mem>>, %arg16: memref<!tpu.dma_semaphore, #tpu.memory_space<semaphore_mem>>, %arg17: memref<!tpu.dma_semaphore, #tpu.memory_space<semaphore_mem>>, %arg18: memref<!tpu.dma_semaphore, #tpu.memory_space<semaphore_mem>>, %arg19: memref<!tpu.dma_semaphore, #tpu.memory_space<semaphore_mem>>, %arg20: memref<!tpu.dma_semaphore, #tpu.memory_space<semaphore_mem>>) attributes {dimension_semantics = [#tpu.dimension_semantics<core_parallel>, #tpu.dimension_semantics<subcore_parallel>], iteration_bounds = array<i64: 2, 16>, scalar_prefetch = 0 : i64, scratch_operands = 14 : i64, tpu.core_type = #tpu.core_type<sc_vector_subcore>, window_params = [{transform_indices = #map}, {transform_indices = #map}, {transform_indices = #map}, {transform_indices = #map1}, {transform_indices = #map}]} {
    %mul3A = arith.constant 16 : i32
    %mul3A_0 = arith.muli %arg0, %mul3A : i32
    %add3A = arith.addi %mul3A_0, %arg1 : i32
    %broadcast_in_dim3A = arith.constant 0.000000e+00 : f32
    %broadcast_in_dim3A_1 = vector.broadcast %broadcast_in_dim3A : f32 to vector<16xf32>
    %scan3A = arith.constant 0 : i32
    %scan3A_2 = arith.constant 0 : i32
    %scan3A_3 = arith.constant 128 : i32
    %scan3A_4 = arith.addi %scan3A_2, %scan3A_3 : i32
    %scan3A_5 = arith.constant 1 : i32
    scf.for %scan3A_96 = %scan3A_2 to %scan3A_4 step %scan3A_5  : i32 {
      %swap3A = arith.index_cast %scan3A_96 : i32 to index
      %swap3A_97 = arith.constant 0 : index
      %swap3A_98 = tpu.vector_load %arg11[%swap3A, %swap3A_97] {strides = array<i32>} : memref<128x128xf32, #tpu.memory_space<vmem>>, vector<1x16xf32>,
      %swap3A_99 = vector.shape_cast %swap3A_98 : vector<1x16xf32> to vector<16xf32>
      %swap3A_100 = vector.shape_cast %broadcast_in_dim3A_1 : vector<16xf32> to vector<1x16xf32>
      tpu.vector_store %arg11[%swap3A, %swap3A_97], %swap3A_100 {strides = array<i32>} : memref<128x128xf32, #tpu.memory_space<vmem>>, vector<1x16xf32>,
      %swap3A_101 = arith.index_cast %scan3A_96 : i32 to index
      %swap3A_102 = arith.constant 16 : index
      %swap3A_103 = tpu.vector_load %arg11[%swap3A_101, %swap3A_102] {strides = array<i32>} : memref<128x128xf32, #tpu.memory_space<vmem>>, vector<1x16xf32>,
      %swap3A_104 = vector.shape_cast %swap3A_103 : vector<1x16xf32> to vector<16xf32>
      %swap3A_105 = vector.shape_cast %broadcast_in_dim3A_1 : vector<16xf32> to vector<1x16xf32>
      tpu.vector_store %arg11[%swap3A_101, %swap3A_102], %swap3A_105 {strides = array<i32>} : memref<128x128xf32, #tpu.memory_space<vmem>>, vector<1x16xf32>,
      %swap3A_106 = arith.index_cast %scan3A_96 : i32 to index
      %swap3A_107 = arith.constant 32 : index
      %swap3A_108 = tpu.vector_load %arg11[%swap3A_106, %swap3A_107] {strides = array<i32>} : memref<128x128xf32, #tpu.memory_space<vmem>>, vector<1x16xf32>,
      %swap3A_109 = vector.shape_cast %swap3A_108 : vector<1x16xf32> to vector<16xf32>
      %swap3A_110 = vector.shape_cast %broadcast_in_dim3A_1 : vector<16xf32> to vector<1x16xf32>
      tpu.vector_store %arg11[%swap3A_106, %swap3A_107], %swap3A_110 {strides = array<i32>} : memref<128x128xf32, #tpu.memory_space<vmem>>, vector<1x16xf32>,
      %swap3A_111 = arith.index_cast %scan3A_96 : i32 to index
      %swap3A_112 = arith.constant 48 : index
      %swap3A_113 = tpu.vector_load %arg11[%swap3A_111, %swap3A_112] {strides = array<i32>} : memref<128x128xf32, #tpu.memory_space<vmem>>, vector<1x16xf32>,
      %swap3A_114 = vector.shape_cast %swap3A_113 : vector<1x16xf32> to vector<16xf32>
      %swap3A_115 = vector.shape_cast %broadcast_in_dim3A_1 : vector<16xf32> to vector<1x16xf32>
      tpu.vector_store %arg11[%swap3A_111, %swap3A_112], %swap3A_115 {strides = array<i32>} : memref<128x128xf32, #tpu.memory_space<vmem>>, vector<1x16xf32>,
      %swap3A_116 = arith.index_cast %scan3A_96 : i32 to index
      %swap3A_117 = arith.constant 64 : index
      %swap3A_118 = tpu.vector_load %arg11[%swap3A_116, %swap3A_117] {strides = array<i32>} : memref<128x128xf32, #tpu.memory_space<vmem>>, vector<1x16xf32>,
      %swap3A_119 = vector.shape_cast %swap3A_118 : vector<1x16xf32> to vector<16xf32>
      %swap3A_120 = vector.shape_cast %broadcast_in_dim3A_1 : vector<16xf32> to vector<1x16xf32>
      tpu.vector_store %arg11[%swap3A_116, %swap3A_117], %swap3A_120 {strides = array<i32>} : memref<128x128xf32, #tpu.memory_space<vmem>>, vector<1x16xf32>,
      %swap3A_121 = arith.index_cast %scan3A_96 : i32 to index
      %swap3A_122 = arith.constant 80 : index
      %swap3A_123 = tpu.vector_load %arg11[%swap3A_121, %swap3A_122] {strides = array<i32>} : memref<128x128xf32, #tpu.memory_space<vmem>>, vector<1x16xf32>,
      %swap3A_124 = vector.shape_cast %swap3A_123 : vector<1x16xf32> to vector<16xf32>
      %swap3A_125 = vector.shape_cast %broadcast_in_dim3A_1 : vector<16xf32> to vector<1x16xf32>
      tpu.vector_store %arg11[%swap3A_121, %swap3A_122], %swap3A_125 {strides = array<i32>} : memref<128x128xf32, #tpu.memory_space<vmem>>, vector<1x16xf32>,
      %swap3A_126 = arith.index_cast %scan3A_96 : i32 to index
      %swap3A_127 = arith.constant 96 : index
      %swap3A_128 = tpu.vector_load %arg11[%swap3A_126, %swap3A_127] {strides = array<i32>} : memref<128x128xf32, #tpu.memory_space<vmem>>, vector<1x16xf32>,
      %swap3A_129 = vector.shape_cast %swap3A_128 : vector<1x16xf32> to vector<16xf32>
      %swap3A_130 = vector.shape_cast %broadcast_in_dim3A_1 : vector<16xf32> to vector<1x16xf32>
      tpu.vector_store %arg11[%swap3A_126, %swap3A_127], %swap3A_130 {strides = array<i32>} : memref<128x128xf32, #tpu.memory_space<vmem>>, vector<1x16xf32>,
      %swap3A_131 = arith.index_cast %scan3A_96 : i32 to index
      %swap3A_132 = arith.constant 112 : index
      %swap3A_133 = tpu.vector_load %arg11[%swap3A_131, %swap3A_132] {strides = array<i32>} : memref<128x128xf32, #tpu.memory_space<vmem>>, vector<1x16xf32>,
      %swap3A_134 = vector.shape_cast %swap3A_133 : vector<1x16xf32> to vector<16xf32>
      %swap3A_135 = vector.shape_cast %broadcast_in_dim3A_1 : vector<16xf32> to vector<1x16xf32>
      tpu.vector_store %arg11[%swap3A_131, %swap3A_132], %swap3A_135 {strides = array<i32>} : memref<128x128xf32, #tpu.memory_space<vmem>>, vector<1x16xf32>,
    }
    %scan3A_6 = arith.constant 128 : i32
    %scan3A_7 = arith.constant 0 : i32
    %scan3A_8 = arith.constant 0 : i32
    %scan3A_9 = arith.constant 8 : i32
    %scan3A_10 = arith.addi %scan3A_8, %scan3A_9 : i32
    %scan3A_11 = arith.constant 1 : i32
    scf.for %scan3A_96 = %scan3A_8 to %scan3A_10 step %scan3A_11  : i32 {
      %mul3A_97 = arith.constant 16 : i32
      %mul3A_98 = arith.muli %scan3A_96, %mul3A_97 : i32
      %swap3A = arith.index_cast %mul3A_98 : i32 to index
      %swap3A_99 = tpu.vector_load %arg9[%swap3A] {strides = array<i32>} : memref<128xf32, #tpu.memory_space<vmem>>, vector<16xf32>,
      %swap3A_100 = vector.shape_cast %swap3A_99 : vector<16xf32> to vector<16xf32>
      %swap3A_101 = vector.shape_cast %broadcast_in_dim3A_1 : vector<16xf32> to vector<16xf32>
      tpu.vector_store %arg9[%swap3A], %swap3A_101 {strides = array<i32>} : memref<128xf32, #tpu.memory_space<vmem>>, vector<16xf32>,
    }
    %scan3A_12 = arith.constant 8 : i32
    %mul3A_13 = arith.constant 640 : i32
    %mul3A_14 = arith.muli %arg1, %mul3A_13 : i32
    %add3A_15 = arith.constant 0 : i32
    %add3A_16 = arith.addi %mul3A_14, %add3A_15 : i32
    "tpu.region"() ({
      %run_scoped3A = tpu.sem_alloc : memref<!tpu.dma_semaphore, #tpu.memory_space<semaphore_mem>>
      %dma_start3A = arith.constant 0 : i32
      %dma_start3A_96 = tpu.memref_slice %arg13[%add3A_16, %dma_start3A] : memref<10240x128xf32, #tpu.memory_space<vmem_shared>> -> memref<128x128xf32, #tpu.memory_space<vmem_shared>>
      %dma_start3A_97 = arith.constant 0 : i32
      %dma_start3A_98 = tpu.memref_slice %arg13[%add3A_16, %dma_start3A_97] : memref<10240x128xf32, #tpu.memory_space<vmem_shared>> -> memref<128x128xf32, #tpu.memory_space<vmem_shared>>
      tpu.enqueue_dma source(%arg11 : memref<128x128xf32, #tpu.memory_space<vmem>>) target(%dma_start3A_98 : memref<128x128xf32, #tpu.memory_space<vmem_shared>>) target_semaphore(%run_scoped3A : memref<!tpu.dma_semaphore, #tpu.memory_space<semaphore_mem>>)
      %dma_wait3A = arith.constant 0 : i32
      %dma_wait3A_99 = tpu.memref_slice %arg13[%add3A_16, %dma_wait3A] : memref<10240x128xf32, #tpu.memory_space<vmem_shared>> -> memref<128x128xf32, #tpu.memory_space<vmem_shared>>
      %dma_wait3A_100 = arith.constant 0 : i32
      %dma_wait3A_101 = tpu.memref_slice %arg13[%add3A_16, %dma_wait3A_100] : memref<10240x128xf32, #tpu.memory_space<vmem_shared>> -> memref<128x128xf32, #tpu.memory_space<vmem_shared>>
      tpu.wait_dma2 semaphore(%run_scoped3A : memref<!tpu.dma_semaphore, #tpu.memory_space<semaphore_mem>>) src(%arg11 : memref<128x128xf32, #tpu.memory_space<vmem>>) dst(%dma_wait3A_101 : memref<128x128xf32, #tpu.memory_space<vmem_shared>>)
      tpu.yield
    }) : () -> ()
    %mul3A_17 = arith.constant 640 : i32
    %mul3A_18 = arith.muli %arg1, %mul3A_17 : i32
    %add3A_19 = arith.constant 0 : i32
    %add3A_20 = arith.addi %mul3A_18, %add3A_19 : i32
    "tpu.region"() ({
      %run_scoped3A = tpu.sem_alloc : memref<!tpu.dma_semaphore, #tpu.memory_space<semaphore_mem>>
      %dma_start3A = tpu.memref_slice %arg14[%add3A_20] : memref<10240xf32, #tpu.memory_space<vmem_shared>> -> memref<128xf32, #tpu.memory_space<vmem_shared>>
      %dma_start3A_96 = tpu.memref_slice %arg14[%add3A_20] : memref<10240xf32, #tpu.memory_space<vmem_shared>> -> memref<128xf32, #tpu.memory_space<vmem_shared>>
      tpu.enqueue_dma source(%arg9 : memref<128xf32, #tpu.memory_space<vmem>>) target(%dma_start3A_96 : memref<128xf32, #tpu.memory_space<vmem_shared>>) target_semaphore(%run_scoped3A : memref<!tpu.dma_semaphore, #tpu.memory_space<semaphore_mem>>)
      %dma_wait3A = tpu.memref_slice %arg14[%add3A_20] : memref<10240xf32, #tpu.memory_space<vmem_shared>> -> memref<128xf32, #tpu.memory_space<vmem_shared>>
      %dma_wait3A_97 = tpu.memref_slice %arg14[%add3A_20] : memref<10240xf32, #tpu.memory_space<vmem_shared>> -> memref<128xf32, #tpu.memory_space<vmem_shared>>
      tpu.wait_dma2 semaphore(%run_scoped3A : memref<!tpu.dma_semaphore, #tpu.memory_space<semaphore_mem>>) src(%arg9 : memref<128xf32, #tpu.memory_space<vmem>>) dst(%dma_wait3A_97 : memref<128xf32, #tpu.memory_space<vmem_shared>>)
      tpu.yield
    }) : () -> ()
    %mul3A_21 = arith.constant 640 : i32
    %mul3A_22 = arith.muli %arg1, %mul3A_21 : i32
    %add3A_23 = arith.constant 128 : i32
    %add3A_24 = arith.addi %mul3A_22, %add3A_23 : i32
    "tpu.region"() ({
      %run_scoped3A = tpu.sem_alloc : memref<!tpu.dma_semaphore, #tpu.memory_space<semaphore_mem>>
      %dma_start3A = arith.constant 0 : i32
      %dma_start3A_96 = tpu.memref_slice %arg13[%add3A_24, %dma_start3A] : memref<10240x128xf32, #tpu.memory_space<vmem_shared>> -> memref<128x128xf32, #tpu.memory_space<vmem_shared>>
      %dma_start3A_97 = arith.constant 0 : i32
      %dma_start3A_98 = tpu.memref_slice %arg13[%add3A_24, %dma_start3A_97] : memref<10240x128xf32, #tpu.memory_space<vmem_shared>> -> memref<128x128xf32, #tpu.memory_space<vmem_shared>>
      tpu.enqueue_dma source(%arg11 : memref<128x128xf32, #tpu.memory_space<vmem>>) target(%dma_start3A_98 : memref<128x128xf32, #tpu.memory_space<vmem_shared>>) target_semaphore(%run_scoped3A : memref<!tpu.dma_semaphore, #tpu.memory_space<semaphore_mem>>)
      %dma_wait3A = arith.constant 0 : i32
      %dma_wait3A_99 = tpu.memref_slice %arg13[%add3A_24, %dma_wait3A] : memref<10240x128xf32, #tpu.memory_space<vmem_shared>> -> memref<128x128xf32, #tpu.memory_space<vmem_shared>>
      %dma_wait3A_100 = arith.constant 0 : i32
      %dma_wait3A_101 = tpu.memref_slice %arg13[%add3A_24, %dma_wait3A_100] : memref<10240x128xf32, #tpu.memory_space<vmem_shared>> -> memref<128x128xf32, #tpu.memory_space<vmem_shared>>
      tpu.wait_dma2 semaphore(%run_scoped3A : memref<!tpu.dma_semaphore, #tpu.memory_space<semaphore_mem>>) src(%arg11 : memref<128x128xf32, #tpu.memory_space<vmem>>) dst(%dma_wait3A_101 : memref<128x128xf32, #tpu.memory_space<vmem_shared>>)
      tpu.yield
    }) : () -> ()
    %mul3A_25 = arith.constant 640 : i32
    %mul3A_26 = arith.muli %arg1, %mul3A_25 : i32
    %add3A_27 = arith.constant 128 : i32
    %add3A_28 = arith.addi %mul3A_26, %add3A_27 : i32
    "tpu.region"() ({
      %run_scoped3A = tpu.sem_alloc : memref<!tpu.dma_semaphore, #tpu.memory_space<semaphore_mem>>
      %dma_start3A = tpu.memref_slice %arg14[%add3A_28] : memref<10240xf32, #tpu.memory_space<vmem_shared>> -> memref<128xf32, #tpu.memory_space<vmem_shared>>
      %dma_start3A_96 = tpu.memref_slice %arg14[%add3A_28] : memref<10240xf32, #tpu.memory_space<vmem_shared>> -> memref<128xf32, #tpu.memory_space<vmem_shared>>
      tpu.enqueue_dma source(%arg9 : memref<128xf32, #tpu.memory_space<vmem>>) target(%dma_start3A_96 : memref<128xf32, #tpu.memory_space<vmem_shared>>) target_semaphore(%run_scoped3A : memref<!tpu.dma_semaphore, #tpu.memory_space<semaphore_mem>>)
      %dma_wait3A = tpu.memref_slice %arg14[%add3A_28] : memref<10240xf32, #tpu.memory_space<vmem_shared>> -> memref<128xf32, #tpu.memory_space<vmem_shared>>
      %dma_wait3A_97 = tpu.memref_slice %arg14[%add3A_28] : memref<10240xf32, #tpu.memory_space<vmem_shared>> -> memref<128xf32, #tpu.memory_space<vmem_shared>>
      tpu.wait_dma2 semaphore(%run_scoped3A : memref<!tpu.dma_semaphore, #tpu.memory_space<semaphore_mem>>) src(%arg9 : memref<128xf32, #tpu.memory_space<vmem>>) dst(%dma_wait3A_97 : memref<128xf32, #tpu.memory_space<vmem_shared>>)
      tpu.yield
    }) : () -> ()
    %mul3A_29 = arith.constant 640 : i32
    %mul3A_30 = arith.muli %arg1, %mul3A_29 : i32
    %add3A_31 = arith.constant 256 : i32
    %add3A_32 = arith.addi %mul3A_30, %add3A_31 : i32
    "tpu.region"() ({
      %run_scoped3A = tpu.sem_alloc : memref<!tpu.dma_semaphore, #tpu.memory_space<semaphore_mem>>
      %dma_start3A = arith.constant 0 : i32
      %dma_start3A_96 = tpu.memref_slice %arg13[%add3A_32, %dma_start3A] : memref<10240x128xf32, #tpu.memory_space<vmem_shared>> -> memref<128x128xf32, #tpu.memory_space<vmem_shared>>
      %dma_start3A_97 = arith.constant 0 : i32
      %dma_start3A_98 = tpu.memref_slice %arg13[%add3A_32, %dma_start3A_97] : memref<10240x128xf32, #tpu.memory_space<vmem_shared>> -> memref<128x128xf32, #tpu.memory_space<vmem_shared>>
      tpu.enqueue_dma source(%arg11 : memref<128x128xf32, #tpu.memory_space<vmem>>) target(%dma_start3A_98 : memref<128x128xf32, #tpu.memory_space<vmem_shared>>) target_semaphore(%run_scoped3A : memref<!tpu.dma_semaphore, #tpu.memory_space<semaphore_mem>>)
      %dma_wait3A = arith.constant 0 : i32
      %dma_wait3A_99 = tpu.memref_slice %arg13[%add3A_32, %dma_wait3A] : memref<10240x128xf32, #tpu.memory_space<vmem_shared>> -> memref<128x128xf32, #tpu.memory_space<vmem_shared>>
      %dma_wait3A_100 = arith.constant 0 : i32
      %dma_wait3A_101 = tpu.memref_slice %arg13[%add3A_32, %dma_wait3A_100] : memref<10240x128xf32, #tpu.memory_space<vmem_shared>> -> memref<128x128xf32, #tpu.memory_space<vmem_shared>>
      tpu.wait_dma2 semaphore(%run_scoped3A : memref<!tpu.dma_semaphore, #tpu.memory_space<semaphore_mem>>) src(%arg11 : memref<128x128xf32, #tpu.memory_space<vmem>>) dst(%dma_wait3A_101 : memref<128x128xf32, #tpu.memory_space<vmem_shared>>)
      tpu.yield
    }) : () -> ()
    %mul3A_33 = arith.constant 640 : i32
    %mul3A_34 = arith.muli %arg1, %mul3A_33 : i32
    %add3A_35 = arith.constant 256 : i32
    %add3A_36 = arith.addi %mul3A_34, %add3A_35 : i32
    "tpu.region"() ({
      %run_scoped3A = tpu.sem_alloc : memref<!tpu.dma_semaphore, #tpu.memory_space<semaphore_mem>>
      %dma_start3A = tpu.memref_slice %arg14[%add3A_36] : memref<10240xf32, #tpu.memory_space<vmem_shared>> -> memref<128xf32, #tpu.memory_space<vmem_shared>>
      %dma_start3A_96 = tpu.memref_slice %arg14[%add3A_36] : memref<10240xf32, #tpu.memory_space<vmem_shared>> -> memref<128xf32, #tpu.memory_space<vmem_shared>>
      tpu.enqueue_dma source(%arg9 : memref<128xf32, #tpu.memory_space<vmem>>) target(%dma_start3A_96 : memref<128xf32, #tpu.memory_space<vmem_shared>>) target_semaphore(%run_scoped3A : memref<!tpu.dma_semaphore, #tpu.memory_space<semaphore_mem>>)
      %dma_wait3A = tpu.memref_slice %arg14[%add3A_36] : memref<10240xf32, #tpu.memory_space<vmem_shared>> -> memref<128xf32, #tpu.memory_space<vmem_shared>>
      %dma_wait3A_97 = tpu.memref_slice %arg14[%add3A_36] : memref<10240xf32, #tpu.memory_space<vmem_shared>> -> memref<128xf32, #tpu.memory_space<vmem_shared>>
      tpu.wait_dma2 semaphore(%run_scoped3A : memref<!tpu.dma_semaphore, #tpu.memory_space<semaphore_mem>>) src(%arg9 : memref<128xf32, #tpu.memory_space<vmem>>) dst(%dma_wait3A_97 : memref<128xf32, #tpu.memory_space<vmem_shared>>)
      tpu.yield
    }) : () -> ()
    %mul3A_37 = arith.constant 640 : i32
    %mul3A_38 = arith.muli %arg1, %mul3A_37 : i32
    %add3A_39 = arith.constant 384 : i32
    %add3A_40 = arith.addi %mul3A_38, %add3A_39 : i32
    "tpu.region"() ({
      %run_scoped3A = tpu.sem_alloc : memref<!tpu.dma_semaphore, #tpu.memory_space<semaphore_mem>>
      %dma_start3A = arith.constant 0 : i32
      %dma_start3A_96 = tpu.memref_slice %arg13[%add3A_40, %dma_start3A] : memref<10240x128xf32, #tpu.memory_space<vmem_shared>> -> memref<128x128xf32, #tpu.memory_space<vmem_shared>>
      %dma_start3A_97 = arith.constant 0 : i32
      %dma_start3A_98 = tpu.memref_slice %arg13[%add3A_40, %dma_start3A_97] : memref<10240x128xf32, #tpu.memory_space<vmem_shared>> -> memref<128x128xf32, #tpu.memory_space<vmem_shared>>
      tpu.enqueue_dma source(%arg11 : memref<128x128xf32, #tpu.memory_space<vmem>>) target(%dma_start3A_98 : memref<128x128xf32, #tpu.memory_space<vmem_shared>>) target_semaphore(%run_scoped3A : memref<!tpu.dma_semaphore, #tpu.memory_space<semaphore_mem>>)
      %dma_wait3A = arith.constant 0 : i32
      %dma_wait3A_99 = tpu.memref_slice %arg13[%add3A_40, %dma_wait3A] : memref<10240x128xf32, #tpu.memory_space<vmem_shared>> -> memref<128x128xf32, #tpu.memory_space<vmem_shared>>
      %dma_wait3A_100 = arith.constant 0 : i32
      %dma_wait3A_101 = tpu.memref_slice %arg13[%add3A_40, %dma_wait3A_100] : memref<10240x128xf32, #tpu.memory_space<vmem_shared>> -> memref<128x128xf32, #tpu.memory_space<vmem_shared>>
      tpu.wait_dma2 semaphore(%run_scoped3A : memref<!tpu.dma_semaphore, #tpu.memory_space<semaphore_mem>>) src(%arg11 : memref<128x128xf32, #tpu.memory_space<vmem>>) dst(%dma_wait3A_101 : memref<128x128xf32, #tpu.memory_space<vmem_shared>>)
      tpu.yield
    }) : () -> ()
    %mul3A_41 = arith.constant 640 : i32
    %mul3A_42 = arith.muli %arg1, %mul3A_41 : i32
    %add3A_43 = arith.constant 384 : i32
    %add3A_44 = arith.addi %mul3A_42, %add3A_43 : i32
    "tpu.region"() ({
      %run_scoped3A = tpu.sem_alloc : memref<!tpu.dma_semaphore, #tpu.memory_space<semaphore_mem>>
      %dma_start3A = tpu.memref_slice %arg14[%add3A_44] : memref<10240xf32, #tpu.memory_space<vmem_shared>> -> memref<128xf32, #tpu.memory_space<vmem_shared>>
      %dma_start3A_96 = tpu.memref_slice %arg14[%add3A_44] : memref<10240xf32, #tpu.memory_space<vmem_shared>> -> memref<128xf32, #tpu.memory_space<vmem_shared>>
      tpu.enqueue_dma source(%arg9 : memref<128xf32, #tpu.memory_space<vmem>>) target(%dma_start3A_96 : memref<128xf32, #tpu.memory_space<vmem_shared>>) target_semaphore(%run_scoped3A : memref<!tpu.dma_semaphore, #tpu.memory_space<semaphore_mem>>)
      %dma_wait3A = tpu.memref_slice %arg14[%add3A_44] : memref<10240xf32, #tpu.memory_space<vmem_shared>> -> memref<128xf32, #tpu.memory_space<vmem_shared>>
      %dma_wait3A_97 = tpu.memref_slice %arg14[%add3A_44] : memref<10240xf32, #tpu.memory_space<vmem_shared>> -> memref<128xf32, #tpu.memory_space<vmem_shared>>
      tpu.wait_dma2 semaphore(%run_scoped3A : memref<!tpu.dma_semaphore, #tpu.memory_space<semaphore_mem>>) src(%arg9 : memref<128xf32, #tpu.memory_space<vmem>>) dst(%dma_wait3A_97 : memref<128xf32, #tpu.memory_space<vmem_shared>>)
      tpu.yield
    }) : () -> ()
    %mul3A_45 = arith.constant 640 : i32
    %mul3A_46 = arith.muli %arg1, %mul3A_45 : i32
    %add3A_47 = arith.constant 512 : i32
    %add3A_48 = arith.addi %mul3A_46, %add3A_47 : i32
    "tpu.region"() ({
      %run_scoped3A = tpu.sem_alloc : memref<!tpu.dma_semaphore, #tpu.memory_space<semaphore_mem>>
      %dma_start3A = arith.constant 0 : i32
      %dma_start3A_96 = tpu.memref_slice %arg13[%add3A_48, %dma_start3A] : memref<10240x128xf32, #tpu.memory_space<vmem_shared>> -> memref<128x128xf32, #tpu.memory_space<vmem_shared>>
      %dma_start3A_97 = arith.constant 0 : i32
      %dma_start3A_98 = tpu.memref_slice %arg13[%add3A_48, %dma_start3A_97] : memref<10240x128xf32, #tpu.memory_space<vmem_shared>> -> memref<128x128xf32, #tpu.memory_space<vmem_shared>>
      tpu.enqueue_dma source(%arg11 : memref<128x128xf32, #tpu.memory_space<vmem>>) target(%dma_start3A_98 : memref<128x128xf32, #tpu.memory_space<vmem_shared>>) target_semaphore(%run_scoped3A : memref<!tpu.dma_semaphore, #tpu.memory_space<semaphore_mem>>)
      %dma_wait3A = arith.constant 0 : i32
      %dma_wait3A_99 = tpu.memref_slice %arg13[%add3A_48, %dma_wait3A] : memref<10240x128xf32, #tpu.memory_space<vmem_shared>> -> memref<128x128xf32, #tpu.memory_space<vmem_shared>>
      %dma_wait3A_100 = arith.constant 0 : i32
      %dma_wait3A_101 = tpu.memref_slice %arg13[%add3A_48, %dma_wait3A_100] : memref<10240x128xf32, #tpu.memory_space<vmem_shared>> -> memref<128x128xf32, #tpu.memory_space<vmem_shared>>
      tpu.wait_dma2 semaphore(%run_scoped3A : memref<!tpu.dma_semaphore, #tpu.memory_space<semaphore_mem>>) src(%arg11 : memref<128x128xf32, #tpu.memory_space<vmem>>) dst(%dma_wait3A_101 : memref<128x128xf32, #tpu.memory_space<vmem_shared>>)
      tpu.yield
    }) : () -> ()
    %mul3A_49 = arith.constant 640 : i32
    %mul3A_50 = arith.muli %arg1, %mul3A_49 : i32
    %add3A_51 = arith.constant 512 : i32
    %add3A_52 = arith.addi %mul3A_50, %add3A_51 : i32
    "tpu.region"() ({
      %run_scoped3A = tpu.sem_alloc : memref<!tpu.dma_semaphore, #tpu.memory_space<semaphore_mem>>
      %dma_start3A = tpu.memref_slice %arg14[%add3A_52] : memref<10240xf32, #tpu.memory_space<vmem_shared>> -> memref<128xf32, #tpu.memory_space<vmem_shared>>
      %dma_start3A_96 = tpu.memref_slice %arg14[%add3A_52] : memref<10240xf32, #tpu.memory_space<vmem_shared>> -> memref<128xf32, #tpu.memory_space<vmem_shared>>
      tpu.enqueue_dma source(%arg9 : memref<128xf32, #tpu.memory_space<vmem>>) target(%dma_start3A_96 : memref<128xf32, #tpu.memory_space<vmem_shared>>) target_semaphore(%run_scoped3A : memref<!tpu.dma_semaphore, #tpu.memory_space<semaphore_mem>>)
      %dma_wait3A = tpu.memref_slice %arg14[%add3A_52] : memref<10240xf32, #tpu.memory_space<vmem_shared>> -> memref<128xf32, #tpu.memory_space<vmem_shared>>
      %dma_wait3A_97 = tpu.memref_slice %arg14[%add3A_52] : memref<10240xf32, #tpu.memory_space<vmem_shared>> -> memref<128xf32, #tpu.memory_space<vmem_shared>>
      tpu.wait_dma2 semaphore(%run_scoped3A : memref<!tpu.dma_semaphore, #tpu.memory_space<semaphore_mem>>) src(%arg9 : memref<128xf32, #tpu.memory_space<vmem>>) dst(%dma_wait3A_97 : memref<128xf32, #tpu.memory_space<vmem_shared>>)
      tpu.yield
    }) : () -> ()
    %barrier3A = arith.constant 0 : index
    tpu.barrier barrier_id(%barrier3A)
    %lt3A = arith.constant 610 : i32
    %lt3A_53 = arith.cmpi slt, %add3A, %lt3A : i32
    %convert_element_type3A = arith.extui %lt3A_53 : i1 to i32
    %cond3A = arith.constant 0 : i32
    %cond3A_54 = arith.cmpi ne, %convert_element_type3A, %cond3A : i32
    scf.if %cond3A_54 {
      "tpu.region"() ({
        %run_scoped3A = tpu.sem_alloc : memref<!tpu.dma_semaphore, #tpu.memory_space<semaphore_mem>>
        %dma_start3A_107 = arith.constant 0 : i32
        %dma_start3A_108 = tpu.memref_slice %arg3[%add3A, %dma_start3A_107] : memref<610x128xi32, #tpu.memory_space<hbm>> -> memref<1x128xi32, #tpu.memory_space<hbm>>
        %dma_start3A_109 = tpu.memref_squeeze %dma_start3A_108 : memref<1x128xi32, #tpu.memory_space<hbm>> -> memref<128xi32, #tpu.memory_space<hbm>>
        %dma_start3A_110 = arith.constant 0 : i32
        %dma_start3A_111 = tpu.memref_slice %arg3[%add3A, %dma_start3A_110] : memref<610x128xi32, #tpu.memory_space<hbm>> -> memref<1x128xi32, #tpu.memory_space<hbm>>
        %dma_start3A_112 = tpu.memref_squeeze %dma_start3A_111 : memref<1x128xi32, #tpu.memory_space<hbm>> -> memref<128xi32, #tpu.memory_space<hbm>>
        tpu.enqueue_dma source(%dma_start3A_112 : memref<128xi32, #tpu.memory_space<hbm>>) target(%arg7 : memref<128xi32, #tpu.memory_space<vmem>>) target_semaphore(%run_scoped3A : memref<!tpu.dma_semaphore, #tpu.memory_space<semaphore_mem>>)
        %dma_wait3A = arith.constant 0 : i32
        %dma_wait3A_113 = tpu.memref_slice %arg3[%add3A, %dma_wait3A] : memref<610x128xi32, #tpu.memory_space<hbm>> -> memref<1x128xi32, #tpu.memory_space<hbm>>
        %dma_wait3A_114 = tpu.memref_squeeze %dma_wait3A_113 : memref<1x128xi32, #tpu.memory_space<hbm>> -> memref<128xi32, #tpu.memory_space<hbm>>
        %dma_wait3A_115 = arith.constant 0 : i32
        %dma_wait3A_116 = tpu.memref_slice %arg3[%add3A, %dma_wait3A_115] : memref<610x128xi32, #tpu.memory_space<hbm>> -> memref<1x128xi32, #tpu.memory_space<hbm>>
        %dma_wait3A_117 = tpu.memref_squeeze %dma_wait3A_116 : memref<1x128xi32, #tpu.memory_space<hbm>> -> memref<128xi32, #tpu.memory_space<hbm>>
        tpu.wait_dma2 semaphore(%run_scoped3A : memref<!tpu.dma_semaphore, #tpu.memory_space<semaphore_mem>>) src(%dma_wait3A_117 : memref<128xi32, #tpu.memory_space<hbm>>) dst(%arg7 : memref<128xi32, #tpu.memory_space<vmem>>)
        tpu.yield
      }) : () -> ()
      %dma_start3A = arith.constant 0 : i32
      %dma_start3A_96 = tpu.memref_slice %arg4[%add3A, %dma_start3A] : memref<624x128xf32, #tpu.memory_space<hbm>> -> memref<1x128xf32, #tpu.memory_space<hbm>>
      %dma_start3A_97 = tpu.memref_squeeze %dma_start3A_96 : memref<1x128xf32, #tpu.memory_space<hbm>> -> memref<128xf32, #tpu.memory_space<hbm>>
      %dma_start3A_98 = arith.constant 0 : i32
      %dma_start3A_99 = tpu.memref_slice %arg4[%add3A, %dma_start3A_98] : memref<624x128xf32, #tpu.memory_space<hbm>> -> memref<1x128xf32, #tpu.memory_space<hbm>>
      %dma_start3A_100 = tpu.memref_squeeze %dma_start3A_99 : memref<1x128xf32, #tpu.memory_space<hbm>> -> memref<128xf32, #tpu.memory_space<hbm>>
      tpu.enqueue_dma source(%dma_start3A_100 : memref<128xf32, #tpu.memory_space<hbm>>) target(%arg9 : memref<128xf32, #tpu.memory_space<vmem>>) target_semaphore(%arg19 : memref<!tpu.dma_semaphore, #tpu.memory_space<semaphore_mem>>)
      %mul3A_101 = arith.constant 128 : i32
      %mul3A_102 = arith.muli %add3A, %mul3A_101 : i32
      %dma_start3A_103 = arith.constant 0 : i32
      %dma_start3A_104 = tpu.memref_slice %arg2[%mul3A_102, %dma_start3A_103] : memref<78080x128xf32, #tpu.memory_space<hbm>> -> memref<128x128xf32, #tpu.memory_space<hbm>>
      %dma_start3A_105 = arith.constant 0 : i32
      %dma_start3A_106 = tpu.memref_slice %arg2[%mul3A_102, %dma_start3A_105] : memref<78080x128xf32, #tpu.memory_space<hbm>> -> memref<128x128xf32, #tpu.memory_space<hbm>>
      tpu.enqueue_dma source(%dma_start3A_106 : memref<128x128xf32, #tpu.memory_space<hbm>>) target(%arg11 : memref<128x128xf32, #tpu.memory_space<vmem>>) target_semaphore(%arg15 : memref<!tpu.dma_semaphore, #tpu.memory_space<semaphore_mem>>)
    } else {
    }
    %scan3A_55 = arith.constant 0 : i32
    %scan3A_56 = arith.constant 0 : i32
    %scan3A_57 = arith.constant 10 : i32
    %scan3A_58 = arith.addi %scan3A_56, %scan3A_57 : i32
    %scan3A_59 = arith.constant 1 : i32
    scf.for %scan3A_96 = %scan3A_56 to %scan3A_58 step %scan3A_59  : i32 {
      %mul3A_97 = arith.constant 2 : i32
      %mul3A_98 = arith.muli %mul3A_97, %scan3A_96 : i32
      %add3A_99 = arith.constant 0 : i32
      %add3A_100 = arith.addi %mul3A_98, %add3A_99 : i32
      %mul3A_101 = arith.constant 32 : i32
      %mul3A_102 = arith.muli %add3A_100, %mul3A_101 : i32
      %add3A_103 = arith.addi %add3A, %mul3A_102 : i32
      %add3A_104 = arith.constant 32 : i32
      %add3A_105 = arith.addi %add3A_103, %add3A_104 : i32
      %lt3A_106 = arith.constant 610 : i32
      %lt3A_107 = arith.cmpi slt, %add3A_103, %lt3A_106 : i32
      %convert_element_type3A_108 = arith.extui %lt3A_107 : i1 to i32
      %cond3A_109 = arith.constant 0 : i32
      %cond3A_110 = arith.cmpi ne, %convert_element_type3A_108, %cond3A_109 : i32
      scf.if %cond3A_110 {
        %dma_wait3A = arith.constant 0 : i32
        %dma_wait3A_135 = arith.constant 0 : i32
        %dma_wait3A_136 = tpu.memref_slice %arg2[%dma_wait3A, %dma_wait3A_135] : memref<78080x128xf32, #tpu.memory_space<hbm>> -> memref<128x128xf32, #tpu.memory_space<hbm>>
        %dma_wait3A_137 = arith.constant 0 : i32
        %dma_wait3A_138 = arith.constant 0 : i32
        %dma_wait3A_139 = tpu.memref_slice %arg2[%dma_wait3A_137, %dma_wait3A_138] : memref<78080x128xf32, #tpu.memory_space<hbm>> -> memref<128x128xf32, #tpu.memory_space<hbm>>
        tpu.wait_dma2 semaphore(%arg15 : memref<!tpu.dma_semaphore, #tpu.memory_space<semaphore_mem>>) src(%dma_wait3A_139 : memref<128x128xf32, #tpu.memory_space<hbm>>) dst(%arg11 : memref<128x128xf32, #tpu.memory_space<vmem>>)
        %dma_wait3A_140 = arith.constant 0 : i32
        %dma_wait3A_141 = arith.constant 0 : i32
        %dma_wait3A_142 = tpu.memref_slice %arg4[%dma_wait3A_140, %dma_wait3A_141] : memref<624x128xf32, #tpu.memory_space<hbm>> -> memref<1x128xf32, #tpu.memory_space<hbm>>
        %dma_wait3A_143 = tpu.memref_squeeze %dma_wait3A_142 : memref<1x128xf32, #tpu.memory_space<hbm>> -> memref<128xf32, #tpu.memory_space<hbm>>
        %dma_wait3A_144 = arith.constant 0 : i32
        %dma_wait3A_145 = tpu.memref_slice %arg4[%dma_wait3A_140, %dma_wait3A_144] : memref<624x128xf32, #tpu.memory_space<hbm>> -> memref<1x128xf32, #tpu.memory_space<hbm>>
        %dma_wait3A_146 = tpu.memref_squeeze %dma_wait3A_145 : memref<1x128xf32, #tpu.memory_space<hbm>> -> memref<128xf32, #tpu.memory_space<hbm>>
        tpu.wait_dma2 semaphore(%arg19 : memref<!tpu.dma_semaphore, #tpu.memory_space<semaphore_mem>>) src(%dma_wait3A_146 : memref<128xf32, #tpu.memory_space<hbm>>) dst(%arg9 : memref<128xf32, #tpu.memory_space<vmem>>)
        %dma_start3A = arith.constant 0 : i32
        %dma_start3A_147 = arith.constant 0 : i32
        %dma_start3A_148 = tpu.memref_slice %arg13[%dma_start3A, %dma_start3A_147] : memref<10240x128xf32, #tpu.memory_space<vmem_shared>> -> memref<10240x128xf32, #tpu.memory_space<vmem_shared>>
        tpu.enqueue_indirect_dma source(%arg11 : memref<128x128xf32, #tpu.memory_space<vmem>>) target(%dma_start3A_148 : memref<10240x128xf32, #tpu.memory_space<vmem_shared>>) offsets(%arg7 : memref<128xi32, #tpu.memory_space<vmem>>) semaphore(%arg17 : memref<!tpu.dma_semaphore, #tpu.memory_space<semaphore_mem>>) {add = true}
        %dma_start3A_149 = arith.constant 0 : i32
        %dma_start3A_150 = tpu.memref_slice %arg14[%dma_start3A_149] : memref<10240xf32, #tpu.memory_space<vmem_shared>> -> memref<10240xf32, #tpu.memory_space<vmem_shared>>
        tpu.enqueue_indirect_dma source(%arg9 : memref<128xf32, #tpu.memory_space<vmem>>) target(%dma_start3A_150 : memref<10240xf32, #tpu.memory_space<vmem_shared>>) offsets(%arg7 : memref<128xi32, #tpu.memory_space<vmem>>) semaphore(%arg19 : memref<!tpu.dma_semaphore, #tpu.memory_space<semaphore_mem>>) {add = true}
      } else {
      }
      %lt3A_111 = arith.constant 610 : i32
      %lt3A_112 = arith.cmpi slt, %add3A_105, %lt3A_111 : i32
      %convert_element_type3A_113 = arith.extui %lt3A_112 : i1 to i32
      %cond3A_114 = arith.constant 0 : i32
      %cond3A_115 = arith.cmpi ne, %convert_element_type3A_113, %cond3A_114 : i32
      scf.if %cond3A_115 {
        %add3A_135 = arith.constant 64 : i32
        %add3A_136 = arith.addi %add3A, %add3A_135 : i32
        %ge3A = arith.cmpi sge, %add3A_105, %add3A_136 : i32
        %convert_element_type3A_137 = arith.extui %ge3A : i1 to i32
        %cond3A_138 = arith.constant 0 : i32
        %cond3A_139 = arith.cmpi ne, %convert_element_type3A_137, %cond3A_138 : i32
        scf.if %cond3A_139 {
          %dma_wait3A = arith.constant 0 : i32
          %dma_wait3A_151 = arith.constant 0 : i32
          %dma_wait3A_152 = tpu.memref_slice %arg13[%dma_wait3A, %dma_wait3A_151] : memref<10240x128xf32, #tpu.memory_space<vmem_shared>> -> memref<10240x128xf32, #tpu.memory_space<vmem_shared>>
          tpu.wait_indirect_dma semaphore(%arg18 : memref<!tpu.dma_semaphore, #tpu.memory_space<semaphore_mem>>) src(%arg12 : memref<128x128xf32, #tpu.memory_space<vmem>>) dst(%dma_wait3A_152 : memref<10240x128xf32, #tpu.memory_space<vmem_shared>>)
          %dma_wait3A_153 = arith.constant 0 : i32
          %dma_wait3A_154 = tpu.memref_slice %arg14[%dma_wait3A_153] : memref<10240xf32, #tpu.memory_space<vmem_shared>> -> memref<10240xf32, #tpu.memory_space<vmem_shared>>
          tpu.wait_indirect_dma semaphore(%arg20 : memref<!tpu.dma_semaphore, #tpu.memory_space<semaphore_mem>>) src(%arg10 : memref<128xf32, #tpu.memory_space<vmem>>) dst(%dma_wait3A_154 : memref<10240xf32, #tpu.memory_space<vmem_shared>>)
        } else {
        }
        "tpu.region"() ({
          %run_scoped3A = tpu.sem_alloc : memref<!tpu.dma_semaphore, #tpu.memory_space<semaphore_mem>>
          %dma_start3A_151 = arith.constant 0 : i32
          %dma_start3A_152 = tpu.memref_slice %arg3[%add3A_105, %dma_start3A_151] : memref<610x128xi32, #tpu.memory_space<hbm>> -> memref<1x128xi32, #tpu.memory_space<hbm>>
          %dma_start3A_153 = tpu.memref_squeeze %dma_start3A_152 : memref<1x128xi32, #tpu.memory_space<hbm>> -> memref<128xi32, #tpu.memory_space<hbm>>
          %dma_start3A_154 = arith.constant 0 : i32
          %dma_start3A_155 = tpu.memref_slice %arg3[%add3A_105, %dma_start3A_154] : memref<610x128xi32, #tpu.memory_space<hbm>> -> memref<1x128xi32, #tpu.memory_space<hbm>>
          %dma_start3A_156 = tpu.memref_squeeze %dma_start3A_155 : memref<1x128xi32, #tpu.memory_space<hbm>> -> memref<128xi32, #tpu.memory_space<hbm>>
          tpu.enqueue_dma source(%dma_start3A_156 : memref<128xi32, #tpu.memory_space<hbm>>) target(%arg8 : memref<128xi32, #tpu.memory_space<vmem>>) target_semaphore(%run_scoped3A : memref<!tpu.dma_semaphore, #tpu.memory_space<semaphore_mem>>)
          %dma_wait3A = arith.constant 0 : i32
          %dma_wait3A_157 = tpu.memref_slice %arg3[%add3A_105, %dma_wait3A] : memref<610x128xi32, #tpu.memory_space<hbm>> -> memref<1x128xi32, #tpu.memory_space<hbm>>
          %dma_wait3A_158 = tpu.memref_squeeze %dma_wait3A_157 : memref<1x128xi32, #tpu.memory_space<hbm>> -> memref<128xi32, #tpu.memory_space<hbm>>
          %dma_wait3A_159 = arith.constant 0 : i32
          %dma_wait3A_160 = tpu.memref_slice %arg3[%add3A_105, %dma_wait3A_159] : memref<610x128xi32, #tpu.memory_space<hbm>> -> memref<1x128xi32, #tpu.memory_space<hbm>>
          %dma_wait3A_161 = tpu.memref_squeeze %dma_wait3A_160 : memref<1x128xi32, #tpu.memory_space<hbm>> -> memref<128xi32, #tpu.memory_space<hbm>>
          tpu.wait_dma2 semaphore(%run_scoped3A : memref<!tpu.dma_semaphore, #tpu.memory_space<semaphore_mem>>) src(%dma_wait3A_161 : memref<128xi32, #tpu.memory_space<hbm>>) dst(%arg8 : memref<128xi32, #tpu.memory_space<vmem>>)
          tpu.yield
        }) : () -> ()
        %dma_start3A = arith.constant 0 : i32
        %dma_start3A_140 = tpu.memref_slice %arg4[%add3A_105, %dma_start3A] : memref<624x128xf32, #tpu.memory_space<hbm>> -> memref<1x128xf32, #tpu.memory_space<hbm>>
        %dma_start3A_141 = tpu.memref_squeeze %dma_start3A_140 : memref<1x128xf32, #tpu.memory_space<hbm>> -> memref<128xf32, #tpu.memory_space<hbm>>
        %dma_start3A_142 = arith.constant 0 : i32
        %dma_start3A_143 = tpu.memref_slice %arg4[%add3A_105, %dma_start3A_142] : memref<624x128xf32, #tpu.memory_space<hbm>> -> memref<1x128xf32, #tpu.memory_space<hbm>>
        %dma_start3A_144 = tpu.memref_squeeze %dma_start3A_143 : memref<1x128xf32, #tpu.memory_space<hbm>> -> memref<128xf32, #tpu.memory_space<hbm>>
        tpu.enqueue_dma source(%dma_start3A_144 : memref<128xf32, #tpu.memory_space<hbm>>) target(%arg10 : memref<128xf32, #tpu.memory_space<vmem>>) target_semaphore(%arg20 : memref<!tpu.dma_semaphore, #tpu.memory_space<semaphore_mem>>)
        %mul3A_145 = arith.constant 128 : i32
        %mul3A_146 = arith.muli %add3A_105, %mul3A_145 : i32
        %dma_start3A_147 = arith.constant 0 : i32
        %dma_start3A_148 = tpu.memref_slice %arg2[%mul3A_146, %dma_start3A_147] : memref<78080x128xf32, #tpu.memory_space<hbm>> -> memref<128x128xf32, #tpu.memory_space<hbm>>
        %dma_start3A_149 = arith.constant 0 : i32
        %dma_start3A_150 = tpu.memref_slice %arg2[%mul3A_146, %dma_start3A_149] : memref<78080x128xf32, #tpu.memory_space<hbm>> -> memref<128x128xf32, #tpu.memory_space<hbm>>
        tpu.enqueue_dma source(%dma_start3A_150 : memref<128x128xf32, #tpu.memory_space<hbm>>) target(%arg12 : memref<128x128xf32, #tpu.memory_space<vmem>>) target_semaphore(%arg16 : memref<!tpu.dma_semaphore, #tpu.memory_space<semaphore_mem>>)
      } else {
      }
      %mul3A_116 = arith.constant 2 : i32
      %mul3A_117 = arith.muli %mul3A_116, %scan3A_96 : i32
      %add3A_118 = arith.constant 1 : i32
      %add3A_119 = arith.addi %mul3A_117, %add3A_118 : i32
      %mul3A_120 = arith.constant 32 : i32
      %mul3A_121 = arith.muli %add3A_119, %mul3A_120 : i32
      %add3A_122 = arith.addi %add3A, %mul3A_121 : i32
      %add3A_123 = arith.constant 32 : i32
      %add3A_124 = arith.addi %add3A_122, %add3A_123 : i32
      %lt3A_125 = arith.constant 610 : i32
      %lt3A_126 = arith.cmpi slt, %add3A_122, %lt3A_125 : i32
      %convert_element_type3A_127 = arith.extui %lt3A_126 : i1 to i32
      %cond3A_128 = arith.constant 0 : i32
      %cond3A_129 = arith.cmpi ne, %convert_element_type3A_127, %cond3A_128 : i32
      scf.if %cond3A_129 {
        %dma_wait3A = arith.constant 0 : i32
        %dma_wait3A_135 = arith.constant 0 : i32
        %dma_wait3A_136 = tpu.memref_slice %arg2[%dma_wait3A, %dma_wait3A_135] : memref<78080x128xf32, #tpu.memory_space<hbm>> -> memref<128x128xf32, #tpu.memory_space<hbm>>
        %dma_wait3A_137 = arith.constant 0 : i32
        %dma_wait3A_138 = arith.constant 0 : i32
        %dma_wait3A_139 = tpu.memref_slice %arg2[%dma_wait3A_137, %dma_wait3A_138] : memref<78080x128xf32, #tpu.memory_space<hbm>> -> memref<128x128xf32, #tpu.memory_space<hbm>>
        tpu.wait_dma2 semaphore(%arg16 : memref<!tpu.dma_semaphore, #tpu.memory_space<semaphore_mem>>) src(%dma_wait3A_139 : memref<128x128xf32, #tpu.memory_space<hbm>>) dst(%arg12 : memref<128x128xf32, #tpu.memory_space<vmem>>)
        %dma_wait3A_140 = arith.constant 0 : i32
        %dma_wait3A_141 = arith.constant 0 : i32
        %dma_wait3A_142 = tpu.memref_slice %arg4[%dma_wait3A_140, %dma_wait3A_141] : memref<624x128xf32, #tpu.memory_space<hbm>> -> memref<1x128xf32, #tpu.memory_space<hbm>>
        %dma_wait3A_143 = tpu.memref_squeeze %dma_wait3A_142 : memref<1x128xf32, #tpu.memory_space<hbm>> -> memref<128xf32, #tpu.memory_space<hbm>>
        %dma_wait3A_144 = arith.constant 0 : i32
        %dma_wait3A_145 = tpu.memref_slice %arg4[%dma_wait3A_140, %dma_wait3A_144] : memref<624x128xf32, #tpu.memory_space<hbm>> -> memref<1x128xf32, #tpu.memory_space<hbm>>
        %dma_wait3A_146 = tpu.memref_squeeze %dma_wait3A_145 : memref<1x128xf32, #tpu.memory_space<hbm>> -> memref<128xf32, #tpu.memory_space<hbm>>
        tpu.wait_dma2 semaphore(%arg20 : memref<!tpu.dma_semaphore, #tpu.memory_space<semaphore_mem>>) src(%dma_wait3A_146 : memref<128xf32, #tpu.memory_space<hbm>>) dst(%arg10 : memref<128xf32, #tpu.memory_space<vmem>>)
        %dma_start3A = arith.constant 0 : i32
        %dma_start3A_147 = arith.constant 0 : i32
        %dma_start3A_148 = tpu.memref_slice %arg13[%dma_start3A, %dma_start3A_147] : memref<10240x128xf32, #tpu.memory_space<vmem_shared>> -> memref<10240x128xf32, #tpu.memory_space<vmem_shared>>
        tpu.enqueue_indirect_dma source(%arg12 : memref<128x128xf32, #tpu.memory_space<vmem>>) target(%dma_start3A_148 : memref<10240x128xf32, #tpu.memory_space<vmem_shared>>) offsets(%arg8 : memref<128xi32, #tpu.memory_space<vmem>>) semaphore(%arg18 : memref<!tpu.dma_semaphore, #tpu.memory_space<semaphore_mem>>) {add = true}
        %dma_start3A_149 = arith.constant 0 : i32
        %dma_start3A_150 = tpu.memref_slice %arg14[%dma_start3A_149] : memref<10240xf32, #tpu.memory_space<vmem_shared>> -> memref<10240xf32, #tpu.memory_space<vmem_shared>>
        tpu.enqueue_indirect_dma source(%arg10 : memref<128xf32, #tpu.memory_space<vmem>>) target(%dma_start3A_150 : memref<10240xf32, #tpu.memory_space<vmem_shared>>) offsets(%arg8 : memref<128xi32, #tpu.memory_space<vmem>>) semaphore(%arg20 : memref<!tpu.dma_semaphore, #tpu.memory_space<semaphore_mem>>) {add = true}
      } else {
      }
      %lt3A_130 = arith.constant 610 : i32
      %lt3A_131 = arith.cmpi slt, %add3A_124, %lt3A_130 : i32
      %convert_element_type3A_132 = arith.extui %lt3A_131 : i1 to i32
      %cond3A_133 = arith.constant 0 : i32
      %cond3A_134 = arith.cmpi ne, %convert_element_type3A_132, %cond3A_133 : i32
      scf.if %cond3A_134 {
        %add3A_135 = arith.constant 64 : i32
        %add3A_136 = arith.addi %add3A, %add3A_135 : i32
        %ge3A = arith.cmpi sge, %add3A_124, %add3A_136 : i32
        %convert_element_type3A_137 = arith.extui %ge3A : i1 to i32
        %cond3A_138 = arith.constant 0 : i32
        %cond3A_139 = arith.cmpi ne, %convert_element_type3A_137, %cond3A_138 : i32
        scf.if %cond3A_139 {
          %dma_wait3A = arith.constant 0 : i32
          %dma_wait3A_151 = arith.constant 0 : i32
          %dma_wait3A_152 = tpu.memref_slice %arg13[%dma_wait3A, %dma_wait3A_151] : memref<10240x128xf32, #tpu.memory_space<vmem_shared>> -> memref<10240x128xf32, #tpu.memory_space<vmem_shared>>
          tpu.wait_indirect_dma semaphore(%arg17 : memref<!tpu.dma_semaphore, #tpu.memory_space<semaphore_mem>>) src(%arg11 : memref<128x128xf32, #tpu.memory_space<vmem>>) dst(%dma_wait3A_152 : memref<10240x128xf32, #tpu.memory_space<vmem_shared>>)
          %dma_wait3A_153 = arith.constant 0 : i32
          %dma_wait3A_154 = tpu.memref_slice %arg14[%dma_wait3A_153] : memref<10240xf32, #tpu.memory_space<vmem_shared>> -> memref<10240xf32, #tpu.memory_space<vmem_shared>>
          tpu.wait_indirect_dma semaphore(%arg19 : memref<!tpu.dma_semaphore, #tpu.memory_space<semaphore_mem>>) src(%arg9 : memref<128xf32, #tpu.memory_space<vmem>>) dst(%dma_wait3A_154 : memref<10240xf32, #tpu.memory_space<vmem_shared>>)
        } else {
        }
        "tpu.region"() ({
          %run_scoped3A = tpu.sem_alloc : memref<!tpu.dma_semaphore, #tpu.memory_space<semaphore_mem>>
          %dma_start3A_151 = arith.constant 0 : i32
          %dma_start3A_152 = tpu.memref_slice %arg3[%add3A_124, %dma_start3A_151] : memref<610x128xi32, #tpu.memory_space<hbm>> -> memref<1x128xi32, #tpu.memory_space<hbm>>
          %dma_start3A_153 = tpu.memref_squeeze %dma_start3A_152 : memref<1x128xi32, #tpu.memory_space<hbm>> -> memref<128xi32, #tpu.memory_space<hbm>>
          %dma_start3A_154 = arith.constant 0 : i32
          %dma_start3A_155 = tpu.memref_slice %arg3[%add3A_124, %dma_start3A_154] : memref<610x128xi32, #tpu.memory_space<hbm>> -> memref<1x128xi32, #tpu.memory_space<hbm>>
          %dma_start3A_156 = tpu.memref_squeeze %dma_start3A_155 : memref<1x128xi32, #tpu.memory_space<hbm>> -> memref<128xi32, #tpu.memory_space<hbm>>
          tpu.enqueue_dma source(%dma_start3A_156 : memref<128xi32, #tpu.memory_space<hbm>>) target(%arg7 : memref<128xi32, #tpu.memory_space<vmem>>) target_semaphore(%run_scoped3A : memref<!tpu.dma_semaphore, #tpu.memory_space<semaphore_mem>>)
          %dma_wait3A = arith.constant 0 : i32
          %dma_wait3A_157 = tpu.memref_slice %arg3[%add3A_124, %dma_wait3A] : memref<610x128xi32, #tpu.memory_space<hbm>> -> memref<1x128xi32, #tpu.memory_space<hbm>>
          %dma_wait3A_158 = tpu.memref_squeeze %dma_wait3A_157 : memref<1x128xi32, #tpu.memory_space<hbm>> -> memref<128xi32, #tpu.memory_space<hbm>>
          %dma_wait3A_159 = arith.constant 0 : i32
          %dma_wait3A_160 = tpu.memref_slice %arg3[%add3A_124, %dma_wait3A_159] : memref<610x128xi32, #tpu.memory_space<hbm>> -> memref<1x128xi32, #tpu.memory_space<hbm>>
          %dma_wait3A_161 = tpu.memref_squeeze %dma_wait3A_160 : memref<1x128xi32, #tpu.memory_space<hbm>> -> memref<128xi32, #tpu.memory_space<hbm>>
          tpu.wait_dma2 semaphore(%run_scoped3A : memref<!tpu.dma_semaphore, #tpu.memory_space<semaphore_mem>>) src(%dma_wait3A_161 : memref<128xi32, #tpu.memory_space<hbm>>) dst(%arg7 : memref<128xi32, #tpu.memory_space<vmem>>)
          tpu.yield
        }) : () -> ()
        %dma_start3A = arith.constant 0 : i32
        %dma_start3A_140 = tpu.memref_slice %arg4[%add3A_124, %dma_start3A] : memref<624x128xf32, #tpu.memory_space<hbm>> -> memref<1x128xf32, #tpu.memory_space<hbm>>
        %dma_start3A_141 = tpu.memref_squeeze %dma_start3A_140 : memref<1x128xf32, #tpu.memory_space<hbm>> -> memref<128xf32, #tpu.memory_space<hbm>>
        %dma_start3A_142 = arith.constant 0 : i32
        %dma_start3A_143 = tpu.memref_slice %arg4[%add3A_124, %dma_start3A_142] : memref<624x128xf32, #tpu.memory_space<hbm>> -> memref<1x128xf32, #tpu.memory_space<hbm>>
        %dma_start3A_144 = tpu.memref_squeeze %dma_start3A_143 : memref<1x128xf32, #tpu.memory_space<hbm>> -> memref<128xf32, #tpu.memory_space<hbm>>
        tpu.enqueue_dma source(%dma_start3A_144 : memref<128xf32, #tpu.memory_space<hbm>>) target(%arg9 : memref<128xf32, #tpu.memory_space<vmem>>) target_semaphore(%arg19 : memref<!tpu.dma_semaphore, #tpu.memory_space<semaphore_mem>>)
        %mul3A_145 = arith.constant 128 : i32
        %mul3A_146 = arith.muli %add3A_124, %mul3A_145 : i32
        %dma_start3A_147 = arith.constant 0 : i32
        %dma_start3A_148 = tpu.memref_slice %arg2[%mul3A_146, %dma_start3A_147] : memref<78080x128xf32, #tpu.memory_space<hbm>> -> memref<128x128xf32, #tpu.memory_space<hbm>>
        %dma_start3A_149 = arith.constant 0 : i32
        %dma_start3A_150 = tpu.memref_slice %arg2[%mul3A_146, %dma_start3A_149] : memref<78080x128xf32, #tpu.memory_space<hbm>> -> memref<128x128xf32, #tpu.memory_space<hbm>>
        tpu.enqueue_dma source(%dma_start3A_150 : memref<128x128xf32, #tpu.memory_space<hbm>>) target(%arg11 : memref<128x128xf32, #tpu.memory_space<vmem>>) target_semaphore(%arg15 : memref<!tpu.dma_semaphore, #tpu.memory_space<semaphore_mem>>)
      } else {
      }
    }
    %scan3A_60 = arith.constant 10 : i32
    %add3A_61 = arith.constant 0 : i32
    %add3A_62 = arith.addi %add3A, %add3A_61 : i32
    %lt3A_63 = arith.constant 610 : i32
    %lt3A_64 = arith.cmpi slt, %add3A_62, %lt3A_63 : i32
    %convert_element_type3A_65 = arith.extui %lt3A_64 : i1 to i32
    %cond3A_66 = arith.constant 0 : i32
    %cond3A_67 = arith.cmpi ne, %convert_element_type3A_65, %cond3A_66 : i32
    scf.if %cond3A_67 {
      %dma_wait3A = arith.constant 0 : i32
      %dma_wait3A_96 = arith.constant 0 : i32
      %dma_wait3A_97 = tpu.memref_slice %arg13[%dma_wait3A, %dma_wait3A_96] : memref<10240x128xf32, #tpu.memory_space<vmem_shared>> -> memref<10240x128xf32, #tpu.memory_space<vmem_shared>>
      tpu.wait_indirect_dma semaphore(%arg17 : memref<!tpu.dma_semaphore, #tpu.memory_space<semaphore_mem>>) src(%arg11 : memref<128x128xf32, #tpu.memory_space<vmem>>) dst(%dma_wait3A_97 : memref<10240x128xf32, #tpu.memory_space<vmem_shared>>)
      %dma_wait3A_98 = arith.constant 0 : i32
      %dma_wait3A_99 = tpu.memref_slice %arg14[%dma_wait3A_98] : memref<10240xf32, #tpu.memory_space<vmem_shared>> -> memref<10240xf32, #tpu.memory_space<vmem_shared>>
      tpu.wait_indirect_dma semaphore(%arg19 : memref<!tpu.dma_semaphore, #tpu.memory_space<semaphore_mem>>) src(%arg9 : memref<128xf32, #tpu.memory_space<vmem>>) dst(%dma_wait3A_99 : memref<10240xf32, #tpu.memory_space<vmem_shared>>)
    } else {
    }
    %add3A_68 = arith.constant 32 : i32
    %add3A_69 = arith.addi %add3A, %add3A_68 : i32
    %lt3A_70 = arith.constant 610 : i32
    %lt3A_71 = arith.cmpi slt, %add3A_69, %lt3A_70 : i32
    %convert_element_type3A_72 = arith.extui %lt3A_71 : i1 to i32
    %cond3A_73 = arith.constant 0 : i32
    %cond3A_74 = arith.cmpi ne, %convert_element_type3A_72, %cond3A_73 : i32
    scf.if %cond3A_74 {
      %dma_wait3A = arith.constant 0 : i32
      %dma_wait3A_96 = arith.constant 0 : i32
      %dma_wait3A_97 = tpu.memref_slice %arg13[%dma_wait3A, %dma_wait3A_96] : memref<10240x128xf32, #tpu.memory_space<vmem_shared>> -> memref<10240x128xf32, #tpu.memory_space<vmem_shared>>
      tpu.wait_indirect_dma semaphore(%arg18 : memref<!tpu.dma_semaphore, #tpu.memory_space<semaphore_mem>>) src(%arg12 : memref<128x128xf32, #tpu.memory_space<vmem>>) dst(%dma_wait3A_97 : memref<10240x128xf32, #tpu.memory_space<vmem_shared>>)
      %dma_wait3A_98 = arith.constant 0 : i32
      %dma_wait3A_99 = tpu.memref_slice %arg14[%dma_wait3A_98] : memref<10240xf32, #tpu.memory_space<vmem_shared>> -> memref<10240xf32, #tpu.memory_space<vmem_shared>>
      tpu.wait_indirect_dma semaphore(%arg20 : memref<!tpu.dma_semaphore, #tpu.memory_space<semaphore_mem>>) src(%arg10 : memref<128xf32, #tpu.memory_space<vmem>>) dst(%dma_wait3A_99 : memref<10240xf32, #tpu.memory_space<vmem_shared>>)
    } else {
    }
    %barrier3A_75 = arith.constant 0 : index
    tpu.barrier barrier_id(%barrier3A_75)
    %mul3A_76 = arith.constant 640 : i32
    %mul3A_77 = arith.muli %arg1, %mul3A_76 : i32
    %add3A_78 = arith.constant 0 : i32
    %add3A_79 = arith.addi %mul3A_77, %add3A_78 : i32
    "tpu.region"() ({
      %run_scoped3A = tpu.sem_alloc : memref<!tpu.dma_semaphore, #tpu.memory_space<semaphore_mem>>
      %dma_start3A = arith.constant 0 : i32
      %dma_start3A_96 = tpu.memref_slice %arg5[%arg0, %add3A_79, %dma_start3A] : memref<2x10240x128xf32, #tpu.memory_space<hbm>> -> memref<1x128x128xf32, #tpu.memory_space<hbm>>
      %dma_start3A_97 = tpu.memref_squeeze %dma_start3A_96 : memref<1x128x128xf32, #tpu.memory_space<hbm>> -> memref<128x128xf32, #tpu.memory_space<hbm>>
      %dma_start3A_98 = arith.constant 0 : i32
      %dma_start3A_99 = tpu.memref_slice %arg13[%add3A_79, %dma_start3A_98] : memref<10240x128xf32, #tpu.memory_space<vmem_shared>> -> memref<128x128xf32, #tpu.memory_space<vmem_shared>>
      tpu.enqueue_dma source(%dma_start3A_99 : memref<128x128xf32, #tpu.memory_space<vmem_shared>>) target(%dma_start3A_97 : memref<128x128xf32, #tpu.memory_space<hbm>>) target_semaphore(%run_scoped3A : memref<!tpu.dma_semaphore, #tpu.memory_space<semaphore_mem>>)
      %dma_wait3A = arith.constant 0 : i32
      %dma_wait3A_100 = tpu.memref_slice %arg5[%arg0, %add3A_79, %dma_wait3A] : memref<2x10240x128xf32, #tpu.memory_space<hbm>> -> memref<1x128x128xf32, #tpu.memory_space<hbm>>
      %dma_wait3A_101 = tpu.memref_squeeze %dma_wait3A_100 : memref<1x128x128xf32, #tpu.memory_space<hbm>> -> memref<128x128xf32, #tpu.memory_space<hbm>>
      %dma_wait3A_102 = arith.constant 0 : i32
      %dma_wait3A_103 = tpu.memref_slice %arg13[%add3A_79, %dma_wait3A_102] : memref<10240x128xf32, #tpu.memory_space<vmem_shared>> -> memref<128x128xf32, #tpu.memory_space<vmem_shared>>
      tpu.wait_dma2 semaphore(%run_scoped3A : memref<!tpu.dma_semaphore, #tpu.memory_space<semaphore_mem>>) src(%dma_wait3A_103 : memref<128x128xf32, #tpu.memory_space<vmem_shared>>) dst(%dma_wait3A_101 : memref<128x128xf32, #tpu.memory_space<hbm>>)
      tpu.yield
    }) : () -> ()
    "tpu.region"() ({
      %run_scoped3A = tpu.sem_alloc : memref<!tpu.dma_semaphore, #tpu.memory_space<semaphore_mem>>
      %dma_start3A = tpu.memref_slice %arg6[%arg0, %add3A_79] : memref<2x10240xf32, #tpu.memory_space<hbm>> -> memref<1x128xf32, #tpu.memory_space<hbm>>
      %dma_start3A_96 = tpu.memref_squeeze %dma_start3A : memref<1x128xf32, #tpu.memory_space<hbm>> -> memref<128xf32, #tpu.memory_space<hbm>>
      %dma_start3A_97 = tpu.memref_slice %arg14[%add3A_79] : memref<10240xf32, #tpu.memory_space<vmem_shared>> -> memref<128xf32, #tpu.memory_space<vmem_shared>>
      tpu.enqueue_dma source(%dma_start3A_97 : memref<128xf32, #tpu.memory_space<vmem_shared>>) target(%dma_start3A_96 : memref<128xf32, #tpu.memory_space<hbm>>) target_semaphore(%run_scoped3A : memref<!tpu.dma_semaphore, #tpu.memory_space<semaphore_mem>>)
      %dma_wait3A = tpu.memref_slice %arg6[%arg0, %add3A_79] : memref<2x10240xf32, #tpu.memory_space<hbm>> -> memref<1x128xf32, #tpu.memory_space<hbm>>
      %dma_wait3A_98 = tpu.memref_squeeze %dma_wait3A : memref<1x128xf32, #tpu.memory_space<hbm>> -> memref<128xf32, #tpu.memory_space<hbm>>
      %dma_wait3A_99 = tpu.memref_slice %arg14[%add3A_79] : memref<10240xf32, #tpu.memory_space<vmem_shared>> -> memref<128xf32, #tpu.memory_space<vmem_shared>>
      tpu.wait_dma2 semaphore(%run_scoped3A : memref<!tpu.dma_semaphore, #tpu.memory_space<semaphore_mem>>) src(%dma_wait3A_99 : memref<128xf32, #tpu.memory_space<vmem_shared>>) dst(%dma_wait3A_98 : memref<128xf32, #tpu.memory_space<hbm>>)
      tpu.yield
    }) : () -> ()
    %mul3A_80 = arith.constant 640 : i32
    %mul3A_81 = arith.muli %arg1, %mul3A_80 : i32
    %add3A_82 = arith.constant 128 : i32
    %add3A_83 = arith.addi %mul3A_81, %add3A_82 : i32
    "tpu.region"() ({
      %run_scoped3A = tpu.sem_alloc : memref<!tpu.dma_semaphore, #tpu.memory_space<semaphore_mem>>
      %dma_start3A = arith.constant 0 : i32
      %dma_start3A_96 = tpu.memref_slice %arg5[%arg0, %add3A_83, %dma_start3A] : memref<2x10240x128xf32, #tpu.memory_space<hbm>> -> memref<1x128x128xf32, #tpu.memory_space<hbm>>
      %dma_start3A_97 = tpu.memref_squeeze %dma_start3A_96 : memref<1x128x128xf32, #tpu.memory_space<hbm>> -> memref<128x128xf32, #tpu.memory_space<hbm>>
      %dma_start3A_98 = arith.constant 0 : i32
      %dma_start3A_99 = tpu.memref_slice %arg13[%add3A_83, %dma_start3A_98] : memref<10240x128xf32, #tpu.memory_space<vmem_shared>> -> memref<128x128xf32, #tpu.memory_space<vmem_shared>>
      tpu.enqueue_dma source(%dma_start3A_99 : memref<128x128xf32, #tpu.memory_space<vmem_shared>>) target(%dma_start3A_97 : memref<128x128xf32, #tpu.memory_space<hbm>>) target_semaphore(%run_scoped3A : memref<!tpu.dma_semaphore, #tpu.memory_space<semaphore_mem>>)
      %dma_wait3A = arith.constant 0 : i32
      %dma_wait3A_100 = tpu.memref_slice %arg5[%arg0, %add3A_83, %dma_wait3A] : memref<2x10240x128xf32, #tpu.memory_space<hbm>> -> memref<1x128x128xf32, #tpu.memory_space<hbm>>
      %dma_wait3A_101 = tpu.memref_squeeze %dma_wait3A_100 : memref<1x128x128xf32, #tpu.memory_space<hbm>> -> memref<128x128xf32, #tpu.memory_space<hbm>>
      %dma_wait3A_102 = arith.constant 0 : i32
      %dma_wait3A_103 = tpu.memref_slice %arg13[%add3A_83, %dma_wait3A_102] : memref<10240x128xf32, #tpu.memory_space<vmem_shared>> -> memref<128x128xf32, #tpu.memory_space<vmem_shared>>
      tpu.wait_dma2 semaphore(%run_scoped3A : memref<!tpu.dma_semaphore, #tpu.memory_space<semaphore_mem>>) src(%dma_wait3A_103 : memref<128x128xf32, #tpu.memory_space<vmem_shared>>) dst(%dma_wait3A_101 : memref<128x128xf32, #tpu.memory_space<hbm>>)
      tpu.yield
    }) : () -> ()
    "tpu.region"() ({
      %run_scoped3A = tpu.sem_alloc : memref<!tpu.dma_semaphore, #tpu.memory_space<semaphore_mem>>
      %dma_start3A = tpu.memref_slice %arg6[%arg0, %add3A_83] : memref<2x10240xf32, #tpu.memory_space<hbm>> -> memref<1x128xf32, #tpu.memory_space<hbm>>
      %dma_start3A_96 = tpu.memref_squeeze %dma_start3A : memref<1x128xf32, #tpu.memory_space<hbm>> -> memref<128xf32, #tpu.memory_space<hbm>>
      %dma_start3A_97 = tpu.memref_slice %arg14[%add3A_83] : memref<10240xf32, #tpu.memory_space<vmem_shared>> -> memref<128xf32, #tpu.memory_space<vmem_shared>>
      tpu.enqueue_dma source(%dma_start3A_97 : memref<128xf32, #tpu.memory_space<vmem_shared>>) target(%dma_start3A_96 : memref<128xf32, #tpu.memory_space<hbm>>) target_semaphore(%run_scoped3A : memref<!tpu.dma_semaphore, #tpu.memory_space<semaphore_mem>>)
      %dma_wait3A = tpu.memref_slice %arg6[%arg0, %add3A_83] : memref<2x10240xf32, #tpu.memory_space<hbm>> -> memref<1x128xf32, #tpu.memory_space<hbm>>
      %dma_wait3A_98 = tpu.memref_squeeze %dma_wait3A : memref<1x128xf32, #tpu.memory_space<hbm>> -> memref<128xf32, #tpu.memory_space<hbm>>
      %dma_wait3A_99 = tpu.memref_slice %arg14[%add3A_83] : memref<10240xf32, #tpu.memory_space<vmem_shared>> -> memref<128xf32, #tpu.memory_space<vmem_shared>>
      tpu.wait_dma2 semaphore(%run_scoped3A : memref<!tpu.dma_semaphore, #tpu.memory_space<semaphore_mem>>) src(%dma_wait3A_99 : memref<128xf32, #tpu.memory_space<vmem_shared>>) dst(%dma_wait3A_98 : memref<128xf32, #tpu.memory_space<hbm>>)
      tpu.yield
    }) : () -> ()
    %mul3A_84 = arith.constant 640 : i32
    %mul3A_85 = arith.muli %arg1, %mul3A_84 : i32
    %add3A_86 = arith.constant 256 : i32
    %add3A_87 = arith.addi %mul3A_85, %add3A_86 : i32
    "tpu.region"() ({
      %run_scoped3A = tpu.sem_alloc : memref<!tpu.dma_semaphore, #tpu.memory_space<semaphore_mem>>
      %dma_start3A = arith.constant 0 : i32
      %dma_start3A_96 = tpu.memref_slice %arg5[%arg0, %add3A_87, %dma_start3A] : memref<2x10240x128xf32, #tpu.memory_space<hbm>> -> memref<1x128x128xf32, #tpu.memory_space<hbm>>
      %dma_start3A_97 = tpu.memref_squeeze %dma_start3A_96 : memref<1x128x128xf32, #tpu.memory_space<hbm>> -> memref<128x128xf32, #tpu.memory_space<hbm>>
      %dma_start3A_98 = arith.constant 0 : i32
      %dma_start3A_99 = tpu.memref_slice %arg13[%add3A_87, %dma_start3A_98] : memref<10240x128xf32, #tpu.memory_space<vmem_shared>> -> memref<128x128xf32, #tpu.memory_space<vmem_shared>>
      tpu.enqueue_dma source(%dma_start3A_99 : memref<128x128xf32, #tpu.memory_space<vmem_shared>>) target(%dma_start3A_97 : memref<128x128xf32, #tpu.memory_space<hbm>>) target_semaphore(%run_scoped3A : memref<!tpu.dma_semaphore, #tpu.memory_space<semaphore_mem>>)
      %dma_wait3A = arith.constant 0 : i32
      %dma_wait3A_100 = tpu.memref_slice %arg5[%arg0, %add3A_87, %dma_wait3A] : memref<2x10240x128xf32, #tpu.memory_space<hbm>> -> memref<1x128x128xf32, #tpu.memory_space<hbm>>
      %dma_wait3A_101 = tpu.memref_squeeze %dma_wait3A_100 : memref<1x128x128xf32, #tpu.memory_space<hbm>> -> memref<128x128xf32, #tpu.memory_space<hbm>>
      %dma_wait3A_102 = arith.constant 0 : i32
      %dma_wait3A_103 = tpu.memref_slice %arg13[%add3A_87, %dma_wait3A_102] : memref<10240x128xf32, #tpu.memory_space<vmem_shared>> -> memref<128x128xf32, #tpu.memory_space<vmem_shared>>
      tpu.wait_dma2 semaphore(%run_scoped3A : memref<!tpu.dma_semaphore, #tpu.memory_space<semaphore_mem>>) src(%dma_wait3A_103 : memref<128x128xf32, #tpu.memory_space<vmem_shared>>) dst(%dma_wait3A_101 : memref<128x128xf32, #tpu.memory_space<hbm>>)
      tpu.yield
    }) : () -> ()
    "tpu.region"() ({
      %run_scoped3A = tpu.sem_alloc : memref<!tpu.dma_semaphore, #tpu.memory_space<semaphore_mem>>
      %dma_start3A = tpu.memref_slice %arg6[%arg0, %add3A_87] : memref<2x10240xf32, #tpu.memory_space<hbm>> -> memref<1x128xf32, #tpu.memory_space<hbm>>
      %dma_start3A_96 = tpu.memref_squeeze %dma_start3A : memref<1x128xf32, #tpu.memory_space<hbm>> -> memref<128xf32, #tpu.memory_space<hbm>>
      %dma_start3A_97 = tpu.memref_slice %arg14[%add3A_87] : memref<10240xf32, #tpu.memory_space<vmem_shared>> -> memref<128xf32, #tpu.memory_space<vmem_shared>>
      tpu.enqueue_dma source(%dma_start3A_97 : memref<128xf32, #tpu.memory_space<vmem_shared>>) target(%dma_start3A_96 : memref<128xf32, #tpu.memory_space<hbm>>) target_semaphore(%run_scoped3A : memref<!tpu.dma_semaphore, #tpu.memory_space<semaphore_mem>>)
      %dma_wait3A = tpu.memref_slice %arg6[%arg0, %add3A_87] : memref<2x10240xf32, #tpu.memory_space<hbm>> -> memref<1x128xf32, #tpu.memory_space<hbm>>
      %dma_wait3A_98 = tpu.memref_squeeze %dma_wait3A : memref<1x128xf32, #tpu.memory_space<hbm>> -> memref<128xf32, #tpu.memory_space<hbm>>
      %dma_wait3A_99 = tpu.memref_slice %arg14[%add3A_87] : memref<10240xf32, #tpu.memory_space<vmem_shared>> -> memref<128xf32, #tpu.memory_space<vmem_shared>>
      tpu.wait_dma2 semaphore(%run_scoped3A : memref<!tpu.dma_semaphore, #tpu.memory_space<semaphore_mem>>) src(%dma_wait3A_99 : memref<128xf32, #tpu.memory_space<vmem_shared>>) dst(%dma_wait3A_98 : memref<128xf32, #tpu.memory_space<hbm>>)
      tpu.yield
    }) : () -> ()
    %mul3A_88 = arith.constant 640 : i32
    %mul3A_89 = arith.muli %arg1, %mul3A_88 : i32
    %add3A_90 = arith.constant 384 : i32
    %add3A_91 = arith.addi %mul3A_89, %add3A_90 : i32
    "tpu.region"() ({
      %run_scoped3A = tpu.sem_alloc : memref<!tpu.dma_semaphore, #tpu.memory_space<semaphore_mem>>
      %dma_start3A = arith.constant 0 : i32
      %dma_start3A_96 = tpu.memref_slice %arg5[%arg0, %add3A_91, %dma_start3A] : memref<2x10240x128xf32, #tpu.memory_space<hbm>> -> memref<1x128x128xf32, #tpu.memory_space<hbm>>
      %dma_start3A_97 = tpu.memref_squeeze %dma_start3A_96 : memref<1x128x128xf32, #tpu.memory_space<hbm>> -> memref<128x128xf32, #tpu.memory_space<hbm>>
      %dma_start3A_98 = arith.constant 0 : i32
      %dma_start3A_99 = tpu.memref_slice %arg13[%add3A_91, %dma_start3A_98] : memref<10240x128xf32, #tpu.memory_space<vmem_shared>> -> memref<128x128xf32, #tpu.memory_space<vmem_shared>>
      tpu.enqueue_dma source(%dma_start3A_99 : memref<128x128xf32, #tpu.memory_space<vmem_shared>>) target(%dma_start3A_97 : memref<128x128xf32, #tpu.memory_space<hbm>>) target_semaphore(%run_scoped3A : memref<!tpu.dma_semaphore, #tpu.memory_space<semaphore_mem>>)
      %dma_wait3A = arith.constant 0 : i32
      %dma_wait3A_100 = tpu.memref_slice %arg5[%arg0, %add3A_91, %dma_wait3A] : memref<2x10240x128xf32, #tpu.memory_space<hbm>> -> memref<1x128x128xf32, #tpu.memory_space<hbm>>
      %dma_wait3A_101 = tpu.memref_squeeze %dma_wait3A_100 : memref<1x128x128xf32, #tpu.memory_space<hbm>> -> memref<128x128xf32, #tpu.memory_space<hbm>>
      %dma_wait3A_102 = arith.constant 0 : i32
      %dma_wait3A_103 = tpu.memref_slice %arg13[%add3A_91, %dma_wait3A_102] : memref<10240x128xf32, #tpu.memory_space<vmem_shared>> -> memref<128x128xf32, #tpu.memory_space<vmem_shared>>
      tpu.wait_dma2 semaphore(%run_scoped3A : memref<!tpu.dma_semaphore, #tpu.memory_space<semaphore_mem>>) src(%dma_wait3A_103 : memref<128x128xf32, #tpu.memory_space<vmem_shared>>) dst(%dma_wait3A_101 : memref<128x128xf32, #tpu.memory_space<hbm>>)
      tpu.yield
    }) : () -> ()
    "tpu.region"() ({
      %run_scoped3A = tpu.sem_alloc : memref<!tpu.dma_semaphore, #tpu.memory_space<semaphore_mem>>
      %dma_start3A = tpu.memref_slice %arg6[%arg0, %add3A_91] : memref<2x10240xf32, #tpu.memory_space<hbm>> -> memref<1x128xf32, #tpu.memory_space<hbm>>
      %dma_start3A_96 = tpu.memref_squeeze %dma_start3A : memref<1x128xf32, #tpu.memory_space<hbm>> -> memref<128xf32, #tpu.memory_space<hbm>>
      %dma_start3A_97 = tpu.memref_slice %arg14[%add3A_91] : memref<10240xf32, #tpu.memory_space<vmem_shared>> -> memref<128xf32, #tpu.memory_space<vmem_shared>>
      tpu.enqueue_dma source(%dma_start3A_97 : memref<128xf32, #tpu.memory_space<vmem_shared>>) target(%dma_start3A_96 : memref<128xf32, #tpu.memory_space<hbm>>) target_semaphore(%run_scoped3A : memref<!tpu.dma_semaphore, #tpu.memory_space<semaphore_mem>>)
      %dma_wait3A = tpu.memref_slice %arg6[%arg0, %add3A_91] : memref<2x10240xf32, #tpu.memory_space<hbm>> -> memref<1x128xf32, #tpu.memory_space<hbm>>
      %dma_wait3A_98 = tpu.memref_squeeze %dma_wait3A : memref<1x128xf32, #tpu.memory_space<hbm>> -> memref<128xf32, #tpu.memory_space<hbm>>
      %dma_wait3A_99 = tpu.memref_slice %arg14[%add3A_91] : memref<10240xf32, #tpu.memory_space<vmem_shared>> -> memref<128xf32, #tpu.memory_space<vmem_shared>>
      tpu.wait_dma2 semaphore(%run_scoped3A : memref<!tpu.dma_semaphore, #tpu.memory_space<semaphore_mem>>) src(%dma_wait3A_99 : memref<128xf32, #tpu.memory_space<vmem_shared>>) dst(%dma_wait3A_98 : memref<128xf32, #tpu.memory_space<hbm>>)
      tpu.yield
    }) : () -> ()
    %mul3A_92 = arith.constant 640 : i32
    %mul3A_93 = arith.muli %arg1, %mul3A_92 : i32
    %add3A_94 = arith.constant 512 : i32
    %add3A_95 = arith.addi %mul3A_93, %add3A_94 : i32
    "tpu.region"() ({
      %run_scoped3A = tpu.sem_alloc : memref<!tpu.dma_semaphore, #tpu.memory_space<semaphore_mem>>
      %dma_start3A = arith.constant 0 : i32
      %dma_start3A_96 = tpu.memref_slice %arg5[%arg0, %add3A_95, %dma_start3A] : memref<2x10240x128xf32, #tpu.memory_space<hbm>> -> memref<1x128x128xf32, #tpu.memory_space<hbm>>
      %dma_start3A_97 = tpu.memref_squeeze %dma_start3A_96 : memref<1x128x128xf32, #tpu.memory_space<hbm>> -> memref<128x128xf32, #tpu.memory_space<hbm>>
      %dma_start3A_98 = arith.constant 0 : i32
      %dma_start3A_99 = tpu.memref_slice %arg13[%add3A_95, %dma_start3A_98] : memref<10240x128xf32, #tpu.memory_space<vmem_shared>> -> memref<128x128xf32, #tpu.memory_space<vmem_shared>>
      tpu.enqueue_dma source(%dma_start3A_99 : memref<128x128xf32, #tpu.memory_space<vmem_shared>>) target(%dma_start3A_97 : memref<128x128xf32, #tpu.memory_space<hbm>>) target_semaphore(%run_scoped3A : memref<!tpu.dma_semaphore, #tpu.memory_space<semaphore_mem>>)
      %dma_wait3A = arith.constant 0 : i32
      %dma_wait3A_100 = tpu.memref_slice %arg5[%arg0, %add3A_95, %dma_wait3A] : memref<2x10240x128xf32, #tpu.memory_space<hbm>> -> memref<1x128x128xf32, #tpu.memory_space<hbm>>
      %dma_wait3A_101 = tpu.memref_squeeze %dma_wait3A_100 : memref<1x128x128xf32, #tpu.memory_space<hbm>> -> memref<128x128xf32, #tpu.memory_space<hbm>>
      %dma_wait3A_102 = arith.constant 0 : i32
      %dma_wait3A_103 = tpu.memref_slice %arg13[%add3A_95, %dma_wait3A_102] : memref<10240x128xf32, #tpu.memory_space<vmem_shared>> -> memref<128x128xf32, #tpu.memory_space<vmem_shared>>
      tpu.wait_dma2 semaphore(%run_scoped3A : memref<!tpu.dma_semaphore, #tpu.memory_space<semaphore_mem>>) src(%dma_wait3A_103 : memref<128x128xf32, #tpu.memory_space<vmem_shared>>) dst(%dma_wait3A_101 : memref<128x128xf32, #tpu.memory_space<hbm>>)
      tpu.yield
    }) : () -> ()
    "tpu.region"() ({
      %run_scoped3A = tpu.sem_alloc : memref<!tpu.dma_semaphore, #tpu.memory_space<semaphore_mem>>
      %dma_start3A = tpu.memref_slice %arg6[%arg0, %add3A_95] : memref<2x10240xf32, #tpu.memory_space<hbm>> -> memref<1x128xf32, #tpu.memory_space<hbm>>
      %dma_start3A_96 = tpu.memref_squeeze %dma_start3A : memref<1x128xf32, #tpu.memory_space<hbm>> -> memref<128xf32, #tpu.memory_space<hbm>>
      %dma_start3A_97 = tpu.memref_slice %arg14[%add3A_95] : memref<10240xf32, #tpu.memory_space<vmem_shared>> -> memref<128xf32, #tpu.memory_space<vmem_shared>>
      tpu.enqueue_dma source(%dma_start3A_97 : memref<128xf32, #tpu.memory_space<vmem_shared>>) target(%dma_start3A_96 : memref<128xf32, #tpu.memory_space<hbm>>) target_semaphore(%run_scoped3A : memref<!tpu.dma_semaphore, #tpu.memory_space<semaphore_mem>>)
      %dma_wait3A = tpu.memref_slice %arg6[%arg0, %add3A_95] : memref<2x10240xf32, #tpu.memory_space<hbm>> -> memref<1x128xf32, #tpu.memory_space<hbm>>
      %dma_wait3A_98 = tpu.memref_squeeze %dma_wait3A : memref<1x128xf32, #tpu.memory_space<hbm>> -> memref<128xf32, #tpu.memory_space<hbm>>
      %dma_wait3A_99 = tpu.memref_slice %arg14[%add3A_95] : memref<10240xf32, #tpu.memory_space<vmem_shared>> -> memref<128xf32, #tpu.memory_space<vmem_shared>>
      tpu.wait_dma2 semaphore(%run_scoped3A : memref<!tpu.dma_semaphore, #tpu.memory_space<semaphore_mem>>) src(%dma_wait3A_99 : memref<128xf32, #tpu.memory_space<vmem_shared>>) dst(%dma_wait3A_98 : memref<128xf32, #tpu.memory_space<hbm>>)
      tpu.yield
    }) : () -> ()
    return
  }
}

#map = affine_map<(d0, d1) -> (0, 0)>
#map1 = affine_map<(d0, d1) -> (0)>
module attributes {stable_mosaic.version = 14 : i64} {
  func.func @_gather(%arg0: i32, %arg1: i32, %arg2: memref<10000x128xf32, #tpu.memory_space<hbm>>, %arg3: memref<78080xi32, #tpu.memory_space<hbm>>, %arg4: memref<78080xi32, #tpu.memory_space<hbm>>, %arg5: memref<78080x128xf32, #tpu.memory_space<hbm>>, %arg6: memref<78080x128xf32, #tpu.memory_space<hbm>>, %arg7: memref<128xi32, #tpu.memory_space<vmem>>, %arg8: memref<128xi32, #tpu.memory_space<vmem>>, %arg9: memref<128x128xf32, #tpu.memory_space<vmem>>, %arg10: memref<128x128xf32, #tpu.memory_space<vmem>>, %arg11: memref<!tpu.dma_semaphore, #tpu.memory_space<semaphore_mem>>, %arg12: memref<!tpu.dma_semaphore, #tpu.memory_space<semaphore_mem>>, %arg13: memref<!tpu.dma_semaphore, #tpu.memory_space<semaphore_mem>>, %arg14: memref<!tpu.dma_semaphore, #tpu.memory_space<semaphore_mem>>) attributes {dimension_semantics = [#tpu.dimension_semantics<core_parallel>, #tpu.dimension_semantics<subcore_parallel>], iteration_bounds = array<i64: 2, 16>, scalar_prefetch = 0 : i64, scratch_operands = 8 : i64, tpu.core_type = #tpu.core_type<sc_vector_subcore>, window_params = [{transform_indices = #map}, {transform_indices = #map1}, {transform_indices = #map1}, {transform_indices = #map}, {transform_indices = #map}]} {
    %mul3A = arith.constant 16 : i32
    %mul3A_0 = arith.muli %arg0, %mul3A : i32
    %add3A = arith.addi %mul3A_0, %arg1 : i32
    %lt3A = arith.constant 1220 : i32
    %lt3A_1 = arith.cmpi slt, %add3A, %lt3A : i32
    %convert_element_type3A = arith.extui %lt3A_1 : i1 to i32
    %cond3A = arith.constant 0 : i32
    %cond3A_2 = arith.cmpi ne, %convert_element_type3A, %cond3A : i32
    scf.if %cond3A_2 {
      %lt3A_29 = arith.constant 610 : i32
      %lt3A_30 = arith.cmpi slt, %add3A, %lt3A_29 : i32
      %convert_element_type3A_31 = arith.extui %lt3A_30 : i1 to i32
      %cond3A_32 = arith.constant 0 : i32
      %cond3A_33 = arith.cmpi ne, %convert_element_type3A_31, %cond3A_32 : i32
      scf.if %cond3A_33 {
        %mul3A_40 = arith.constant 128 : i32
        %mul3A_41 = arith.muli %add3A, %mul3A_40 : i32
        "tpu.region"() ({
          %run_scoped3A = tpu.sem_alloc : memref<!tpu.dma_semaphore, #tpu.memory_space<semaphore_mem>>
          %dma_start3A_42 = tpu.memref_slice %arg3[%mul3A_41] : memref<78080xi32, #tpu.memory_space<hbm>> -> memref<128xi32, #tpu.memory_space<hbm>>
          %dma_start3A_43 = tpu.memref_slice %arg3[%mul3A_41] : memref<78080xi32, #tpu.memory_space<hbm>> -> memref<128xi32, #tpu.memory_space<hbm>>
          tpu.enqueue_dma source(%dma_start3A_43 : memref<128xi32, #tpu.memory_space<hbm>>) target(%arg7 : memref<128xi32, #tpu.memory_space<vmem>>) target_semaphore(%run_scoped3A : memref<!tpu.dma_semaphore, #tpu.memory_space<semaphore_mem>>)
          %dma_wait3A = tpu.memref_slice %arg3[%mul3A_41] : memref<78080xi32, #tpu.memory_space<hbm>> -> memref<128xi32, #tpu.memory_space<hbm>>
          %dma_wait3A_44 = tpu.memref_slice %arg3[%mul3A_41] : memref<78080xi32, #tpu.memory_space<hbm>> -> memref<128xi32, #tpu.memory_space<hbm>>
          tpu.wait_dma2 semaphore(%run_scoped3A : memref<!tpu.dma_semaphore, #tpu.memory_space<semaphore_mem>>) src(%dma_wait3A_44 : memref<128xi32, #tpu.memory_space<hbm>>) dst(%arg7 : memref<128xi32, #tpu.memory_space<vmem>>)
          tpu.yield
        }) : () -> ()
      } else {
      }
      %ge3A = arith.constant 610 : i32
      %ge3A_34 = arith.cmpi sge, %add3A, %ge3A : i32
      %convert_element_type3A_35 = arith.extui %ge3A_34 : i1 to i32
      %cond3A_36 = arith.constant 0 : i32
      %cond3A_37 = arith.cmpi ne, %convert_element_type3A_35, %cond3A_36 : i32
      scf.if %cond3A_37 {
        %sub3A = arith.constant 610 : i32
        %sub3A_40 = arith.subi %add3A, %sub3A : i32
        %mul3A_41 = arith.constant 128 : i32
        %mul3A_42 = arith.muli %sub3A_40, %mul3A_41 : i32
        "tpu.region"() ({
          %run_scoped3A = tpu.sem_alloc : memref<!tpu.dma_semaphore, #tpu.memory_space<semaphore_mem>>
          %dma_start3A_43 = tpu.memref_slice %arg4[%mul3A_42] : memref<78080xi32, #tpu.memory_space<hbm>> -> memref<128xi32, #tpu.memory_space<hbm>>
          %dma_start3A_44 = tpu.memref_slice %arg4[%mul3A_42] : memref<78080xi32, #tpu.memory_space<hbm>> -> memref<128xi32, #tpu.memory_space<hbm>>
          tpu.enqueue_dma source(%dma_start3A_44 : memref<128xi32, #tpu.memory_space<hbm>>) target(%arg7 : memref<128xi32, #tpu.memory_space<vmem>>) target_semaphore(%run_scoped3A : memref<!tpu.dma_semaphore, #tpu.memory_space<semaphore_mem>>)
          %dma_wait3A = tpu.memref_slice %arg4[%mul3A_42] : memref<78080xi32, #tpu.memory_space<hbm>> -> memref<128xi32, #tpu.memory_space<hbm>>
          %dma_wait3A_45 = tpu.memref_slice %arg4[%mul3A_42] : memref<78080xi32, #tpu.memory_space<hbm>> -> memref<128xi32, #tpu.memory_space<hbm>>
          tpu.wait_dma2 semaphore(%run_scoped3A : memref<!tpu.dma_semaphore, #tpu.memory_space<semaphore_mem>>) src(%dma_wait3A_45 : memref<128xi32, #tpu.memory_space<hbm>>) dst(%arg7 : memref<128xi32, #tpu.memory_space<vmem>>)
          tpu.yield
        }) : () -> ()
      } else {
      }
      %dma_start3A = arith.constant 0 : i32
      %dma_start3A_38 = arith.constant 0 : i32
      %dma_start3A_39 = tpu.memref_slice %arg2[%dma_start3A, %dma_start3A_38] : memref<10000x128xf32, #tpu.memory_space<hbm>> -> memref<10000x128xf32, #tpu.memory_space<hbm>>
      tpu.enqueue_indirect_dma source(%dma_start3A_39 : memref<10000x128xf32, #tpu.memory_space<hbm>>) target(%arg9 : memref<128x128xf32, #tpu.memory_space<vmem>>) offsets(%arg7 : memref<128xi32, #tpu.memory_space<vmem>>) semaphore(%arg11 : memref<!tpu.dma_semaphore, #tpu.memory_space<semaphore_mem>>)
    } else {
    }
    %add3A_3 = arith.constant 32 : i32
    %add3A_4 = arith.addi %add3A, %add3A_3 : i32
    %lt3A_5 = arith.constant 1220 : i32
    %lt3A_6 = arith.cmpi slt, %add3A_4, %lt3A_5 : i32
    %convert_element_type3A_7 = arith.extui %lt3A_6 : i1 to i32
    %cond3A_8 = arith.constant 0 : i32
    %cond3A_9 = arith.cmpi ne, %convert_element_type3A_7, %cond3A_8 : i32
    scf.if %cond3A_9 {
      %lt3A_29 = arith.constant 610 : i32
      %lt3A_30 = arith.cmpi slt, %add3A_4, %lt3A_29 : i32
      %convert_element_type3A_31 = arith.extui %lt3A_30 : i1 to i32
      %cond3A_32 = arith.constant 0 : i32
      %cond3A_33 = arith.cmpi ne, %convert_element_type3A_31, %cond3A_32 : i32
      scf.if %cond3A_33 {
        %mul3A_40 = arith.constant 128 : i32
        %mul3A_41 = arith.muli %add3A_4, %mul3A_40 : i32
        "tpu.region"() ({
          %run_scoped3A = tpu.sem_alloc : memref<!tpu.dma_semaphore, #tpu.memory_space<semaphore_mem>>
          %dma_start3A_42 = tpu.memref_slice %arg3[%mul3A_41] : memref<78080xi32, #tpu.memory_space<hbm>> -> memref<128xi32, #tpu.memory_space<hbm>>
          %dma_start3A_43 = tpu.memref_slice %arg3[%mul3A_41] : memref<78080xi32, #tpu.memory_space<hbm>> -> memref<128xi32, #tpu.memory_space<hbm>>
          tpu.enqueue_dma source(%dma_start3A_43 : memref<128xi32, #tpu.memory_space<hbm>>) target(%arg8 : memref<128xi32, #tpu.memory_space<vmem>>) target_semaphore(%run_scoped3A : memref<!tpu.dma_semaphore, #tpu.memory_space<semaphore_mem>>)
          %dma_wait3A = tpu.memref_slice %arg3[%mul3A_41] : memref<78080xi32, #tpu.memory_space<hbm>> -> memref<128xi32, #tpu.memory_space<hbm>>
          %dma_wait3A_44 = tpu.memref_slice %arg3[%mul3A_41] : memref<78080xi32, #tpu.memory_space<hbm>> -> memref<128xi32, #tpu.memory_space<hbm>>
          tpu.wait_dma2 semaphore(%run_scoped3A : memref<!tpu.dma_semaphore, #tpu.memory_space<semaphore_mem>>) src(%dma_wait3A_44 : memref<128xi32, #tpu.memory_space<hbm>>) dst(%arg8 : memref<128xi32, #tpu.memory_space<vmem>>)
          tpu.yield
        }) : () -> ()
      } else {
      }
      %ge3A = arith.constant 610 : i32
      %ge3A_34 = arith.cmpi sge, %add3A_4, %ge3A : i32
      %convert_element_type3A_35 = arith.extui %ge3A_34 : i1 to i32
      %cond3A_36 = arith.constant 0 : i32
      %cond3A_37 = arith.cmpi ne, %convert_element_type3A_35, %cond3A_36 : i32
      scf.if %cond3A_37 {
        %sub3A = arith.constant 610 : i32
        %sub3A_40 = arith.subi %add3A_4, %sub3A : i32
        %mul3A_41 = arith.constant 128 : i32
        %mul3A_42 = arith.muli %sub3A_40, %mul3A_41 : i32
        "tpu.region"() ({
          %run_scoped3A = tpu.sem_alloc : memref<!tpu.dma_semaphore, #tpu.memory_space<semaphore_mem>>
          %dma_start3A_43 = tpu.memref_slice %arg4[%mul3A_42] : memref<78080xi32, #tpu.memory_space<hbm>> -> memref<128xi32, #tpu.memory_space<hbm>>
          %dma_start3A_44 = tpu.memref_slice %arg4[%mul3A_42] : memref<78080xi32, #tpu.memory_space<hbm>> -> memref<128xi32, #tpu.memory_space<hbm>>
          tpu.enqueue_dma source(%dma_start3A_44 : memref<128xi32, #tpu.memory_space<hbm>>) target(%arg8 : memref<128xi32, #tpu.memory_space<vmem>>) target_semaphore(%run_scoped3A : memref<!tpu.dma_semaphore, #tpu.memory_space<semaphore_mem>>)
          %dma_wait3A = tpu.memref_slice %arg4[%mul3A_42] : memref<78080xi32, #tpu.memory_space<hbm>> -> memref<128xi32, #tpu.memory_space<hbm>>
          %dma_wait3A_45 = tpu.memref_slice %arg4[%mul3A_42] : memref<78080xi32, #tpu.memory_space<hbm>> -> memref<128xi32, #tpu.memory_space<hbm>>
          tpu.wait_dma2 semaphore(%run_scoped3A : memref<!tpu.dma_semaphore, #tpu.memory_space<semaphore_mem>>) src(%dma_wait3A_45 : memref<128xi32, #tpu.memory_space<hbm>>) dst(%arg8 : memref<128xi32, #tpu.memory_space<vmem>>)
          tpu.yield
        }) : () -> ()
      } else {
      }
      %dma_start3A = arith.constant 0 : i32
      %dma_start3A_38 = arith.constant 0 : i32
      %dma_start3A_39 = tpu.memref_slice %arg2[%dma_start3A, %dma_start3A_38] : memref<10000x128xf32, #tpu.memory_space<hbm>> -> memref<10000x128xf32, #tpu.memory_space<hbm>>
      tpu.enqueue_indirect_dma source(%dma_start3A_39 : memref<10000x128xf32, #tpu.memory_space<hbm>>) target(%arg10 : memref<128x128xf32, #tpu.memory_space<vmem>>) offsets(%arg8 : memref<128xi32, #tpu.memory_space<vmem>>) semaphore(%arg12 : memref<!tpu.dma_semaphore, #tpu.memory_space<semaphore_mem>>)
    } else {
    }
    %scan3A = arith.constant 0 : i32
    %scan3A_10 = arith.constant 0 : i32
    %scan3A_11 = arith.constant 20 : i32
    %scan3A_12 = arith.addi %scan3A_10, %scan3A_11 : i32
    %scan3A_13 = arith.constant 1 : i32
    scf.for %scan3A_29 = %scan3A_10 to %scan3A_12 step %scan3A_13  : i32 {
      %mul3A_30 = arith.constant 2 : i32
      %mul3A_31 = arith.muli %mul3A_30, %scan3A_29 : i32
      %add3A_32 = arith.constant 0 : i32
      %add3A_33 = arith.addi %mul3A_31, %add3A_32 : i32
      %mul3A_34 = arith.constant 32 : i32
      %mul3A_35 = arith.muli %add3A_33, %mul3A_34 : i32
      %add3A_36 = arith.addi %add3A, %mul3A_35 : i32
      %lt3A_37 = arith.constant 1220 : i32
      %lt3A_38 = arith.cmpi slt, %add3A_36, %lt3A_37 : i32
      %convert_element_type3A_39 = arith.extui %lt3A_38 : i1 to i32
      %cond3A_40 = arith.constant 0 : i32
      %cond3A_41 = arith.cmpi ne, %convert_element_type3A_39, %cond3A_40 : i32
      scf.if %cond3A_41 {
        %dma_wait3A = arith.constant 0 : i32
        %dma_wait3A_82 = arith.constant 0 : i32
        %dma_wait3A_83 = tpu.memref_slice %arg2[%dma_wait3A, %dma_wait3A_82] : memref<10000x128xf32, #tpu.memory_space<hbm>> -> memref<10000x128xf32, #tpu.memory_space<hbm>>
        tpu.wait_indirect_dma semaphore(%arg11 : memref<!tpu.dma_semaphore, #tpu.memory_space<semaphore_mem>>) src(%dma_wait3A_83 : memref<10000x128xf32, #tpu.memory_space<hbm>>) dst(%arg9 : memref<128x128xf32, #tpu.memory_space<vmem>>)
        %lt3A_84 = arith.constant 610 : i32
        %lt3A_85 = arith.cmpi slt, %add3A_36, %lt3A_84 : i32
        %convert_element_type3A_86 = arith.extui %lt3A_85 : i1 to i32
        %cond3A_87 = arith.constant 0 : i32
        %cond3A_88 = arith.cmpi ne, %convert_element_type3A_86, %cond3A_87 : i32
        scf.if %cond3A_88 {
          %mul3A_95 = arith.constant 128 : i32
          %mul3A_96 = arith.muli %add3A_36, %mul3A_95 : i32
          %dma_start3A = arith.constant 0 : i32
          %dma_start3A_97 = tpu.memref_slice %arg5[%mul3A_96, %dma_start3A] : memref<78080x128xf32, #tpu.memory_space<hbm>> -> memref<128x128xf32, #tpu.memory_space<hbm>>
          %dma_start3A_98 = arith.constant 0 : i32
          %dma_start3A_99 = tpu.memref_slice %arg5[%mul3A_96, %dma_start3A_98] : memref<78080x128xf32, #tpu.memory_space<hbm>> -> memref<128x128xf32, #tpu.memory_space<hbm>>
          tpu.enqueue_dma source(%arg9 : memref<128x128xf32, #tpu.memory_space<vmem>>) target(%dma_start3A_99 : memref<128x128xf32, #tpu.memory_space<hbm>>) target_semaphore(%arg13 : memref<!tpu.dma_semaphore, #tpu.memory_space<semaphore_mem>>)
        } else {
        }
        %ge3A = arith.constant 610 : i32
        %ge3A_89 = arith.cmpi sge, %add3A_36, %ge3A : i32
        %lt3A_90 = arith.constant 1220 : i32
        %lt3A_91 = arith.cmpi slt, %add3A_36, %lt3A_90 : i32
        %and3A = arith.andi %ge3A_89, %lt3A_91 : i1
        %convert_element_type3A_92 = arith.extui %and3A : i1 to i32
        %cond3A_93 = arith.constant 0 : i32
        %cond3A_94 = arith.cmpi ne, %convert_element_type3A_92, %cond3A_93 : i32
        scf.if %cond3A_94 {
          %sub3A = arith.constant 610 : i32
          %sub3A_95 = arith.subi %add3A_36, %sub3A : i32
          %mul3A_96 = arith.constant 128 : i32
          %mul3A_97 = arith.muli %sub3A_95, %mul3A_96 : i32
          %dma_start3A = arith.constant 0 : i32
          %dma_start3A_98 = tpu.memref_slice %arg6[%mul3A_97, %dma_start3A] : memref<78080x128xf32, #tpu.memory_space<hbm>> -> memref<128x128xf32, #tpu.memory_space<hbm>>
          %dma_start3A_99 = arith.constant 0 : i32
          %dma_start3A_100 = tpu.memref_slice %arg6[%mul3A_97, %dma_start3A_99] : memref<78080x128xf32, #tpu.memory_space<hbm>> -> memref<128x128xf32, #tpu.memory_space<hbm>>
          tpu.enqueue_dma source(%arg9 : memref<128x128xf32, #tpu.memory_space<vmem>>) target(%dma_start3A_100 : memref<128x128xf32, #tpu.memory_space<hbm>>) target_semaphore(%arg13 : memref<!tpu.dma_semaphore, #tpu.memory_space<semaphore_mem>>)
        } else {
        }
      } else {
      }
      %mul3A_42 = arith.constant 2 : i32
      %mul3A_43 = arith.muli %mul3A_42, %scan3A_29 : i32
      %add3A_44 = arith.constant 1 : i32
      %add3A_45 = arith.addi %mul3A_43, %add3A_44 : i32
      %mul3A_46 = arith.constant 32 : i32
      %mul3A_47 = arith.muli %add3A_45, %mul3A_46 : i32
      %add3A_48 = arith.addi %add3A, %mul3A_47 : i32
      %lt3A_49 = arith.constant 1220 : i32
      %lt3A_50 = arith.cmpi slt, %add3A_48, %lt3A_49 : i32
      %convert_element_type3A_51 = arith.extui %lt3A_50 : i1 to i32
      %cond3A_52 = arith.constant 0 : i32
      %cond3A_53 = arith.cmpi ne, %convert_element_type3A_51, %cond3A_52 : i32
      scf.if %cond3A_53 {
        %dma_wait3A = arith.constant 0 : i32
        %dma_wait3A_82 = arith.constant 0 : i32
        %dma_wait3A_83 = tpu.memref_slice %arg2[%dma_wait3A, %dma_wait3A_82] : memref<10000x128xf32, #tpu.memory_space<hbm>> -> memref<10000x128xf32, #tpu.memory_space<hbm>>
        tpu.wait_indirect_dma semaphore(%arg12 : memref<!tpu.dma_semaphore, #tpu.memory_space<semaphore_mem>>) src(%dma_wait3A_83 : memref<10000x128xf32, #tpu.memory_space<hbm>>) dst(%arg10 : memref<128x128xf32, #tpu.memory_space<vmem>>)
        %lt3A_84 = arith.constant 610 : i32
        %lt3A_85 = arith.cmpi slt, %add3A_48, %lt3A_84 : i32
        %convert_element_type3A_86 = arith.extui %lt3A_85 : i1 to i32
        %cond3A_87 = arith.constant 0 : i32
        %cond3A_88 = arith.cmpi ne, %convert_element_type3A_86, %cond3A_87 : i32
        scf.if %cond3A_88 {
          %mul3A_95 = arith.constant 128 : i32
          %mul3A_96 = arith.muli %add3A_48, %mul3A_95 : i32
          %dma_start3A = arith.constant 0 : i32
          %dma_start3A_97 = tpu.memref_slice %arg5[%mul3A_96, %dma_start3A] : memref<78080x128xf32, #tpu.memory_space<hbm>> -> memref<128x128xf32, #tpu.memory_space<hbm>>
          %dma_start3A_98 = arith.constant 0 : i32
          %dma_start3A_99 = tpu.memref_slice %arg5[%mul3A_96, %dma_start3A_98] : memref<78080x128xf32, #tpu.memory_space<hbm>> -> memref<128x128xf32, #tpu.memory_space<hbm>>
          tpu.enqueue_dma source(%arg10 : memref<128x128xf32, #tpu.memory_space<vmem>>) target(%dma_start3A_99 : memref<128x128xf32, #tpu.memory_space<hbm>>) target_semaphore(%arg14 : memref<!tpu.dma_semaphore, #tpu.memory_space<semaphore_mem>>)
        } else {
        }
        %ge3A = arith.constant 610 : i32
        %ge3A_89 = arith.cmpi sge, %add3A_48, %ge3A : i32
        %lt3A_90 = arith.constant 1220 : i32
        %lt3A_91 = arith.cmpi slt, %add3A_48, %lt3A_90 : i32
        %and3A = arith.andi %ge3A_89, %lt3A_91 : i1
        %convert_element_type3A_92 = arith.extui %and3A : i1 to i32
        %cond3A_93 = arith.constant 0 : i32
        %cond3A_94 = arith.cmpi ne, %convert_element_type3A_92, %cond3A_93 : i32
        scf.if %cond3A_94 {
          %sub3A = arith.constant 610 : i32
          %sub3A_95 = arith.subi %add3A_48, %sub3A : i32
          %mul3A_96 = arith.constant 128 : i32
          %mul3A_97 = arith.muli %sub3A_95, %mul3A_96 : i32
          %dma_start3A = arith.constant 0 : i32
          %dma_start3A_98 = tpu.memref_slice %arg6[%mul3A_97, %dma_start3A] : memref<78080x128xf32, #tpu.memory_space<hbm>> -> memref<128x128xf32, #tpu.memory_space<hbm>>
          %dma_start3A_99 = arith.constant 0 : i32
          %dma_start3A_100 = tpu.memref_slice %arg6[%mul3A_97, %dma_start3A_99] : memref<78080x128xf32, #tpu.memory_space<hbm>> -> memref<128x128xf32, #tpu.memory_space<hbm>>
          tpu.enqueue_dma source(%arg10 : memref<128x128xf32, #tpu.memory_space<vmem>>) target(%dma_start3A_100 : memref<128x128xf32, #tpu.memory_space<hbm>>) target_semaphore(%arg14 : memref<!tpu.dma_semaphore, #tpu.memory_space<semaphore_mem>>)
        } else {
        }
      } else {
      }
      %mul3A_54 = arith.constant 2 : i32
      %mul3A_55 = arith.muli %mul3A_54, %scan3A_29 : i32
      %add3A_56 = arith.constant 0 : i32
      %add3A_57 = arith.addi %mul3A_55, %add3A_56 : i32
      %add3A_58 = arith.constant 2 : i32
      %add3A_59 = arith.addi %add3A_57, %add3A_58 : i32
      %mul3A_60 = arith.constant 32 : i32
      %mul3A_61 = arith.muli %add3A_59, %mul3A_60 : i32
      %add3A_62 = arith.addi %add3A, %mul3A_61 : i32
      %lt3A_63 = arith.constant 1220 : i32
      %lt3A_64 = arith.cmpi slt, %add3A_62, %lt3A_63 : i32
      %convert_element_type3A_65 = arith.extui %lt3A_64 : i1 to i32
      %cond3A_66 = arith.constant 0 : i32
      %cond3A_67 = arith.cmpi ne, %convert_element_type3A_65, %cond3A_66 : i32
      scf.if %cond3A_67 {
        %dma_wait3A = arith.constant 0 : i32
        %dma_wait3A_82 = arith.constant 0 : i32
        %dma_wait3A_83 = tpu.memref_slice %arg5[%dma_wait3A, %dma_wait3A_82] : memref<78080x128xf32, #tpu.memory_space<hbm>> -> memref<128x128xf32, #tpu.memory_space<hbm>>
        %dma_wait3A_84 = arith.constant 0 : i32
        %dma_wait3A_85 = arith.constant 0 : i32
        %dma_wait3A_86 = tpu.memref_slice %arg5[%dma_wait3A_84, %dma_wait3A_85] : memref<78080x128xf32, #tpu.memory_space<hbm>> -> memref<128x128xf32, #tpu.memory_space<hbm>>
        tpu.wait_dma2 semaphore(%arg13 : memref<!tpu.dma_semaphore, #tpu.memory_space<semaphore_mem>>) src(%arg9 : memref<128x128xf32, #tpu.memory_space<vmem>>) dst(%dma_wait3A_86 : memref<128x128xf32, #tpu.memory_space<hbm>>)
        %lt3A_87 = arith.constant 1220 : i32
        %lt3A_88 = arith.cmpi slt, %add3A_62, %lt3A_87 : i32
        %convert_element_type3A_89 = arith.extui %lt3A_88 : i1 to i32
        %cond3A_90 = arith.constant 0 : i32
        %cond3A_91 = arith.cmpi ne, %convert_element_type3A_89, %cond3A_90 : i32
        scf.if %cond3A_91 {
          %lt3A_92 = arith.constant 610 : i32
          %lt3A_93 = arith.cmpi slt, %add3A_62, %lt3A_92 : i32
          %convert_element_type3A_94 = arith.extui %lt3A_93 : i1 to i32
          %cond3A_95 = arith.constant 0 : i32
          %cond3A_96 = arith.cmpi ne, %convert_element_type3A_94, %cond3A_95 : i32
          scf.if %cond3A_96 {
            %mul3A_103 = arith.constant 128 : i32
            %mul3A_104 = arith.muli %add3A_62, %mul3A_103 : i32
            "tpu.region"() ({
              %run_scoped3A = tpu.sem_alloc : memref<!tpu.dma_semaphore, #tpu.memory_space<semaphore_mem>>
              %dma_start3A_105 = tpu.memref_slice %arg3[%mul3A_104] : memref<78080xi32, #tpu.memory_space<hbm>> -> memref<128xi32, #tpu.memory_space<hbm>>
              %dma_start3A_106 = tpu.memref_slice %arg3[%mul3A_104] : memref<78080xi32, #tpu.memory_space<hbm>> -> memref<128xi32, #tpu.memory_space<hbm>>
              tpu.enqueue_dma source(%dma_start3A_106 : memref<128xi32, #tpu.memory_space<hbm>>) target(%arg7 : memref<128xi32, #tpu.memory_space<vmem>>) target_semaphore(%run_scoped3A : memref<!tpu.dma_semaphore, #tpu.memory_space<semaphore_mem>>)
              %dma_wait3A_107 = tpu.memref_slice %arg3[%mul3A_104] : memref<78080xi32, #tpu.memory_space<hbm>> -> memref<128xi32, #tpu.memory_space<hbm>>
              %dma_wait3A_108 = tpu.memref_slice %arg3[%mul3A_104] : memref<78080xi32, #tpu.memory_space<hbm>> -> memref<128xi32, #tpu.memory_space<hbm>>
              tpu.wait_dma2 semaphore(%run_scoped3A : memref<!tpu.dma_semaphore, #tpu.memory_space<semaphore_mem>>) src(%dma_wait3A_108 : memref<128xi32, #tpu.memory_space<hbm>>) dst(%arg7 : memref<128xi32, #tpu.memory_space<vmem>>)
              tpu.yield
            }) : () -> ()
          } else {
          }
          %ge3A = arith.constant 610 : i32
          %ge3A_97 = arith.cmpi sge, %add3A_62, %ge3A : i32
          %convert_element_type3A_98 = arith.extui %ge3A_97 : i1 to i32
          %cond3A_99 = arith.constant 0 : i32
          %cond3A_100 = arith.cmpi ne, %convert_element_type3A_98, %cond3A_99 : i32
          scf.if %cond3A_100 {
            %sub3A = arith.constant 610 : i32
            %sub3A_103 = arith.subi %add3A_62, %sub3A : i32
            %mul3A_104 = arith.constant 128 : i32
            %mul3A_105 = arith.muli %sub3A_103, %mul3A_104 : i32
            "tpu.region"() ({
              %run_scoped3A = tpu.sem_alloc : memref<!tpu.dma_semaphore, #tpu.memory_space<semaphore_mem>>
              %dma_start3A_106 = tpu.memref_slice %arg4[%mul3A_105] : memref<78080xi32, #tpu.memory_space<hbm>> -> memref<128xi32, #tpu.memory_space<hbm>>
              %dma_start3A_107 = tpu.memref_slice %arg4[%mul3A_105] : memref<78080xi32, #tpu.memory_space<hbm>> -> memref<128xi32, #tpu.memory_space<hbm>>
              tpu.enqueue_dma source(%dma_start3A_107 : memref<128xi32, #tpu.memory_space<hbm>>) target(%arg7 : memref<128xi32, #tpu.memory_space<vmem>>) target_semaphore(%run_scoped3A : memref<!tpu.dma_semaphore, #tpu.memory_space<semaphore_mem>>)
              %dma_wait3A_108 = tpu.memref_slice %arg4[%mul3A_105] : memref<78080xi32, #tpu.memory_space<hbm>> -> memref<128xi32, #tpu.memory_space<hbm>>
              %dma_wait3A_109 = tpu.memref_slice %arg4[%mul3A_105] : memref<78080xi32, #tpu.memory_space<hbm>> -> memref<128xi32, #tpu.memory_space<hbm>>
              tpu.wait_dma2 semaphore(%run_scoped3A : memref<!tpu.dma_semaphore, #tpu.memory_space<semaphore_mem>>) src(%dma_wait3A_109 : memref<128xi32, #tpu.memory_space<hbm>>) dst(%arg7 : memref<128xi32, #tpu.memory_space<vmem>>)
              tpu.yield
            }) : () -> ()
          } else {
          }
          %dma_start3A = arith.constant 0 : i32
          %dma_start3A_101 = arith.constant 0 : i32
          %dma_start3A_102 = tpu.memref_slice %arg2[%dma_start3A, %dma_start3A_101] : memref<10000x128xf32, #tpu.memory_space<hbm>> -> memref<10000x128xf32, #tpu.memory_space<hbm>>
          tpu.enqueue_indirect_dma source(%dma_start3A_102 : memref<10000x128xf32, #tpu.memory_space<hbm>>) target(%arg9 : memref<128x128xf32, #tpu.memory_space<vmem>>) offsets(%arg7 : memref<128xi32, #tpu.memory_space<vmem>>) semaphore(%arg11 : memref<!tpu.dma_semaphore, #tpu.memory_space<semaphore_mem>>)
        } else {
        }
      } else {
      }
      %mul3A_68 = arith.constant 2 : i32
      %mul3A_69 = arith.muli %mul3A_68, %scan3A_29 : i32
      %add3A_70 = arith.constant 1 : i32
      %add3A_71 = arith.addi %mul3A_69, %add3A_70 : i32
      %add3A_72 = arith.constant 2 : i32
      %add3A_73 = arith.addi %add3A_71, %add3A_72 : i32
      %mul3A_74 = arith.constant 32 : i32
      %mul3A_75 = arith.muli %add3A_73, %mul3A_74 : i32
      %add3A_76 = arith.addi %add3A, %mul3A_75 : i32
      %lt3A_77 = arith.constant 1220 : i32
      %lt3A_78 = arith.cmpi slt, %add3A_76, %lt3A_77 : i32
      %convert_element_type3A_79 = arith.extui %lt3A_78 : i1 to i32
      %cond3A_80 = arith.constant 0 : i32
      %cond3A_81 = arith.cmpi ne, %convert_element_type3A_79, %cond3A_80 : i32
      scf.if %cond3A_81 {
        %dma_wait3A = arith.constant 0 : i32
        %dma_wait3A_82 = arith.constant 0 : i32
        %dma_wait3A_83 = tpu.memref_slice %arg5[%dma_wait3A, %dma_wait3A_82] : memref<78080x128xf32, #tpu.memory_space<hbm>> -> memref<128x128xf32, #tpu.memory_space<hbm>>
        %dma_wait3A_84 = arith.constant 0 : i32
        %dma_wait3A_85 = arith.constant 0 : i32
        %dma_wait3A_86 = tpu.memref_slice %arg5[%dma_wait3A_84, %dma_wait3A_85] : memref<78080x128xf32, #tpu.memory_space<hbm>> -> memref<128x128xf32, #tpu.memory_space<hbm>>
        tpu.wait_dma2 semaphore(%arg14 : memref<!tpu.dma_semaphore, #tpu.memory_space<semaphore_mem>>) src(%arg10 : memref<128x128xf32, #tpu.memory_space<vmem>>) dst(%dma_wait3A_86 : memref<128x128xf32, #tpu.memory_space<hbm>>)
        %lt3A_87 = arith.constant 1220 : i32
        %lt3A_88 = arith.cmpi slt, %add3A_76, %lt3A_87 : i32
        %convert_element_type3A_89 = arith.extui %lt3A_88 : i1 to i32
        %cond3A_90 = arith.constant 0 : i32
        %cond3A_91 = arith.cmpi ne, %convert_element_type3A_89, %cond3A_90 : i32
        scf.if %cond3A_91 {
          %lt3A_92 = arith.constant 610 : i32
          %lt3A_93 = arith.cmpi slt, %add3A_76, %lt3A_92 : i32
          %convert_element_type3A_94 = arith.extui %lt3A_93 : i1 to i32
          %cond3A_95 = arith.constant 0 : i32
          %cond3A_96 = arith.cmpi ne, %convert_element_type3A_94, %cond3A_95 : i32
          scf.if %cond3A_96 {
            %mul3A_103 = arith.constant 128 : i32
            %mul3A_104 = arith.muli %add3A_76, %mul3A_103 : i32
            "tpu.region"() ({
              %run_scoped3A = tpu.sem_alloc : memref<!tpu.dma_semaphore, #tpu.memory_space<semaphore_mem>>
              %dma_start3A_105 = tpu.memref_slice %arg3[%mul3A_104] : memref<78080xi32, #tpu.memory_space<hbm>> -> memref<128xi32, #tpu.memory_space<hbm>>
              %dma_start3A_106 = tpu.memref_slice %arg3[%mul3A_104] : memref<78080xi32, #tpu.memory_space<hbm>> -> memref<128xi32, #tpu.memory_space<hbm>>
              tpu.enqueue_dma source(%dma_start3A_106 : memref<128xi32, #tpu.memory_space<hbm>>) target(%arg8 : memref<128xi32, #tpu.memory_space<vmem>>) target_semaphore(%run_scoped3A : memref<!tpu.dma_semaphore, #tpu.memory_space<semaphore_mem>>)
              %dma_wait3A_107 = tpu.memref_slice %arg3[%mul3A_104] : memref<78080xi32, #tpu.memory_space<hbm>> -> memref<128xi32, #tpu.memory_space<hbm>>
              %dma_wait3A_108 = tpu.memref_slice %arg3[%mul3A_104] : memref<78080xi32, #tpu.memory_space<hbm>> -> memref<128xi32, #tpu.memory_space<hbm>>
              tpu.wait_dma2 semaphore(%run_scoped3A : memref<!tpu.dma_semaphore, #tpu.memory_space<semaphore_mem>>) src(%dma_wait3A_108 : memref<128xi32, #tpu.memory_space<hbm>>) dst(%arg8 : memref<128xi32, #tpu.memory_space<vmem>>)
              tpu.yield
            }) : () -> ()
          } else {
          }
          %ge3A = arith.constant 610 : i32
          %ge3A_97 = arith.cmpi sge, %add3A_76, %ge3A : i32
          %convert_element_type3A_98 = arith.extui %ge3A_97 : i1 to i32
          %cond3A_99 = arith.constant 0 : i32
          %cond3A_100 = arith.cmpi ne, %convert_element_type3A_98, %cond3A_99 : i32
          scf.if %cond3A_100 {
            %sub3A = arith.constant 610 : i32
            %sub3A_103 = arith.subi %add3A_76, %sub3A : i32
            %mul3A_104 = arith.constant 128 : i32
            %mul3A_105 = arith.muli %sub3A_103, %mul3A_104 : i32
            "tpu.region"() ({
              %run_scoped3A = tpu.sem_alloc : memref<!tpu.dma_semaphore, #tpu.memory_space<semaphore_mem>>
              %dma_start3A_106 = tpu.memref_slice %arg4[%mul3A_105] : memref<78080xi32, #tpu.memory_space<hbm>> -> memref<128xi32, #tpu.memory_space<hbm>>
              %dma_start3A_107 = tpu.memref_slice %arg4[%mul3A_105] : memref<78080xi32, #tpu.memory_space<hbm>> -> memref<128xi32, #tpu.memory_space<hbm>>
              tpu.enqueue_dma source(%dma_start3A_107 : memref<128xi32, #tpu.memory_space<hbm>>) target(%arg8 : memref<128xi32, #tpu.memory_space<vmem>>) target_semaphore(%run_scoped3A : memref<!tpu.dma_semaphore, #tpu.memory_space<semaphore_mem>>)
              %dma_wait3A_108 = tpu.memref_slice %arg4[%mul3A_105] : memref<78080xi32, #tpu.memory_space<hbm>> -> memref<128xi32, #tpu.memory_space<hbm>>
              %dma_wait3A_109 = tpu.memref_slice %arg4[%mul3A_105] : memref<78080xi32, #tpu.memory_space<hbm>> -> memref<128xi32, #tpu.memory_space<hbm>>
              tpu.wait_dma2 semaphore(%run_scoped3A : memref<!tpu.dma_semaphore, #tpu.memory_space<semaphore_mem>>) src(%dma_wait3A_109 : memref<128xi32, #tpu.memory_space<hbm>>) dst(%arg8 : memref<128xi32, #tpu.memory_space<vmem>>)
              tpu.yield
            }) : () -> ()
          } else {
          }
          %dma_start3A = arith.constant 0 : i32
          %dma_start3A_101 = arith.constant 0 : i32
          %dma_start3A_102 = tpu.memref_slice %arg2[%dma_start3A, %dma_start3A_101] : memref<10000x128xf32, #tpu.memory_space<hbm>> -> memref<10000x128xf32, #tpu.memory_space<hbm>>
          tpu.enqueue_indirect_dma source(%dma_start3A_102 : memref<10000x128xf32, #tpu.memory_space<hbm>>) target(%arg10 : memref<128x128xf32, #tpu.memory_space<vmem>>) offsets(%arg8 : memref<128xi32, #tpu.memory_space<vmem>>) semaphore(%arg12 : memref<!tpu.dma_semaphore, #tpu.memory_space<semaphore_mem>>)
        } else {
        }
      } else {
      }
    }
    %scan3A_14 = arith.constant 20 : i32
    %add3A_15 = arith.constant 0 : i32
    %add3A_16 = arith.addi %add3A, %add3A_15 : i32
    %lt3A_17 = arith.constant 1220 : i32
    %lt3A_18 = arith.cmpi slt, %add3A_16, %lt3A_17 : i32
    %convert_element_type3A_19 = arith.extui %lt3A_18 : i1 to i32
    %cond3A_20 = arith.constant 0 : i32
    %cond3A_21 = arith.cmpi ne, %convert_element_type3A_19, %cond3A_20 : i32
    scf.if %cond3A_21 {
      %dma_wait3A = arith.constant 0 : i32
      %dma_wait3A_29 = arith.constant 0 : i32
      %dma_wait3A_30 = tpu.memref_slice %arg5[%dma_wait3A, %dma_wait3A_29] : memref<78080x128xf32, #tpu.memory_space<hbm>> -> memref<128x128xf32, #tpu.memory_space<hbm>>
      %dma_wait3A_31 = arith.constant 0 : i32
      %dma_wait3A_32 = arith.constant 0 : i32
      %dma_wait3A_33 = tpu.memref_slice %arg5[%dma_wait3A_31, %dma_wait3A_32] : memref<78080x128xf32, #tpu.memory_space<hbm>> -> memref<128x128xf32, #tpu.memory_space<hbm>>
      tpu.wait_dma2 semaphore(%arg13 : memref<!tpu.dma_semaphore, #tpu.memory_space<semaphore_mem>>) src(%arg9 : memref<128x128xf32, #tpu.memory_space<vmem>>) dst(%dma_wait3A_33 : memref<128x128xf32, #tpu.memory_space<hbm>>)
    } else {
    }
    %add3A_22 = arith.constant 32 : i32
    %add3A_23 = arith.addi %add3A, %add3A_22 : i32
    %lt3A_24 = arith.constant 1220 : i32
    %lt3A_25 = arith.cmpi slt, %add3A_23, %lt3A_24 : i32
    %convert_element_type3A_26 = arith.extui %lt3A_25 : i1 to i32
    %cond3A_27 = arith.constant 0 : i32
    %cond3A_28 = arith.cmpi ne, %convert_element_type3A_26, %cond3A_27 : i32
    scf.if %cond3A_28 {
      %dma_wait3A = arith.constant 0 : i32
      %dma_wait3A_29 = arith.constant 0 : i32
      %dma_wait3A_30 = tpu.memref_slice %arg5[%dma_wait3A, %dma_wait3A_29] : memref<78080x128xf32, #tpu.memory_space<hbm>> -> memref<128x128xf32, #tpu.memory_space<hbm>>
      %dma_wait3A_31 = arith.constant 0 : i32
      %dma_wait3A_32 = arith.constant 0 : i32
      %dma_wait3A_33 = tpu.memref_slice %arg5[%dma_wait3A_31, %dma_wait3A_32] : memref<78080x128xf32, #tpu.memory_space<hbm>> -> memref<128x128xf32, #tpu.memory_space<hbm>>
      tpu.wait_dma2 semaphore(%arg14 : memref<!tpu.dma_semaphore, #tpu.memory_space<semaphore_mem>>) src(%arg10 : memref<128x128xf32, #tpu.memory_space<vmem>>) dst(%dma_wait3A_33 : memref<128x128xf32, #tpu.memory_space<hbm>>)
    } else {
    }
    return
  }
}

#map = affine_map<(d0, d1) -> (0, 0)>
#map1 = affine_map<(d0, d1) -> (0)>
module attributes {stable_mosaic.version = 14 : i64} {
  func.func @_gather(%arg0: i32, %arg1: i32, %arg2: memref<10000x128xf32, #tpu.memory_space<hbm>>, %arg3: memref<81920xi32, #tpu.memory_space<hbm>>, %arg4: memref<81920xi32, #tpu.memory_space<hbm>>, %arg5: memref<81920x128xf32, #tpu.memory_space<hbm>>, %arg6: memref<81920x128xf32, #tpu.memory_space<hbm>>, %arg7: memref<128xi32, #tpu.memory_space<vmem>>, %arg8: memref<128xi32, #tpu.memory_space<vmem>>, %arg9: memref<128x128xf32, #tpu.memory_space<vmem>>, %arg10: memref<128x128xf32, #tpu.memory_space<vmem>>, %arg11: memref<!tpu.dma_semaphore, #tpu.memory_space<semaphore_mem>>, %arg12: memref<!tpu.dma_semaphore, #tpu.memory_space<semaphore_mem>>, %arg13: memref<!tpu.dma_semaphore, #tpu.memory_space<semaphore_mem>>, %arg14: memref<!tpu.dma_semaphore, #tpu.memory_space<semaphore_mem>>) attributes {dimension_semantics = [#tpu.dimension_semantics<core_parallel>, #tpu.dimension_semantics<subcore_parallel>], iteration_bounds = array<i64: 2, 16>, scalar_prefetch = 0 : i64, scratch_operands = 8 : i64, tpu.core_type = #tpu.core_type<sc_vector_subcore>, window_params = [{transform_indices = #map}, {transform_indices = #map1}, {transform_indices = #map1}, {transform_indices = #map}, {transform_indices = #map}]} {
    %mul3A = arith.constant 16 : i32
    %mul3A_0 = arith.muli %arg0, %mul3A : i32
    %add3A = arith.addi %mul3A_0, %arg1 : i32
    %lt3A = arith.constant 1280 : i32
    %lt3A_1 = arith.cmpi slt, %add3A, %lt3A : i32
    %convert_element_type3A = arith.extui %lt3A_1 : i1 to i32
    %cond3A = arith.constant 0 : i32
    %cond3A_2 = arith.cmpi ne, %convert_element_type3A, %cond3A : i32
    scf.if %cond3A_2 {
      %lt3A_29 = arith.constant 640 : i32
      %lt3A_30 = arith.cmpi slt, %add3A, %lt3A_29 : i32
      %convert_element_type3A_31 = arith.extui %lt3A_30 : i1 to i32
      %cond3A_32 = arith.constant 0 : i32
      %cond3A_33 = arith.cmpi ne, %convert_element_type3A_31, %cond3A_32 : i32
      scf.if %cond3A_33 {
        %mul3A_40 = arith.constant 128 : i32
        %mul3A_41 = arith.muli %add3A, %mul3A_40 : i32
        "tpu.region"() ({
          %run_scoped3A = tpu.sem_alloc : memref<!tpu.dma_semaphore, #tpu.memory_space<semaphore_mem>>
          %dma_start3A_42 = tpu.memref_slice %arg3[%mul3A_41] : memref<81920xi32, #tpu.memory_space<hbm>> -> memref<128xi32, #tpu.memory_space<hbm>>
          %dma_start3A_43 = tpu.memref_slice %arg3[%mul3A_41] : memref<81920xi32, #tpu.memory_space<hbm>> -> memref<128xi32, #tpu.memory_space<hbm>>
          tpu.enqueue_dma source(%dma_start3A_43 : memref<128xi32, #tpu.memory_space<hbm>>) target(%arg7 : memref<128xi32, #tpu.memory_space<vmem>>) target_semaphore(%run_scoped3A : memref<!tpu.dma_semaphore, #tpu.memory_space<semaphore_mem>>)
          %dma_wait3A = tpu.memref_slice %arg3[%mul3A_41] : memref<81920xi32, #tpu.memory_space<hbm>> -> memref<128xi32, #tpu.memory_space<hbm>>
          %dma_wait3A_44 = tpu.memref_slice %arg3[%mul3A_41] : memref<81920xi32, #tpu.memory_space<hbm>> -> memref<128xi32, #tpu.memory_space<hbm>>
          tpu.wait_dma2 semaphore(%run_scoped3A : memref<!tpu.dma_semaphore, #tpu.memory_space<semaphore_mem>>) src(%dma_wait3A_44 : memref<128xi32, #tpu.memory_space<hbm>>) dst(%arg7 : memref<128xi32, #tpu.memory_space<vmem>>)
          tpu.yield
        }) : () -> ()
      } else {
      }
      %ge3A = arith.constant 640 : i32
      %ge3A_34 = arith.cmpi sge, %add3A, %ge3A : i32
      %convert_element_type3A_35 = arith.extui %ge3A_34 : i1 to i32
      %cond3A_36 = arith.constant 0 : i32
      %cond3A_37 = arith.cmpi ne, %convert_element_type3A_35, %cond3A_36 : i32
      scf.if %cond3A_37 {
        %sub3A = arith.constant 640 : i32
        %sub3A_40 = arith.subi %add3A, %sub3A : i32
        %mul3A_41 = arith.constant 128 : i32
        %mul3A_42 = arith.muli %sub3A_40, %mul3A_41 : i32
        "tpu.region"() ({
          %run_scoped3A = tpu.sem_alloc : memref<!tpu.dma_semaphore, #tpu.memory_space<semaphore_mem>>
          %dma_start3A_43 = tpu.memref_slice %arg4[%mul3A_42] : memref<81920xi32, #tpu.memory_space<hbm>> -> memref<128xi32, #tpu.memory_space<hbm>>
          %dma_start3A_44 = tpu.memref_slice %arg4[%mul3A_42] : memref<81920xi32, #tpu.memory_space<hbm>> -> memref<128xi32, #tpu.memory_space<hbm>>
          tpu.enqueue_dma source(%dma_start3A_44 : memref<128xi32, #tpu.memory_space<hbm>>) target(%arg7 : memref<128xi32, #tpu.memory_space<vmem>>) target_semaphore(%run_scoped3A : memref<!tpu.dma_semaphore, #tpu.memory_space<semaphore_mem>>)
          %dma_wait3A = tpu.memref_slice %arg4[%mul3A_42] : memref<81920xi32, #tpu.memory_space<hbm>> -> memref<128xi32, #tpu.memory_space<hbm>>
          %dma_wait3A_45 = tpu.memref_slice %arg4[%mul3A_42] : memref<81920xi32, #tpu.memory_space<hbm>> -> memref<128xi32, #tpu.memory_space<hbm>>
          tpu.wait_dma2 semaphore(%run_scoped3A : memref<!tpu.dma_semaphore, #tpu.memory_space<semaphore_mem>>) src(%dma_wait3A_45 : memref<128xi32, #tpu.memory_space<hbm>>) dst(%arg7 : memref<128xi32, #tpu.memory_space<vmem>>)
          tpu.yield
        }) : () -> ()
      } else {
      }
      %dma_start3A = arith.constant 0 : i32
      %dma_start3A_38 = arith.constant 0 : i32
      %dma_start3A_39 = tpu.memref_slice %arg2[%dma_start3A, %dma_start3A_38] : memref<10000x128xf32, #tpu.memory_space<hbm>> -> memref<10000x128xf32, #tpu.memory_space<hbm>>
      tpu.enqueue_indirect_dma source(%dma_start3A_39 : memref<10000x128xf32, #tpu.memory_space<hbm>>) target(%arg9 : memref<128x128xf32, #tpu.memory_space<vmem>>) offsets(%arg7 : memref<128xi32, #tpu.memory_space<vmem>>) semaphore(%arg11 : memref<!tpu.dma_semaphore, #tpu.memory_space<semaphore_mem>>)
    } else {
    }
    %add3A_3 = arith.constant 32 : i32
    %add3A_4 = arith.addi %add3A, %add3A_3 : i32
    %lt3A_5 = arith.constant 1280 : i32
    %lt3A_6 = arith.cmpi slt, %add3A_4, %lt3A_5 : i32
    %convert_element_type3A_7 = arith.extui %lt3A_6 : i1 to i32
    %cond3A_8 = arith.constant 0 : i32
    %cond3A_9 = arith.cmpi ne, %convert_element_type3A_7, %cond3A_8 : i32
    scf.if %cond3A_9 {
      %lt3A_29 = arith.constant 640 : i32
      %lt3A_30 = arith.cmpi slt, %add3A_4, %lt3A_29 : i32
      %convert_element_type3A_31 = arith.extui %lt3A_30 : i1 to i32
      %cond3A_32 = arith.constant 0 : i32
      %cond3A_33 = arith.cmpi ne, %convert_element_type3A_31, %cond3A_32 : i32
      scf.if %cond3A_33 {
        %mul3A_40 = arith.constant 128 : i32
        %mul3A_41 = arith.muli %add3A_4, %mul3A_40 : i32
        "tpu.region"() ({
          %run_scoped3A = tpu.sem_alloc : memref<!tpu.dma_semaphore, #tpu.memory_space<semaphore_mem>>
          %dma_start3A_42 = tpu.memref_slice %arg3[%mul3A_41] : memref<81920xi32, #tpu.memory_space<hbm>> -> memref<128xi32, #tpu.memory_space<hbm>>
          %dma_start3A_43 = tpu.memref_slice %arg3[%mul3A_41] : memref<81920xi32, #tpu.memory_space<hbm>> -> memref<128xi32, #tpu.memory_space<hbm>>
          tpu.enqueue_dma source(%dma_start3A_43 : memref<128xi32, #tpu.memory_space<hbm>>) target(%arg8 : memref<128xi32, #tpu.memory_space<vmem>>) target_semaphore(%run_scoped3A : memref<!tpu.dma_semaphore, #tpu.memory_space<semaphore_mem>>)
          %dma_wait3A = tpu.memref_slice %arg3[%mul3A_41] : memref<81920xi32, #tpu.memory_space<hbm>> -> memref<128xi32, #tpu.memory_space<hbm>>
          %dma_wait3A_44 = tpu.memref_slice %arg3[%mul3A_41] : memref<81920xi32, #tpu.memory_space<hbm>> -> memref<128xi32, #tpu.memory_space<hbm>>
          tpu.wait_dma2 semaphore(%run_scoped3A : memref<!tpu.dma_semaphore, #tpu.memory_space<semaphore_mem>>) src(%dma_wait3A_44 : memref<128xi32, #tpu.memory_space<hbm>>) dst(%arg8 : memref<128xi32, #tpu.memory_space<vmem>>)
          tpu.yield
        }) : () -> ()
      } else {
      }
      %ge3A = arith.constant 640 : i32
      %ge3A_34 = arith.cmpi sge, %add3A_4, %ge3A : i32
      %convert_element_type3A_35 = arith.extui %ge3A_34 : i1 to i32
      %cond3A_36 = arith.constant 0 : i32
      %cond3A_37 = arith.cmpi ne, %convert_element_type3A_35, %cond3A_36 : i32
      scf.if %cond3A_37 {
        %sub3A = arith.constant 640 : i32
        %sub3A_40 = arith.subi %add3A_4, %sub3A : i32
        %mul3A_41 = arith.constant 128 : i32
        %mul3A_42 = arith.muli %sub3A_40, %mul3A_41 : i32
        "tpu.region"() ({
          %run_scoped3A = tpu.sem_alloc : memref<!tpu.dma_semaphore, #tpu.memory_space<semaphore_mem>>
          %dma_start3A_43 = tpu.memref_slice %arg4[%mul3A_42] : memref<81920xi32, #tpu.memory_space<hbm>> -> memref<128xi32, #tpu.memory_space<hbm>>
          %dma_start3A_44 = tpu.memref_slice %arg4[%mul3A_42] : memref<81920xi32, #tpu.memory_space<hbm>> -> memref<128xi32, #tpu.memory_space<hbm>>
          tpu.enqueue_dma source(%dma_start3A_44 : memref<128xi32, #tpu.memory_space<hbm>>) target(%arg8 : memref<128xi32, #tpu.memory_space<vmem>>) target_semaphore(%run_scoped3A : memref<!tpu.dma_semaphore, #tpu.memory_space<semaphore_mem>>)
          %dma_wait3A = tpu.memref_slice %arg4[%mul3A_42] : memref<81920xi32, #tpu.memory_space<hbm>> -> memref<128xi32, #tpu.memory_space<hbm>>
          %dma_wait3A_45 = tpu.memref_slice %arg4[%mul3A_42] : memref<81920xi32, #tpu.memory_space<hbm>> -> memref<128xi32, #tpu.memory_space<hbm>>
          tpu.wait_dma2 semaphore(%run_scoped3A : memref<!tpu.dma_semaphore, #tpu.memory_space<semaphore_mem>>) src(%dma_wait3A_45 : memref<128xi32, #tpu.memory_space<hbm>>) dst(%arg8 : memref<128xi32, #tpu.memory_space<vmem>>)
          tpu.yield
        }) : () -> ()
      } else {
      }
      %dma_start3A = arith.constant 0 : i32
      %dma_start3A_38 = arith.constant 0 : i32
      %dma_start3A_39 = tpu.memref_slice %arg2[%dma_start3A, %dma_start3A_38] : memref<10000x128xf32, #tpu.memory_space<hbm>> -> memref<10000x128xf32, #tpu.memory_space<hbm>>
      tpu.enqueue_indirect_dma source(%dma_start3A_39 : memref<10000x128xf32, #tpu.memory_space<hbm>>) target(%arg10 : memref<128x128xf32, #tpu.memory_space<vmem>>) offsets(%arg8 : memref<128xi32, #tpu.memory_space<vmem>>) semaphore(%arg12 : memref<!tpu.dma_semaphore, #tpu.memory_space<semaphore_mem>>)
    } else {
    }
    %scan3A = arith.constant 0 : i32
    %scan3A_10 = arith.constant 0 : i32
    %scan3A_11 = arith.constant 20 : i32
    %scan3A_12 = arith.addi %scan3A_10, %scan3A_11 : i32
    %scan3A_13 = arith.constant 1 : i32
    scf.for %scan3A_29 = %scan3A_10 to %scan3A_12 step %scan3A_13  : i32 {
      %mul3A_30 = arith.constant 2 : i32
      %mul3A_31 = arith.muli %mul3A_30, %scan3A_29 : i32
      %add3A_32 = arith.constant 0 : i32
      %add3A_33 = arith.addi %mul3A_31, %add3A_32 : i32
      %mul3A_34 = arith.constant 32 : i32
      %mul3A_35 = arith.muli %add3A_33, %mul3A_34 : i32
      %add3A_36 = arith.addi %add3A, %mul3A_35 : i32
      %lt3A_37 = arith.constant 1280 : i32
      %lt3A_38 = arith.cmpi slt, %add3A_36, %lt3A_37 : i32
      %convert_element_type3A_39 = arith.extui %lt3A_38 : i1 to i32
      %cond3A_40 = arith.constant 0 : i32
      %cond3A_41 = arith.cmpi ne, %convert_element_type3A_39, %cond3A_40 : i32
      scf.if %cond3A_41 {
        %dma_wait3A = arith.constant 0 : i32
        %dma_wait3A_82 = arith.constant 0 : i32
        %dma_wait3A_83 = tpu.memref_slice %arg2[%dma_wait3A, %dma_wait3A_82] : memref<10000x128xf32, #tpu.memory_space<hbm>> -> memref<10000x128xf32, #tpu.memory_space<hbm>>
        tpu.wait_indirect_dma semaphore(%arg11 : memref<!tpu.dma_semaphore, #tpu.memory_space<semaphore_mem>>) src(%dma_wait3A_83 : memref<10000x128xf32, #tpu.memory_space<hbm>>) dst(%arg9 : memref<128x128xf32, #tpu.memory_space<vmem>>)
        %lt3A_84 = arith.constant 640 : i32
        %lt3A_85 = arith.cmpi slt, %add3A_36, %lt3A_84 : i32
        %convert_element_type3A_86 = arith.extui %lt3A_85 : i1 to i32
        %cond3A_87 = arith.constant 0 : i32
        %cond3A_88 = arith.cmpi ne, %convert_element_type3A_86, %cond3A_87 : i32
        scf.if %cond3A_88 {
          %mul3A_95 = arith.constant 128 : i32
          %mul3A_96 = arith.muli %add3A_36, %mul3A_95 : i32
          %dma_start3A = arith.constant 0 : i32
          %dma_start3A_97 = tpu.memref_slice %arg5[%mul3A_96, %dma_start3A] : memref<81920x128xf32, #tpu.memory_space<hbm>> -> memref<128x128xf32, #tpu.memory_space<hbm>>
          %dma_start3A_98 = arith.constant 0 : i32
          %dma_start3A_99 = tpu.memref_slice %arg5[%mul3A_96, %dma_start3A_98] : memref<81920x128xf32, #tpu.memory_space<hbm>> -> memref<128x128xf32, #tpu.memory_space<hbm>>
          tpu.enqueue_dma source(%arg9 : memref<128x128xf32, #tpu.memory_space<vmem>>) target(%dma_start3A_99 : memref<128x128xf32, #tpu.memory_space<hbm>>) target_semaphore(%arg13 : memref<!tpu.dma_semaphore, #tpu.memory_space<semaphore_mem>>)
        } else {
        }
        %ge3A = arith.constant 640 : i32
        %ge3A_89 = arith.cmpi sge, %add3A_36, %ge3A : i32
        %lt3A_90 = arith.constant 1280 : i32
        %lt3A_91 = arith.cmpi slt, %add3A_36, %lt3A_90 : i32
        %and3A = arith.andi %ge3A_89, %lt3A_91 : i1
        %convert_element_type3A_92 = arith.extui %and3A : i1 to i32
        %cond3A_93 = arith.constant 0 : i32
        %cond3A_94 = arith.cmpi ne, %convert_element_type3A_92, %cond3A_93 : i32
        scf.if %cond3A_94 {
          %sub3A = arith.constant 640 : i32
          %sub3A_95 = arith.subi %add3A_36, %sub3A : i32
          %mul3A_96 = arith.constant 128 : i32
          %mul3A_97 = arith.muli %sub3A_95, %mul3A_96 : i32
          %dma_start3A = arith.constant 0 : i32
          %dma_start3A_98 = tpu.memref_slice %arg6[%mul3A_97, %dma_start3A] : memref<81920x128xf32, #tpu.memory_space<hbm>> -> memref<128x128xf32, #tpu.memory_space<hbm>>
          %dma_start3A_99 = arith.constant 0 : i32
          %dma_start3A_100 = tpu.memref_slice %arg6[%mul3A_97, %dma_start3A_99] : memref<81920x128xf32, #tpu.memory_space<hbm>> -> memref<128x128xf32, #tpu.memory_space<hbm>>
          tpu.enqueue_dma source(%arg9 : memref<128x128xf32, #tpu.memory_space<vmem>>) target(%dma_start3A_100 : memref<128x128xf32, #tpu.memory_space<hbm>>) target_semaphore(%arg13 : memref<!tpu.dma_semaphore, #tpu.memory_space<semaphore_mem>>)
        } else {
        }
      } else {
      }
      %mul3A_42 = arith.constant 2 : i32
      %mul3A_43 = arith.muli %mul3A_42, %scan3A_29 : i32
      %add3A_44 = arith.constant 1 : i32
      %add3A_45 = arith.addi %mul3A_43, %add3A_44 : i32
      %mul3A_46 = arith.constant 32 : i32
      %mul3A_47 = arith.muli %add3A_45, %mul3A_46 : i32
      %add3A_48 = arith.addi %add3A, %mul3A_47 : i32
      %lt3A_49 = arith.constant 1280 : i32
      %lt3A_50 = arith.cmpi slt, %add3A_48, %lt3A_49 : i32
      %convert_element_type3A_51 = arith.extui %lt3A_50 : i1 to i32
      %cond3A_52 = arith.constant 0 : i32
      %cond3A_53 = arith.cmpi ne, %convert_element_type3A_51, %cond3A_52 : i32
      scf.if %cond3A_53 {
        %dma_wait3A = arith.constant 0 : i32
        %dma_wait3A_82 = arith.constant 0 : i32
        %dma_wait3A_83 = tpu.memref_slice %arg2[%dma_wait3A, %dma_wait3A_82] : memref<10000x128xf32, #tpu.memory_space<hbm>> -> memref<10000x128xf32, #tpu.memory_space<hbm>>
        tpu.wait_indirect_dma semaphore(%arg12 : memref<!tpu.dma_semaphore, #tpu.memory_space<semaphore_mem>>) src(%dma_wait3A_83 : memref<10000x128xf32, #tpu.memory_space<hbm>>) dst(%arg10 : memref<128x128xf32, #tpu.memory_space<vmem>>)
        %lt3A_84 = arith.constant 640 : i32
        %lt3A_85 = arith.cmpi slt, %add3A_48, %lt3A_84 : i32
        %convert_element_type3A_86 = arith.extui %lt3A_85 : i1 to i32
        %cond3A_87 = arith.constant 0 : i32
        %cond3A_88 = arith.cmpi ne, %convert_element_type3A_86, %cond3A_87 : i32
        scf.if %cond3A_88 {
          %mul3A_95 = arith.constant 128 : i32
          %mul3A_96 = arith.muli %add3A_48, %mul3A_95 : i32
          %dma_start3A = arith.constant 0 : i32
          %dma_start3A_97 = tpu.memref_slice %arg5[%mul3A_96, %dma_start3A] : memref<81920x128xf32, #tpu.memory_space<hbm>> -> memref<128x128xf32, #tpu.memory_space<hbm>>
          %dma_start3A_98 = arith.constant 0 : i32
          %dma_start3A_99 = tpu.memref_slice %arg5[%mul3A_96, %dma_start3A_98] : memref<81920x128xf32, #tpu.memory_space<hbm>> -> memref<128x128xf32, #tpu.memory_space<hbm>>
          tpu.enqueue_dma source(%arg10 : memref<128x128xf32, #tpu.memory_space<vmem>>) target(%dma_start3A_99 : memref<128x128xf32, #tpu.memory_space<hbm>>) target_semaphore(%arg14 : memref<!tpu.dma_semaphore, #tpu.memory_space<semaphore_mem>>)
        } else {
        }
        %ge3A = arith.constant 640 : i32
        %ge3A_89 = arith.cmpi sge, %add3A_48, %ge3A : i32
        %lt3A_90 = arith.constant 1280 : i32
        %lt3A_91 = arith.cmpi slt, %add3A_48, %lt3A_90 : i32
        %and3A = arith.andi %ge3A_89, %lt3A_91 : i1
        %convert_element_type3A_92 = arith.extui %and3A : i1 to i32
        %cond3A_93 = arith.constant 0 : i32
        %cond3A_94 = arith.cmpi ne, %convert_element_type3A_92, %cond3A_93 : i32
        scf.if %cond3A_94 {
          %sub3A = arith.constant 640 : i32
          %sub3A_95 = arith.subi %add3A_48, %sub3A : i32
          %mul3A_96 = arith.constant 128 : i32
          %mul3A_97 = arith.muli %sub3A_95, %mul3A_96 : i32
          %dma_start3A = arith.constant 0 : i32
          %dma_start3A_98 = tpu.memref_slice %arg6[%mul3A_97, %dma_start3A] : memref<81920x128xf32, #tpu.memory_space<hbm>> -> memref<128x128xf32, #tpu.memory_space<hbm>>
          %dma_start3A_99 = arith.constant 0 : i32
          %dma_start3A_100 = tpu.memref_slice %arg6[%mul3A_97, %dma_start3A_99] : memref<81920x128xf32, #tpu.memory_space<hbm>> -> memref<128x128xf32, #tpu.memory_space<hbm>>
          tpu.enqueue_dma source(%arg10 : memref<128x128xf32, #tpu.memory_space<vmem>>) target(%dma_start3A_100 : memref<128x128xf32, #tpu.memory_space<hbm>>) target_semaphore(%arg14 : memref<!tpu.dma_semaphore, #tpu.memory_space<semaphore_mem>>)
        } else {
        }
      } else {
      }
      %mul3A_54 = arith.constant 2 : i32
      %mul3A_55 = arith.muli %mul3A_54, %scan3A_29 : i32
      %add3A_56 = arith.constant 0 : i32
      %add3A_57 = arith.addi %mul3A_55, %add3A_56 : i32
      %add3A_58 = arith.constant 2 : i32
      %add3A_59 = arith.addi %add3A_57, %add3A_58 : i32
      %mul3A_60 = arith.constant 32 : i32
      %mul3A_61 = arith.muli %add3A_59, %mul3A_60 : i32
      %add3A_62 = arith.addi %add3A, %mul3A_61 : i32
      %lt3A_63 = arith.constant 1280 : i32
      %lt3A_64 = arith.cmpi slt, %add3A_62, %lt3A_63 : i32
      %convert_element_type3A_65 = arith.extui %lt3A_64 : i1 to i32
      %cond3A_66 = arith.constant 0 : i32
      %cond3A_67 = arith.cmpi ne, %convert_element_type3A_65, %cond3A_66 : i32
      scf.if %cond3A_67 {
        %dma_wait3A = arith.constant 0 : i32
        %dma_wait3A_82 = arith.constant 0 : i32
        %dma_wait3A_83 = tpu.memref_slice %arg5[%dma_wait3A, %dma_wait3A_82] : memref<81920x128xf32, #tpu.memory_space<hbm>> -> memref<128x128xf32, #tpu.memory_space<hbm>>
        %dma_wait3A_84 = arith.constant 0 : i32
        %dma_wait3A_85 = arith.constant 0 : i32
        %dma_wait3A_86 = tpu.memref_slice %arg5[%dma_wait3A_84, %dma_wait3A_85] : memref<81920x128xf32, #tpu.memory_space<hbm>> -> memref<128x128xf32, #tpu.memory_space<hbm>>
        tpu.wait_dma2 semaphore(%arg13 : memref<!tpu.dma_semaphore, #tpu.memory_space<semaphore_mem>>) src(%arg9 : memref<128x128xf32, #tpu.memory_space<vmem>>) dst(%dma_wait3A_86 : memref<128x128xf32, #tpu.memory_space<hbm>>)
        %lt3A_87 = arith.constant 1280 : i32
        %lt3A_88 = arith.cmpi slt, %add3A_62, %lt3A_87 : i32
        %convert_element_type3A_89 = arith.extui %lt3A_88 : i1 to i32
        %cond3A_90 = arith.constant 0 : i32
        %cond3A_91 = arith.cmpi ne, %convert_element_type3A_89, %cond3A_90 : i32
        scf.if %cond3A_91 {
          %lt3A_92 = arith.constant 640 : i32
          %lt3A_93 = arith.cmpi slt, %add3A_62, %lt3A_92 : i32
          %convert_element_type3A_94 = arith.extui %lt3A_93 : i1 to i32
          %cond3A_95 = arith.constant 0 : i32
          %cond3A_96 = arith.cmpi ne, %convert_element_type3A_94, %cond3A_95 : i32
          scf.if %cond3A_96 {
            %mul3A_103 = arith.constant 128 : i32
            %mul3A_104 = arith.muli %add3A_62, %mul3A_103 : i32
            "tpu.region"() ({
              %run_scoped3A = tpu.sem_alloc : memref<!tpu.dma_semaphore, #tpu.memory_space<semaphore_mem>>
              %dma_start3A_105 = tpu.memref_slice %arg3[%mul3A_104] : memref<81920xi32, #tpu.memory_space<hbm>> -> memref<128xi32, #tpu.memory_space<hbm>>
              %dma_start3A_106 = tpu.memref_slice %arg3[%mul3A_104] : memref<81920xi32, #tpu.memory_space<hbm>> -> memref<128xi32, #tpu.memory_space<hbm>>
              tpu.enqueue_dma source(%dma_start3A_106 : memref<128xi32, #tpu.memory_space<hbm>>) target(%arg7 : memref<128xi32, #tpu.memory_space<vmem>>) target_semaphore(%run_scoped3A : memref<!tpu.dma_semaphore, #tpu.memory_space<semaphore_mem>>)
              %dma_wait3A_107 = tpu.memref_slice %arg3[%mul3A_104] : memref<81920xi32, #tpu.memory_space<hbm>> -> memref<128xi32, #tpu.memory_space<hbm>>
              %dma_wait3A_108 = tpu.memref_slice %arg3[%mul3A_104] : memref<81920xi32, #tpu.memory_space<hbm>> -> memref<128xi32, #tpu.memory_space<hbm>>
              tpu.wait_dma2 semaphore(%run_scoped3A : memref<!tpu.dma_semaphore, #tpu.memory_space<semaphore_mem>>) src(%dma_wait3A_108 : memref<128xi32, #tpu.memory_space<hbm>>) dst(%arg7 : memref<128xi32, #tpu.memory_space<vmem>>)
              tpu.yield
            }) : () -> ()
          } else {
          }
          %ge3A = arith.constant 640 : i32
          %ge3A_97 = arith.cmpi sge, %add3A_62, %ge3A : i32
          %convert_element_type3A_98 = arith.extui %ge3A_97 : i1 to i32
          %cond3A_99 = arith.constant 0 : i32
          %cond3A_100 = arith.cmpi ne, %convert_element_type3A_98, %cond3A_99 : i32
          scf.if %cond3A_100 {
            %sub3A = arith.constant 640 : i32
            %sub3A_103 = arith.subi %add3A_62, %sub3A : i32
            %mul3A_104 = arith.constant 128 : i32
            %mul3A_105 = arith.muli %sub3A_103, %mul3A_104 : i32
            "tpu.region"() ({
              %run_scoped3A = tpu.sem_alloc : memref<!tpu.dma_semaphore, #tpu.memory_space<semaphore_mem>>
              %dma_start3A_106 = tpu.memref_slice %arg4[%mul3A_105] : memref<81920xi32, #tpu.memory_space<hbm>> -> memref<128xi32, #tpu.memory_space<hbm>>
              %dma_start3A_107 = tpu.memref_slice %arg4[%mul3A_105] : memref<81920xi32, #tpu.memory_space<hbm>> -> memref<128xi32, #tpu.memory_space<hbm>>
              tpu.enqueue_dma source(%dma_start3A_107 : memref<128xi32, #tpu.memory_space<hbm>>) target(%arg7 : memref<128xi32, #tpu.memory_space<vmem>>) target_semaphore(%run_scoped3A : memref<!tpu.dma_semaphore, #tpu.memory_space<semaphore_mem>>)
              %dma_wait3A_108 = tpu.memref_slice %arg4[%mul3A_105] : memref<81920xi32, #tpu.memory_space<hbm>> -> memref<128xi32, #tpu.memory_space<hbm>>
              %dma_wait3A_109 = tpu.memref_slice %arg4[%mul3A_105] : memref<81920xi32, #tpu.memory_space<hbm>> -> memref<128xi32, #tpu.memory_space<hbm>>
              tpu.wait_dma2 semaphore(%run_scoped3A : memref<!tpu.dma_semaphore, #tpu.memory_space<semaphore_mem>>) src(%dma_wait3A_109 : memref<128xi32, #tpu.memory_space<hbm>>) dst(%arg7 : memref<128xi32, #tpu.memory_space<vmem>>)
              tpu.yield
            }) : () -> ()
          } else {
          }
          %dma_start3A = arith.constant 0 : i32
          %dma_start3A_101 = arith.constant 0 : i32
          %dma_start3A_102 = tpu.memref_slice %arg2[%dma_start3A, %dma_start3A_101] : memref<10000x128xf32, #tpu.memory_space<hbm>> -> memref<10000x128xf32, #tpu.memory_space<hbm>>
          tpu.enqueue_indirect_dma source(%dma_start3A_102 : memref<10000x128xf32, #tpu.memory_space<hbm>>) target(%arg9 : memref<128x128xf32, #tpu.memory_space<vmem>>) offsets(%arg7 : memref<128xi32, #tpu.memory_space<vmem>>) semaphore(%arg11 : memref<!tpu.dma_semaphore, #tpu.memory_space<semaphore_mem>>)
        } else {
        }
      } else {
      }
      %mul3A_68 = arith.constant 2 : i32
      %mul3A_69 = arith.muli %mul3A_68, %scan3A_29 : i32
      %add3A_70 = arith.constant 1 : i32
      %add3A_71 = arith.addi %mul3A_69, %add3A_70 : i32
      %add3A_72 = arith.constant 2 : i32
      %add3A_73 = arith.addi %add3A_71, %add3A_72 : i32
      %mul3A_74 = arith.constant 32 : i32
      %mul3A_75 = arith.muli %add3A_73, %mul3A_74 : i32
      %add3A_76 = arith.addi %add3A, %mul3A_75 : i32
      %lt3A_77 = arith.constant 1280 : i32
      %lt3A_78 = arith.cmpi slt, %add3A_76, %lt3A_77 : i32
      %convert_element_type3A_79 = arith.extui %lt3A_78 : i1 to i32
      %cond3A_80 = arith.constant 0 : i32
      %cond3A_81 = arith.cmpi ne, %convert_element_type3A_79, %cond3A_80 : i32
      scf.if %cond3A_81 {
        %dma_wait3A = arith.constant 0 : i32
        %dma_wait3A_82 = arith.constant 0 : i32
        %dma_wait3A_83 = tpu.memref_slice %arg5[%dma_wait3A, %dma_wait3A_82] : memref<81920x128xf32, #tpu.memory_space<hbm>> -> memref<128x128xf32, #tpu.memory_space<hbm>>
        %dma_wait3A_84 = arith.constant 0 : i32
        %dma_wait3A_85 = arith.constant 0 : i32
        %dma_wait3A_86 = tpu.memref_slice %arg5[%dma_wait3A_84, %dma_wait3A_85] : memref<81920x128xf32, #tpu.memory_space<hbm>> -> memref<128x128xf32, #tpu.memory_space<hbm>>
        tpu.wait_dma2 semaphore(%arg14 : memref<!tpu.dma_semaphore, #tpu.memory_space<semaphore_mem>>) src(%arg10 : memref<128x128xf32, #tpu.memory_space<vmem>>) dst(%dma_wait3A_86 : memref<128x128xf32, #tpu.memory_space<hbm>>)
        %lt3A_87 = arith.constant 1280 : i32
        %lt3A_88 = arith.cmpi slt, %add3A_76, %lt3A_87 : i32
        %convert_element_type3A_89 = arith.extui %lt3A_88 : i1 to i32
        %cond3A_90 = arith.constant 0 : i32
        %cond3A_91 = arith.cmpi ne, %convert_element_type3A_89, %cond3A_90 : i32
        scf.if %cond3A_91 {
          %lt3A_92 = arith.constant 640 : i32
          %lt3A_93 = arith.cmpi slt, %add3A_76, %lt3A_92 : i32
          %convert_element_type3A_94 = arith.extui %lt3A_93 : i1 to i32
          %cond3A_95 = arith.constant 0 : i32
          %cond3A_96 = arith.cmpi ne, %convert_element_type3A_94, %cond3A_95 : i32
          scf.if %cond3A_96 {
            %mul3A_103 = arith.constant 128 : i32
            %mul3A_104 = arith.muli %add3A_76, %mul3A_103 : i32
            "tpu.region"() ({
              %run_scoped3A = tpu.sem_alloc : memref<!tpu.dma_semaphore, #tpu.memory_space<semaphore_mem>>
              %dma_start3A_105 = tpu.memref_slice %arg3[%mul3A_104] : memref<81920xi32, #tpu.memory_space<hbm>> -> memref<128xi32, #tpu.memory_space<hbm>>
              %dma_start3A_106 = tpu.memref_slice %arg3[%mul3A_104] : memref<81920xi32, #tpu.memory_space<hbm>> -> memref<128xi32, #tpu.memory_space<hbm>>
              tpu.enqueue_dma source(%dma_start3A_106 : memref<128xi32, #tpu.memory_space<hbm>>) target(%arg8 : memref<128xi32, #tpu.memory_space<vmem>>) target_semaphore(%run_scoped3A : memref<!tpu.dma_semaphore, #tpu.memory_space<semaphore_mem>>)
              %dma_wait3A_107 = tpu.memref_slice %arg3[%mul3A_104] : memref<81920xi32, #tpu.memory_space<hbm>> -> memref<128xi32, #tpu.memory_space<hbm>>
              %dma_wait3A_108 = tpu.memref_slice %arg3[%mul3A_104] : memref<81920xi32, #tpu.memory_space<hbm>> -> memref<128xi32, #tpu.memory_space<hbm>>
              tpu.wait_dma2 semaphore(%run_scoped3A : memref<!tpu.dma_semaphore, #tpu.memory_space<semaphore_mem>>) src(%dma_wait3A_108 : memref<128xi32, #tpu.memory_space<hbm>>) dst(%arg8 : memref<128xi32, #tpu.memory_space<vmem>>)
              tpu.yield
            }) : () -> ()
          } else {
          }
          %ge3A = arith.constant 640 : i32
          %ge3A_97 = arith.cmpi sge, %add3A_76, %ge3A : i32
          %convert_element_type3A_98 = arith.extui %ge3A_97 : i1 to i32
          %cond3A_99 = arith.constant 0 : i32
          %cond3A_100 = arith.cmpi ne, %convert_element_type3A_98, %cond3A_99 : i32
          scf.if %cond3A_100 {
            %sub3A = arith.constant 640 : i32
            %sub3A_103 = arith.subi %add3A_76, %sub3A : i32
            %mul3A_104 = arith.constant 128 : i32
            %mul3A_105 = arith.muli %sub3A_103, %mul3A_104 : i32
            "tpu.region"() ({
              %run_scoped3A = tpu.sem_alloc : memref<!tpu.dma_semaphore, #tpu.memory_space<semaphore_mem>>
              %dma_start3A_106 = tpu.memref_slice %arg4[%mul3A_105] : memref<81920xi32, #tpu.memory_space<hbm>> -> memref<128xi32, #tpu.memory_space<hbm>>
              %dma_start3A_107 = tpu.memref_slice %arg4[%mul3A_105] : memref<81920xi32, #tpu.memory_space<hbm>> -> memref<128xi32, #tpu.memory_space<hbm>>
              tpu.enqueue_dma source(%dma_start3A_107 : memref<128xi32, #tpu.memory_space<hbm>>) target(%arg8 : memref<128xi32, #tpu.memory_space<vmem>>) target_semaphore(%run_scoped3A : memref<!tpu.dma_semaphore, #tpu.memory_space<semaphore_mem>>)
              %dma_wait3A_108 = tpu.memref_slice %arg4[%mul3A_105] : memref<81920xi32, #tpu.memory_space<hbm>> -> memref<128xi32, #tpu.memory_space<hbm>>
              %dma_wait3A_109 = tpu.memref_slice %arg4[%mul3A_105] : memref<81920xi32, #tpu.memory_space<hbm>> -> memref<128xi32, #tpu.memory_space<hbm>>
              tpu.wait_dma2 semaphore(%run_scoped3A : memref<!tpu.dma_semaphore, #tpu.memory_space<semaphore_mem>>) src(%dma_wait3A_109 : memref<128xi32, #tpu.memory_space<hbm>>) dst(%arg8 : memref<128xi32, #tpu.memory_space<vmem>>)
              tpu.yield
            }) : () -> ()
          } else {
          }
          %dma_start3A = arith.constant 0 : i32
          %dma_start3A_101 = arith.constant 0 : i32
          %dma_start3A_102 = tpu.memref_slice %arg2[%dma_start3A, %dma_start3A_101] : memref<10000x128xf32, #tpu.memory_space<hbm>> -> memref<10000x128xf32, #tpu.memory_space<hbm>>
          tpu.enqueue_indirect_dma source(%dma_start3A_102 : memref<10000x128xf32, #tpu.memory_space<hbm>>) target(%arg10 : memref<128x128xf32, #tpu.memory_space<vmem>>) offsets(%arg8 : memref<128xi32, #tpu.memory_space<vmem>>) semaphore(%arg12 : memref<!tpu.dma_semaphore, #tpu.memory_space<semaphore_mem>>)
        } else {
        }
      } else {
      }
    }
    %scan3A_14 = arith.constant 20 : i32
    %add3A_15 = arith.constant 0 : i32
    %add3A_16 = arith.addi %add3A, %add3A_15 : i32
    %lt3A_17 = arith.constant 1280 : i32
    %lt3A_18 = arith.cmpi slt, %add3A_16, %lt3A_17 : i32
    %convert_element_type3A_19 = arith.extui %lt3A_18 : i1 to i32
    %cond3A_20 = arith.constant 0 : i32
    %cond3A_21 = arith.cmpi ne, %convert_element_type3A_19, %cond3A_20 : i32
    scf.if %cond3A_21 {
      %dma_wait3A = arith.constant 0 : i32
      %dma_wait3A_29 = arith.constant 0 : i32
      %dma_wait3A_30 = tpu.memref_slice %arg5[%dma_wait3A, %dma_wait3A_29] : memref<81920x128xf32, #tpu.memory_space<hbm>> -> memref<128x128xf32, #tpu.memory_space<hbm>>
      %dma_wait3A_31 = arith.constant 0 : i32
      %dma_wait3A_32 = arith.constant 0 : i32
      %dma_wait3A_33 = tpu.memref_slice %arg5[%dma_wait3A_31, %dma_wait3A_32] : memref<81920x128xf32, #tpu.memory_space<hbm>> -> memref<128x128xf32, #tpu.memory_space<hbm>>
      tpu.wait_dma2 semaphore(%arg13 : memref<!tpu.dma_semaphore, #tpu.memory_space<semaphore_mem>>) src(%arg9 : memref<128x128xf32, #tpu.memory_space<vmem>>) dst(%dma_wait3A_33 : memref<128x128xf32, #tpu.memory_space<hbm>>)
    } else {
    }
    %add3A_22 = arith.constant 32 : i32
    %add3A_23 = arith.addi %add3A, %add3A_22 : i32
    %lt3A_24 = arith.constant 1280 : i32
    %lt3A_25 = arith.cmpi slt, %add3A_23, %lt3A_24 : i32
    %convert_element_type3A_26 = arith.extui %lt3A_25 : i1 to i32
    %cond3A_27 = arith.constant 0 : i32
    %cond3A_28 = arith.cmpi ne, %convert_element_type3A_26, %cond3A_27 : i32
    scf.if %cond3A_28 {
      %dma_wait3A = arith.constant 0 : i32
      %dma_wait3A_29 = arith.constant 0 : i32
      %dma_wait3A_30 = tpu.memref_slice %arg5[%dma_wait3A, %dma_wait3A_29] : memref<81920x128xf32, #tpu.memory_space<hbm>> -> memref<128x128xf32, #tpu.memory_space<hbm>>
      %dma_wait3A_31 = arith.constant 0 : i32
      %dma_wait3A_32 = arith.constant 0 : i32
      %dma_wait3A_33 = tpu.memref_slice %arg5[%dma_wait3A_31, %dma_wait3A_32] : memref<81920x128xf32, #tpu.memory_space<hbm>> -> memref<128x128xf32, #tpu.memory_space<hbm>>
      tpu.wait_dma2 semaphore(%arg14 : memref<!tpu.dma_semaphore, #tpu.memory_space<semaphore_mem>>) src(%arg10 : memref<128x128xf32, #tpu.memory_space<vmem>>) dst(%dma_wait3A_33 : memref<128x128xf32, #tpu.memory_space<hbm>>)
    } else {
    }
    return
  }
}

module attributes {stable_mosaic.version = 14 : i64} {
  func.func @_mlp_body(%arg0: i32, %arg1: memref<2048x128xf32, #tpu.memory_space<vmem>>, %arg2: memref<2048x128xf32, #tpu.memory_space<vmem>>, %arg3: memref<2048x128xf32, #tpu.memory_space<vmem>>, %arg4: memref<384x256xf32, #tpu.memory_space<vmem>>, %arg5: memref<1x256xf32, #tpu.memory_space<vmem>>, %arg6: memref<128x128xf32, #tpu.memory_space<vmem>>, %arg7: memref<1x128xf32, #tpu.memory_space<vmem>>, %arg8: memref<128x1xf32, #tpu.memory_space<vmem>>, %arg9: memref<1x1xf32, #tpu.memory_space<vmem>>, %arg10: memref<2048x128xf32, #tpu.memory_space<vmem>>, %arg11: memref<2048x128xf32, #tpu.memory_space<vmem>>, %arg12: memref<16x128xf32, #tpu.memory_space<vmem>>) attributes {dimension_semantics = [#tpu.dimension_semantics<arbitrary>], iteration_bounds = array<i64: 40>, scalar_prefetch = 0 : i64, scratch_operands = 0 : i64, tpu.core_type = #tpu.core_type<tc>, window_params = [{transform_indices = @transform_0, window_bounds = array<i64: 2048, 128>}, {transform_indices = @transform_1, window_bounds = array<i64: 2048, 128>}, {transform_indices = @transform_2, window_bounds = array<i64: 2048, 128>}, {pipeline_mode = #tpu.pipeline_mode<synchronous>, transform_indices = @transform_3, window_bounds = array<i64: 384, 256>}, {pipeline_mode = #tpu.pipeline_mode<synchronous>, transform_indices = @transform_4, window_bounds = array<i64: 1, 256>}, {pipeline_mode = #tpu.pipeline_mode<synchronous>, transform_indices = @transform_5, window_bounds = array<i64: 128, 128>}, {pipeline_mode = #tpu.pipeline_mode<synchronous>, transform_indices = @transform_6, window_bounds = array<i64: 1, 128>}, {pipeline_mode = #tpu.pipeline_mode<synchronous>, transform_indices = @transform_7, window_bounds = array<i64: 128, 1>}, {pipeline_mode = #tpu.pipeline_mode<synchronous>, transform_indices = @transform_8, window_bounds = array<i64: 1, 1>}, {transform_indices = @transform_9, window_bounds = array<i64: 2048, 128>}, {transform_indices = @transform_10, window_bounds = array<i64: 2048, 128>}, {transform_indices = @transform_11, window_bounds = array<i64: 16, 128>}]} {
    %get3A = arith.constant 0 : index
    %get3A_0 = arith.constant 0 : index
    %get3A_1 = vector.load %arg4[%get3A, %get3A_0] : memref<384x256xf32, #tpu.memory_space<vmem>>, vector<384x256xf32>
    %get3A_2 = arith.constant 0 : index
    %get3A_3 = arith.constant 0 : index
    %get3A_4 = vector.load %arg1[%get3A_2, %get3A_3] : memref<2048x128xf32, #tpu.memory_space<vmem>>, vector<2048x128xf32>
    %slice3A = vector.extract_strided_slice %get3A_1 {offsets = [0, 0], sizes = [128, 256], strides = [1, 1]} : vector<384x256xf32> to vector<128x256xf32>
    %dot_general3A = arith.constant dense<0.000000e+00> : vector<2048x256xf32>
    %dot_general3A_5 = tpu.matmul %get3A_4, %slice3A, %dot_general3A {dimension_numbers = #tpu.dot_dimension_numbers<[1], [0], [0], [1], [0, 0, 1, 1], [], []>, transpose_lhs_hint = false} : vector<2048x128xf32>, vector<128x256xf32>, vector<2048x256xf32> -> vector<2048x256xf32>
    %get3A_6 = arith.constant 0 : index
    %get3A_7 = arith.constant 0 : index
    %get3A_8 = vector.load %arg2[%get3A_6, %get3A_7] : memref<2048x128xf32, #tpu.memory_space<vmem>>, vector<2048x128xf32>
    %slice3A_9 = vector.extract_strided_slice %get3A_1 {offsets = [128, 0], sizes = [128, 256], strides = [1, 1]} : vector<384x256xf32> to vector<128x256xf32>
    %dot_general3A_10 = arith.constant dense<0.000000e+00> : vector<2048x256xf32>
    %dot_general3A_11 = tpu.matmul %get3A_8, %slice3A_9, %dot_general3A_10 {dimension_numbers = #tpu.dot_dimension_numbers<[1], [0], [0], [1], [0, 0, 1, 1], [], []>, transpose_lhs_hint = false} : vector<2048x128xf32>, vector<128x256xf32>, vector<2048x256xf32> -> vector<2048x256xf32>
    %add3A = arith.addf %dot_general3A_5, %dot_general3A_11 : vector<2048x256xf32>
    %get3A_12 = arith.constant 0 : index
    %get3A_13 = arith.constant 0 : index
    %get3A_14 = vector.load %arg3[%get3A_12, %get3A_13] : memref<2048x128xf32, #tpu.memory_space<vmem>>, vector<2048x128xf32>
    %slice3A_15 = vector.extract_strided_slice %get3A_1 {offsets = [256, 0], sizes = [128, 256], strides = [1, 1]} : vector<384x256xf32> to vector<128x256xf32>
    %dot_general3A_16 = arith.constant dense<0.000000e+00> : vector<2048x256xf32>
    %dot_general3A_17 = tpu.matmul %get3A_14, %slice3A_15, %dot_general3A_16 {dimension_numbers = #tpu.dot_dimension_numbers<[1], [0], [0], [1], [0, 0, 1, 1], [], []>, transpose_lhs_hint = false} : vector<2048x128xf32>, vector<128x256xf32>, vector<2048x256xf32> -> vector<2048x256xf32>
    %add3A_18 = arith.addf %add3A, %dot_general3A_17 : vector<2048x256xf32>
    %get3A_19 = arith.constant 0 : index
    %get3A_20 = arith.constant 0 : index
    %get3A_21 = vector.load %arg5[%get3A_19, %get3A_20] : memref<1x256xf32, #tpu.memory_space<vmem>>, vector<1x256xf32>
    %add3A_22 = vector.broadcast %get3A_21 : vector<1x256xf32> to vector<2048x256xf32>
    %add3A_23 = arith.addf %add3A_18, %add3A_22 : vector<2048x256xf32>
    %max3A = arith.constant 0.000000e+00 : f32
    %max3A_24 = vector.broadcast %max3A : f32 to vector<2048x256xf32>
    %max3A_25 = arith.maximumf %add3A_23, %max3A_24 : vector<2048x256xf32>
    %slice3A_26 = vector.extract_strided_slice %max3A_25 {offsets = [0, 0], sizes = [2048, 128], strides = [1, 1]} : vector<2048x256xf32> to vector<2048x128xf32>
    %get3A_27 = arith.constant 0 : index
    %get3A_28 = arith.constant 0 : index
    %get3A_29 = vector.load %arg6[%get3A_27, %get3A_28] : memref<128x128xf32, #tpu.memory_space<vmem>>, vector<128x128xf32>
    %dot_general3A_30 = arith.constant dense<0.000000e+00> : vector<2048x128xf32>
    %dot_general3A_31 = tpu.matmul %slice3A_26, %get3A_29, %dot_general3A_30 {dimension_numbers = #tpu.dot_dimension_numbers<[1], [0], [0], [1], [0, 0, 1, 1], [], []>, transpose_lhs_hint = false} : vector<2048x128xf32>, vector<128x128xf32>, vector<2048x128xf32> -> vector<2048x128xf32>
    %get3A_32 = arith.constant 0 : index
    %get3A_33 = arith.constant 0 : index
    %get3A_34 = vector.load %arg7[%get3A_32, %get3A_33] : memref<1x128xf32, #tpu.memory_space<vmem>>, vector<1x128xf32>
    %add3A_35 = vector.broadcast %get3A_34 : vector<1x128xf32> to vector<2048x128xf32>
    %add3A_36 = arith.addf %dot_general3A_31, %add3A_35 : vector<2048x128xf32>
    %swap3A = arith.constant 0 : index
    %swap3A_37 = arith.constant 0 : index
    %swap3A_38 = vector.load %arg10[%swap3A, %swap3A_37] : memref<2048x128xf32, #tpu.memory_space<vmem>>, vector<2048x128xf32>
    tpu.vector_store %arg10[%swap3A, %swap3A_37], %add3A_36 {strides = array<i32>} : memref<2048x128xf32, #tpu.memory_space<vmem>>, vector<2048x128xf32>,
    %slice3A_39 = vector.extract_strided_slice %max3A_25 {offsets = [0, 128], sizes = [2048, 128], strides = [1, 1]} : vector<2048x256xf32> to vector<2048x128xf32>
    %get3A_40 = arith.constant 0 : index
    %get3A_41 = arith.constant 0 : index
    %get3A_42 = vector.load %arg8[%get3A_40, %get3A_41] : memref<128x1xf32, #tpu.memory_space<vmem>>, vector<128x1xf32>
    %dot_general3A_43 = arith.constant dense<0.000000e+00> : vector<2048x1xf32>
    %dot_general3A_44 = tpu.matmul %slice3A_39, %get3A_42, %dot_general3A_43 {dimension_numbers = #tpu.dot_dimension_numbers<[1], [0], [0], [1], [0, 0, 1, 1], [], []>, transpose_lhs_hint = false} : vector<2048x128xf32>, vector<128x1xf32>, vector<2048x1xf32> -> vector<2048x1xf32>
    %get3A_45 = arith.constant 0 : index
    %get3A_46 = arith.constant 0 : index
    %get3A_47 = vector.load %arg9[%get3A_45, %get3A_46] : memref<1x1xf32, #tpu.memory_space<vmem>>, vector<1x1xf32>
    %add3A_48 = vector.broadcast %get3A_47 : vector<1x1xf32> to vector<2048x1xf32>
    %add3A_49 = arith.addf %dot_general3A_44, %add3A_48 : vector<2048x1xf32>
    %exp3A = math.exp %add3A_49 : vector<2048x1xf32>
    %mul3A = vector.broadcast %exp3A : vector<2048x1xf32> to vector<2048x128xf32>
    %mul3A_50 = arith.mulf %add3A_36, %mul3A : vector<2048x128xf32>
    %swap3A_51 = arith.constant 0 : index
    %swap3A_52 = arith.constant 0 : index
    %swap3A_53 = vector.load %arg11[%swap3A_51, %swap3A_52] : memref<2048x128xf32, #tpu.memory_space<vmem>>, vector<2048x128xf32>
    tpu.vector_store %arg11[%swap3A_51, %swap3A_52], %mul3A_50 {strides = array<i32>} : memref<2048x128xf32, #tpu.memory_space<vmem>>, vector<2048x128xf32>,
    %reshape3A = vector.shape_cast %exp3A : vector<2048x1xf32> to vector<16x128xf32>
    %swap3A_54 = arith.constant 0 : index
    %swap3A_55 = arith.constant 0 : index
    %swap3A_56 = vector.load %arg12[%swap3A_54, %swap3A_55] : memref<16x128xf32, #tpu.memory_space<vmem>>, vector<16x128xf32>
    tpu.vector_store %arg12[%swap3A_54, %swap3A_55], %reshape3A {strides = array<i32>} : memref<16x128xf32, #tpu.memory_space<vmem>>, vector<16x128xf32>,
    return
  }
  func.func @transform_0(%arg0: i32) -> (i32, i32) {
    %add3A = arith.constant 0 : i32
    %add3A_0 = arith.addi %arg0, %add3A : i32
    %c0_i32 = arith.constant 0 : i32
    %c0_i32_1 = arith.constant 0 : i32
    return %add3A_0, %c0_i32 : i32, i32
  }
  func.func @transform_1(%arg0: i32) -> (i32, i32) {
    %c0_i32 = arith.constant 0 : i32
    %c0_i32_0 = arith.constant 0 : i32
    return %arg0, %c0_i32 : i32, i32
  }
  func.func @transform_2(%arg0: i32) -> (i32, i32) {
    %c0_i32 = arith.constant 0 : i32
    %c0_i32_0 = arith.constant 0 : i32
    return %arg0, %c0_i32 : i32, i32
  }
  func.func @transform_3(%arg0: i32) -> (i32, i32) {
    %c0_i32 = arith.constant 0 : i32
    %c0_i32_0 = arith.constant 0 : i32
    %c0_i32_1 = arith.constant 0 : i32
    return %c0_i32, %c0_i32_0 : i32, i32
  }
  func.func @transform_4(%arg0: i32) -> (i32, i32) {
    %c0_i32 = arith.constant 0 : i32
    %c0_i32_0 = arith.constant 0 : i32
    %c0_i32_1 = arith.constant 0 : i32
    return %c0_i32, %c0_i32_0 : i32, i32
  }
  func.func @transform_5(%arg0: i32) -> (i32, i32) {
    %c0_i32 = arith.constant 0 : i32
    %c0_i32_0 = arith.constant 0 : i32
    %c0_i32_1 = arith.constant 0 : i32
    return %c0_i32, %c0_i32_0 : i32, i32
  }
  func.func @transform_6(%arg0: i32) -> (i32, i32) {
    %c0_i32 = arith.constant 0 : i32
    %c0_i32_0 = arith.constant 0 : i32
    %c0_i32_1 = arith.constant 0 : i32
    return %c0_i32, %c0_i32_0 : i32, i32
  }
  func.func @transform_7(%arg0: i32) -> (i32, i32) {
    %c0_i32 = arith.constant 0 : i32
    %c0_i32_0 = arith.constant 0 : i32
    %c0_i32_1 = arith.constant 0 : i32
    return %c0_i32, %c0_i32_0 : i32, i32
  }
  func.func @transform_8(%arg0: i32) -> (i32, i32) {
    %c0_i32 = arith.constant 0 : i32
    %c0_i32_0 = arith.constant 0 : i32
    %c0_i32_1 = arith.constant 0 : i32
    return %c0_i32, %c0_i32_0 : i32, i32
  }
  func.func @transform_9(%arg0: i32) -> (i32, i32) {
    %add3A = arith.constant 0 : i32
    %add3A_0 = arith.addi %arg0, %add3A : i32
    %c0_i32 = arith.constant 0 : i32
    %c0_i32_1 = arith.constant 0 : i32
    return %add3A_0, %c0_i32 : i32, i32
  }
  func.func @transform_10(%arg0: i32) -> (i32, i32) {
    %c0_i32 = arith.constant 0 : i32
    %c0_i32_0 = arith.constant 0 : i32
    return %arg0, %c0_i32 : i32, i32
  }
  func.func @transform_11(%arg0: i32) -> (i32, i32) {
    %c0_i32 = arith.constant 0 : i32
    %c0_i32_0 = arith.constant 0 : i32
    return %arg0, %c0_i32 : i32, i32
  }
}

module attributes {stable_mosaic.version = 14 : i64} {
  func.func @_alias_mlp_body(%arg0: i32, %arg1: memref<2048x128xf32, #tpu.memory_space<vmem>>, %arg2: memref<2048x128xf32, #tpu.memory_space<vmem>>, %arg3: memref<2048x128xf32, #tpu.memory_space<vmem>>, %arg4: memref<384x256xf32, #tpu.memory_space<vmem>>, %arg5: memref<1x256xf32, #tpu.memory_space<vmem>>, %arg6: memref<128x128xf32, #tpu.memory_space<vmem>>, %arg7: memref<1x128xf32, #tpu.memory_space<vmem>>, %arg8: memref<128x1xf32, #tpu.memory_space<vmem>>, %arg9: memref<1x1xf32, #tpu.memory_space<vmem>>, %arg10: memref<160000x128xf32, #tpu.memory_space<any>>, %arg11: memref<2048x128xf32, #tpu.memory_space<vmem>>, %arg12: memref<2048x128xf32, #tpu.memory_space<vmem>>, %arg13: memref<16x128xf32, #tpu.memory_space<vmem>>) attributes {dimension_semantics = [#tpu.dimension_semantics<arbitrary>], iteration_bounds = array<i64: 39>, scalar_prefetch = 0 : i64, scratch_operands = 0 : i64, tpu.core_type = #tpu.core_type<tc>, window_params = [{transform_indices = @transform_0, window_bounds = array<i64: 2048, 128>}, {transform_indices = @transform_1, window_bounds = array<i64: 2048, 128>}, {transform_indices = @transform_2, window_bounds = array<i64: 2048, 128>}, {pipeline_mode = #tpu.pipeline_mode<synchronous>, transform_indices = @transform_3, window_bounds = array<i64: 384, 256>}, {pipeline_mode = #tpu.pipeline_mode<synchronous>, transform_indices = @transform_4, window_bounds = array<i64: 1, 256>}, {pipeline_mode = #tpu.pipeline_mode<synchronous>, transform_indices = @transform_5, window_bounds = array<i64: 128, 128>}, {pipeline_mode = #tpu.pipeline_mode<synchronous>, transform_indices = @transform_6, window_bounds = array<i64: 1, 128>}, {pipeline_mode = #tpu.pipeline_mode<synchronous>, transform_indices = @transform_7, window_bounds = array<i64: 128, 1>}, {pipeline_mode = #tpu.pipeline_mode<synchronous>, transform_indices = @transform_8, window_bounds = array<i64: 1, 1>}, {}, {transform_indices = @transform_10, window_bounds = array<i64: 2048, 128>}, {transform_indices = @transform_11, window_bounds = array<i64: 2048, 128>}, {transform_indices = @transform_12, window_bounds = array<i64: 16, 128>}]} {
    %get3A = arith.constant 0 : index
    %get3A_0 = arith.constant 0 : index
    %get3A_1 = vector.load %arg4[%get3A, %get3A_0] : memref<384x256xf32, #tpu.memory_space<vmem>>, vector<384x256xf32>
    %get3A_2 = arith.constant 0 : index
    %get3A_3 = arith.constant 0 : index
    %get3A_4 = vector.load %arg1[%get3A_2, %get3A_3] : memref<2048x128xf32, #tpu.memory_space<vmem>>, vector<2048x128xf32>
    %slice3A = vector.extract_strided_slice %get3A_1 {offsets = [0, 0], sizes = [128, 256], strides = [1, 1]} : vector<384x256xf32> to vector<128x256xf32>
    %dot_general3A = arith.constant dense<0.000000e+00> : vector<2048x256xf32>
    %dot_general3A_5 = tpu.matmul %get3A_4, %slice3A, %dot_general3A {dimension_numbers = #tpu.dot_dimension_numbers<[1], [0], [0], [1], [0, 0, 1, 1], [], []>, transpose_lhs_hint = false} : vector<2048x128xf32>, vector<128x256xf32>, vector<2048x256xf32> -> vector<2048x256xf32>
    %get3A_6 = arith.constant 0 : index
    %get3A_7 = arith.constant 0 : index
    %get3A_8 = vector.load %arg2[%get3A_6, %get3A_7] : memref<2048x128xf32, #tpu.memory_space<vmem>>, vector<2048x128xf32>
    %slice3A_9 = vector.extract_strided_slice %get3A_1 {offsets = [128, 0], sizes = [128, 256], strides = [1, 1]} : vector<384x256xf32> to vector<128x256xf32>
    %dot_general3A_10 = arith.constant dense<0.000000e+00> : vector<2048x256xf32>
    %dot_general3A_11 = tpu.matmul %get3A_8, %slice3A_9, %dot_general3A_10 {dimension_numbers = #tpu.dot_dimension_numbers<[1], [0], [0], [1], [0, 0, 1, 1], [], []>, transpose_lhs_hint = false} : vector<2048x128xf32>, vector<128x256xf32>, vector<2048x256xf32> -> vector<2048x256xf32>
    %add3A = arith.addf %dot_general3A_5, %dot_general3A_11 : vector<2048x256xf32>
    %get3A_12 = arith.constant 0 : index
    %get3A_13 = arith.constant 0 : index
    %get3A_14 = vector.load %arg3[%get3A_12, %get3A_13] : memref<2048x128xf32, #tpu.memory_space<vmem>>, vector<2048x128xf32>
    %slice3A_15 = vector.extract_strided_slice %get3A_1 {offsets = [256, 0], sizes = [128, 256], strides = [1, 1]} : vector<384x256xf32> to vector<128x256xf32>
    %dot_general3A_16 = arith.constant dense<0.000000e+00> : vector<2048x256xf32>
    %dot_general3A_17 = tpu.matmul %get3A_14, %slice3A_15, %dot_general3A_16 {dimension_numbers = #tpu.dot_dimension_numbers<[1], [0], [0], [1], [0, 0, 1, 1], [], []>, transpose_lhs_hint = false} : vector<2048x128xf32>, vector<128x256xf32>, vector<2048x256xf32> -> vector<2048x256xf32>
    %add3A_18 = arith.addf %add3A, %dot_general3A_17 : vector<2048x256xf32>
    %get3A_19 = arith.constant 0 : index
    %get3A_20 = arith.constant 0 : index
    %get3A_21 = vector.load %arg5[%get3A_19, %get3A_20] : memref<1x256xf32, #tpu.memory_space<vmem>>, vector<1x256xf32>
    %add3A_22 = vector.broadcast %get3A_21 : vector<1x256xf32> to vector<2048x256xf32>
    %add3A_23 = arith.addf %add3A_18, %add3A_22 : vector<2048x256xf32>
    %max3A = arith.constant 0.000000e+00 : f32
    %max3A_24 = vector.broadcast %max3A : f32 to vector<2048x256xf32>
    %max3A_25 = arith.maximumf %add3A_23, %max3A_24 : vector<2048x256xf32>
    %slice3A_26 = vector.extract_strided_slice %max3A_25 {offsets = [0, 0], sizes = [2048, 128], strides = [1, 1]} : vector<2048x256xf32> to vector<2048x128xf32>
    %get3A_27 = arith.constant 0 : index
    %get3A_28 = arith.constant 0 : index
    %get3A_29 = vector.load %arg6[%get3A_27, %get3A_28] : memref<128x128xf32, #tpu.memory_space<vmem>>, vector<128x128xf32>
    %dot_general3A_30 = arith.constant dense<0.000000e+00> : vector<2048x128xf32>
    %dot_general3A_31 = tpu.matmul %slice3A_26, %get3A_29, %dot_general3A_30 {dimension_numbers = #tpu.dot_dimension_numbers<[1], [0], [0], [1], [0, 0, 1, 1], [], []>, transpose_lhs_hint = false} : vector<2048x128xf32>, vector<128x128xf32>, vector<2048x128xf32> -> vector<2048x128xf32>
    %get3A_32 = arith.constant 0 : index
    %get3A_33 = arith.constant 0 : index
    %get3A_34 = vector.load %arg7[%get3A_32, %get3A_33] : memref<1x128xf32, #tpu.memory_space<vmem>>, vector<1x128xf32>
    %add3A_35 = vector.broadcast %get3A_34 : vector<1x128xf32> to vector<2048x128xf32>
    %add3A_36 = arith.addf %dot_general3A_31, %add3A_35 : vector<2048x128xf32>
    %swap3A = arith.constant 0 : index
    %swap3A_37 = arith.constant 0 : index
    %swap3A_38 = vector.load %arg11[%swap3A, %swap3A_37] : memref<2048x128xf32, #tpu.memory_space<vmem>>, vector<2048x128xf32>
    tpu.vector_store %arg11[%swap3A, %swap3A_37], %add3A_36 {strides = array<i32>} : memref<2048x128xf32, #tpu.memory_space<vmem>>, vector<2048x128xf32>,
    %slice3A_39 = vector.extract_strided_slice %max3A_25 {offsets = [0, 128], sizes = [2048, 128], strides = [1, 1]} : vector<2048x256xf32> to vector<2048x128xf32>
    %get3A_40 = arith.constant 0 : index
    %get3A_41 = arith.constant 0 : index
    %get3A_42 = vector.load %arg8[%get3A_40, %get3A_41] : memref<128x1xf32, #tpu.memory_space<vmem>>, vector<128x1xf32>
    %dot_general3A_43 = arith.constant dense<0.000000e+00> : vector<2048x1xf32>
    %dot_general3A_44 = tpu.matmul %slice3A_39, %get3A_42, %dot_general3A_43 {dimension_numbers = #tpu.dot_dimension_numbers<[1], [0], [0], [1], [0, 0, 1, 1], [], []>, transpose_lhs_hint = false} : vector<2048x128xf32>, vector<128x1xf32>, vector<2048x1xf32> -> vector<2048x1xf32>
    %get3A_45 = arith.constant 0 : index
    %get3A_46 = arith.constant 0 : index
    %get3A_47 = vector.load %arg9[%get3A_45, %get3A_46] : memref<1x1xf32, #tpu.memory_space<vmem>>, vector<1x1xf32>
    %add3A_48 = vector.broadcast %get3A_47 : vector<1x1xf32> to vector<2048x1xf32>
    %add3A_49 = arith.addf %dot_general3A_44, %add3A_48 : vector<2048x1xf32>
    %exp3A = math.exp %add3A_49 : vector<2048x1xf32>
    %mul3A = vector.broadcast %exp3A : vector<2048x1xf32> to vector<2048x128xf32>
    %mul3A_50 = arith.mulf %add3A_36, %mul3A : vector<2048x128xf32>
    %swap3A_51 = arith.constant 0 : index
    %swap3A_52 = arith.constant 0 : index
    %swap3A_53 = vector.load %arg12[%swap3A_51, %swap3A_52] : memref<2048x128xf32, #tpu.memory_space<vmem>>, vector<2048x128xf32>
    tpu.vector_store %arg12[%swap3A_51, %swap3A_52], %mul3A_50 {strides = array<i32>} : memref<2048x128xf32, #tpu.memory_space<vmem>>, vector<2048x128xf32>,
    %reshape3A = vector.shape_cast %exp3A : vector<2048x1xf32> to vector<16x128xf32>
    %swap3A_54 = arith.constant 0 : index
    %swap3A_55 = arith.constant 0 : index
    %swap3A_56 = vector.load %arg13[%swap3A_54, %swap3A_55] : memref<16x128xf32, #tpu.memory_space<vmem>>, vector<16x128xf32>
    tpu.vector_store %arg13[%swap3A_54, %swap3A_55], %reshape3A {strides = array<i32>} : memref<16x128xf32, #tpu.memory_space<vmem>>, vector<16x128xf32>,
    return
  }
  func.func @transform_0(%arg0: i32) -> (i32, i32) {
    %add3A = arith.constant 40 : i32
    %add3A_0 = arith.addi %arg0, %add3A : i32
    %c0_i32 = arith.constant 0 : i32
    %c0_i32_1 = arith.constant 0 : i32
    return %add3A_0, %c0_i32 : i32, i32
  }
  func.func @transform_1(%arg0: i32) -> (i32, i32) {
    %c0_i32 = arith.constant 0 : i32
    %c0_i32_0 = arith.constant 0 : i32
    return %arg0, %c0_i32 : i32, i32
  }
  func.func @transform_2(%arg0: i32) -> (i32, i32) {
    %c0_i32 = arith.constant 0 : i32
    %c0_i32_0 = arith.constant 0 : i32
    return %arg0, %c0_i32 : i32, i32
  }
  func.func @transform_3(%arg0: i32) -> (i32, i32) {
    %c0_i32 = arith.constant 0 : i32
    %c0_i32_0 = arith.constant 0 : i32
    %c0_i32_1 = arith.constant 0 : i32
    return %c0_i32, %c0_i32_0 : i32, i32
  }
  func.func @transform_4(%arg0: i32) -> (i32, i32) {
    %c0_i32 = arith.constant 0 : i32
    %c0_i32_0 = arith.constant 0 : i32
    %c0_i32_1 = arith.constant 0 : i32
    return %c0_i32, %c0_i32_0 : i32, i32
  }
  func.func @transform_5(%arg0: i32) -> (i32, i32) {
    %c0_i32 = arith.constant 0 : i32
    %c0_i32_0 = arith.constant 0 : i32
    %c0_i32_1 = arith.constant 0 : i32
    return %c0_i32, %c0_i32_0 : i32, i32
  }
  func.func @transform_6(%arg0: i32) -> (i32, i32) {
    %c0_i32 = arith.constant 0 : i32
    %c0_i32_0 = arith.constant 0 : i32
    %c0_i32_1 = arith.constant 0 : i32
    return %c0_i32, %c0_i32_0 : i32, i32
  }
  func.func @transform_7(%arg0: i32) -> (i32, i32) {
    %c0_i32 = arith.constant 0 : i32
    %c0_i32_0 = arith.constant 0 : i32
    %c0_i32_1 = arith.constant 0 : i32
    return %c0_i32, %c0_i32_0 : i32, i32
  }
  func.func @transform_8(%arg0: i32) -> (i32, i32) {
    %c0_i32 = arith.constant 0 : i32
    %c0_i32_0 = arith.constant 0 : i32
    %c0_i32_1 = arith.constant 0 : i32
    return %c0_i32, %c0_i32_0 : i32, i32
  }
  func.func @transform_10(%arg0: i32) -> (i32, i32) {
    %add3A = arith.constant 40 : i32
    %add3A_0 = arith.addi %arg0, %add3A : i32
    %c0_i32 = arith.constant 0 : i32
    %c0_i32_1 = arith.constant 0 : i32
    return %add3A_0, %c0_i32 : i32, i32
  }
  func.func @transform_11(%arg0: i32) -> (i32, i32) {
    %c0_i32 = arith.constant 0 : i32
    %c0_i32_0 = arith.constant 0 : i32
    return %arg0, %c0_i32 : i32, i32
  }
  func.func @transform_12(%arg0: i32) -> (i32, i32) {
    %c0_i32 = arith.constant 0 : i32
    %c0_i32_0 = arith.constant 0 : i32
    return %arg0, %c0_i32 : i32, i32
  }
}

module attributes {stable_mosaic.version = 14 : i64} {
  func.func @_fin_body(%arg0: i32, %arg1: memref<1000x128xf32, #tpu.memory_space<vmem>>, %arg2: memref<2x1000x128xf32, #tpu.memory_space<vmem>>, %arg3: memref<2x1000x128xf32, #tpu.memory_space<vmem>>, %arg4: memref<1000x1xf32, #tpu.memory_space<vmem>>, %arg5: memref<1000x1xf32, #tpu.memory_space<vmem>>, %arg6: memref<1000x1xf32, #tpu.memory_space<vmem>>, %arg7: memref<1000x1xf32, #tpu.memory_space<vmem>>, %arg8: memref<1000x128xf32, #tpu.memory_space<vmem>>) attributes {dimension_semantics = [#tpu.dimension_semantics<arbitrary>], iteration_bounds = array<i64: 10>, scalar_prefetch = 0 : i64, scratch_operands = 0 : i64, tpu.core_type = #tpu.core_type<tc>, window_params = [{transform_indices = @transform_0, window_bounds = array<i64: 1000, 128>}, {transform_indices = @transform_1, window_bounds = array<i64: 2, 1000, 128>}, {transform_indices = @transform_2, window_bounds = array<i64: 2, 1000, 128>}, {transform_indices = @transform_3, window_bounds = array<i64: 1000, 1>}, {transform_indices = @transform_4, window_bounds = array<i64: 1000, 1>}, {transform_indices = @transform_5, window_bounds = array<i64: 1000, 1>}, {transform_indices = @transform_6, window_bounds = array<i64: 1000, 1>}, {transform_indices = @transform_7, window_bounds = array<i64: 1000, 128>}]} {
    %get3A = arith.constant 0 : index
    %get3A_0 = arith.constant 0 : index
    %get3A_1 = vector.load %arg4[%get3A, %get3A_0] : memref<1000x1xf32, #tpu.memory_space<vmem>>, vector<1000x1xf32>
    %get3A_2 = arith.constant 0 : index
    %get3A_3 = arith.constant 0 : index
    %get3A_4 = vector.load %arg5[%get3A_2, %get3A_3] : memref<1000x1xf32, #tpu.memory_space<vmem>>, vector<1000x1xf32>
    %add3A = arith.addf %get3A_1, %get3A_4 : vector<1000x1xf32>
    %get3A_5 = arith.constant 0 : index
    %get3A_6 = arith.constant 0 : index
    %get3A_7 = vector.load %arg6[%get3A_5, %get3A_6] : memref<1000x1xf32, #tpu.memory_space<vmem>>, vector<1000x1xf32>
    %add3A_8 = arith.addf %add3A, %get3A_7 : vector<1000x1xf32>
    %get3A_9 = arith.constant 0 : index
    %get3A_10 = arith.constant 0 : index
    %get3A_11 = vector.load %arg7[%get3A_9, %get3A_10] : memref<1000x1xf32, #tpu.memory_space<vmem>>, vector<1000x1xf32>
    %add3A_12 = arith.addf %add3A_8, %get3A_11 : vector<1000x1xf32>
    %get3A_13 = arith.constant 0 : index
    %get3A_14 = arith.constant 0 : index
    %get3A_15 = arith.constant 0 : index
    %get3A_16 = vector.load %arg2[%get3A_13, %get3A_14, %get3A_15] : memref<2x1000x128xf32, #tpu.memory_space<vmem>>, vector<1x1000x128xf32>
    %get3A_17 = vector.shape_cast %get3A_16 : vector<1x1000x128xf32> to vector<1000x128xf32>
    %get3A_18 = arith.constant 1 : index
    %get3A_19 = arith.constant 0 : index
    %get3A_20 = arith.constant 0 : index
    %get3A_21 = vector.load %arg2[%get3A_18, %get3A_19, %get3A_20] : memref<2x1000x128xf32, #tpu.memory_space<vmem>>, vector<1x1000x128xf32>
    %get3A_22 = vector.shape_cast %get3A_21 : vector<1x1000x128xf32> to vector<1000x128xf32>
    %add3A_23 = arith.addf %get3A_17, %get3A_22 : vector<1000x128xf32>
    %get3A_24 = arith.constant 0 : index
    %get3A_25 = arith.constant 0 : index
    %get3A_26 = arith.constant 0 : index
    %get3A_27 = vector.load %arg3[%get3A_24, %get3A_25, %get3A_26] : memref<2x1000x128xf32, #tpu.memory_space<vmem>>, vector<1x1000x128xf32>
    %get3A_28 = vector.shape_cast %get3A_27 : vector<1x1000x128xf32> to vector<1000x128xf32>
    %add3A_29 = arith.addf %add3A_23, %get3A_28 : vector<1000x128xf32>
    %get3A_30 = arith.constant 1 : index
    %get3A_31 = arith.constant 0 : index
    %get3A_32 = arith.constant 0 : index
    %get3A_33 = vector.load %arg3[%get3A_30, %get3A_31, %get3A_32] : memref<2x1000x128xf32, #tpu.memory_space<vmem>>, vector<1x1000x128xf32>
    %get3A_34 = vector.shape_cast %get3A_33 : vector<1x1000x128xf32> to vector<1000x128xf32>
    %add3A_35 = arith.addf %add3A_29, %get3A_34 : vector<1000x128xf32>
    %gt3A = arith.constant 0.000000e+00 : f32
    %gt3A_36 = vector.broadcast %gt3A : f32 to vector<1000x1xf32>
    %gt3A_37 = arith.cmpf ogt, %add3A_12, %gt3A_36 : vector<1000x1xf32>
    %gt3A_38 = arith.constant 0.000000e+00 : f32
    %gt3A_39 = vector.broadcast %gt3A_38 : f32 to vector<1000x1xf32>
    %gt3A_40 = arith.cmpf ogt, %add3A_12, %gt3A_39 : vector<1000x1xf32>
    %jit3A = arith.constant 1.000000e+00 : f32
    %broadcast_in_dim3A = vector.broadcast %jit3A : f32 to vector<1000x1xf32>
    %select_n3A = arith.select %gt3A_40, %add3A_12, %broadcast_in_dim3A : vector<1000x1xi1>, vector<1000x1xf32>
    %div3A = vector.broadcast %select_n3A : vector<1000x1xf32> to vector<1000x128xf32>
    %div3A_41 = arith.divf %add3A_35, %div3A : vector<1000x128xf32>
    %jit3A_42 = arith.constant 0.000000e+00 : f32
    %broadcast_in_dim3A_43 = vector.shape_cast %gt3A_37 : vector<1000x1xi1> to vector<1000x1xi1>
    %broadcast_in_dim3A_44 = vector.broadcast %broadcast_in_dim3A_43 : vector<1000x1xi1> to vector<1000x128xi1>
    %broadcast_in_dim3A_45 = vector.broadcast %jit3A_42 : f32 to vector<1000x128xf32>
    %select_n3A_46 = arith.select %broadcast_in_dim3A_44, %div3A_41, %broadcast_in_dim3A_45 : vector<1000x128xi1>, vector<1000x128xf32>
    %get3A_47 = arith.constant 0 : index
    %get3A_48 = arith.constant 0 : index
    %get3A_49 = vector.load %arg1[%get3A_47, %get3A_48] : memref<1000x128xf32, #tpu.memory_space<vmem>>, vector<1000x128xf32>
    %max3A = arith.maximumf %get3A_49, %select_n3A_46 : vector<1000x128xf32>
    %swap3A = arith.constant 0 : index
    %swap3A_50 = arith.constant 0 : index
    %swap3A_51 = vector.load %arg8[%swap3A, %swap3A_50] : memref<1000x128xf32, #tpu.memory_space<vmem>>, vector<1000x128xf32>
    tpu.vector_store %arg8[%swap3A, %swap3A_50], %max3A {strides = array<i32>} : memref<1000x128xf32, #tpu.memory_space<vmem>>, vector<1000x128xf32>,
    return
  }
  func.func @transform_0(%arg0: i32) -> (i32, i32) {
    %c0_i32 = arith.constant 0 : i32
    %c0_i32_0 = arith.constant 0 : i32
    return %arg0, %c0_i32 : i32, i32
  }
  func.func @transform_1(%arg0: i32) -> (i32, i32, i32) {
    %c0_i32 = arith.constant 0 : i32
    %c0_i32_0 = arith.constant 0 : i32
    %c0_i32_1 = arith.constant 0 : i32
    return %c0_i32, %arg0, %c0_i32_0 : i32, i32, i32
  }
  func.func @transform_2(%arg0: i32) -> (i32, i32, i32) {
    %c0_i32 = arith.constant 0 : i32
    %c0_i32_0 = arith.constant 0 : i32
    %c0_i32_1 = arith.constant 0 : i32
    return %c0_i32, %arg0, %c0_i32_0 : i32, i32, i32
  }
  func.func @transform_3(%arg0: i32) -> (i32, i32) {
    %c0_i32 = arith.constant 0 : i32
    %c0_i32_0 = arith.constant 0 : i32
    return %arg0, %c0_i32 : i32, i32
  }
  func.func @transform_4(%arg0: i32) -> (i32, i32) {
    %c0_i32 = arith.constant 0 : i32
    %c0_i32_0 = arith.constant 0 : i32
    return %arg0, %c0_i32 : i32, i32
  }
  func.func @transform_5(%arg0: i32) -> (i32, i32) {
    %c0_i32 = arith.constant 0 : i32
    %c0_i32_0 = arith.constant 0 : i32
    return %arg0, %c0_i32 : i32, i32
  }
  func.func @transform_6(%arg0: i32) -> (i32, i32) {
    %c0_i32 = arith.constant 0 : i32
    %c0_i32_0 = arith.constant 0 : i32
    return %arg0, %c0_i32 : i32, i32
  }
  func.func @transform_7(%arg0: i32) -> (i32, i32) {
    %c0_i32 = arith.constant 0 : i32
    %c0_i32_0 = arith.constant 0 : i32
    return %arg0, %c0_i32 : i32, i32
  }
}

</mosaic_0001>

<sc_bundles>
// kernel: kernel.12.cloned.1.call-start
scs
__scs_entry_jumppad:
0x0: {  	(pc) =	sbr.rel $0x88, $3  }
0x1: {  	(tag) =	ssettag $0x0;
	lr =	simm.s32 $0x1  }
0x2: {  	[smem:$0x3F96] =	sst lr;
	_ =	strace $0xD0000000  }
0x3: {  	_ = 	snop  }
0x4: {  	_ = 	snop  }
0x5: {  	_ = 	snop  }
0x6: {  	_ = 	snop  }
0x7: {  	_ = 	snop  }
__scs_overlays_trampoline_lowered:
0x8: {  	[smem:$0x3FA5] =	sst s0  }
0x9: {  	[smem:$0x3FA6] =	sst s1  }
0xa: {  	[smem:$0x3FA7] =	sst s2  }
0xb: {  	[smem:$0x3FA8] =	sst s3  }
0xc: {  	[smem:$0x3FA9] =	sst s4  }
0xd: {  	[smem:$0x3FAA] =	sst s5  }
0xe: {  	[smem:$0x3FAB] =	sst s6  }
0xf: {  	[smem:$0x3FAC] =	sst s7  }
0x10: {  	[smem:$0x3FAD] =	sst s8  }
0x11: {  	[smem:$0x3FAE] =	sst s9;
	s0 =	simm.s32 @!p0 $0x0  }
0x12: {  	s1 =	sld [smem:$0x3F94];
	s0 =	simm.s32 @p0 $0x1  }
0x13: {  	[smem:$0x3FAF] =	sst s0;
	s0 =	simm.s32 @!p1 $0x0  }
0x14: {  	s2 =	sld [smem:$0x3F93];
	s0 =	simm.s32 @p1 $0x1  }
0x15: {  	[smem:$0x3FB0] =	sst s0;
	s0 =	simm.s32 @!p2 $0x0  }
0x16: {  	s3 =	sld [smem:$0x3FDB];
	s0 =	simm.s32 @p2 $0x1  }
0x17: {  	s4 =	simm.s32 $0x1BF5;
	[smem:$0x3FB2] =	sst s0  }
0x18: {  	s0 =	sld [smem:$0x3F95];
	_ =	swait.ge [sflag:s4], $0x0  }
0x19: {  	s7 =	sld [smem:$0x3F96]  }
0x1a: {  	s8 =	sadd.s32 $0xFFFFE003, lr  }
0x1b: {  	s9 =	sadd.s32 $0xFFFFFEF7, lr;
	s5 =	simm.s32 $0xFFFFFFFF;
	p2 =	slt.u32 s8, $0xFFFFF086  }
0x1c: {  	p1 =	slt.u32 s9, $0xF7A;
	s5 =	simm.s32 @!p2 $0x0  }
0x1d: {  	s5 =	simm.s32 @p1 $0x1;
	p0 =	seq.s32 s7, s2  }
0x1e: {  	s7 =	smul.u32 @!p0 $0xF7A, s2;
	p2 =	seq.s32 @!p0 s5, $0x0  }
0x1f: {  	s9 =	smul.u32 $0xF7A, s1;
	s8 =	simm.s32 @!p0 $0x1BF5;
	p2 =	por !p2, p0  }
0x20: {  	[sflag:s8] =	ssyncset.s32 @!p0 $0xFFFFF086;
	s6 =	sadd.s32 @!p0 s3, s7;
	s7 =	simm.s32 @!p0 $0x108  }
0x21: {  	s3 =	sadd.s32 s3, s9;
	s6 =	sadd.s32 @!p0 $0x88, s6;
	s7 =	simm.s32 @p2 $0x1082  }
0x22: {  	[simem:s7], [sflag:s8] =	dma.local @!p0 [hbm:s6], $0xF7A  }
0x23: {  	s9 =	sor.u32 $0xD0000000, s2;
	s6 =	simm.s32 $0x108;
	_ =	swait.ge @!p0 [sflag:s8], $0x0  }
0x24: {  	s3 =	sadd.s32 $0x88, s3;
	s6 =	simm.s32 @!p1 $0x1082;
	[sflag:s4] =	ssyncset.s32 $0xFFFFF086  }
0x25: {  	[simem:s6], [sflag:s4] =	dma.local [hbm:s3], $0xF7A  }
0x26: {  	[smem:$0x3F96] =	sst s1;
	(tag) =	ssettag s2;
	_ =	strace s9  }
0x27: {  	s1 =	sld [smem:$0x3FA6]  }
0x28: {  	s2 =	sld [smem:$0x3FA7]  }
0x29: {  	s4 =	sld [smem:$0x3FA9]  }
0x2a: {  	p0 =	seq.s32 s5, $0x0;
	s5 =	sld [smem:$0x3FAA]  }
0x2b: {  	s6 =	sld [smem:$0x3FAB]  }
0x2c: {  	s7 =	sld [smem:$0x3FAC]  }
0x2d: {  	s3 =	simm.s32 $0x108;
	s8 =	sld [smem:$0x3FAD]  }
0x2e: {  	s3 =	simm.s32 @!p0 $0x1082;
	s9 =	sld [smem:$0x3FAE]  }
0x2f: {  	lr =	sadd.s32 s0, s3;
	s0 =	sld [smem:$0x3FA5]  }
0x30: {  	s3 =	sld [smem:$0x3FA8]  }
0x31: {  	[smem:$0x3FB1] =	sst s10  }
0x32: {  	s10 =	sld [smem:$0x3FAF];
	_ =	sdelay $0x3  }
0x33: {  	p0 =	seq.s32 s10, $0x1;
	s10 =	sld [smem:$0x3FB1];
	_ =	sdelay $0x3  }
0x34: {  	[smem:$0x3FB1] =	sst s10  }
0x35: {  	s10 =	sld [smem:$0x3FB0];
	_ =	sdelay $0x3  }
0x36: {  	p1 =	seq.s32 s10, $0x1;
	s10 =	sld [smem:$0x3FB1];
	_ =	sdelay $0x3  }
0x37: {  	[smem:$0x3FB1] =	sst s10  }
0x38: {  	s10 =	sld [smem:$0x3FB2]  }
0x39: {  	_ = 	snop;
	(pc) =	sbr.ind lr, $3  }
0x3a: {  	_ = 	snop  }
0x3b: {  	_ = 	snop  }
0x3c: {  	p2 =	seq.s32 s10, $0x1;
	s10 =	sld [smem:$0x3FB1]  }
0x3d: {  	_ =	shalt  }
0x3e: {  	_ =	shalt  }
0x3f: {  	_ =	shalt  }
0x40: {  	_ =	shalt  }
0x41: {  	_ =	shalt  }
0x42: {  	_ =	shalt  }
0x43: {  	_ =	shalt  }
0x44: {  	_ =	shalt  }
0x45: {  	_ =	shalt  }
0x46: {  	_ =	shalt  }
0x47: {  	_ =	shalt  }
0x48: {  	_ =	shalt  }
0x49: {  	_ =	shalt  }
0x4a: {  	_ =	shalt  }
0x4b: {  	_ =	shalt  }
0x4c: {  	_ =	shalt  }
0x4d: {  	_ =	shalt  }
0x4e: {  	_ =	shalt  }
0x4f: {  	_ =	shalt  }
0x50: {  	_ =	shalt  }
0x51: {  	_ =	shalt  }
0x52: {  	_ =	shalt  }
0x53: {  	_ =	shalt  }
0x54: {  	_ =	shalt  }
0x55: {  	_ =	shalt  }
0x56: {  	_ =	shalt  }
0x57: {  	_ =	shalt  }
0x58: {  	_ =	shalt  }
0x59: {  	_ =	shalt  }
0x5a: {  	_ =	shalt  }
0x5b: {  	_ =	shalt  }
0x5c: {  	_ =	shalt  }
0x5d: {  	_ =	shalt  }
0x5e: {  	_ =	shalt  }
0x5f: {  	_ =	shalt  }
0x60: {  	_ =	shalt  }
0x61: {  	_ =	shalt  }
0x62: {  	_ =	shalt  }
0x63: {  	_ =	shalt  }
0x64: {  	_ =	shalt  }
0x65: {  	_ =	shalt  }
0x66: {  	_ =	shalt  }
0x67: {  	_ =	shalt  }
0x68: {  	_ =	shalt  }
0x69: {  	_ =	shalt  }
0x6a: {  	_ =	shalt  }
0x6b: {  	_ =	shalt  }
0x6c: {  	_ =	shalt  }
0x6d: {  	_ =	shalt  }
0x6e: {  	_ =	shalt  }
0x6f: {  	_ =	shalt  }
0x70: {  	_ =	shalt  }
0x71: {  	_ =	shalt  }
0x72: {  	_ =	shalt  }
0x73: {  	_ =	shalt  }
0x74: {  	_ =	shalt  }
0x75: {  	_ =	shalt  }
0x76: {  	_ =	shalt  }
0x77: {  	_ =	shalt  }
0x78: {  	_ =	shalt  }
0x79: {  	_ =	shalt  }
0x7a: {  	_ =	shalt  }
0x7b: {  	_ =	shalt  }
0x7c: {  	_ =	shalt  }
0x7d: {  	_ =	shalt  }
0x7e: {  	_ =	shalt  }
0x7f: {  	_ =	shalt  }
0x80: {  	_ =	shalt  }
0x81: {  	_ =	shalt  }
0x82: {  	_ =	shalt  }
0x83: {  	_ =	shalt  }
0x84: {  	_ =	shalt  }
0x85: {  	_ =	shalt  }
0x86: {  	_ =	shalt  }
0x87: {  	_ =	shalt  }
.Lfunc_end0:
.L_simem_size_0:
called_computation.1_lowered:
.L_overlay_start_0:
0x88: {  	s2 =	sld [smem:$0x3FD9]  }
0x89: {  	s3 =	sld [smem:$0x3FFE];
	_ =	sdelay $0x1  }
0x8a: {  	s1 =	srdreg.scid  }
0x8b: {  	s0 =	sand.u32 $0x1, s1  }
0x8c: {  	s17 =	sshll.u32 s0, $0xA;
	s2 =	sadd.s32 s3, s2  }
0x8d: {  	s2 =	sadd.s32 s2, s17  }
0x8e: {  	[smem:$0x3FBD] =	sst s2  }
0x8f: {  	_ = 	snop  }
0x90: {  	s18 =	sld [smem:$0x3FC9];
	(tm) =	ssettm $0x1  }
0x91: {  	s19 =	sld [smem:$0x3FFB];
	_ =	sdelay $0x3  }
0x92: {  	_ =	strace s19  }
0x93: {  	s2 =	sld [smem:$0x3FFC];
	_ =	sdelay $0x3  }
0x94: {  	_ =	strace s2  }
0x95: {  	s2 =	sld [smem:$0x3FFD];
	_ =	sdelay $0x3  }
0x96: {  	_ =	strace s2  }
0x97: {  	_ =	strace $0x8FFFFFFF  }
0x98: {  	s20 =	sld [smem:$0x3FDB];
	_ =	sdelay $0x1  }
0x99: {  	s4 =	simm.s32 $_scs_section_size  }
0x9a: {  	s5 =	simm.s32 $_size__tile_overlayer_lowered;
	s6 =	simm.s32 $_tile_overlayer_lowered  }
0x9b: {  	s7 =	simm.s32 $0x1BFF;
	s21 =	sshll.u32 s6, $0x1;
	s4 =	sadd.s32 s4, s20  }
0x9c: {  	s22 =	simm.s32 $0x0;
	s5 =	sshll.u32 s5, $0x1;
	s6 =	sadd.s32 s21, s4  }
0x9d: {  	[timem:s22], [sflag:s7] =	dma.local [hbm:s6], s5  }
0x9e: {  	_ =	swait.ge [sflag:s7], s5  }
0x9f: {  	s5 =	ssub.s32 $0x0, s5;
	[sflag:s7] =	ssyncset.done $0x0  }
0xa0: {  	[sflag:s7] =	ssyncadd.s32 s5;
	_ =	sdelay $0x1  }
0xa1: {  	s23 =	simm.s32 $0x1B8B  }
0xa2: {  	_ =	swait.ge [sflag:s23], $0x1  }
0xa3: {  	[sflag:s23] =	ssyncset.done $0x0  }
0xa4: {  	[sflag:s23] =	ssyncadd.s32 $0xFFFFFFFF  }
0xa5: {  	s5 =	sld [smem:$0x0]  }
0xa6: {  	s6 =	sand.u32 $0xFFFFFFFE, s1  }
0xa7: {  	p0 =	sne.s32 s1, s6  }
0xa8: {  	s6 =	sshll.u32 @p0 s6, $0xE  }
0xa9: {  	s6 =	sadd.s32 @p0 $0x11B8D, s6;
	s7 =	sshll.u32 @p0 s5, $0x11  }
0xaa: {  	s6 =	sor.u32 @p0 s7, s6  }
0xab: {  	[sflag:s6] =	ssyncadd.remote.s32 @p0 $0x1;
	_ =	sdelay $0x1  }
0xac: {  	s6 =	simm.s32 @p0 $0x1B8D  }
0xad: {  	_ =	swait.eq @p0 [sflag:s6], $0x1  }
0xae: {  	[sflag:s6] =	ssyncadd.s32 @p0 $0xFFFFFFFF  }
0xaf: {  	s7 =	sshll.u32 @!p0 s1, $0xE  }
0xb0: {  	s7 =	sor.u32 @!p0 $0x4000, s7;
	s6 =	simm.s32 @!p0 $0x1B8D  }
0xb1: {  	s5 =	sshll.u32 @!p0 s5, $0x11;
	s7 =	sadd.s32 @!p0 $0x11B8D, s7;
	_ =	swait.eq @!p0 [sflag:s6], $0x1  }
0xb2: {  	s5 =	sor.u32 @!p0 s5, s7;
	[sflag:s6] =	ssyncadd.s32 @!p0 $0xFFFFFFFF  }
0xb3: {  	s25 =	simm.s32 $0x1B8E;
	s24 =	sld [smem:$0x3FFE];
	[sflag:s5] =	ssyncadd.remote.s32 @!p0 $0x1  }
0xb4: {  	s26 =	simm.s32 $execute0_lowered;
	[smem:$0x3FD2] =	sst s25  }
0xb5: {  	s6 =	sshll.u32 s26, $0x1;
	_ =	strace $0x80000049;
	[dreg:$0x1] =	wrdreg $0xFFFFFFFF  }
0xb6: {  	s28 =	simm.s32 $_size_execute0_lowered;
	s4 =	sadd.s32 s4, s6;
	[dreg:$0x0] =	wrdreg $0x0  }
0xb7: {  	s6 =	sshll.u32 s28, $0x1;
	[dreg:$0x2] =	wrdreg s4  }
0xb8: {  	[dreg:$0x3] =	wrdreg s6  }
0xb9: {  	[dreg:$0x4] =	wrdreg $0xC0  }
0xba: {  	_ =	task [dreg:s22], $0x5FFFF  }
0xbb: {  	[dreg:$0x1] =	wrdreg $0xFFFFFFFF  }
0xbc: {  	[dreg:$0x0] =	wrdreg $0x60  }
0xbd: {  	[dreg:$0x2] =	wrdreg s18  }
0xbe: {  	[dreg:$0x3] =	wrdreg s24  }
0xbf: {  	[dreg:$0x4] =	wrdreg $0x9  }
0xc0: {  	_ =	task.clear_ibuf [dreg:s22], $0x5FFFF;
	_ =	strace $0x90000049  }
0xc1: {  	s29 =	simm.s32 $0x9;
	_ =	strace $0x8000004B  }
0xc2: {  	_ =	swait.ge [sflag:s29], $0x1  }
0xc3: {  	[sflag:s29] =	ssyncadd.s32 $0xFFFFFFFF  }
0xc4: {  	_ =	strace $0x9000004B  }
0xc5: {  	_ =	sfence  }
0xc6: {  	s30 =	sld [smem:$0x0];
	_ =	sdelay $0x2  }
0xc7: {  	s31 =	sshll.u32 s1, $0xD;
	s1 =	sshrl.u32 s1, $0x2  }
0xc8: {  	s4 =	sand.u32 $0x4000, s31;
	s1 =	sadd.s32 s1, s30  }
0xc9: {  	s0 =	sor.u32 s4, s0;
	s1 =	sshll.u32 s1, $0x11  }
0xca: {  	s0 =	sor.u32 s1, s0  }
0xcb: {  	s0 =	sadd.s32 $0x8F2B, s0  }
0xcc: {  	[sflag:s0] =	ssyncadd.remote.s32 $0x1  }
0xcd: {  	_ =	sfence.sel $0xFFFF  }
0xce: {  	[dreg:$0x0] =	wrdreg $0xFFFFFFFF;
	(pc) =	sbr.abs _section_cstart, $3  }
0xcf: {  	[dreg:$0x1] =	wrdreg $0xFFFFFFFF  }
0xd0: {  	_ =	task.clear_ibuf [dreg:s22], $0x2FFFF;
	_ =	strace $0x9FFFFFFF  }
0xd1: {  	(tm) =	ssettm $0x7FFFFFFF  }
tec
execute0_lowered:
.L_overlay_start_1:
0x0: {  	(tag) =	ssettag $0x1  }
0x1: {  	s1 =	rddreg [dreg:$0x0]  }
0x2: {  	s7 =	rddreg [dreg:$0x1];
	s2 =	simm.s32 $0x0;
	s3 =	srdreg.scid  }
0x3: {  	s0 =	stileid.u32;
	s18 =	simm.s32 $0x3;
	s19 =	simm.s32 $0x4  }
0x4: {  	s20 =	simm.s32 $0x0;
	[smem:$0x7FF] =	sst s2;
	s11 =	sand.u32 $0x1, s3  }
0x5: {  	s9 =	sadd.s32 $0x283E00, s7;
	s4 =	sadd.s32 $0x286600, s7;
	s14 =	sshll.u32 s0, $0x7  }
0x6: {  	s25 =	sshll.u32 s0, $0x4;
	s29 =	sshll.u32 s0, $0xE;
	s16 =	sshll.u32 s0, $0xB  }
0x7: {  	_ =	strace $0x8000004A;
	s5 =	sshll.u32 s11, $0x4;
	s6 =	sshll.u32 s11, $0xF  }
0x8: {  	s8 =	ssub.s32 $0x2, s11;
	s23 =	sshll.u32 s11, $0xB;
	s15 =	sshll.u32 s11, $0x8  }
0x9: {  	s28 =	sshll.u32 s11, $0x12;
	s5 =	sor.u32 s0, s5;
	s12 =	sadd.s32 s6, s7  }
0xa: {  	s13 =	sshrl.u32 s8, $0x1;
	s7 =	sadd.s32 $0x3B9E00, s7;
	s24 =	sadd.s32 s15, s9  }
0xb: {  	s30 =	sor.u32 s29, s28;
	s15 =	simm.s32 $0x80;
	s10 =	sshll.u32 s5, $0x4  }
0xc: {  	s22 =	ssub.s32 s8, s13;
	s13 =	sor.u32 s14, s23;
	s26 =	sadd.s32 s25, s24  }
0xd: {  	s31 =	sadd.s32 s16, s12;
	s12 =	sadd.s32 $0xFF678000, s30;
	s14 =	simm.s32 $0x5  }
0xe: {  	s6 =	sadd.s32 s9, s10;
	s9 =	smax.u32 s22, $0x1;
	s10 =	sadd.s32 $0xFFFEEF00, s13  }
0xf: {  	s11 =	sadd.s32 $0x600, s26;
	s13 =	sadd.s32 $0x288E00, s31;
	s8 =	sadd.s32 $0x200, s6  }
.LBB2_1:
0x10: {  	[tilespmem:s2], [sflag:$0x5] =	stream.linear.gather [hbm4b:s6+s2], $0x80, $0x38;
	[tilespmem:$0x8100] =	vst v63  }
0x11: {  	s0 =	simm.s32 $0x100;
	_ =	swait.ge [sflag:s14], $0x80  }
0x12: {  	s31 =	simm.s32 $0x4100;
	s21 =	simm.s32 $0x40;
	[sflag:s14] =	ssyncset.done $0x0  }
0x13: {  	s24 =	sadd.s32 $0x0, s5;
	s22 =	sadd.s32 $0x100000, s12;
	[sflag:s14] =	ssyncadd.s32 $0xFFFFFF80  }
0x14: {  	[tilespmem:s0], [sflag:$0x1] =	stream.indirect.gather [hbm4b:s1+s15], $0x80, s2, s15, $0xb8;
	[tilespmem:$0x8100] =	vst v63  }
0x15: {  	s23 =	sadd.s32 $0x20000, s13;
	p2 =	sgt.u32 s24, $0x4C3;
	s25 =	sadd.s32 $0x20, s24  }
0x16: {  	[tilespmem:s15], [sflag:$0x5] =	stream.linear.gather [hbm4b:s8+s2], $0x80, $0x38;
	[tilespmem:$0x8100] =	vst v63  }
0x17: {  	s26 =	sadd.s32 $0x40, s24;
	s28 =	simm.s32 @!p2 $0x1;
	_ =	swait.ge [sflag:s14], $0x80  }
0x18: {  	p3 =	slt.u32 @!p2 s24, $0x262;
	p0 =	sgt.u32 s26, $0x4C3;
	[sflag:s14] =	ssyncset.done $0x0  }
0x19: {  	s29 =	sshrl.u32 @!p2 s12, $0x3;
	p1 =	sgt.u32 s25, $0x4C3;
	[sflag:s14] =	ssyncadd.s32 $0xFFFFFF80  }
0x1a: {  	[tilespmem:s31], [sflag:$0x2] =	stream.indirect.gather [hbm4b:s1+s15], $0x80, s15, s15, $0xb8;
	[tilespmem:$0x8100] =	vst v63  }
0x1b: {  	s30 =	simm.s32 @!p2 $0x100;
	p3 =	por !p3, p2;
	s31 =	sadd.s32 @!p1 $0x80000, s12  }
0x1c: {  	p4 =	slt.u32 @!p1 s25, $0x262;
	_ =	swait.ge @!p2 [sflag:s28], $0x4000;
	s25 =	sshrl.u32 @!p1 s31, $0x3  }
0x1d: {  	s31 =	smov.u32 s13;
	[sflag:s28] =	ssyncset.done @!p2 $0x0;
	s25 =	sadd.s32 @!p1 s7, s25  }
0x1e: {  	[sflag:s28] =	ssyncadd.s32 @!p2 $0xFFFFC000;
	s28 =	sadd.s32 @!p2 s7, s29;
	s29 =	simm.s32 @!p2 $0x0  }
0x1f: {  	s31 =	smov.u32 @p3 s28;
	s28 =	simm.s32 @!p1 $0x2;
	p3 =	por !p4, p1  }
0x20: {  	[hbm4b:s31+s29] =	stream.linear.scatter @!p2 [tilespmem:s30], [sflag:$0x3], $0x4000, $0x38;
	[tilespmem:$0x8100] =	vst v63  }
0x21: {  	s29 =	sadd.s32 @!p1 $0x10000, s13;
	s30 =	simm.s32 @!p1 $0x4100;
	_ =	swait.ge @!p1 [sflag:s28], $0x4000  }
0x22: {  	s31 =	simm.s32 @!p0 $0x80;
	s29 =	smov.u32 @p3 s25;
	[sflag:s28] =	ssyncset.done @!p1 $0x0  }
0x23: {  	s25 =	simm.s32 @!p0 $0x3;
	[sflag:s28] =	ssyncadd.s32 @!p1 $0xFFFFC000;
	s28 =	simm.s32 @!p1 $0x0  }
0x24: {  	[hbm4b:s29+s28] =	stream.linear.scatter @!p1 [tilespmem:s30], [sflag:$0x4], $0x4000, $0x38;
	[tilespmem:$0x8100] =	vst v63  }
0x25: {  	p1 =	slt.u32 @!p0 s26, $0x262;
	s26 =	sshrl.u32 @!p0 s10, $0x3;
	s28 =	sadd.s32 @!p0 $0xFFFFFE00, s11  }
0x26: {  	_ =	swait.ge @!p0 [sflag:s25], $0x4000;
	s26 =	sadd.s32 @!p0 s4, s26;
	p1 =	por !p1, p0  }
0x27: {  	s29 =	sadd.s32 $0x60, s24;
	[sflag:s25] =	ssyncset.done @!p0 $0x0;
	s28 =	smov.u32 @p1 s26  }
0x28: {  	s26 =	simm.s32 @!p0 $0x5;
	[sflag:s25] =	ssyncadd.s32 @!p0 $0xFFFFC000;
	s25 =	simm.s32 @!p0 $0x0  }
0x29: {  	[tilespmem:s25], [sflag:$0x5] =	stream.linear.gather @!p0 [hbm4b:s28+s25], $0x80, $0x38;
	[tilespmem:$0x8100] =	vst v63  }
0x2a: {  	s30 =	simm.s32 @!p0 $0x100;
	p2 =	sgt.u32 s29, $0x4C3;
	_ =	swait.ge @!p0 [sflag:s26], $0x80  }
0x2b: {  	s24 =	sadd.s32 $0x400, s11;
	s0 =	simm.s32 @!p2 $0x4;
	[sflag:s26] =	ssyncset.done @!p0 $0x0  }
0x2c: {  	p1 =	slt.u32 @!p2 s29, $0x262;
	[sflag:s26] =	ssyncadd.s32 @!p0 $0xFFFFFF80;
	s26 =	sadd.s32 @!p2 $0x1000, s10  }
0x2d: {  	s29 =	simm.s32 @!p2 $0x5;
	s28 =	simm.s32 @!p2 $0x80;
	s26 =	sshrl.u32 @!p2 s26, $0x3  }
0x2e: {  	[tilespmem:s30], [sflag:$0x1] =	stream.indirect.gather @!p0 [hbm4b:s1+s31], $0x80, s25, s31, $0xb8;
	[tilespmem:$0x8100] =	vst v63  }
0x2f: {  	p0 =	por !p1, p2;
	s30 =	simm.s32 @!p2 $0x0;
	_ =	swait.ge @!p2 [sflag:s0], $0x4000  }
0x30: {  	s25 =	sadd.s32 @!p2 s4, s26;
	s26 =	smov.u32 s11;
	[sflag:s0] =	ssyncset.done @!p2 $0x0  }
0x31: {  	s26 =	smov.u32 @p0 s25;
	s25 =	sadd.s32 $0x2000, s10;
	[sflag:s0] =	ssyncadd.s32 @!p2 $0xFFFFC000  }
.LBB2_2:
0x32: {  	[tilespmem:s28], [sflag:$0x5] =	stream.linear.gather @!p2 [hbm4b:s26+s30], $0x80, $0x38;
	[tilespmem:$0x8100] =	vst v63  }
0x33: {  	s0 =	smov.u32 s21;
	s21 =	sadd.s32 $0x40, s21;
	_ =	swait.ge @!p2 [sflag:s29], $0x80  }
0x34: {  	s26 =	simm.s32 @!p2 $0x4100;
	p0 =	sne.s32 s21, $0x500;
	[sflag:s29] =	ssyncset.done @!p2 $0x0  }
0x35: {  	s30 =	smov.u32 s23;
	[sflag:s29] =	ssyncadd.s32 @!p2 $0xFFFFFF80;
	s29 =	smov.u32 s22  }
0x36: {  	[tilespmem:s26], [sflag:$0x2] =	stream.indirect.gather @!p2 [hbm4b:s1+s28], $0x80, s28, s28, $0xb8;
	[tilespmem:$0x8100] =	vst v63  }
0x37: {  	s26 =	smov.u32 s24;
	s28 =	sadd.s32 s0, s5  }
0x38: {  	s23 =	sadd.s32 $0x20000, s23;
	s22 =	sadd.s32 $0x100000, s22;
	p3 =	sgt.u32 s28, $0x4C3  }
0x39: {  	s0 =	sadd.s32 $0x20, s28;
	s31 =	sadd.s32 $0x40, s28;
	s3 =	simm.s32 @!p3 $0x1  }
0x3a: {  	p4 =	slt.u32 @!p3 s28, $0x262;
	p1 =	sgt.u32 s31, $0x4C3;
	s16 =	sshrl.u32 @!p3 s29, $0x3  }
0x3b: {  	p2 =	sgt.u32 s0, $0x4C3;
	s17 =	simm.s32 @!p3 $0x100;
	_ =	swait.ge @!p3 [sflag:s3], $0x4000  }
0x3c: {  	s29 =	sadd.s32 @!p2 $0x80000, s29;
	p4 =	por !p4, p3;
	[sflag:s3] =	ssyncset.done @!p3 $0x0  }
0x3d: {  	[sflag:s3] =	ssyncadd.s32 @!p3 $0xFFFFC000;
	s3 =	sadd.s32 @!p3 s7, s16;
	s16 =	simm.s32 @!p3 $0x0  }
0x3e: {  	p5 =	slt.u32 @!p2 s0, $0x262;
	s0 =	sshrl.u32 @!p2 s29, $0x3;
	s29 =	smov.u32 s30  }
0x3f: {  	s29 =	smov.u32 @p4 s3;
	s3 =	simm.s32 @!p2 $0x2;
	p4 =	por !p5, p2  }
0x40: {  	[hbm4b:s29+s16] =	stream.linear.scatter @!p3 [tilespmem:s17], [sflag:$0x3], $0x4000, $0x38;
	[tilespmem:$0x8100] =	vst v63  }
0x41: {  	s0 =	sadd.s32 @!p2 s7, s0;
	s16 =	sadd.s32 @!p2 $0x10000, s30;
	_ =	swait.ge @!p2 [sflag:s3], $0x4000  }
0x42: {  	s16 =	smov.u32 @p4 s0;
	s0 =	simm.s32 @!p1 $0x3;
	[sflag:s3] =	ssyncset.done @!p2 $0x0  }
0x43: {  	s17 =	simm.s32 @!p2 $0x4100;
	[sflag:s3] =	ssyncadd.s32 @!p2 $0xFFFFC000;
	s3 =	simm.s32 @!p2 $0x0  }
0x44: {  	[hbm4b:s16+s3] =	stream.linear.scatter @!p2 [tilespmem:s17], [sflag:$0x4], $0x4000, $0x38;
	[tilespmem:$0x8100] =	vst v63  }
0x45: {  	p2 =	slt.u32 @!p1 s31, $0x262  }
0x46: {  	s3 =	sshrl.u32 @!p1 s25, $0x3;
	s16 =	sadd.s32 @!p1 $0xFFFFFE00, s24;
	_ =	swait.ge @!p1 [sflag:s0], $0x4000  }
0x47: {  	s17 =	sadd.s32 $0x60, s28;
	s3 =	sadd.s32 @!p1 s4, s3;
	[sflag:s0] =	ssyncset.done @!p1 $0x0  }
0x48: {  	p2 =	por !p2, p1;
	[sflag:s0] =	ssyncadd.s32 @!p1 $0xFFFFC000;
	s0 =	simm.s32 @!p1 $0x0  }
0x49: {  	s24 =	sadd.s32 $0x400, s24;
	s16 =	smov.u32 @p2 s3;
	s3 =	simm.s32 @!p1 $0x5  }
0x4a: {  	[tilespmem:s0], [sflag:$0x5] =	stream.linear.gather @!p1 [hbm4b:s16+s0], $0x80, $0x38;
	[tilespmem:$0x8100] =	vst v63  }
0x4b: {  	p2 =	sgt.u32 s17, $0x4C3;
	s16 =	simm.s32 @!p1 $0x100;
	_ =	swait.ge @!p1 [sflag:s3], $0x80  }
0x4c: {  	s29 =	simm.s32 @!p1 $0x80;
	s28 =	sadd.s32 @!p2 $0x1000, s25;
	[sflag:s3] =	ssyncset.done @!p1 $0x0  }
0x4d: {  	p3 =	slt.u32 @!p2 s17, $0x262;
	[sflag:s3] =	ssyncadd.s32 @!p1 $0xFFFFFF80;
	s3 =	simm.s32 @!p2 $0x4  }
.Ltmp0:
0x4e: {  	s17 =	sshrl.u32 @!p2 s28, $0x3;
	s28 =	simm.s32 @!p2 $0x80;
	(pc) =	sbr.rel @p0 .LBB2_2-.Ltmp0, $4  }
0x4f: {  	[tilespmem:s16], [sflag:$0x1] =	stream.indirect.gather @!p1 [hbm4b:s1+s29], $0x80, s0, s29, $0xb8;
	[tilespmem:$0x8100] =	vst v63  }
0x50: {  	s0 =	sadd.s32 @!p2 s4, s17;
	p1 =	por !p3, p2;
	_ =	swait.ge @!p2 [sflag:s3], $0x4000  }
0x51: {  	s30 =	simm.s32 @!p2 $0x0;
	s26 =	smov.u32 @p1 s0;
	[sflag:s3] =	ssyncset.done @!p2 $0x0  }
0x52: {  	s25 =	sadd.s32 $0x2000, s25;
	s29 =	simm.s32 @!p2 $0x5;
	[sflag:s3] =	ssyncadd.s32 @!p2 $0xFFFFC000  }
0x53: {  	[tilespmem:s28], [sflag:$0x5] =	stream.linear.gather @!p2 [hbm4b:s26+s30], $0x80, $0x38;
	[tilespmem:$0x8100] =	vst v63  }
0x54: {  	_ =	swait.ge @!p2 [sflag:s29], $0x80  }
0x55: {  	[sflag:s29] =	ssyncset.done @!p2 $0x0  }
0x56: {  	s0 =	simm.s32 @!p2 $0x4100;
	s20 =	sadd.s32 $0x1, s20;
	[sflag:s29] =	ssyncadd.s32 @!p2 $0xFFFFFF80  }
0x57: {  	[tilespmem:s0], [sflag:$0x2] =	stream.indirect.gather @!p2 [hbm4b:s1+s28], $0x80, s28, s28, $0xb8;
	[tilespmem:$0x8100] =	vst v63  }
0x58: {  	p0 =	sne.s32 s20, s9;
	_ =	swait.ge [sflag:s18], $0x4000  }
.Ltmp1:
0x59: {  	[sflag:s18] =	ssyncset.done $0x0;
	(pc) =	sbr.rel @p0 .LBB2_1-.Ltmp1, $4  }
0x5a: {  	[sflag:s18] =	ssyncadd.s32 $0xFFFFC000  }
0x5b: {  	_ =	swait.ge [sflag:s19], $0x4000  }
0x5c: {  	[sflag:s19] =	ssyncset.done $0x0  }
0x5d: {  	[sflag:s19] =	ssyncadd.s32 $0xFFFFC000  }
0x5e: {  	_ =	sfence.sel $0x180000  }
0x5f: {  	[bflag:$0x0] =	sbarrier.arrive $0xFFFF  }
0x60: {  	_ =	strace $0x9000004A  }
0x61: {  	s0 =	stileid.u32;
	[bflag:$0x2] =	sbarrier.arrive $0xFFFF  }
0x62: {  	p0 =	sne.s32 s0, $0x0;
	s0 =	rddreg [dreg:$0x2]  }
0x63: {  	s0 =	sadd.s32 @!p0 $0x100000, s0  }
0x64: {  	[sflag:s0] =	ssyncadd.tile.s32 @!p0 $0x1;
	_ =	shalt  }
.Lfunc_end2:
_tile_overlayer_lowered:
.L_overlay_start_2:
0x65: {  	(tag) =	ssettag $0x2  }
0x66: {  	s0 =	rddreg [dreg:$0x0];
	s2 =	stileid.u32  }
0x67: {  	s1 =	rddreg [dreg:$0x1];
	p0 =	sne.s32 s2, $0x0  }
0x68: {  	s3 =	rddreg [dreg:$0x2];
	[bflag:$0x3] =	sbarrier.arrive $0xFFFF;
	s2 =	simm.s32 @!p0 $0x1C05  }
0x69: {  	[timem:s3], [sflag:s2] =	dma.local @!p0 [hbm:s0], s1  }
0x6a: {  	s0 =	simm.s32 @!p0 $0x5  }
0x6b: {  	_ =	swait.ge @!p0 [sflag:s0], s1  }
0x6c: {  	s1 =	ssub.s32 @!p0 $0x0, s1;
	[sflag:s0] =	ssyncset.done @!p0 $0x0  }
0x6d: {  	[sflag:s0] =	ssyncadd.s32 @!p0 s1  }
0x6e: {  	[bflag:$0x3] =	sbarrier.arrive $0xFFFF  }
0x6f: {  	_ =	shalt  }

// kernel: kernel.15.cloned.1.call-start
scs
__scs_entry_jumppad:
0x0: {  	(pc) =	sbr.rel $0x88, $3  }
0x1: {  	(tag) =	ssettag $0x0;
	lr =	simm.s32 $0x1  }
0x2: {  	[smem:$0x3F96] =	sst lr;
	_ =	strace $0xD0000000  }
0x3: {  	_ = 	snop  }
0x4: {  	_ = 	snop  }
0x5: {  	_ = 	snop  }
0x6: {  	_ = 	snop  }
0x7: {  	_ = 	snop  }
__scs_overlays_trampoline_lowered:
0x8: {  	[smem:$0x3FA5] =	sst s0  }
0x9: {  	[smem:$0x3FA6] =	sst s1  }
0xa: {  	[smem:$0x3FA7] =	sst s2  }
0xb: {  	[smem:$0x3FA8] =	sst s3  }
0xc: {  	[smem:$0x3FA9] =	sst s4  }
0xd: {  	[smem:$0x3FAA] =	sst s5  }
0xe: {  	[smem:$0x3FAB] =	sst s6  }
0xf: {  	[smem:$0x3FAC] =	sst s7  }
0x10: {  	[smem:$0x3FAD] =	sst s8  }
0x11: {  	[smem:$0x3FAE] =	sst s9;
	s0 =	simm.s32 @!p0 $0x0  }
0x12: {  	s1 =	sld [smem:$0x3F94];
	s0 =	simm.s32 @p0 $0x1  }
0x13: {  	[smem:$0x3FAF] =	sst s0;
	s0 =	simm.s32 @!p1 $0x0  }
0x14: {  	s2 =	sld [smem:$0x3F93];
	s0 =	simm.s32 @p1 $0x1  }
0x15: {  	[smem:$0x3FB0] =	sst s0;
	s0 =	simm.s32 @!p2 $0x0  }
0x16: {  	s3 =	sld [smem:$0x3FDB];
	s0 =	simm.s32 @p2 $0x1  }
0x17: {  	s4 =	simm.s32 $0x1BF5;
	[smem:$0x3FB2] =	sst s0  }
0x18: {  	s0 =	sld [smem:$0x3F95];
	_ =	swait.ge [sflag:s4], $0x0  }
0x19: {  	s7 =	sld [smem:$0x3F96]  }
0x1a: {  	s8 =	sadd.s32 $0xFFFFE003, lr  }
0x1b: {  	s9 =	sadd.s32 $0xFFFFFEF7, lr;
	s5 =	simm.s32 $0xFFFFFFFF;
	p2 =	slt.u32 s8, $0xFFFFF086  }
0x1c: {  	p1 =	slt.u32 s9, $0xF7A;
	s5 =	simm.s32 @!p2 $0x0  }
0x1d: {  	s5 =	simm.s32 @p1 $0x1;
	p0 =	seq.s32 s7, s2  }
0x1e: {  	s7 =	smul.u32 @!p0 $0xF7A, s2;
	p2 =	seq.s32 @!p0 s5, $0x0  }
0x1f: {  	s9 =	smul.u32 $0xF7A, s1;
	s8 =	simm.s32 @!p0 $0x1BF5;
	p2 =	por !p2, p0  }
0x20: {  	[sflag:s8] =	ssyncset.s32 @!p0 $0xFFFFF086;
	s6 =	sadd.s32 @!p0 s3, s7;
	s7 =	simm.s32 @!p0 $0x108  }
0x21: {  	s3 =	sadd.s32 s3, s9;
	s6 =	sadd.s32 @!p0 $0x88, s6;
	s7 =	simm.s32 @p2 $0x1082  }
0x22: {  	[simem:s7], [sflag:s8] =	dma.local @!p0 [hbm:s6], $0xF7A  }
0x23: {  	s9 =	sor.u32 $0xD0000000, s2;
	s6 =	simm.s32 $0x108;
	_ =	swait.ge @!p0 [sflag:s8], $0x0  }
0x24: {  	s3 =	sadd.s32 $0x88, s3;
	s6 =	simm.s32 @!p1 $0x1082;
	[sflag:s4] =	ssyncset.s32 $0xFFFFF086  }
0x25: {  	[simem:s6], [sflag:s4] =	dma.local [hbm:s3], $0xF7A  }
0x26: {  	[smem:$0x3F96] =	sst s1;
	(tag) =	ssettag s2;
	_ =	strace s9  }
0x27: {  	s1 =	sld [smem:$0x3FA6]  }
0x28: {  	s2 =	sld [smem:$0x3FA7]  }
0x29: {  	s4 =	sld [smem:$0x3FA9]  }
0x2a: {  	p0 =	seq.s32 s5, $0x0;
	s5 =	sld [smem:$0x3FAA]  }
0x2b: {  	s6 =	sld [smem:$0x3FAB]  }
0x2c: {  	s7 =	sld [smem:$0x3FAC]  }
0x2d: {  	s3 =	simm.s32 $0x108;
	s8 =	sld [smem:$0x3FAD]  }
0x2e: {  	s3 =	simm.s32 @!p0 $0x1082;
	s9 =	sld [smem:$0x3FAE]  }
0x2f: {  	lr =	sadd.s32 s0, s3;
	s0 =	sld [smem:$0x3FA5]  }
0x30: {  	s3 =	sld [smem:$0x3FA8]  }
0x31: {  	[smem:$0x3FB1] =	sst s10  }
0x32: {  	s10 =	sld [smem:$0x3FAF];
	_ =	sdelay $0x3  }
0x33: {  	p0 =	seq.s32 s10, $0x1;
	s10 =	sld [smem:$0x3FB1];
	_ =	sdelay $0x3  }
0x34: {  	[smem:$0x3FB1] =	sst s10  }
0x35: {  	s10 =	sld [smem:$0x3FB0];
	_ =	sdelay $0x3  }
0x36: {  	p1 =	seq.s32 s10, $0x1;
	s10 =	sld [smem:$0x3FB1];
	_ =	sdelay $0x3  }
0x37: {  	[smem:$0x3FB1] =	sst s10  }
0x38: {  	s10 =	sld [smem:$0x3FB2]  }
0x39: {  	_ = 	snop;
	(pc) =	sbr.ind lr, $3  }
0x3a: {  	_ = 	snop  }
0x3b: {  	_ = 	snop  }
0x3c: {  	p2 =	seq.s32 s10, $0x1;
	s10 =	sld [smem:$0x3FB1]  }
0x3d: {  	_ =	shalt  }
0x3e: {  	_ =	shalt  }
0x3f: {  	_ =	shalt  }
0x40: {  	_ =	shalt  }
0x41: {  	_ =	shalt  }
0x42: {  	_ =	shalt  }
0x43: {  	_ =	shalt  }
0x44: {  	_ =	shalt  }
0x45: {  	_ =	shalt  }
0x46: {  	_ =	shalt  }
0x47: {  	_ =	shalt  }
0x48: {  	_ =	shalt  }
0x49: {  	_ =	shalt  }
0x4a: {  	_ =	shalt  }
0x4b: {  	_ =	shalt  }
0x4c: {  	_ =	shalt  }
0x4d: {  	_ =	shalt  }
0x4e: {  	_ =	shalt  }
0x4f: {  	_ =	shalt  }
0x50: {  	_ =	shalt  }
0x51: {  	_ =	shalt  }
0x52: {  	_ =	shalt  }
0x53: {  	_ =	shalt  }
0x54: {  	_ =	shalt  }
0x55: {  	_ =	shalt  }
0x56: {  	_ =	shalt  }
0x57: {  	_ =	shalt  }
0x58: {  	_ =	shalt  }
0x59: {  	_ =	shalt  }
0x5a: {  	_ =	shalt  }
0x5b: {  	_ =	shalt  }
0x5c: {  	_ =	shalt  }
0x5d: {  	_ =	shalt  }
0x5e: {  	_ =	shalt  }
0x5f: {  	_ =	shalt  }
0x60: {  	_ =	shalt  }
0x61: {  	_ =	shalt  }
0x62: {  	_ =	shalt  }
0x63: {  	_ =	shalt  }
0x64: {  	_ =	shalt  }
0x65: {  	_ =	shalt  }
0x66: {  	_ =	shalt  }
0x67: {  	_ =	shalt  }
0x68: {  	_ =	shalt  }
0x69: {  	_ =	shalt  }
0x6a: {  	_ =	shalt  }
0x6b: {  	_ =	shalt  }
0x6c: {  	_ =	shalt  }
0x6d: {  	_ =	shalt  }
0x6e: {  	_ =	shalt  }
0x6f: {  	_ =	shalt  }
0x70: {  	_ =	shalt  }
0x71: {  	_ =	shalt  }
0x72: {  	_ =	shalt  }
0x73: {  	_ =	shalt  }
0x74: {  	_ =	shalt  }
0x75: {  	_ =	shalt  }
0x76: {  	_ =	shalt  }
0x77: {  	_ =	shalt  }
0x78: {  	_ =	shalt  }
0x79: {  	_ =	shalt  }
0x7a: {  	_ =	shalt  }
0x7b: {  	_ =	shalt  }
0x7c: {  	_ =	shalt  }
0x7d: {  	_ =	shalt  }
0x7e: {  	_ =	shalt  }
0x7f: {  	_ =	shalt  }
0x80: {  	_ =	shalt  }
0x81: {  	_ =	shalt  }
0x82: {  	_ =	shalt  }
0x83: {  	_ =	shalt  }
0x84: {  	_ =	shalt  }
0x85: {  	_ =	shalt  }
0x86: {  	_ =	shalt  }
0x87: {  	_ =	shalt  }
.Lfunc_end0:
.L_simem_size_0:
called_computation.2_lowered:
.L_overlay_start_0:
0x88: {  	s2 =	sld [smem:$0x3FD9]  }
0x89: {  	s3 =	sld [smem:$0x3FFE];
	_ =	sdelay $0x1  }
0x8a: {  	s1 =	srdreg.scid  }
0x8b: {  	s0 =	sand.u32 $0x1, s1  }
0x8c: {  	s15 =	sshll.u32 s0, $0xA;
	s2 =	sadd.s32 s3, s2  }
0x8d: {  	s2 =	sadd.s32 s2, s15  }
0x8e: {  	[smem:$0x3FBD] =	sst s2  }
0x8f: {  	_ = 	snop  }
0x90: {  	s2 =	sld [smem:$0x3FD0];
	_ =	sdelay $0x2  }
0x91: {  	s16 =	simm.s32 $0xB;
	s4 =	simm.s32 $0x10  }
0x92: {  	[smem:s4], [sflag:s16] =	dma.local [hbm:s2], $0x1  }
0x93: {  	_ =	swait.eq [sflag:s16], $0x1  }
0x94: {  	[sflag:s16] =	ssyncset.done $0x0  }
0x95: {  	[sflag:s16] =	ssyncadd.s32 $0xFFFFFFFF  }
0x96: {  	s17 =	sld [smem:$0x10];
	(tm) =	ssettm $0x1  }
0x97: {  	s18 =	sld [smem:$0x3FFB];
	_ =	sdelay $0x3  }
0x98: {  	_ =	strace s18  }
0x99: {  	s2 =	sld [smem:$0x3FFC];
	_ =	sdelay $0x3  }
0x9a: {  	_ =	strace s2  }
0x9b: {  	s2 =	sld [smem:$0x3FFD];
	_ =	sdelay $0x3  }
0x9c: {  	_ =	strace s2  }
0x9d: {  	_ =	strace $0x8FFFFFFF  }
0x9e: {  	s19 =	sld [smem:$0x3FDB];
	_ =	sdelay $0x1  }
0x9f: {  	s20 =	simm.s32 $_scs_section_size  }
0xa0: {  	s5 =	simm.s32 $_size__tile_overlayer_lowered;
	s6 =	simm.s32 $_tile_overlayer_lowered  }
0xa1: {  	s7 =	simm.s32 $0x1BFF;
	s21 =	sshll.u32 s6, $0x1;
	s4 =	sadd.s32 s20, s19  }
0xa2: {  	s22 =	simm.s32 $0x0;
	s5 =	sshll.u32 s5, $0x1;
	s6 =	sadd.s32 s21, s4  }
0xa3: {  	[timem:s22], [sflag:s7] =	dma.local [hbm:s6], s5  }
0xa4: {  	_ =	swait.ge [sflag:s7], s5  }
0xa5: {  	s5 =	ssub.s32 $0x0, s5;
	[sflag:s7] =	ssyncset.done $0x0  }
0xa6: {  	[sflag:s7] =	ssyncadd.s32 s5;
	_ =	sdelay $0x1  }
0xa7: {  	s23 =	simm.s32 $0x1B8B  }
0xa8: {  	_ =	swait.ge [sflag:s23], $0x1  }
0xa9: {  	[sflag:s23] =	ssyncset.done $0x0  }
0xaa: {  	[sflag:s23] =	ssyncadd.s32 $0xFFFFFFFF  }
0xab: {  	s5 =	sld [smem:$0x0]  }
0xac: {  	s6 =	sand.u32 $0xFFFFFFFE, s1  }
0xad: {  	p0 =	sne.s32 s1, s6  }
0xae: {  	s6 =	sshll.u32 @p0 s6, $0xE  }
0xaf: {  	s6 =	sadd.s32 @p0 $0x11B8D, s6;
	s7 =	sshll.u32 @p0 s5, $0x11  }
0xb0: {  	s6 =	sor.u32 @p0 s7, s6  }
0xb1: {  	[sflag:s6] =	ssyncadd.remote.s32 @p0 $0x1;
	_ =	sdelay $0x1  }
0xb2: {  	s6 =	simm.s32 @p0 $0x1B8D  }
0xb3: {  	_ =	swait.eq @p0 [sflag:s6], $0x1  }
0xb4: {  	[sflag:s6] =	ssyncadd.s32 @p0 $0xFFFFFFFF  }
0xb5: {  	s7 =	sshll.u32 @!p0 s1, $0xE  }
0xb6: {  	s7 =	sor.u32 @!p0 $0x4000, s7;
	s6 =	simm.s32 @!p0 $0x1B8D  }
0xb7: {  	s5 =	sshll.u32 @!p0 s5, $0x11;
	s7 =	sadd.s32 @!p0 $0x11B8D, s7;
	_ =	swait.eq @!p0 [sflag:s6], $0x1  }
0xb8: {  	s5 =	sor.u32 @!p0 s5, s7;
	[sflag:s6] =	ssyncadd.s32 @!p0 $0xFFFFFFFF  }
0xb9: {  	s25 =	simm.s32 $0x1B8E;
	s24 =	sld [smem:$0x3FFE];
	[sflag:s5] =	ssyncadd.remote.s32 @!p0 $0x1  }
0xba: {  	s26 =	simm.s32 $execute0_lowered;
	[smem:$0x3FD2] =	sst s25  }
0xbb: {  	s6 =	sshll.u32 s26, $0x1;
	_ =	strace $0x8000004C;
	[dreg:$0x1] =	wrdreg $0xFFFFFFFF  }
0xbc: {  	s28 =	simm.s32 $_size_execute0_lowered;
	s4 =	sadd.s32 s4, s6;
	[dreg:$0x0] =	wrdreg $0x0  }
0xbd: {  	s6 =	sshll.u32 s28, $0x1;
	[dreg:$0x2] =	wrdreg s4  }
0xbe: {  	[dreg:$0x3] =	wrdreg s6  }
0xbf: {  	[dreg:$0x4] =	wrdreg $0xC0  }
0xc0: {  	_ =	task [dreg:s22], $0x5FFFF  }
0xc1: {  	[dreg:$0x1] =	wrdreg $0xFFFFFFFF  }
0xc2: {  	[dreg:$0x0] =	wrdreg $0x60  }
0xc3: {  	[dreg:$0x2] =	wrdreg s24  }
0xc4: {  	[dreg:$0x3] =	wrdreg s17  }
0xc5: {  	[dreg:$0x4] =	wrdreg $0x82000  }
0xc6: {  	[dreg:$0x5] =	wrdreg $0x1C2000  }
0xc7: {  	[dreg:$0x6] =	wrdreg $0xA  }
0xc8: {  	_ =	task.clear_ibuf [dreg:s22], $0x7FFFF;
	_ =	strace $0x9000004C  }
0xc9: {  	s29 =	simm.s32 $0xA;
	_ =	strace $0x8000004E  }
0xca: {  	_ =	swait.ge [sflag:s29], $0x1  }
0xcb: {  	[sflag:s29] =	ssyncadd.s32 $0xFFFFFFFF  }
0xcc: {  	_ =	strace $0x9000004E  }
0xcd: {  	_ =	sfence  }
0xce: {  	s30 =	sld [smem:$0x0];
	_ =	sdelay $0x2  }
0xcf: {  	s31 =	sshll.u32 s1, $0xD;
	s1 =	sshrl.u32 s1, $0x2  }
0xd0: {  	s4 =	sand.u32 $0x4000, s31;
	s1 =	sadd.s32 s1, s30  }
0xd1: {  	s0 =	sor.u32 s4, s0;
	s1 =	sshll.u32 s1, $0x11  }
0xd2: {  	s0 =	sor.u32 s1, s0  }
0xd3: {  	s0 =	sadd.s32 $0x8F2B, s0  }
0xd4: {  	[sflag:s0] =	ssyncadd.remote.s32 $0x1  }
0xd5: {  	_ =	sfence.sel $0xFFFF  }
0xd6: {  	[dreg:$0x0] =	wrdreg $0xFFFFFFFF;
	(pc) =	sbr.abs _section_cstart, $3  }
0xd7: {  	[dreg:$0x1] =	wrdreg $0xFFFFFFFF  }
0xd8: {  	_ =	task.clear_ibuf [dreg:s22], $0x2FFFF;
	_ =	strace $0x9FFFFFFF  }
0xd9: {  	(tm) =	ssettm $0x7FFFFFFF  }
tec
execute0_lowered:
.L_overlay_start_1:
0x0: {  	(tag) =	ssettag $0x1  }
0x1: {  	s6 =	rddreg [dreg:$0x0]  }
0x2: {  	s12 =	rddreg [dreg:$0x1]  }
0x3: {  	s1 =	rddreg [dreg:$0x2]  }
0x4: {  	s2 =	rddreg [dreg:$0x3];
	s4 =	simm.s32 $0x0  }
0x5: {  	s0 =	srdreg.scid;
	s28 =	stileid.u32;
	s29 =	simm.s32 $0x0  }
0x6: {  	[smem:$0x7FF] =	sst s4;
	s15 =	sand.u32 $0x1, s0;
	s3 =	smul.u32 $0x280, s28  }
0x7: {  	s16 =	sadd.s32 $0x7000, s6;
	s14 =	smul.u32 $0x14000, s28;
	s20 =	sshll.u32 s28, $0x4  }
0x8: {  	s0 =	sshll.u32 s15, $0x4;
	s7 =	ssub.s32 $0x2, s15;
	_ =	strace $0x8000004D  }
0x9: {  	s17 =	smul.u32 $0x140000, s15;
	s20 =	sand.u32 $0x70, s20;
	s15 =	sshll.u32 s15, $0x7  }
0xa: {  	s5 =	sor.u32 s28, s0;
	s23 =	sshrl.u32 s7, $0x1;
	s8 =	sadd.s32 $0x100, s3  }
0xb: {  	s9 =	sadd.s32 $0x180, s3;
	s0 =	ssub.s32 s7, s23;
	s7 =	sadd.s32 $0x80, s3  }
0xc: {  	s18 =	sshll.u32 s5, $0x4;
	s13 =	sshll.u32 s8, $0x7;
	s11 =	sshll.u32 s9, $0x7  }
0xd: {  	s14 =	sadd.s32 s14, s17;
	s30 =	sadd.s32 s8, s2;
	s10 =	sshll.u32 s7, $0x7  }
0xe: {  	s19 =	sor.u32 $0x200, s18;
	s21 =	sshrl.u32 s14, $0x3;
	s14 =	sadd.s32 $0x200, s3  }
0xf: {  	s26 =	sadd.s32 s17, s13;
	s23 =	sadd.s32 s17, s11;
	s31 =	sadd.s32 s11, s1  }
0x10: {  	s0 =	smax.u32 s0, $0x1;
	s11 =	simm.s32 $0x80;
	[dreg:$0x16] =	wrdreg s30  }
0x11: {  	s19 =	sand.u32 $0x380, s19;
	s21 =	sadd.s32 s16, s21;
	[dreg:$0x1b] =	wrdreg s0  }
0x12: {  	s25 =	sadd.s32 s17, s10;
	[dreg:$0x17] =	wrdreg s31;
	s22 =	sadd.s32 s19, s12  }
0x13: {  	[dreg:$0x9] =	wrdreg s21;
	s21 =	sshrl.u32 s26, $0x3;
	s26 =	sshll.u32 s9, $0x1  }
0x14: {  	s24 =	sadd.s32 s20, s22;
	s22 =	sshrl.u32 s25, $0x3;
	s21 =	sadd.s32 s16, s21  }
0x15: {  	s25 =	sshll.u32 s8, $0x1;
	s8 =	simm.s32 $0x100;
	[dreg:$0x5] =	wrdreg s24  }
0x16: {  	s22 =	sadd.s32 s16, s22;
	[dreg:$0xb] =	wrdreg s21;
	s21 =	sshrl.u32 s23, $0x3  }
0x17: {  	s23 =	sshll.u32 s14, $0x7;
	s24 =	smul.u32 $0x500, s28;
	[dreg:$0xa] =	wrdreg s22  }
0x18: {  	s22 =	sadd.s32 $0x3E00, s6;
	s17 =	sadd.s32 s17, s23;
	s21 =	sadd.s32 s16, s21  }
0x19: {  	s23 =	sadd.s32 s23, s1;
	[dreg:$0xc] =	wrdreg s21;
	s17 =	sshrl.u32 s17, $0x3  }
0x1a: {  	s19 =	sadd.s32 s19, s22;
	[dreg:$0x19] =	wrdreg s23;
	s16 =	sadd.s32 s16, s17  }
0x1b: {  	s21 =	sor.u32 s15, s25;
	s19 =	sadd.s32 s20, s19;
	[dreg:$0xd] =	wrdreg s16  }
0x1c: {  	s17 =	sand.u32 $0x180, s18;
	s18 =	sor.u32 $0x400, s18;
	[dreg:$0x6] =	wrdreg s19  }
0x1d: {  	s16 =	sor.u32 s15, s24;
	s24 =	sshll.u32 s7, $0x1;
	s18 =	sand.u32 $0x580, s18  }
0x1e: {  	s17 =	sor.u32 s20, s17;
	s19 =	sor.u32 s15, s24;
	s25 =	sadd.s32 s18, s12  }
0x1f: {  	s24 =	sor.u32 s15, s26;
	s26 =	sshll.u32 s14, $0x1;
	s12 =	sadd.s32 s12, s17  }
0x20: {  	s16 =	sshrl.u32 s16, $0x3;
	s25 =	sadd.s32 s20, s25;
	s15 =	sor.u32 s15, s26  }
0x21: {  	[dreg:$0xe] =	wrdreg s12;
	s26 =	sadd.s32 s22, s17;
	s17 =	sadd.s32 s18, s22  }
0x22: {  	s18 =	sshll.u32 s5, $0xB;
	s22 =	sshrl.u32 s19, $0x3;
	[dreg:$0x7] =	wrdreg s25  }
0x23: {  	[dreg:$0xf] =	wrdreg s26;
	s12 =	sadd.s32 s20, s17;
	s20 =	smul.u32 $0x50000, s28  }
0x24: {  	s17 =	sadd.s32 s18, s6;
	s6 =	sadd.s32 $0x6600, s6;
	s25 =	sshrl.u32 s21, $0x3  }
0x25: {  	s26 =	sshrl.u32 s24, $0x3;
	s15 =	sshrl.u32 s15, $0x3;
	s21 =	sadd.s32 s3, s2  }
0x26: {  	s24 =	sadd.s32 s7, s2;
	s16 =	sadd.s32 s6, s16;
	[dreg:$0x8] =	wrdreg s12  }
0x27: {  	s3 =	sor.u32 $0x40, s5;
	s28 =	sadd.s32 s6, s26;
	[dreg:$0x10] =	wrdreg s16  }
0x28: {  	s7 =	simm.s32 $0x7;
	s19 =	sadd.s32 $0x4EB000, s17;
	[dreg:$0x13] =	wrdreg s28  }
0x29: {  	s26 =	sadd.s32 $0x4FB000, s17;
	s12 =	simm.s32 $0x180;
	[dreg:$0x1c] =	wrdreg s19  }
0x2a: {  	s18 =	sshrl.u32 s20, $0x2;
	s16 =	sadd.s32 s6, s22;
	[dreg:$0x1d] =	wrdreg s26  }
0x2b: {  	s22 =	sadd.s32 s10, s1;
	s28 =	sadd.s32 $0x50B000, s17;
	[dreg:$0x11] =	wrdreg s16  }
0x2c: {  	s10 =	simm.s32 $0x5;
	s16 =	sadd.s32 s6, s25;
	[dreg:$0x1e] =	wrdreg s28  }
0x2d: {  	s6 =	sadd.s32 s6, s15;
	s20 =	sadd.s32 s18, s1;
	[dreg:$0x12] =	wrdreg s16  }
0x2e: {  	s25 =	sadd.s32 s13, s1;
	s18 =	sadd.s32 s14, s2;
	[dreg:$0x14] =	wrdreg s6  }
0x2f: {  	s13 =	simm.s32 $0x4200;
	s14 =	simm.s32 $0x2;
	[dreg:$0x1a] =	wrdreg s18  }
0x30: {  	s15 =	simm.s32 $0x6;
	s16 =	sadd.s32 s9, s2;
	[dreg:$0x15] =	wrdreg s25  }
0x31: {  	v0 =	vimm.f32 $0.0e+00;
	s6 =	simm.s32 $0x200;
	s9 =	simm.s32 $0x1;
	[dreg:$0x18] =	wrdreg s16  }
.LBB2_1:
0x32: {  	s0 =	simm.s32 $0x0;
	s16 =	simm.s32 $0x200  }
.LBB2_2:
0x33: {  	p0 =	sne.s32 s16, $0xFE00;
	[tilespmem:s0+$0x270] =	vst v0  }
0x34: {  	[tilespmem:s0+$0x200] =	vst v0  }
0x35: {  	[tilespmem:s0+$0x210] =	vst v0  }
.Ltmp0:
0x36: {  	[tilespmem:s0+$0x220] =	vst v0;
	(pc) =	sbr.rel @p0 .LBB2_2-.Ltmp0, $4  }
0x37: {  	[tilespmem:s0+$0x230] =	vst v0  }
0x38: {  	[tilespmem:s0+$0x240] =	vst v0  }
0x39: {  	[tilespmem:s0+$0x250] =	vst v0  }
0x3a: {  	[tilespmem:s0+$0x260] =	vst v0;
	s0 =	sshra.s32 s16, $0x2;
	s16 =	sadd.s32 $0x200, s16  }
0x3b: {  	[tilespmem:s0+$0x270] =	vst v0  }
0x3c: {  	[tilespmem:s0+$0x200] =	vst v0  }
0x3d: {  	[tilespmem:s0+$0x210] =	vst v0  }
0x3e: {  	[tilespmem:s0+$0x220] =	vst v0  }
0x3f: {  	[tilespmem:s0+$0x230] =	vst v0  }
0x40: {  	[tilespmem:s0+$0x240] =	vst v0  }
0x41: {  	[tilespmem:s0+$0x250] =	vst v0  }
0x42: {  	[tilespmem:s0+$0x260] =	vst v0  }
0x43: {  	[tilespmem:$0x100] =	vst v0  }
0x44: {  	[tilespmem:$0x110] =	vst v0  }
0x45: {  	[tilespmem:$0x120] =	vst v0  }
0x46: {  	[tilespmem:$0x130] =	vst v0  }
0x47: {  	[tilespmem:$0x140] =	vst v0  }
0x48: {  	[tilespmem:$0x150] =	vst v0  }
0x49: {  	[tilespmem:$0x160] =	vst v0  }
0x4a: {  	[tilespmem:$0x170] =	vst v0  }
0x4b: {  	[spmem:s20] =	stream.linear.scatter [tilespmem:s6], [sflag:$0x7], $0x4000, $0x38;
	[tilespmem:$0x1C480] =	vst v63  }
0x4c: {  	_ =	swait.ge [sflag:s7], $0x4000  }
0x4d: {  	[sflag:s7] =	ssyncset.done $0x0  }
0x4e: {  	[sflag:s7] =	ssyncadd.s32 $0xFFFFC000  }
0x4f: {  	[spmem:s21] =	stream.linear.scatter [tilespmem:s8], [sflag:$0x7], $0x80, $0x38;
	[tilespmem:$0x1C480] =	vst v63  }
0x50: {  	_ =	swait.ge [sflag:s7], $0x80  }
0x51: {  	[sflag:s7] =	ssyncset.done $0x0  }
0x52: {  	[sflag:s7] =	ssyncadd.s32 $0xFFFFFF80  }
0x53: {  	[spmem:s22] =	stream.linear.scatter [tilespmem:s6], [sflag:$0x7], $0x4000, $0x38;
	[tilespmem:$0x1C480] =	vst v63  }
0x54: {  	_ =	swait.ge [sflag:s7], $0x4000  }
0x55: {  	[sflag:s7] =	ssyncset.done $0x0  }
0x56: {  	[sflag:s7] =	ssyncadd.s32 $0xFFFFC000  }
0x57: {  	[spmem:s24] =	stream.linear.scatter [tilespmem:s8], [sflag:$0x7], $0x80, $0x38;
	[tilespmem:$0x1C480] =	vst v63  }
0x58: {  	_ =	swait.ge [sflag:s7], $0x80  }
0x59: {  	[sflag:s7] =	ssyncset.done $0x0  }
0x5a: {  	[sflag:s7] =	ssyncadd.s32 $0xFFFFFF80  }
0x5b: {  	[spmem:s25] =	stream.linear.scatter [tilespmem:s6], [sflag:$0x7], $0x4000, $0x38;
	[tilespmem:$0x1C480] =	vst v63  }
0x5c: {  	_ =	swait.ge [sflag:s7], $0x4000  }
0x5d: {  	[sflag:s7] =	ssyncset.done $0x0  }
0x5e: {  	[sflag:s7] =	ssyncadd.s32 $0xFFFFC000  }
0x5f: {  	[spmem:s30] =	stream.linear.scatter [tilespmem:s8], [sflag:$0x7], $0x80, $0x38;
	[tilespmem:$0x1C480] =	vst v63  }
0x60: {  	_ =	swait.ge [sflag:s7], $0x80  }
0x61: {  	[sflag:s7] =	ssyncset.done $0x0  }
0x62: {  	[sflag:s7] =	ssyncadd.s32 $0xFFFFFF80  }
0x63: {  	[spmem:s31] =	stream.linear.scatter [tilespmem:s6], [sflag:$0x7], $0x4000, $0x38;
	[tilespmem:$0x1C480] =	vst v63  }
0x64: {  	_ =	swait.ge [sflag:s7], $0x4000  }
0x65: {  	[sflag:s7] =	ssyncset.done $0x0  }
0x66: {  	s16 =	rddreg [dreg:$0x18];
	[sflag:s7] =	ssyncadd.s32 $0xFFFFC000  }
0x67: {  	[spmem:s16] =	stream.linear.scatter [tilespmem:s8], [sflag:$0x7], $0x80, $0x38;
	[tilespmem:$0x1C480] =	vst v63  }
0x68: {  	_ =	swait.ge [sflag:s7], $0x80  }
0x69: {  	[sflag:s7] =	ssyncset.done $0x0  }
0x6a: {  	[sflag:s7] =	ssyncadd.s32 $0xFFFFFF80  }
0x6b: {  	[spmem:s23] =	stream.linear.scatter [tilespmem:s6], [sflag:$0x7], $0x4000, $0x38;
	[tilespmem:$0x1C480] =	vst v63  }
0x6c: {  	_ =	swait.ge [sflag:s7], $0x4000  }
0x6d: {  	[sflag:s7] =	ssyncset.done $0x0  }
0x6e: {  	s18 =	rddreg [dreg:$0x1a];
	[sflag:s7] =	ssyncadd.s32 $0xFFFFC000  }
0x6f: {  	[spmem:s18] =	stream.linear.scatter [tilespmem:s8], [sflag:$0x7], $0x80, $0x38;
	[tilespmem:$0x1C480] =	vst v63  }
0x70: {  	_ =	swait.ge [sflag:s7], $0x80  }
0x71: {  	[sflag:s7] =	ssyncset.done $0x0  }
0x72: {  	[sflag:s7] =	ssyncadd.s32 $0xFFFFFF80  }
0x73: {  	[bflag:$0x0] =	sbarrier.arrive $0xFFFF  }
0x74: {  	s26 =	smov.u32 s20;
	s30 =	simm.s32 $0x0;
	s20 =	rddreg [dreg:$0xe]  }
0x75: {  	[tilespmem:s30], [sflag:$0x7] =	stream.linear.gather [hbm4b:s20+s30], $0x80, $0x38;
	[tilespmem:$0x1C480] =	vst v63  }
0x76: {  	_ =	swait.ge [sflag:s7], $0x80  }
0x77: {  	[sflag:s7] =	ssyncset.done $0x0  }
0x78: {  	s28 =	smov.u32 s21;
	s21 =	rddreg [dreg:$0xf];
	[sflag:s7] =	ssyncadd.s32 $0xFFFFFF80  }
0x79: {  	[tilespmem:s8], [sflag:$0x5] =	stream.linear.gather [hbm4b:s21+s30], $0x80, $0x38;
	[tilespmem:$0x1C480] =	vst v63  }
0x7a: {  	s19 =	smov.u32 s22;
	s22 =	rddreg [dreg:$0x1c]  }
0x7b: {  	[tilespmem:s6], [sflag:$0x1] =	stream.linear.gather [hbm4b:s22+s30], $0x4000, $0x38;
	[tilespmem:$0x1C480] =	vst v63  }
0x7c: {  	_ =	swait.ge [sflag:s9], $0x4000  }
0x7d: {  	[sflag:s9] =	ssyncset.done $0x0  }
0x7e: {  	[sflag:s9] =	ssyncadd.s32 $0xFFFFC000  }
0x7f: {  	s23 =	sadd.s32 $0x0, s5;
	_ =	swait.ge [sflag:s10], $0x80  }
0x80: {  	s16 =	sadd.s32 $0x20, s23;
	[sflag:s10] =	ssyncset.done $0x0  }
0x81: {  	p0 =	slt.u32 s16, s3;
	[sflag:s10] =	ssyncadd.s32 $0xFFFFFF80  }
0x82: {  	[spmem:s1] =	stream.indirect.scatter.add.f32 [tilespmem:s6], [sflag:$0x3], $0x80, s4, s11, $0xb8;
	[tilespmem:$0x1C480] =	vst v63  }
0x83: {  	s16 =	simm.s32 @!p0 $0x4  }
0x84: {  	[spmem:s2] =	stream.indirect.scatter.add.f32 [tilespmem:s8], [sflag:$0x5], $0x1, s4, s11, $0xb8;
	[tilespmem:$0x1C480] =	vst v63  }
0x85: {  	_ =	swait.ge @!p0 [sflag:s16], $0x4000  }
0x86: {  	[sflag:s16] =	ssyncset.done @!p0 $0x0  }
0x87: {  	s18 =	simm.s32 @!p0 $0x6;
	[sflag:s16] =	ssyncadd.s32 @!p0 $0xFFFFC000  }
0x88: {  	_ =	swait.ge @!p0 [sflag:s18], $0x80  }
0x89: {  	s17 =	smov.u32 s24;
	s24 =	rddreg [dreg:$0x5];
	[sflag:s18] =	ssyncset.done @!p0 $0x0  }
0x8a: {  	[sflag:s18] =	ssyncadd.s32 @!p0 $0xFFFFFF80;
	s16 =	sadd.s32 $0x0, s24  }
0x8b: {  	[tilespmem:s11], [sflag:$0x7] =	stream.linear.gather [hbm4b:s16+s4], $0x80, $0x38;
	[tilespmem:$0x1C480] =	vst v63  }
0x8c: {  	_ =	swait.ge [sflag:s7], $0x80  }
0x8d: {  	s25 =	rddreg [dreg:$0x6];
	[sflag:s7] =	ssyncset.done $0x0  }
0x8e: {  	[sflag:s7] =	ssyncadd.s32 $0xFFFFFF80;
	s16 =	sadd.s32 $0x0, s25  }
0x8f: {  	[tilespmem:s12], [sflag:$0x6] =	stream.linear.gather [hbm4b:s16+s4], $0x80, $0x38;
	[tilespmem:$0x1C480] =	vst v63  }
0x90: {  	s31 =	rddreg [dreg:$0x1d]  }
0x91: {  	[tilespmem:s13], [sflag:$0x2] =	stream.linear.gather [hbm4b:s31+s4], $0x4000, $0x38;
	[tilespmem:$0x1C480] =	vst v63  }
0x92: {  	_ =	swait.ge [sflag:s14], $0x4000  }
0x93: {  	[sflag:s14] =	ssyncset.done $0x0  }
0x94: {  	[sflag:s14] =	ssyncadd.s32 $0xFFFFC000  }
0x95: {  	s0 =	sadd.s32 $0x40, s23;
	p0 =	por $0x0, $0x0;
	_ =	swait.ge [sflag:s15], $0x80  }
0x96: {  	p1 =	slt.u32 @!p0 s0, s3;
	[sflag:s15] =	ssyncset.done $0x0  }
0x97: {  	p1 =	por p1, p0;
	[sflag:s15] =	ssyncadd.s32 $0xFFFFFF80  }
0x98: {  	[spmem:s1] =	stream.indirect.scatter.add.f32 [tilespmem:s13], [sflag:$0x4], $0x80, s11, s11, $0xb8;
	[tilespmem:$0x1C480] =	vst v63  }
0x99: {  	s0 =	simm.s32 @!p1 $0x3  }
0x9a: {  	[spmem:s2] =	stream.indirect.scatter.add.f32 [tilespmem:s12], [sflag:$0x6], $0x1, s11, s11, $0xb8;
	[tilespmem:$0x1C480] =	vst v63  }
0x9b: {  	_ =	swait.ge @!p1 [sflag:s0], $0x4000  }
0x9c: {  	[sflag:s0] =	ssyncset.done @!p1 $0x0  }
0x9d: {  	s16 =	simm.s32 @!p1 $0x5;
	[sflag:s0] =	ssyncadd.s32 @!p1 $0xFFFFC000  }
0x9e: {  	_ =	swait.ge @!p1 [sflag:s16], $0x80  }
0x9f: {  	s21 =	simm.s32 @!p0 $0x0;
	s0 =	rddreg [dreg:$0x7];
	[sflag:s16] =	ssyncset.done @!p1 $0x0  }
0xa0: {  	s22 =	simm.s32 @!p0 $0x7;
	[sflag:s16] =	ssyncadd.s32 @!p1 $0xFFFFFF80;
	s0 =	sadd.s32 @!p0 $0x0, s0  }
0xa1: {  	[tilespmem:s21], [sflag:$0x7] =	stream.linear.gather @!p0 [hbm4b:s0+s21], $0x80, $0x38;
	[tilespmem:$0x1C480] =	vst v63  }
0xa2: {  	_ =	swait.ge @!p0 [sflag:s22], $0x80  }
0xa3: {  	s20 =	simm.s32 $0x0;
	s16 =	simm.s32 $0x400;
	s0 =	rddreg [dreg:$0x1e]  }
0xa4: {  	[sflag:s22] =	ssyncset.done @!p0 $0x0;
	s23 =	rddreg [dreg:$0x8];
	s18 =	sadd.s32 $0x20000, s0  }
.LBB2_4:
0xa5: {  	[sflag:s22] =	ssyncadd.s32 @!p0 $0xFFFFFF80;
	s22 =	simm.s32 @!p0 $0x100;
	s23 =	sadd.s32 @!p0 s20, s23  }
0xa6: {  	[tilespmem:s22], [sflag:$0x5] =	stream.linear.gather @!p0 [hbm4b:s23+s21], $0x80, $0x38;
	[tilespmem:$0x1C480] =	vst v63  }
0xa7: {  	s25 =	simm.s32 @!p0 $0x200  }
0xa8: {  	[tilespmem:s25], [sflag:$0x1] =	stream.linear.gather @!p0 [hbm4b:s0+s21], $0x4000, $0x38;
	[tilespmem:$0x1C480] =	vst v63  }
0xa9: {  	_ =	swait.ge [sflag:s9], $0x4000  }
0xaa: {  	s24 =	smov.u32 s16;
	[sflag:s9] =	ssyncset.done $0x0  }
0xab: {  	s30 =	sadd.s32 $0x40, s30;
	s20 =	smov.u32 s24;
	[sflag:s9] =	ssyncadd.s32 $0xFFFFC000  }
0xac: {  	s23 =	sadd.s32 s30, s5;
	s24 =	sadd.s32 $0x20, s30;
	_ =	swait.ge [sflag:s10], $0x80  }
0xad: {  	s25 =	sadd.s32 $0x20, s23;
	s21 =	sadd.s32 $0x40, s23;
	[sflag:s10] =	ssyncset.done $0x0  }
0xae: {  	p0 =	sgt.u32 s24, $0x25F;
	p3 =	slt.u32 s25, s3;
	[sflag:s10] =	ssyncadd.s32 $0xFFFFFF80  }
0xaf: {  	[spmem:s1] =	stream.indirect.scatter.add.f32 [tilespmem:s6], [sflag:$0x3], $0x80, s4, s11, $0xb8;
	[tilespmem:$0x1C480] =	vst v63  }
0xb0: {  	p2 =	slt.u32 @!p0 s21, s3;
	s21 =	simm.s32 @!p3 $0x4  }
0xb1: {  	[spmem:s2] =	stream.indirect.scatter.add.f32 [tilespmem:s8], [sflag:$0x5], $0x1, s4, s11, $0xb8;
	[tilespmem:$0x1C480] =	vst v63  }
0xb2: {  	_ =	swait.ge @!p3 [sflag:s21], $0x4000  }
0xb3: {  	[sflag:s21] =	ssyncset.done @!p3 $0x0  }
0xb4: {  	s22 =	simm.s32 @!p3 $0x6;
	[sflag:s21] =	ssyncadd.s32 @!p3 $0xFFFFC000  }
0xb5: {  	_ =	swait.ge @!p3 [sflag:s22], $0x80  }
0xb6: {  	[sflag:s22] =	ssyncset.done @!p3 $0x0;
	s24 =	rddreg [dreg:$0x5]  }
0xb7: {  	[sflag:s22] =	ssyncadd.s32 @!p3 $0xFFFFFF80;
	s21 =	sadd.s32 s20, s24  }
0xb8: {  	[tilespmem:s11], [sflag:$0x7] =	stream.linear.gather [hbm4b:s21+s4], $0x80, $0x38;
	[tilespmem:$0x1C480] =	vst v63  }
0xb9: {  	_ =	swait.ge [sflag:s7], $0x80  }
0xba: {  	[sflag:s7] =	ssyncset.done $0x0;
	s25 =	rddreg [dreg:$0x6]  }
0xbb: {  	[sflag:s7] =	ssyncadd.s32 $0xFFFFFF80;
	s21 =	sadd.s32 s20, s25  }
0xbc: {  	[tilespmem:s12], [sflag:$0x6] =	stream.linear.gather [hbm4b:s21+s4], $0x80, $0x38;
	[tilespmem:$0x1C480] =	vst v63  }
0xbd: {  	s31 =	sadd.s32 $0x20000, s31  }
0xbe: {  	[tilespmem:s13], [sflag:$0x2] =	stream.linear.gather [hbm4b:s31+s4], $0x4000, $0x38;
	[tilespmem:$0x1C480] =	vst v63  }
0xbf: {  	_ =	swait.ge [sflag:s14], $0x4000  }
0xc0: {  	[sflag:s14] =	ssyncset.done $0x0  }
0xc1: {  	[sflag:s14] =	ssyncadd.s32 $0xFFFFC000  }
0xc2: {  	_ =	swait.ge [sflag:s15], $0x80  }
0xc3: {  	[sflag:s15] =	ssyncset.done $0x0  }
0xc4: {  	p2 =	por p2, p0;
	[sflag:s15] =	ssyncadd.s32 $0xFFFFFF80  }
0xc5: {  	[spmem:s1] =	stream.indirect.scatter.add.f32 [tilespmem:s13], [sflag:$0x4], $0x80, s11, s11, $0xb8;
	[tilespmem:$0x1C480] =	vst v63  }
0xc6: {  	s21 =	simm.s32 @!p2 $0x3  }
0xc7: {  	[spmem:s2] =	stream.indirect.scatter.add.f32 [tilespmem:s12], [sflag:$0x6], $0x1, s11, s11, $0xb8;
	[tilespmem:$0x1C480] =	vst v63  }
0xc8: {  	_ =	swait.ge @!p2 [sflag:s21], $0x4000  }
0xc9: {  	[sflag:s21] =	ssyncset.done @!p2 $0x0  }
0xca: {  	s16 =	sadd.s32 $0x400, s16;
	s22 =	simm.s32 @!p2 $0x5;
	[sflag:s21] =	ssyncadd.s32 @!p2 $0xFFFFC000  }
0xcb: {  	p1 =	sne.s32 s16, $0x2800;
	s21 =	simm.s32 @!p0 $0x0;
	_ =	swait.ge @!p2 [sflag:s22], $0x80  }
.Ltmp1:
0xcc: {  	[sflag:s22] =	ssyncset.done @!p2 $0x0;
	s23 =	rddreg [dreg:$0x7];
	(pc) =	sbr.rel @p1 .LBB2_4-.Ltmp1, $4  }
0xcd: {  	[sflag:s22] =	ssyncadd.s32 @!p2 $0xFFFFFF80;
	s23 =	sadd.s32 @!p0 s20, s23;
	s22 =	simm.s32 @!p0 $0x7  }
0xce: {  	[tilespmem:s21], [sflag:$0x7] =	stream.linear.gather @!p0 [hbm4b:s23+s21], $0x80, $0x38;
	[tilespmem:$0x1C480] =	vst v63  }
0xcf: {  	s0 =	smov.u32 s18;
	_ =	swait.ge @!p0 [sflag:s22], $0x80  }
0xd0: {  	s18 =	sadd.s32 $0x20000, s18;
	[sflag:s22] =	ssyncset.done @!p0 $0x0;
	s23 =	rddreg [dreg:$0x8]  }
0xd1: {  	[sflag:s22] =	ssyncadd.s32 @!p0 $0xFFFFFF80;
	s16 =	sadd.s32 @!p0 s20, s23;
	s18 =	simm.s32 @!p0 $0x100  }
0xd2: {  	[tilespmem:s18], [sflag:$0x5] =	stream.linear.gather @!p0 [hbm4b:s16+s21], $0x80, $0x38;
	[tilespmem:$0x1C480] =	vst v63  }
0xd3: {  	s16 =	simm.s32 @!p0 $0x200;
	s18 =	simm.s32 $0x3  }
0xd4: {  	[tilespmem:s16], [sflag:$0x1] =	stream.linear.gather @!p0 [hbm4b:s0+s21], $0x4000, $0x38;
	[tilespmem:$0x1C480] =	vst v63  }
0xd5: {  	_ =	swait.ge [sflag:s18], $0x4000  }
0xd6: {  	[sflag:s18] =	ssyncset.done $0x0  }
0xd7: {  	[sflag:s18] =	ssyncadd.s32 $0xFFFFC000  }
0xd8: {  	_ =	swait.ge [sflag:s10], $0x80  }
0xd9: {  	[sflag:s10] =	ssyncset.done $0x0  }
0xda: {  	s20 =	simm.s32 $0x4;
	[sflag:s10] =	ssyncadd.s32 $0xFFFFFF80  }
0xdb: {  	_ =	swait.ge [sflag:s20], $0x4000  }
0xdc: {  	[sflag:s20] =	ssyncset.done $0x0  }
0xdd: {  	[sflag:s20] =	ssyncadd.s32 $0xFFFFC000  }
0xde: {  	_ =	swait.ge [sflag:s15], $0x80  }
0xdf: {  	[sflag:s15] =	ssyncset.done $0x0  }
0xe0: {  	s21 =	stileid.u32;
	[sflag:s15] =	ssyncadd.s32 $0xFFFFFF80  }
0xe1: {  	s0 =	sshll.u32 s21, $0x6;
	[bflag:$0x0] =	sbarrier.arrive $0xFFFF  }
0xe2: {  	s22 =	sshrl.u32 s26, $0x3;
	s0 =	sor.u32 $0x1C07, s0;
	s23 =	rddreg [dreg:$0x9]  }
0xe3: {  	[hbm:s23], [sflag:s0] =	dma.local [spmem:s22], $0x800  }
0xe4: {  	_ =	swait.ge [sflag:s7], $0x800  }
0xe5: {  	[sflag:s7] =	ssyncset.done $0x0  }
0xe6: {  	s24 =	sshrl.u32 s28, $0x3;
	s25 =	rddreg [dreg:$0x10];
	[sflag:s7] =	ssyncadd.s32 $0xFFFFF800  }
0xe7: {  	[hbm:s25], [sflag:s0] =	dma.local [spmem:s24], $0x10  }
0xe8: {  	_ =	swait.ge [sflag:s7], $0x10  }
0xe9: {  	s21 =	smov.u32 s28;
	s20 =	smov.u32 s26;
	[sflag:s7] =	ssyncset.done $0x0  }
0xea: {  	s26 =	sshrl.u32 s19, $0x3;
	s28 =	rddreg [dreg:$0xa];
	[sflag:s7] =	ssyncadd.s32 $0xFFFFFFF0  }
0xeb: {  	[hbm:s28], [sflag:s0] =	dma.local [spmem:s26], $0x800  }
0xec: {  	_ =	swait.ge [sflag:s7], $0x800  }
0xed: {  	s18 =	sshrl.u32 s17, $0x3;
	[sflag:s7] =	ssyncset.done $0x0  }
0xee: {  	s22 =	smov.u32 s19;
	s19 =	rddreg [dreg:$0x11];
	[sflag:s7] =	ssyncadd.s32 $0xFFFFF800  }
0xef: {  	[hbm:s19], [sflag:s0] =	dma.local [spmem:s18], $0x10  }
0xf0: {  	_ =	swait.ge [sflag:s7], $0x10  }
0xf1: {  	[sflag:s7] =	ssyncset.done $0x0;
	s25 =	rddreg [dreg:$0x15]  }
0xf2: {  	s26 =	rddreg [dreg:$0xb];
	[sflag:s7] =	ssyncadd.s32 $0xFFFFFFF0;
	s23 =	sshrl.u32 s25, $0x3  }
0xf3: {  	[hbm:s26], [sflag:s0] =	dma.local [spmem:s23], $0x800  }
0xf4: {  	_ =	swait.ge [sflag:s7], $0x800  }
0xf5: {  	s24 =	smov.u32 s17;
	[sflag:s7] =	ssyncset.done $0x0;
	s30 =	rddreg [dreg:$0x16]  }
0xf6: {  	s17 =	rddreg [dreg:$0x12];
	[sflag:s7] =	ssyncadd.s32 $0xFFFFF800;
	s28 =	sshrl.u32 s30, $0x3  }
0xf7: {  	[hbm:s17], [sflag:s0] =	dma.local [spmem:s28], $0x10  }
0xf8: {  	_ =	swait.ge [sflag:s7], $0x10  }
0xf9: {  	[sflag:s7] =	ssyncset.done $0x0;
	s31 =	rddreg [dreg:$0x17]  }
0xfa: {  	s19 =	rddreg [dreg:$0xc];
	[sflag:s7] =	ssyncadd.s32 $0xFFFFFFF0;
	s18 =	sshrl.u32 s31, $0x3  }
0xfb: {  	[hbm:s19], [sflag:s0] =	dma.local [spmem:s18], $0x800  }
0xfc: {  	_ =	swait.ge [sflag:s7], $0x800  }
0xfd: {  	[sflag:s7] =	ssyncset.done $0x0;
	s23 =	rddreg [dreg:$0x18]  }
0xfe: {  	s26 =	rddreg [dreg:$0x13];
	[sflag:s7] =	ssyncadd.s32 $0xFFFFF800;
	s16 =	sshrl.u32 s23, $0x3  }
0xff: {  	[hbm:s26], [sflag:s0] =	dma.local [spmem:s16], $0x10  }
0x100: {  	_ =	swait.ge [sflag:s7], $0x10  }
0x101: {  	[sflag:s7] =	ssyncset.done $0x0;
	s23 =	rddreg [dreg:$0x19]  }
0x102: {  	s17 =	rddreg [dreg:$0xd];
	[sflag:s7] =	ssyncadd.s32 $0xFFFFFFF0;
	s28 =	sshrl.u32 s23, $0x3  }
0x103: {  	[hbm:s17], [sflag:s0] =	dma.local [spmem:s28], $0x800  }
0x104: {  	_ =	swait.ge [sflag:s7], $0x800  }
0x105: {  	[sflag:s7] =	ssyncset.done $0x0;
	s19 =	rddreg [dreg:$0x1a]  }
0x106: {  	s26 =	rddreg [dreg:$0x14];
	[sflag:s7] =	ssyncadd.s32 $0xFFFFF800;
	s16 =	sshrl.u32 s19, $0x3  }
0x107: {  	[hbm:s26], [sflag:s0] =	dma.local [spmem:s16], $0x10  }
0x108: {  	_ =	swait.ge [sflag:s7], $0x10  }
0x109: {  	s29 =	sadd.s32 $0x1, s29;
	s28 =	rddreg [dreg:$0x1b]  }
0x10a: {  	p0 =	sne.s32 s29, s28  }
.Ltmp2:
0x10b: {  	_ = 	snop;
	(pc) =	sbr.rel @p0 .LBB2_1-.Ltmp2, $3  }
0x10c: {  	_ =	sdelay $0x1  }
0x10d: {  	[sflag:s7] =	ssyncset.done $0x0  }
0x10e: {  	[sflag:s7] =	ssyncadd.s32 $0xFFFFFFF0  }
0x10f: {  	_ =	sfence.sel $0x180000  }
0x110: {  	[bflag:$0x0] =	sbarrier.arrive $0xFFFF  }
0x111: {  	_ =	strace $0x9000004D  }
0x112: {  	s0 =	stileid.u32;
	[bflag:$0x2] =	sbarrier.arrive $0xFFFF  }
0x113: {  	p0 =	sne.s32 s0, $0x0;
	s0 =	rddreg [dreg:$0x4]  }
0x114: {  	s0 =	sadd.s32 @!p0 $0x100000, s0  }
0x115: {  	[sflag:s0] =	ssyncadd.tile.s32 @!p0 $0x1;
	_ =	shalt  }
.Lfunc_end2:
_tile_overlayer_lowered:
.L_overlay_start_2:
0x116: {  	(tag) =	ssettag $0x2  }
0x117: {  	s0 =	rddreg [dreg:$0x0];
	s2 =	stileid.u32  }
0x118: {  	s1 =	rddreg [dreg:$0x1];
	p0 =	sne.s32 s2, $0x0  }
0x119: {  	s3 =	rddreg [dreg:$0x2];
	[bflag:$0x3] =	sbarrier.arrive $0xFFFF;
	s2 =	simm.s32 @!p0 $0x1C07  }
0x11a: {  	[timem:s3], [sflag:s2] =	dma.local @!p0 [hbm:s0], s1  }
0x11b: {  	s0 =	simm.s32 @!p0 $0x7  }
0x11c: {  	_ =	swait.ge @!p0 [sflag:s0], s1  }
0x11d: {  	s1 =	ssub.s32 @!p0 $0x0, s1;
	[sflag:s0] =	ssyncset.done @!p0 $0x0  }
0x11e: {  	[sflag:s0] =	ssyncadd.s32 @!p0 s1  }
0x11f: {  	[bflag:$0x3] =	sbarrier.arrive $0xFFFF  }
0x120: {  	_ =	shalt  }

// kernel: kernel.18.cloned.1.call-start
scs
__scs_entry_jumppad:
0x0: {  	(pc) =	sbr.rel $0x88, $3  }
0x1: {  	(tag) =	ssettag $0x0;
	lr =	simm.s32 $0x1  }
0x2: {  	[smem:$0x3F96] =	sst lr;
	_ =	strace $0xD0000000  }
0x3: {  	_ = 	snop  }
0x4: {  	_ = 	snop  }
0x5: {  	_ = 	snop  }
0x6: {  	_ = 	snop  }
0x7: {  	_ = 	snop  }
__scs_overlays_trampoline_lowered:
0x8: {  	[smem:$0x3FA5] =	sst s0  }
0x9: {  	[smem:$0x3FA6] =	sst s1  }
0xa: {  	[smem:$0x3FA7] =	sst s2  }
0xb: {  	[smem:$0x3FA8] =	sst s3  }
0xc: {  	[smem:$0x3FA9] =	sst s4  }
0xd: {  	[smem:$0x3FAA] =	sst s5  }
0xe: {  	[smem:$0x3FAB] =	sst s6  }
0xf: {  	[smem:$0x3FAC] =	sst s7  }
0x10: {  	[smem:$0x3FAD] =	sst s8  }
0x11: {  	[smem:$0x3FAE] =	sst s9;
	s0 =	simm.s32 @!p0 $0x0  }
0x12: {  	s1 =	sld [smem:$0x3F94];
	s0 =	simm.s32 @p0 $0x1  }
0x13: {  	[smem:$0x3FAF] =	sst s0;
	s0 =	simm.s32 @!p1 $0x0  }
0x14: {  	s2 =	sld [smem:$0x3F93];
	s0 =	simm.s32 @p1 $0x1  }
0x15: {  	[smem:$0x3FB0] =	sst s0;
	s0 =	simm.s32 @!p2 $0x0  }
0x16: {  	s3 =	sld [smem:$0x3FDB];
	s0 =	simm.s32 @p2 $0x1  }
0x17: {  	s4 =	simm.s32 $0x1BF5;
	[smem:$0x3FB2] =	sst s0  }
0x18: {  	s0 =	sld [smem:$0x3F95];
	_ =	swait.ge [sflag:s4], $0x0  }
0x19: {  	s7 =	sld [smem:$0x3F96]  }
0x1a: {  	s8 =	sadd.s32 $0xFFFFE003, lr  }
0x1b: {  	s9 =	sadd.s32 $0xFFFFFEF7, lr;
	s5 =	simm.s32 $0xFFFFFFFF;
	p2 =	slt.u32 s8, $0xFFFFF086  }
0x1c: {  	p1 =	slt.u32 s9, $0xF7A;
	s5 =	simm.s32 @!p2 $0x0  }
0x1d: {  	s5 =	simm.s32 @p1 $0x1;
	p0 =	seq.s32 s7, s2  }
0x1e: {  	s7 =	smul.u32 @!p0 $0xF7A, s2;
	p2 =	seq.s32 @!p0 s5, $0x0  }
0x1f: {  	s9 =	smul.u32 $0xF7A, s1;
	s8 =	simm.s32 @!p0 $0x1BF5;
	p2 =	por !p2, p0  }
0x20: {  	[sflag:s8] =	ssyncset.s32 @!p0 $0xFFFFF086;
	s6 =	sadd.s32 @!p0 s3, s7;
	s7 =	simm.s32 @!p0 $0x108  }
0x21: {  	s3 =	sadd.s32 s3, s9;
	s6 =	sadd.s32 @!p0 $0x88, s6;
	s7 =	simm.s32 @p2 $0x1082  }
0x22: {  	[simem:s7], [sflag:s8] =	dma.local @!p0 [hbm:s6], $0xF7A  }
0x23: {  	s9 =	sor.u32 $0xD0000000, s2;
	s6 =	simm.s32 $0x108;
	_ =	swait.ge @!p0 [sflag:s8], $0x0  }
0x24: {  	s3 =	sadd.s32 $0x88, s3;
	s6 =	simm.s32 @!p1 $0x1082;
	[sflag:s4] =	ssyncset.s32 $0xFFFFF086  }
0x25: {  	[simem:s6], [sflag:s4] =	dma.local [hbm:s3], $0xF7A  }
0x26: {  	[smem:$0x3F96] =	sst s1;
	(tag) =	ssettag s2;
	_ =	strace s9  }
0x27: {  	s1 =	sld [smem:$0x3FA6]  }
0x28: {  	s2 =	sld [smem:$0x3FA7]  }
0x29: {  	s4 =	sld [smem:$0x3FA9]  }
0x2a: {  	p0 =	seq.s32 s5, $0x0;
	s5 =	sld [smem:$0x3FAA]  }
0x2b: {  	s6 =	sld [smem:$0x3FAB]  }
0x2c: {  	s7 =	sld [smem:$0x3FAC]  }
0x2d: {  	s3 =	simm.s32 $0x108;
	s8 =	sld [smem:$0x3FAD]  }
0x2e: {  	s3 =	simm.s32 @!p0 $0x1082;
	s9 =	sld [smem:$0x3FAE]  }
0x2f: {  	lr =	sadd.s32 s0, s3;
	s0 =	sld [smem:$0x3FA5]  }
0x30: {  	s3 =	sld [smem:$0x3FA8]  }
0x31: {  	[smem:$0x3FB1] =	sst s10  }
0x32: {  	s10 =	sld [smem:$0x3FAF];
	_ =	sdelay $0x3  }
0x33: {  	p0 =	seq.s32 s10, $0x1;
	s10 =	sld [smem:$0x3FB1];
	_ =	sdelay $0x3  }
0x34: {  	[smem:$0x3FB1] =	sst s10  }
0x35: {  	s10 =	sld [smem:$0x3FB0];
	_ =	sdelay $0x3  }
0x36: {  	p1 =	seq.s32 s10, $0x1;
	s10 =	sld [smem:$0x3FB1];
	_ =	sdelay $0x3  }
0x37: {  	[smem:$0x3FB1] =	sst s10  }
0x38: {  	s10 =	sld [smem:$0x3FB2]  }
0x39: {  	_ = 	snop;
	(pc) =	sbr.ind lr, $3  }
0x3a: {  	_ = 	snop  }
0x3b: {  	_ = 	snop  }
0x3c: {  	p2 =	seq.s32 s10, $0x1;
	s10 =	sld [smem:$0x3FB1]  }
0x3d: {  	_ =	shalt  }
0x3e: {  	_ =	shalt  }
0x3f: {  	_ =	shalt  }
0x40: {  	_ =	shalt  }
0x41: {  	_ =	shalt  }
0x42: {  	_ =	shalt  }
0x43: {  	_ =	shalt  }
0x44: {  	_ =	shalt  }
0x45: {  	_ =	shalt  }
0x46: {  	_ =	shalt  }
0x47: {  	_ =	shalt  }
0x48: {  	_ =	shalt  }
0x49: {  	_ =	shalt  }
0x4a: {  	_ =	shalt  }
0x4b: {  	_ =	shalt  }
0x4c: {  	_ =	shalt  }
0x4d: {  	_ =	shalt  }
0x4e: {  	_ =	shalt  }
0x4f: {  	_ =	shalt  }
0x50: {  	_ =	shalt  }
0x51: {  	_ =	shalt  }
0x52: {  	_ =	shalt  }
0x53: {  	_ =	shalt  }
0x54: {  	_ =	shalt  }
0x55: {  	_ =	shalt  }
0x56: {  	_ =	shalt  }
0x57: {  	_ =	shalt  }
0x58: {  	_ =	shalt  }
0x59: {  	_ =	shalt  }
0x5a: {  	_ =	shalt  }
0x5b: {  	_ =	shalt  }
0x5c: {  	_ =	shalt  }
0x5d: {  	_ =	shalt  }
0x5e: {  	_ =	shalt  }
0x5f: {  	_ =	shalt  }
0x60: {  	_ =	shalt  }
0x61: {  	_ =	shalt  }
0x62: {  	_ =	shalt  }
0x63: {  	_ =	shalt  }
0x64: {  	_ =	shalt  }
0x65: {  	_ =	shalt  }
0x66: {  	_ =	shalt  }
0x67: {  	_ =	shalt  }
0x68: {  	_ =	shalt  }
0x69: {  	_ =	shalt  }
0x6a: {  	_ =	shalt  }
0x6b: {  	_ =	shalt  }
0x6c: {  	_ =	shalt  }
0x6d: {  	_ =	shalt  }
0x6e: {  	_ =	shalt  }
0x6f: {  	_ =	shalt  }
0x70: {  	_ =	shalt  }
0x71: {  	_ =	shalt  }
0x72: {  	_ =	shalt  }
0x73: {  	_ =	shalt  }
0x74: {  	_ =	shalt  }
0x75: {  	_ =	shalt  }
0x76: {  	_ =	shalt  }
0x77: {  	_ =	shalt  }
0x78: {  	_ =	shalt  }
0x79: {  	_ =	shalt  }
0x7a: {  	_ =	shalt  }
0x7b: {  	_ =	shalt  }
0x7c: {  	_ =	shalt  }
0x7d: {  	_ =	shalt  }
0x7e: {  	_ =	shalt  }
0x7f: {  	_ =	shalt  }
0x80: {  	_ =	shalt  }
0x81: {  	_ =	shalt  }
0x82: {  	_ =	shalt  }
0x83: {  	_ =	shalt  }
0x84: {  	_ =	shalt  }
0x85: {  	_ =	shalt  }
0x86: {  	_ =	shalt  }
0x87: {  	_ =	shalt  }
.Lfunc_end0:
.L_simem_size_0:
called_computation.3_lowered:
.L_overlay_start_0:
0x88: {  	s2 =	sld [smem:$0x3FD9]  }
0x89: {  	s3 =	sld [smem:$0x3FFE];
	_ =	sdelay $0x1  }
0x8a: {  	s1 =	srdreg.scid  }
0x8b: {  	s0 =	sand.u32 $0x1, s1  }
0x8c: {  	s17 =	sshll.u32 s0, $0xA;
	s2 =	sadd.s32 s3, s2  }
0x8d: {  	s2 =	sadd.s32 s2, s17  }
0x8e: {  	[smem:$0x3FBD] =	sst s2  }
0x8f: {  	_ = 	snop  }
0x90: {  	(tm) =	ssettm $0x1  }
0x91: {  	s18 =	sld [smem:$0x3FFB];
	_ =	sdelay $0x3  }
0x92: {  	_ =	strace s18  }
0x93: {  	s2 =	sld [smem:$0x3FFC];
	_ =	sdelay $0x3  }
0x94: {  	_ =	strace s2  }
0x95: {  	s2 =	sld [smem:$0x3FFD];
	_ =	sdelay $0x3  }
0x96: {  	_ =	strace s2  }
0x97: {  	_ =	strace $0x8FFFFFFF  }
0x98: {  	s19 =	sld [smem:$0x3FDB];
	_ =	sdelay $0x1  }
0x99: {  	s20 =	simm.s32 $_scs_section_size  }
0x9a: {  	s4 =	simm.s32 $_size__tile_overlayer_lowered;
	s5 =	simm.s32 $_tile_overlayer_lowered  }
0x9b: {  	s6 =	simm.s32 $0x1BFF;
	s21 =	sshll.u32 s5, $0x1;
	s3 =	sadd.s32 s20, s19  }
0x9c: {  	s22 =	simm.s32 $0x0;
	s4 =	sshll.u32 s4, $0x1;
	s5 =	sadd.s32 s21, s3  }
0x9d: {  	[timem:s22], [sflag:s6] =	dma.local [hbm:s5], s4  }
0x9e: {  	_ =	swait.ge [sflag:s6], s4  }
0x9f: {  	s4 =	ssub.s32 $0x0, s4;
	[sflag:s6] =	ssyncset.done $0x0  }
0xa0: {  	[sflag:s6] =	ssyncadd.s32 s4;
	_ =	sdelay $0x1  }
0xa1: {  	s23 =	simm.s32 $0x1B8B  }
0xa2: {  	_ =	swait.ge [sflag:s23], $0x1  }
0xa3: {  	[sflag:s23] =	ssyncset.done $0x0  }
0xa4: {  	[sflag:s23] =	ssyncadd.s32 $0xFFFFFFFF  }
0xa5: {  	s4 =	sld [smem:$0x0]  }
0xa6: {  	s5 =	sand.u32 $0xFFFFFFFE, s1  }
0xa7: {  	p0 =	sne.s32 s1, s5  }
0xa8: {  	s5 =	sshll.u32 @p0 s5, $0xE  }
0xa9: {  	s5 =	sadd.s32 @p0 $0x11B8D, s5;
	s6 =	sshll.u32 @p0 s4, $0x11  }
0xaa: {  	s5 =	sor.u32 @p0 s6, s5  }
0xab: {  	[sflag:s5] =	ssyncadd.remote.s32 @p0 $0x1;
	_ =	sdelay $0x1  }
0xac: {  	s5 =	simm.s32 @p0 $0x1B8D  }
0xad: {  	_ =	swait.eq @p0 [sflag:s5], $0x1  }
0xae: {  	[sflag:s5] =	ssyncadd.s32 @p0 $0xFFFFFFFF  }
0xaf: {  	s6 =	sshll.u32 @!p0 s1, $0xE  }
0xb0: {  	s6 =	sor.u32 @!p0 $0x4000, s6;
	s5 =	simm.s32 @!p0 $0x1B8D  }
0xb1: {  	s4 =	sshll.u32 @!p0 s4, $0x11;
	s6 =	sadd.s32 @!p0 $0x11B8D, s6;
	_ =	swait.eq @!p0 [sflag:s5], $0x1  }
0xb2: {  	s4 =	sor.u32 @!p0 s4, s6;
	[sflag:s5] =	ssyncadd.s32 @!p0 $0xFFFFFFFF  }
0xb3: {  	s25 =	simm.s32 $0x1B8E;
	s24 =	sld [smem:$0x3FFE];
	[sflag:s4] =	ssyncadd.remote.s32 @!p0 $0x1  }
0xb4: {  	s26 =	simm.s32 $execute0_lowered;
	[smem:$0x3FD2] =	sst s25  }
0xb5: {  	s5 =	sshll.u32 s26, $0x1;
	_ =	strace $0x8000004F;
	[dreg:$0x1] =	wrdreg $0xFFFFFFFF  }
0xb6: {  	s28 =	simm.s32 $_size_execute0_lowered;
	s3 =	sadd.s32 s3, s5;
	[dreg:$0x0] =	wrdreg $0x0  }
0xb7: {  	s5 =	sshll.u32 s28, $0x1;
	[dreg:$0x2] =	wrdreg s3  }
0xb8: {  	[dreg:$0x3] =	wrdreg s5  }
0xb9: {  	[dreg:$0x4] =	wrdreg $0xC0  }
0xba: {  	_ =	task [dreg:s22], $0x5FFFF  }
0xbb: {  	[dreg:$0x1] =	wrdreg $0xFFFFFFFF  }
0xbc: {  	[dreg:$0x0] =	wrdreg $0x60  }
0xbd: {  	[dreg:$0x2] =	wrdreg s24  }
0xbe: {  	[dreg:$0x3] =	wrdreg $0x82000  }
0xbf: {  	[dreg:$0x4] =	wrdreg $0x1C2000  }
0xc0: {  	[dreg:$0x5] =	wrdreg $0x9  }
0xc1: {  	_ =	task.clear_ibuf [dreg:s22], $0x6FFFF;
	_ =	strace $0x9000004F  }
0xc2: {  	s29 =	simm.s32 $0x9;
	_ =	strace $0x80000051  }
0xc3: {  	_ =	swait.ge [sflag:s29], $0x1  }
0xc4: {  	[sflag:s29] =	ssyncadd.s32 $0xFFFFFFFF  }
0xc5: {  	_ =	strace $0x90000051  }
0xc6: {  	_ =	sfence  }
0xc7: {  	s30 =	sld [smem:$0x0];
	_ =	sdelay $0x2  }
0xc8: {  	s31 =	sshll.u32 s1, $0xD;
	s1 =	sshrl.u32 s1, $0x2  }
0xc9: {  	s4 =	sand.u32 $0x4000, s31;
	s1 =	sadd.s32 s1, s30  }
0xca: {  	s0 =	sor.u32 s4, s0;
	s1 =	sshll.u32 s1, $0x11  }
0xcb: {  	s0 =	sor.u32 s1, s0  }
0xcc: {  	s0 =	sadd.s32 $0x8F2B, s0  }
0xcd: {  	[sflag:s0] =	ssyncadd.remote.s32 $0x1  }
0xce: {  	_ =	sfence.sel $0xFFFF  }
0xcf: {  	[dreg:$0x0] =	wrdreg $0xFFFFFFFF;
	(pc) =	sbr.abs _section_cstart, $3  }
0xd0: {  	[dreg:$0x1] =	wrdreg $0xFFFFFFFF  }
0xd1: {  	_ =	task.clear_ibuf [dreg:s22], $0x2FFFF;
	_ =	strace $0x9FFFFFFF  }
0xd2: {  	(tm) =	ssettm $0x7FFFFFFF  }
0xd3: {  	_ =	shalt  }
tec
execute0_lowered:
.L_overlay_start_1:
0x0: {  	(tag) =	ssettag $0x1  }
0x1: {  	s5 =	rddreg [dreg:$0x0]  }
0x2: {  	s1 =	rddreg [dreg:$0x1]  }
0x3: {  	s3 =	rddreg [dreg:$0x2];
	s25 =	stileid.u32  }
0x4: {  	s0 =	srdreg.scid;
	s2 =	smul.u32 $0x280, s25  }
0x5: {  	s4 =	simm.s32 $0x0;
	s14 =	sand.u32 $0x1, s0;
	s18 =	smul.u32 $0x14000, s25  }
0x6: {  	[smem:$0x7FF] =	sst s4;
	s15 =	sadd.s32 $0x18DA00, s5;
	s20 =	smul.u32 $0x500, s25  }
0x7: {  	s0 =	ssub.s32 $0x2, s14;
	_ =	strace $0x80000050;
	s7 =	sshll.u32 s14, $0x4  }
0x8: {  	s17 =	smul.u32 $0x140000, s14;
	s6 =	sshrl.u32 s0, $0x1;
	s16 =	sor.u32 s25, s7  }
0x9: {  	s8 =	sadd.s32 $0x100, s2;
	s7 =	sadd.s32 $0x180, s2;
	s10 =	sadd.s32 $0x200, s2  }
0xa: {  	s0 =	ssub.s32 s0, s6;
	s6 =	sadd.s32 $0x80, s2;
	s13 =	sshll.u32 s8, $0x7  }
0xb: {  	s11 =	sshll.u32 s7, $0x7;
	s12 =	sshll.u32 s10, $0x7;
	s19 =	sor.u32 $0x40, s16  }
0xc: {  	s18 =	sadd.s32 s18, s17;
	s22 =	sshll.u32 s8, $0x1;
	s23 =	sshll.u32 s7, $0x1  }
0xd: {  	s31 =	sadd.s32 s8, s3;
	s8 =	simm.s32 $0x5;
	s9 =	sshll.u32 s6, $0x7  }
0xe: {  	[dreg:$0x4] =	wrdreg s19;
	s18 =	sshrl.u32 s18, $0x3;
	s26 =	sadd.s32 s17, s13  }
0xf: {  	s21 =	sadd.s32 s17, s11;
	s29 =	sshll.u32 s6, $0x1;
	s0 =	smax.u32 s0, $0x1  }
0x10: {  	s24 =	sadd.s32 s17, s9;
	s18 =	sadd.s32 s15, s18;
	s17 =	sadd.s32 s17, s12  }
0x11: {  	s28 =	sshrl.u32 s21, $0x3;
	s12 =	sadd.s32 s12, s1;
	[dreg:$0x18] =	wrdreg s0  }
0x12: {  	[dreg:$0x8] =	wrdreg s18;
	s18 =	sshll.u32 s14, $0x7;
	s19 =	sshrl.u32 s24, $0x3  }
0x13: {  	s17 =	sshrl.u32 s17, $0x3;
	s24 =	sshll.u32 s10, $0x1;
	s14 =	sshll.u32 s14, $0xF  }
0x14: {  	s19 =	sadd.s32 s15, s19;
	s30 =	sor.u32 s18, s20;
	s20 =	sor.u32 s18, s23  }
0x15: {  	[dreg:$0x9] =	wrdreg s19;
	s19 =	sshrl.u32 s26, $0x3;
	s26 =	sshll.u32 s25, $0x4  }
0x16: {  	s23 =	sshll.u32 s16, $0x4;
	s19 =	sadd.s32 s15, s19;
	s21 =	sand.u32 $0x70, s26  }
0x17: {  	[dreg:$0xa] =	wrdreg s19;
	s19 =	sadd.s32 s15, s28;
	s15 =	sadd.s32 s15, s17  }
0x18: {  	s17 =	sshrl.u32 s30, $0x3;
	s30 =	sshrl.u32 s20, $0x3;
	[dreg:$0xb] =	wrdreg s19  }
0x19: {  	[dreg:$0xc] =	wrdreg s15;
	s15 =	sor.u32 s18, s29;
	s19 =	sor.u32 s18, s22  }
0x1a: {  	s18 =	sor.u32 s18, s24;
	s22 =	sadd.s32 $0x18D000, s5;
	s29 =	sor.u32 $0x400, s23  }
0x1b: {  	s24 =	sadd.s32 $0x57000, s5;
	s17 =	sadd.s32 s22, s17;
	s15 =	sshrl.u32 s15, $0x3  }
0x1c: {  	s28 =	sshrl.u32 s19, $0x3;
	s20 =	sand.u32 $0x580, s29;
	s18 =	sshrl.u32 s18, $0x3  }
0x1d: {  	[dreg:$0xd] =	wrdreg s17;
	s15 =	sadd.s32 s22, s15;
	s17 =	sadd.s32 s22, s30  }
0x1e: {  	s19 =	sadd.s32 s20, s24;
	s18 =	sadd.s32 s22, s18;
	[dreg:$0xe] =	wrdreg s15  }
0x1f: {  	s30 =	sand.u32 $0x180, s23;
	s23 =	smul.u32 $0x50000, s25;
	[dreg:$0x10] =	wrdreg s17  }
0x20: {  	s15 =	sadd.s32 s22, s28;
	s17 =	sor.u32 $0x20, s16;
	[dreg:$0x11] =	wrdreg s18  }
0x21: {  	s16 =	sshll.u32 s16, $0xB;
	s28 =	sadd.s32 $0x59800, s5;
	s5 =	sadd.s32 $0x18A800, s5  }
0x22: {  	[dreg:$0xf] =	wrdreg s15;
	s15 =	sadd.s32 s21, s19;
	s26 =	sshll.u32 s17, $0x4  }
0x23: {  	s16 =	sadd.s32 s28, s16;
	s14 =	sadd.s32 s14, s28;
	s19 =	sor.u32 s21, s30  }
0x24: {  	s22 =	sadd.s32 s20, s5;
	s20 =	sadd.s32 s9, s1;
	[dreg:$0x7] =	wrdreg s15  }
0x25: {  	s28 =	sadd.s32 s11, s1;
	s30 =	sadd.s32 s10, s3;
	[dreg:$0x12] =	wrdreg s16  }
0x26: {  	s9 =	simm.s32 $0x80;
	s15 =	sand.u32 $0x380, s26;
	[dreg:$0x15] =	wrdreg s28  }
0x27: {  	s18 =	sadd.s32 s24, s19;
	s26 =	sshll.u32 s25, $0xB;
	[dreg:$0x17] =	wrdreg s30  }
0x28: {  	s29 =	sadd.s32 s15, s24;
	[dreg:$0x13] =	wrdreg s18;
	s24 =	sshrl.u32 s23, $0x2  }
0x29: {  	s14 =	sadd.s32 s26, s14;
	s16 =	sadd.s32 s21, s29;
	s29 =	sadd.s32 s7, s3  }
0x2a: {  	s18 =	sadd.s32 $0x20000, s14;
	s7 =	simm.s32 $0x1;
	[dreg:$0x5] =	wrdreg s16  }
0x2b: {  	s16 =	sadd.s32 s5, s19;
	s5 =	sadd.s32 s15, s5;
	s19 =	sadd.s32 s21, s22  }
0x2c: {  	s15 =	sadd.s32 s24, s1;
	s22 =	sadd.s32 s13, s1;
	[dreg:$0x16] =	wrdreg s29  }
0x2d: {  	s13 =	simm.s32 $0x0;
	[dreg:$0x14] =	wrdreg s16;
	s5 =	sadd.s32 s21, s5  }
0x2e: {  	s16 =	sadd.s32 s2, s3;
	s21 =	sadd.s32 s6, s3;
	s2 =	simm.s32 $0x200  }
0x2f: {  	v0 =	vimm.f32 $0.0e+00;
	s6 =	simm.s32 $0x100;
	[dreg:$0x6] =	wrdreg s5;
	s5 =	simm.s32 $0x7  }
.LBB2_1:
0x30: {  	s0 =	simm.s32 $0x0;
	s10 =	simm.s32 $0x200  }
.LBB2_2:
0x31: {  	p0 =	sne.s32 s10, $0xFE00;
	[tilespmem:s0+$0x270] =	vst v0  }
0x32: {  	[tilespmem:s0+$0x200] =	vst v0  }
0x33: {  	[tilespmem:s0+$0x210] =	vst v0  }
.Ltmp0:
0x34: {  	[tilespmem:s0+$0x220] =	vst v0;
	(pc) =	sbr.rel @p0 .LBB2_2-.Ltmp0, $4  }
0x35: {  	[tilespmem:s0+$0x230] =	vst v0  }
0x36: {  	[tilespmem:s0+$0x240] =	vst v0  }
0x37: {  	[tilespmem:s0+$0x250] =	vst v0  }
0x38: {  	[tilespmem:s0+$0x260] =	vst v0;
	s0 =	sshra.s32 s10, $0x2;
	s10 =	sadd.s32 $0x200, s10  }
0x39: {  	[tilespmem:s0+$0x270] =	vst v0  }
0x3a: {  	[tilespmem:s0+$0x200] =	vst v0  }
0x3b: {  	[tilespmem:s0+$0x210] =	vst v0  }
0x3c: {  	[tilespmem:s0+$0x220] =	vst v0  }
0x3d: {  	[tilespmem:s0+$0x230] =	vst v0  }
0x3e: {  	[tilespmem:s0+$0x240] =	vst v0  }
0x3f: {  	[tilespmem:s0+$0x250] =	vst v0  }
0x40: {  	[tilespmem:s0+$0x260] =	vst v0  }
0x41: {  	[tilespmem:$0x100] =	vst v0  }
0x42: {  	[tilespmem:$0x110] =	vst v0  }
0x43: {  	[tilespmem:$0x120] =	vst v0  }
0x44: {  	[tilespmem:$0x130] =	vst v0  }
0x45: {  	[tilespmem:$0x140] =	vst v0  }
0x46: {  	[tilespmem:$0x150] =	vst v0  }
0x47: {  	[tilespmem:$0x160] =	vst v0  }
0x48: {  	[tilespmem:$0x170] =	vst v0  }
0x49: {  	[spmem:s15] =	stream.linear.scatter [tilespmem:s2], [sflag:$0x7], $0x4000, $0x38;
	[tilespmem:$0x1C480] =	vst v63  }
0x4a: {  	_ =	swait.ge [sflag:s5], $0x4000  }
0x4b: {  	[sflag:s5] =	ssyncset.done $0x0  }
0x4c: {  	[sflag:s5] =	ssyncadd.s32 $0xFFFFC000  }
0x4d: {  	[spmem:s16] =	stream.linear.scatter [tilespmem:s6], [sflag:$0x7], $0x80, $0x38;
	[tilespmem:$0x1C480] =	vst v63  }
0x4e: {  	_ =	swait.ge [sflag:s5], $0x80  }
0x4f: {  	[sflag:s5] =	ssyncset.done $0x0  }
0x50: {  	[sflag:s5] =	ssyncadd.s32 $0xFFFFFF80  }
0x51: {  	[spmem:s20] =	stream.linear.scatter [tilespmem:s2], [sflag:$0x7], $0x4000, $0x38;
	[tilespmem:$0x1C480] =	vst v63  }
0x52: {  	_ =	swait.ge [sflag:s5], $0x4000  }
0x53: {  	[sflag:s5] =	ssyncset.done $0x0  }
0x54: {  	[sflag:s5] =	ssyncadd.s32 $0xFFFFC000  }
0x55: {  	[spmem:s21] =	stream.linear.scatter [tilespmem:s6], [sflag:$0x7], $0x80, $0x38;
	[tilespmem:$0x1C480] =	vst v63  }
0x56: {  	_ =	swait.ge [sflag:s5], $0x80  }
0x57: {  	[sflag:s5] =	ssyncset.done $0x0  }
0x58: {  	[sflag:s5] =	ssyncadd.s32 $0xFFFFFF80  }
0x59: {  	[spmem:s22] =	stream.linear.scatter [tilespmem:s2], [sflag:$0x7], $0x4000, $0x38;
	[tilespmem:$0x1C480] =	vst v63  }
0x5a: {  	_ =	swait.ge [sflag:s5], $0x4000  }
0x5b: {  	[sflag:s5] =	ssyncset.done $0x0  }
0x5c: {  	[sflag:s5] =	ssyncadd.s32 $0xFFFFC000  }
0x5d: {  	[spmem:s31] =	stream.linear.scatter [tilespmem:s6], [sflag:$0x7], $0x80, $0x38;
	[tilespmem:$0x1C480] =	vst v63  }
0x5e: {  	_ =	swait.ge [sflag:s5], $0x80  }
0x5f: {  	[sflag:s5] =	ssyncset.done $0x0  }
0x60: {  	s23 =	smov.u32 s15;
	s15 =	rddreg [dreg:$0x15];
	[sflag:s5] =	ssyncadd.s32 $0xFFFFFF80  }
0x61: {  	[spmem:s15] =	stream.linear.scatter [tilespmem:s2], [sflag:$0x7], $0x4000, $0x38;
	[tilespmem:$0x1C480] =	vst v63  }
0x62: {  	_ =	swait.ge [sflag:s5], $0x4000  }
0x63: {  	[sflag:s5] =	ssyncset.done $0x0  }
0x64: {  	s24 =	smov.u32 s16;
	s16 =	rddreg [dreg:$0x16];
	[sflag:s5] =	ssyncadd.s32 $0xFFFFC000  }
0x65: {  	[spmem:s16] =	stream.linear.scatter [tilespmem:s6], [sflag:$0x7], $0x80, $0x38;
	[tilespmem:$0x1C480] =	vst v63  }
0x66: {  	_ =	swait.ge [sflag:s5], $0x80  }
0x67: {  	[sflag:s5] =	ssyncset.done $0x0  }
0x68: {  	[sflag:s5] =	ssyncadd.s32 $0xFFFFFF80  }
0x69: {  	[spmem:s12] =	stream.linear.scatter [tilespmem:s2], [sflag:$0x7], $0x4000, $0x38;
	[tilespmem:$0x1C480] =	vst v63  }
0x6a: {  	_ =	swait.ge [sflag:s5], $0x4000  }
0x6b: {  	[sflag:s5] =	ssyncset.done $0x0  }
0x6c: {  	s25 =	smov.u32 s20;
	s20 =	rddreg [dreg:$0x17];
	[sflag:s5] =	ssyncadd.s32 $0xFFFFC000  }
0x6d: {  	[spmem:s20] =	stream.linear.scatter [tilespmem:s6], [sflag:$0x7], $0x80, $0x38;
	[tilespmem:$0x1C480] =	vst v63  }
0x6e: {  	_ =	swait.ge [sflag:s5], $0x80  }
0x6f: {  	[sflag:s5] =	ssyncset.done $0x0  }
0x70: {  	[sflag:s5] =	ssyncadd.s32 $0xFFFFFF80  }
0x71: {  	[bflag:$0x0] =	sbarrier.arrive $0xFFFF  }
0x72: {  	s26 =	smov.u32 s21;
	s21 =	simm.s32 $0x0;
	s10 =	rddreg [dreg:$0x13]  }
0x73: {  	[tilespmem:s21], [sflag:$0x7] =	stream.linear.gather [hbm4b:s10+s21], $0x80, $0x38;
	[tilespmem:$0x1C480] =	vst v63  }
0x74: {  	_ =	swait.ge [sflag:s5], $0x80  }
0x75: {  	[sflag:s5] =	ssyncset.done $0x0  }
0x76: {  	s28 =	smov.u32 s22;
	s22 =	rddreg [dreg:$0x14];
	[sflag:s5] =	ssyncadd.s32 $0xFFFFFF80  }
0x77: {  	[tilespmem:s6], [sflag:$0x5] =	stream.linear.gather [hbm4b:s22+s21], $0x80, $0x38;
	[tilespmem:$0x1C480] =	vst v63  }
0x78: {  	s29 =	smov.u32 s31;
	s31 =	rddreg [dreg:$0x12]  }
0x79: {  	[tilespmem:s2], [sflag:$0x1] =	stream.linear.gather [hbm4b:s31+s21], $0x4000, $0x38;
	[tilespmem:$0x1C480] =	vst v63  }
0x7a: {  	_ =	swait.ge [sflag:s7], $0x4000  }
0x7b: {  	[sflag:s7] =	ssyncset.done $0x0  }
0x7c: {  	[sflag:s7] =	ssyncadd.s32 $0xFFFFC000  }
0x7d: {  	_ =	swait.ge [sflag:s8], $0x80  }
0x7e: {  	p0 =	sgt.u32 s17, $0x261;
	[sflag:s8] =	ssyncset.done $0x0;
	s0 =	rddreg [dreg:$0x4]  }
0x7f: {  	[sflag:s8] =	ssyncadd.s32 $0xFFFFFF80;
	p1 =	slt.u32 @!p0 s17, s0  }
0x80: {  	[spmem:s1] =	stream.indirect.scatter.add.f32 [tilespmem:s2], [sflag:$0x3], $0x80, s4, s9, $0xb8;
	[tilespmem:$0x1C480] =	vst v63  }
0x81: {  	p1 =	por p1, p0  }
0x82: {  	s0 =	simm.s32 @!p1 $0x4  }
0x83: {  	[spmem:s3] =	stream.indirect.scatter.add.f32 [tilespmem:s6], [sflag:$0x5], $0x1, s4, s9, $0xb8;
	[tilespmem:$0x1C480] =	vst v63  }
0x84: {  	_ =	swait.ge @!p1 [sflag:s0], $0x4000  }
0x85: {  	[sflag:s0] =	ssyncset.done @!p1 $0x0  }
0x86: {  	s10 =	simm.s32 @!p1 $0x6;
	[sflag:s0] =	ssyncadd.s32 @!p1 $0xFFFFC000  }
0x87: {  	s11 =	simm.s32 @!p0 $0x80;
	_ =	swait.ge @!p1 [sflag:s10], $0x80  }
0x88: {  	s14 =	simm.s32 @!p0 $0x7;
	s0 =	rddreg [dreg:$0x5];
	[sflag:s10] =	ssyncset.done @!p1 $0x0  }
0x89: {  	[sflag:s10] =	ssyncadd.s32 @!p1 $0xFFFFFF80;
	s10 =	simm.s32 @!p0 $0x0;
	s0 =	sadd.s32 @!p0 $0x0, s0  }
0x8a: {  	[tilespmem:s11], [sflag:$0x7] =	stream.linear.gather @!p0 [hbm4b:s0+s10], $0x80, $0x38;
	[tilespmem:$0x1C480] =	vst v63  }
0x8b: {  	_ =	swait.ge @!p0 [sflag:s14], $0x80  }
0x8c: {  	s0 =	rddreg [dreg:$0x6];
	[sflag:s14] =	ssyncset.done @!p0 $0x0  }
0x8d: {  	[sflag:s14] =	ssyncadd.s32 @!p0 $0xFFFFFF80;
	s14 =	simm.s32 @!p0 $0x180;
	s0 =	sadd.s32 @!p0 $0x0, s0  }
0x8e: {  	[tilespmem:s14], [sflag:$0x6] =	stream.linear.gather @!p0 [hbm4b:s0+s10], $0x80, $0x38;
	[tilespmem:$0x1C480] =	vst v63  }
0x8f: {  	s15 =	simm.s32 @!p0 $0x4200;
	s16 =	simm.s32 @!p0 $0x2;
	s0 =	sadd.s32 @!p0 $0xFFFF0000, s18  }
0x90: {  	[tilespmem:s15], [sflag:$0x2] =	stream.linear.gather @!p0 [hbm4b:s0+s10], $0x4000, $0x38;
	[tilespmem:$0x1C480] =	vst v63  }
0x91: {  	_ =	swait.ge @!p0 [sflag:s16], $0x4000  }
0x92: {  	[sflag:s16] =	ssyncset.done @!p0 $0x0  }
0x93: {  	s0 =	simm.s32 @!p0 $0x6;
	[sflag:s16] =	ssyncadd.s32 @!p0 $0xFFFFC000  }
0x94: {  	_ =	swait.ge @!p0 [sflag:s0], $0x80  }
0x95: {  	p1 =	sgt.u32 @!p0 s17, $0x241;
	[sflag:s0] =	ssyncset.done @!p0 $0x0  }
0x96: {  	p1 =	por p1, p0;
	[sflag:s0] =	ssyncadd.s32 @!p0 $0xFFFFFF80  }
0x97: {  	[spmem:s1] =	stream.indirect.scatter.add.f32 @!p0 [tilespmem:s15], [sflag:$0x4], $0x80, s11, s11, $0xb8;
	[tilespmem:$0x1C480] =	vst v63  }
0x98: {  	s0 =	simm.s32 @!p1 $0x3  }
0x99: {  	[spmem:s3] =	stream.indirect.scatter.add.f32 @!p0 [tilespmem:s14], [sflag:$0x6], $0x1, s11, s11, $0xb8;
	[tilespmem:$0x1C480] =	vst v63  }
0x9a: {  	_ =	swait.ge @!p1 [sflag:s0], $0x4000  }
0x9b: {  	[sflag:s0] =	ssyncset.done @!p1 $0x0  }
0x9c: {  	s10 =	simm.s32 @!p1 $0x5;
	[sflag:s0] =	ssyncadd.s32 @!p1 $0xFFFFC000  }
0x9d: {  	_ =	swait.ge @!p1 [sflag:s10], $0x80  }
0x9e: {  	s11 =	simm.s32 @!p1 $0x7;
	s0 =	rddreg [dreg:$0x7];
	[sflag:s10] =	ssyncset.done @!p1 $0x0  }
0x9f: {  	[sflag:s10] =	ssyncadd.s32 @!p1 $0xFFFFFF80;
	s10 =	simm.s32 @!p1 $0x0;
	s0 =	sadd.s32 @!p1 $0x0, s0  }
0xa0: {  	[tilespmem:s10], [sflag:$0x7] =	stream.linear.gather @!p1 [hbm4b:s0+s10], $0x80, $0x38;
	[tilespmem:$0x1C480] =	vst v63  }
0xa1: {  	s30 =	smov.u32 s12;
	_ =	swait.ge @!p1 [sflag:s11], $0x80  }
0xa2: {  	s16 =	smov.u32 s18;
	s15 =	simm.s32 $0x400;
	[sflag:s11] =	ssyncset.done @!p1 $0x0  }
0xa3: {  	s14 =	simm.s32 @!p1 $0x100;
	s0 =	sadd.s32 @!p1 $0x0, s19;
	[sflag:s11] =	ssyncadd.s32 @!p1 $0xFFFFFF80  }
0xa4: {  	[tilespmem:s14], [sflag:$0x5] =	stream.linear.gather @!p1 [hbm4b:s0+s10], $0x80, $0x38;
	[tilespmem:$0x1C480] =	vst v63  }
0xa5: {  	s11 =	simm.s32 @!p1 $0x200;
	s0 =	smov.u32 s18;
	s14 =	smov.u32 s17  }
.LBB2_4:
0xa6: {  	[tilespmem:s11], [sflag:$0x1] =	stream.linear.gather @!p1 [hbm4b:s16+s10], $0x4000, $0x38;
	[tilespmem:$0x1C480] =	vst v63  }
0xa7: {  	_ =	swait.ge [sflag:s7], $0x4000  }
0xa8: {  	[sflag:s7] =	ssyncset.done $0x0  }
0xa9: {  	[sflag:s7] =	ssyncadd.s32 $0xFFFFC000  }
0xaa: {  	s14 =	sadd.s32 $0x40, s14;
	_ =	swait.ge [sflag:s8], $0x80  }
0xab: {  	p2 =	sgt.u32 s14, $0x261;
	[sflag:s8] =	ssyncset.done $0x0;
	s10 =	rddreg [dreg:$0x4]  }
0xac: {  	[sflag:s8] =	ssyncadd.s32 $0xFFFFFF80;
	p3 =	slt.u32 @!p2 s14, s10  }
0xad: {  	[spmem:s1] =	stream.indirect.scatter.add.f32 [tilespmem:s2], [sflag:$0x3], $0x80, s4, s9, $0xb8;
	[tilespmem:$0x1C480] =	vst v63  }
0xae: {  	p3 =	por p3, p2  }
0xaf: {  	s10 =	simm.s32 @!p3 $0x4  }
0xb0: {  	[spmem:s3] =	stream.indirect.scatter.add.f32 [tilespmem:s6], [sflag:$0x5], $0x1, s4, s9, $0xb8;
	[tilespmem:$0x1C480] =	vst v63  }
0xb1: {  	_ =	swait.ge @!p3 [sflag:s10], $0x4000  }
0xb2: {  	[sflag:s10] =	ssyncset.done @!p3 $0x0  }
0xb3: {  	s11 =	simm.s32 @!p3 $0x6;
	[sflag:s10] =	ssyncadd.s32 @!p3 $0xFFFFC000  }
0xb4: {  	s31 =	smov.u32 s15;
	s12 =	simm.s32 @!p2 $0x80;
	_ =	swait.ge @!p3 [sflag:s11], $0x80  }
0xb5: {  	s20 =	simm.s32 @!p2 $0x7;
	[sflag:s11] =	ssyncset.done @!p3 $0x0;
	s10 =	rddreg [dreg:$0x5]  }
0xb6: {  	[sflag:s11] =	ssyncadd.s32 @!p3 $0xFFFFFF80;
	s11 =	simm.s32 @!p2 $0x0;
	s10 =	sadd.s32 @!p2 s31, s10  }
0xb7: {  	[tilespmem:s12], [sflag:$0x7] =	stream.linear.gather @!p2 [hbm4b:s10+s11], $0x80, $0x38;
	[tilespmem:$0x1C480] =	vst v63  }
0xb8: {  	_ =	swait.ge @!p2 [sflag:s20], $0x80  }
0xb9: {  	s0 =	sadd.s32 $0x20000, s0;
	s10 =	rddreg [dreg:$0x6];
	[sflag:s20] =	ssyncset.done @!p2 $0x0  }
0xba: {  	[sflag:s20] =	ssyncadd.s32 @!p2 $0xFFFFFF80;
	s20 =	simm.s32 @!p2 $0x180;
	s10 =	sadd.s32 @!p2 s31, s10  }
0xbb: {  	[tilespmem:s20], [sflag:$0x6] =	stream.linear.gather @!p2 [hbm4b:s10+s11], $0x80, $0x38;
	[tilespmem:$0x1C480] =	vst v63  }
0xbc: {  	s21 =	sadd.s32 @!p2 $0xFFFF0000, s0;
	s22 =	simm.s32 @!p2 $0x4200;
	s10 =	simm.s32 @!p2 $0x2  }
0xbd: {  	[tilespmem:s22], [sflag:$0x2] =	stream.linear.gather @!p2 [hbm4b:s21+s11], $0x4000, $0x38;
	[tilespmem:$0x1C480] =	vst v63  }
0xbe: {  	_ =	swait.ge @!p2 [sflag:s10], $0x4000  }
0xbf: {  	[sflag:s10] =	ssyncset.done @!p2 $0x0  }
0xc0: {  	s11 =	simm.s32 @!p2 $0x6;
	[sflag:s10] =	ssyncadd.s32 @!p2 $0xFFFFC000  }
0xc1: {  	_ =	swait.ge @!p2 [sflag:s11], $0x80  }
0xc2: {  	p1 =	sgt.u32 @!p2 s14, $0x241;
	[sflag:s11] =	ssyncset.done @!p2 $0x0  }
0xc3: {  	p1 =	por p1, p2;
	[sflag:s11] =	ssyncadd.s32 @!p2 $0xFFFFFF80  }
0xc4: {  	[spmem:s1] =	stream.indirect.scatter.add.f32 @!p2 [tilespmem:s22], [sflag:$0x4], $0x80, s12, s12, $0xb8;
	[tilespmem:$0x1C480] =	vst v63  }
0xc5: {  	s10 =	simm.s32 @!p1 $0x3  }
0xc6: {  	[spmem:s3] =	stream.indirect.scatter.add.f32 @!p2 [tilespmem:s20], [sflag:$0x6], $0x1, s12, s12, $0xb8;
	[tilespmem:$0x1C480] =	vst v63  }
0xc7: {  	_ =	swait.ge @!p1 [sflag:s10], $0x4000  }
0xc8: {  	[sflag:s10] =	ssyncset.done @!p1 $0x0  }
0xc9: {  	s11 =	simm.s32 @!p1 $0x5;
	[sflag:s10] =	ssyncadd.s32 @!p1 $0xFFFFC000  }
0xca: {  	s15 =	sadd.s32 $0x400, s15;
	_ =	swait.ge @!p1 [sflag:s11], $0x80  }
0xcb: {  	p0 =	sne.s32 s15, $0x2800;
	s12 =	rddreg [dreg:$0x7];
	[sflag:s11] =	ssyncset.done @!p1 $0x0  }
0xcc: {  	s10 =	simm.s32 @!p1 $0x0;
	[sflag:s11] =	ssyncadd.s32 @!p1 $0xFFFFFF80;
	s11 =	sadd.s32 @!p1 s31, s12  }
0xcd: {  	[tilespmem:s10], [sflag:$0x7] =	stream.linear.gather @!p1 [hbm4b:s11+s10], $0x80, $0x38;
	[tilespmem:$0x1C480] =	vst v63  }
.Ltmp1:
0xce: {  	s12 =	simm.s32 @!p1 $0x7;
	(pc) =	sbr.rel @p0 .LBB2_4-.Ltmp1, $4  }
0xcf: {  	_ =	swait.ge @!p1 [sflag:s12], $0x80  }
0xd0: {  	s16 =	smov.u32 s0;
	s21 =	simm.s32 @!p1 $0x100;
	[sflag:s12] =	ssyncset.done @!p1 $0x0  }
0xd1: {  	s20 =	sadd.s32 @!p1 s31, s19;
	s11 =	simm.s32 @!p1 $0x200;
	[sflag:s12] =	ssyncadd.s32 @!p1 $0xFFFFFF80  }
0xd2: {  	[tilespmem:s21], [sflag:$0x5] =	stream.linear.gather @!p1 [hbm4b:s20+s10], $0x80, $0x38;
	[tilespmem:$0x1C480] =	vst v63  }
0xd3: {  	[tilespmem:s11], [sflag:$0x1] =	stream.linear.gather @!p1 [hbm4b:s16+s10], $0x4000, $0x38;
	[tilespmem:$0x1C480] =	vst v63  }
0xd4: {  	s0 =	simm.s32 $0x3  }
0xd5: {  	_ =	swait.ge [sflag:s0], $0x4000  }
0xd6: {  	[sflag:s0] =	ssyncset.done $0x0  }
0xd7: {  	[sflag:s0] =	ssyncadd.s32 $0xFFFFC000  }
0xd8: {  	_ =	swait.ge [sflag:s8], $0x80  }
0xd9: {  	[sflag:s8] =	ssyncset.done $0x0  }
0xda: {  	s21 =	simm.s32 $0x4;
	[sflag:s8] =	ssyncadd.s32 $0xFFFFFF80  }
0xdb: {  	_ =	swait.ge [sflag:s21], $0x4000  }
0xdc: {  	[sflag:s21] =	ssyncset.done $0x0  }
0xdd: {  	s22 =	simm.s32 $0x6;
	[sflag:s21] =	ssyncadd.s32 $0xFFFFC000  }
0xde: {  	_ =	swait.ge [sflag:s22], $0x80  }
0xdf: {  	[sflag:s22] =	ssyncset.done $0x0  }
0xe0: {  	s10 =	stileid.u32;
	[sflag:s22] =	ssyncadd.s32 $0xFFFFFF80  }
0xe1: {  	s0 =	sshll.u32 s10, $0x6;
	[bflag:$0x0] =	sbarrier.arrive $0xFFFF  }
0xe2: {  	s11 =	sshrl.u32 s23, $0x3;
	s0 =	sor.u32 $0x1C07, s0;
	s12 =	rddreg [dreg:$0x8]  }
0xe3: {  	[hbm:s12], [sflag:s0] =	dma.local [spmem:s11], $0x800  }
0xe4: {  	_ =	swait.ge [sflag:s5], $0x800  }
0xe5: {  	[sflag:s5] =	ssyncset.done $0x0  }
0xe6: {  	s14 =	sshrl.u32 s24, $0x3;
	s20 =	rddreg [dreg:$0xd];
	[sflag:s5] =	ssyncadd.s32 $0xFFFFF800  }
0xe7: {  	[hbm:s20], [sflag:s0] =	dma.local [spmem:s14], $0x10  }
0xe8: {  	_ =	swait.ge [sflag:s5], $0x10  }
0xe9: {  	[sflag:s5] =	ssyncset.done $0x0  }
0xea: {  	s21 =	sshrl.u32 s25, $0x3;
	s22 =	rddreg [dreg:$0x9];
	[sflag:s5] =	ssyncadd.s32 $0xFFFFFFF0  }
0xeb: {  	[hbm:s22], [sflag:s0] =	dma.local [spmem:s21], $0x800  }
0xec: {  	_ =	swait.ge [sflag:s5], $0x800  }
0xed: {  	s15 =	smov.u32 s23;
	s16 =	smov.u32 s24;
	[sflag:s5] =	ssyncset.done $0x0  }
0xee: {  	s23 =	sshrl.u32 s26, $0x3;
	s24 =	rddreg [dreg:$0xe];
	[sflag:s5] =	ssyncadd.s32 $0xFFFFF800  }
0xef: {  	[hbm:s24], [sflag:s0] =	dma.local [spmem:s23], $0x10  }
0xf0: {  	_ =	swait.ge [sflag:s5], $0x10  }
0xf1: {  	s20 =	smov.u32 s25;
	s25 =	sshrl.u32 s28, $0x3;
	[sflag:s5] =	ssyncset.done $0x0  }
0xf2: {  	s21 =	smov.u32 s26;
	s26 =	rddreg [dreg:$0xa];
	[sflag:s5] =	ssyncadd.s32 $0xFFFFFFF0  }
0xf3: {  	[hbm:s26], [sflag:s0] =	dma.local [spmem:s25], $0x800  }
0xf4: {  	_ =	swait.ge [sflag:s5], $0x800  }
0xf5: {  	s31 =	smov.u32 s29;
	s22 =	smov.u32 s28;
	[sflag:s5] =	ssyncset.done $0x0  }
0xf6: {  	s28 =	sshrl.u32 s29, $0x3;
	s29 =	rddreg [dreg:$0xf];
	[sflag:s5] =	ssyncadd.s32 $0xFFFFF800  }
0xf7: {  	[hbm:s29], [sflag:s0] =	dma.local [spmem:s28], $0x10  }
0xf8: {  	_ =	swait.ge [sflag:s5], $0x10  }
0xf9: {  	[sflag:s5] =	ssyncset.done $0x0;
	s12 =	rddreg [dreg:$0x15]  }
0xfa: {  	s14 =	rddreg [dreg:$0xb];
	[sflag:s5] =	ssyncadd.s32 $0xFFFFFFF0;
	s10 =	sshrl.u32 s12, $0x3  }
0xfb: {  	[hbm:s14], [sflag:s0] =	dma.local [spmem:s10], $0x800  }
0xfc: {  	_ =	swait.ge [sflag:s5], $0x800  }
0xfd: {  	[sflag:s5] =	ssyncset.done $0x0;
	s23 =	rddreg [dreg:$0x16]  }
0xfe: {  	s24 =	rddreg [dreg:$0x10];
	[sflag:s5] =	ssyncadd.s32 $0xFFFFF800;
	s10 =	sshrl.u32 s23, $0x3  }
0xff: {  	[hbm:s24], [sflag:s0] =	dma.local [spmem:s10], $0x10  }
0x100: {  	_ =	swait.ge [sflag:s5], $0x10  }
0x101: {  	[sflag:s5] =	ssyncset.done $0x0  }
0x102: {  	s25 =	sshrl.u32 s30, $0x3;
	s26 =	rddreg [dreg:$0xc];
	[sflag:s5] =	ssyncadd.s32 $0xFFFFFFF0  }
0x103: {  	[hbm:s26], [sflag:s0] =	dma.local [spmem:s25], $0x800  }
0x104: {  	_ =	swait.ge [sflag:s5], $0x800  }
0x105: {  	[sflag:s5] =	ssyncset.done $0x0;
	s28 =	rddreg [dreg:$0x17]  }
0x106: {  	s29 =	rddreg [dreg:$0x11];
	[sflag:s5] =	ssyncadd.s32 $0xFFFFF800;
	s10 =	sshrl.u32 s28, $0x3  }
0x107: {  	[hbm:s29], [sflag:s0] =	dma.local [spmem:s10], $0x10  }
0x108: {  	_ =	swait.ge [sflag:s5], $0x10  }
0x109: {  	s13 =	sadd.s32 $0x1, s13;
	s12 =	smov.u32 s30;
	s30 =	rddreg [dreg:$0x18]  }
0x10a: {  	p0 =	sne.s32 s13, s30  }
.Ltmp2:
0x10b: {  	_ = 	snop;
	(pc) =	sbr.rel @p0 .LBB2_1-.Ltmp2, $3  }
0x10c: {  	_ =	sdelay $0x1  }
0x10d: {  	[sflag:s5] =	ssyncset.done $0x0  }
0x10e: {  	[sflag:s5] =	ssyncadd.s32 $0xFFFFFFF0  }
0x10f: {  	_ =	sfence.sel $0x180000  }
0x110: {  	[bflag:$0x0] =	sbarrier.arrive $0xFFFF  }
0x111: {  	_ =	strace $0x90000050  }
0x112: {  	s0 =	stileid.u32;
	[bflag:$0x2] =	sbarrier.arrive $0xFFFF  }
0x113: {  	p0 =	sne.s32 s0, $0x0;
	s0 =	rddreg [dreg:$0x3]  }
0x114: {  	s0 =	sadd.s32 @!p0 $0x100000, s0  }
0x115: {  	[sflag:s0] =	ssyncadd.tile.s32 @!p0 $0x1;
	_ =	shalt  }
.Lfunc_end2:
_tile_overlayer_lowered:
.L_overlay_start_2:
0x116: {  	(tag) =	ssettag $0x2  }
0x117: {  	s0 =	rddreg [dreg:$0x0];
	s2 =	stileid.u32  }
0x118: {  	s1 =	rddreg [dreg:$0x1];
	p0 =	sne.s32 s2, $0x0  }
0x119: {  	s3 =	rddreg [dreg:$0x2];
	[bflag:$0x3] =	sbarrier.arrive $0xFFFF;
	s2 =	simm.s32 @!p0 $0x1C07  }
0x11a: {  	[timem:s3], [sflag:s2] =	dma.local @!p0 [hbm:s0], s1  }
0x11b: {  	s0 =	simm.s32 @!p0 $0x7  }
0x11c: {  	_ =	swait.ge @!p0 [sflag:s0], s1  }
0x11d: {  	s1 =	ssub.s32 @!p0 $0x0, s1;
	[sflag:s0] =	ssyncset.done @!p0 $0x0  }
0x11e: {  	[sflag:s0] =	ssyncadd.s32 @!p0 s1  }
0x11f: {  	[bflag:$0x3] =	sbarrier.arrive $0xFFFF  }
0x120: {  	_ =	shalt  }

// kernel: kernel.9.cloned.1.call-start
scs
__scs_entry_jumppad:
0x0: {  	(pc) =	sbr.rel $0x88, $3  }
0x1: {  	(tag) =	ssettag $0x0;
	lr =	simm.s32 $0x1  }
0x2: {  	[smem:$0x3F96] =	sst lr;
	_ =	strace $0xD0000000  }
0x3: {  	_ = 	snop  }
0x4: {  	_ = 	snop  }
0x5: {  	_ = 	snop  }
0x6: {  	_ = 	snop  }
0x7: {  	_ = 	snop  }
__scs_overlays_trampoline_lowered:
0x8: {  	[smem:$0x3FA5] =	sst s0  }
0x9: {  	[smem:$0x3FA6] =	sst s1  }
0xa: {  	[smem:$0x3FA7] =	sst s2  }
0xb: {  	[smem:$0x3FA8] =	sst s3  }
0xc: {  	[smem:$0x3FA9] =	sst s4  }
0xd: {  	[smem:$0x3FAA] =	sst s5  }
0xe: {  	[smem:$0x3FAB] =	sst s6  }
0xf: {  	[smem:$0x3FAC] =	sst s7  }
0x10: {  	[smem:$0x3FAD] =	sst s8  }
0x11: {  	[smem:$0x3FAE] =	sst s9;
	s0 =	simm.s32 @!p0 $0x0  }
0x12: {  	s1 =	sld [smem:$0x3F94];
	s0 =	simm.s32 @p0 $0x1  }
0x13: {  	[smem:$0x3FAF] =	sst s0;
	s0 =	simm.s32 @!p1 $0x0  }
0x14: {  	s2 =	sld [smem:$0x3F93];
	s0 =	simm.s32 @p1 $0x1  }
0x15: {  	[smem:$0x3FB0] =	sst s0;
	s0 =	simm.s32 @!p2 $0x0  }
0x16: {  	s3 =	sld [smem:$0x3FDB];
	s0 =	simm.s32 @p2 $0x1  }
0x17: {  	s4 =	simm.s32 $0x1BF5;
	[smem:$0x3FB2] =	sst s0  }
0x18: {  	s0 =	sld [smem:$0x3F95];
	_ =	swait.ge [sflag:s4], $0x0  }
0x19: {  	s7 =	sld [smem:$0x3F96]  }
0x1a: {  	s8 =	sadd.s32 $0xFFFFE003, lr  }
0x1b: {  	s9 =	sadd.s32 $0xFFFFFEF7, lr;
	s5 =	simm.s32 $0xFFFFFFFF;
	p2 =	slt.u32 s8, $0xFFFFF086  }
0x1c: {  	p1 =	slt.u32 s9, $0xF7A;
	s5 =	simm.s32 @!p2 $0x0  }
0x1d: {  	s5 =	simm.s32 @p1 $0x1;
	p0 =	seq.s32 s7, s2  }
0x1e: {  	s7 =	smul.u32 @!p0 $0xF7A, s2;
	p2 =	seq.s32 @!p0 s5, $0x0  }
0x1f: {  	s9 =	smul.u32 $0xF7A, s1;
	s8 =	simm.s32 @!p0 $0x1BF5;
	p2 =	por !p2, p0  }
0x20: {  	[sflag:s8] =	ssyncset.s32 @!p0 $0xFFFFF086;
	s6 =	sadd.s32 @!p0 s3, s7;
	s7 =	simm.s32 @!p0 $0x108  }
0x21: {  	s3 =	sadd.s32 s3, s9;
	s6 =	sadd.s32 @!p0 $0x88, s6;
	s7 =	simm.s32 @p2 $0x1082  }
0x22: {  	[simem:s7], [sflag:s8] =	dma.local @!p0 [hbm:s6], $0xF7A  }
0x23: {  	s9 =	sor.u32 $0xD0000000, s2;
	s6 =	simm.s32 $0x108;
	_ =	swait.ge @!p0 [sflag:s8], $0x0  }
0x24: {  	s3 =	sadd.s32 $0x88, s3;
	s6 =	simm.s32 @!p1 $0x1082;
	[sflag:s4] =	ssyncset.s32 $0xFFFFF086  }
0x25: {  	[simem:s6], [sflag:s4] =	dma.local [hbm:s3], $0xF7A  }
0x26: {  	[smem:$0x3F96] =	sst s1;
	(tag) =	ssettag s2;
	_ =	strace s9  }
0x27: {  	s1 =	sld [smem:$0x3FA6]  }
0x28: {  	s2 =	sld [smem:$0x3FA7]  }
0x29: {  	s4 =	sld [smem:$0x3FA9]  }
0x2a: {  	p0 =	seq.s32 s5, $0x0;
	s5 =	sld [smem:$0x3FAA]  }
0x2b: {  	s6 =	sld [smem:$0x3FAB]  }
0x2c: {  	s7 =	sld [smem:$0x3FAC]  }
0x2d: {  	s3 =	simm.s32 $0x108;
	s8 =	sld [smem:$0x3FAD]  }
0x2e: {  	s3 =	simm.s32 @!p0 $0x1082;
	s9 =	sld [smem:$0x3FAE]  }
0x2f: {  	lr =	sadd.s32 s0, s3;
	s0 =	sld [smem:$0x3FA5]  }
0x30: {  	s3 =	sld [smem:$0x3FA8]  }
0x31: {  	[smem:$0x3FB1] =	sst s10  }
0x32: {  	s10 =	sld [smem:$0x3FAF];
	_ =	sdelay $0x3  }
0x33: {  	p0 =	seq.s32 s10, $0x1;
	s10 =	sld [smem:$0x3FB1];
	_ =	sdelay $0x3  }
0x34: {  	[smem:$0x3FB1] =	sst s10  }
0x35: {  	s10 =	sld [smem:$0x3FB0];
	_ =	sdelay $0x3  }
0x36: {  	p1 =	seq.s32 s10, $0x1;
	s10 =	sld [smem:$0x3FB1];
	_ =	sdelay $0x3  }
0x37: {  	[smem:$0x3FB1] =	sst s10  }
0x38: {  	s10 =	sld [smem:$0x3FB2]  }
0x39: {  	_ = 	snop;
	(pc) =	sbr.ind lr, $3  }
0x3a: {  	_ = 	snop  }
0x3b: {  	_ = 	snop  }
0x3c: {  	p2 =	seq.s32 s10, $0x1;
	s10 =	sld [smem:$0x3FB1]  }
0x3d: {  	_ =	shalt  }
0x3e: {  	_ =	shalt  }
0x3f: {  	_ =	shalt  }
0x40: {  	_ =	shalt  }
0x41: {  	_ =	shalt  }
0x42: {  	_ =	shalt  }
0x43: {  	_ =	shalt  }
0x44: {  	_ =	shalt  }
0x45: {  	_ =	shalt  }
0x46: {  	_ =	shalt  }
0x47: {  	_ =	shalt  }
0x48: {  	_ =	shalt  }
0x49: {  	_ =	shalt  }
0x4a: {  	_ =	shalt  }
0x4b: {  	_ =	shalt  }
0x4c: {  	_ =	shalt  }
0x4d: {  	_ =	shalt  }
0x4e: {  	_ =	shalt  }
0x4f: {  	_ =	shalt  }
0x50: {  	_ =	shalt  }
0x51: {  	_ =	shalt  }
0x52: {  	_ =	shalt  }
0x53: {  	_ =	shalt  }
0x54: {  	_ =	shalt  }
0x55: {  	_ =	shalt  }
0x56: {  	_ =	shalt  }
0x57: {  	_ =	shalt  }
0x58: {  	_ =	shalt  }
0x59: {  	_ =	shalt  }
0x5a: {  	_ =	shalt  }
0x5b: {  	_ =	shalt  }
0x5c: {  	_ =	shalt  }
0x5d: {  	_ =	shalt  }
0x5e: {  	_ =	shalt  }
0x5f: {  	_ =	shalt  }
0x60: {  	_ =	shalt  }
0x61: {  	_ =	shalt  }
0x62: {  	_ =	shalt  }
0x63: {  	_ =	shalt  }
0x64: {  	_ =	shalt  }
0x65: {  	_ =	shalt  }
0x66: {  	_ =	shalt  }
0x67: {  	_ =	shalt  }
0x68: {  	_ =	shalt  }
0x69: {  	_ =	shalt  }
0x6a: {  	_ =	shalt  }
0x6b: {  	_ =	shalt  }
0x6c: {  	_ =	shalt  }
0x6d: {  	_ =	shalt  }
0x6e: {  	_ =	shalt  }
0x6f: {  	_ =	shalt  }
0x70: {  	_ =	shalt  }
0x71: {  	_ =	shalt  }
0x72: {  	_ =	shalt  }
0x73: {  	_ =	shalt  }
0x74: {  	_ =	shalt  }
0x75: {  	_ =	shalt  }
0x76: {  	_ =	shalt  }
0x77: {  	_ =	shalt  }
0x78: {  	_ =	shalt  }
0x79: {  	_ =	shalt  }
0x7a: {  	_ =	shalt  }
0x7b: {  	_ =	shalt  }
0x7c: {  	_ =	shalt  }
0x7d: {  	_ =	shalt  }
0x7e: {  	_ =	shalt  }
0x7f: {  	_ =	shalt  }
0x80: {  	_ =	shalt  }
0x81: {  	_ =	shalt  }
0x82: {  	_ =	shalt  }
0x83: {  	_ =	shalt  }
0x84: {  	_ =	shalt  }
0x85: {  	_ =	shalt  }
0x86: {  	_ =	shalt  }
0x87: {  	_ =	shalt  }
.Lfunc_end0:
.L_simem_size_0:
called_computation_lowered:
.L_overlay_start_0:
0x88: {  	s2 =	sld [smem:$0x3FD9]  }
0x89: {  	s3 =	sld [smem:$0x3FFE];
	_ =	sdelay $0x1  }
0x8a: {  	s1 =	srdreg.scid  }
0x8b: {  	s0 =	sand.u32 $0x1, s1  }
0x8c: {  	s14 =	sshll.u32 s0, $0xA;
	s2 =	sadd.s32 s3, s2  }
0x8d: {  	s2 =	sadd.s32 s2, s14  }
0x8e: {  	[smem:$0x3FBD] =	sst s2  }
0x8f: {  	_ = 	snop  }
0x90: {  	s2 =	sld [smem:$0x3FD0];
	_ =	sdelay $0x2  }
0x91: {  	s4 =	simm.s32 $0xB;
	s5 =	simm.s32 $0x10;
	s15 =	sld [smem:$0x3FC9]  }
0x92: {  	[smem:s5], [sflag:s4] =	dma.local [hbm:s2], $0x1  }
0x93: {  	_ =	swait.eq [sflag:s4], $0x1  }
0x94: {  	[sflag:s4] =	ssyncset.done $0x0  }
0x95: {  	s16 =	sld [smem:$0x10];
	[sflag:s4] =	ssyncadd.s32 $0xFFFFFFFF  }
0x96: {  	s17 =	sld [smem:$0x11];
	(tm) =	ssettm $0x1  }
0x97: {  	s18 =	sld [smem:$0x3FFB];
	_ =	sdelay $0x3  }
0x98: {  	_ =	strace s18  }
0x99: {  	s5 =	sld [smem:$0x3FFC];
	_ =	sdelay $0x3  }
0x9a: {  	_ =	strace s5  }
0x9b: {  	s5 =	sld [smem:$0x3FFD];
	_ =	sdelay $0x3  }
0x9c: {  	_ =	strace s5  }
0x9d: {  	_ =	strace $0x8FFFFFFF  }
0x9e: {  	s19 =	sld [smem:$0x3FDB];
	_ =	sdelay $0x1  }
0x9f: {  	s6 =	simm.s32 $_scs_section_size  }
0xa0: {  	s7 =	simm.s32 $_size__tile_overlayer_lowered;
	s8 =	simm.s32 $_tile_overlayer_lowered  }
0xa1: {  	s22 =	simm.s32 $0x1BFF;
	s21 =	sshll.u32 s8, $0x1;
	s5 =	sadd.s32 s6, s19  }
0xa2: {  	s9 =	simm.s32 $0x0;
	s20 =	sshll.u32 s7, $0x1;
	s7 =	sadd.s32 s21, s5  }
0xa3: {  	[timem:s9], [sflag:s22] =	dma.local [hbm:s7], s20  }
0xa4: {  	_ =	swait.ge [sflag:s22], s20  }
0xa5: {  	s6 =	ssub.s32 $0x0, s20;
	[sflag:s22] =	ssyncset.done $0x0  }
0xa6: {  	[sflag:s22] =	ssyncadd.s32 s6;
	_ =	sdelay $0x1  }
0xa7: {  	s23 =	simm.s32 $0x1B8B  }
0xa8: {  	_ =	swait.ge [sflag:s23], $0x1  }
0xa9: {  	[sflag:s23] =	ssyncset.done $0x0  }
0xaa: {  	s25 =	simm.s32 $0x1B8E;
	s24 =	sld [smem:$0x3FFE];
	[sflag:s23] =	ssyncadd.s32 $0xFFFFFFFF  }
0xab: {  	s26 =	simm.s32 $execute0_lowered;
	[smem:$0x3FD2] =	sst s25  }
0xac: {  	s7 =	sshll.u32 s26, $0x1;
	_ =	strace $0x80000046;
	[dreg:$0x1] =	wrdreg $0xFFFFFFFF  }
0xad: {  	s28 =	simm.s32 $_size_execute0_lowered;
	s5 =	sadd.s32 s5, s7;
	[dreg:$0x0] =	wrdreg $0x0  }
0xae: {  	s7 =	sshll.u32 s28, $0x1;
	[dreg:$0x2] =	wrdreg s5  }
0xaf: {  	[dreg:$0x3] =	wrdreg s7  }
0xb0: {  	[dreg:$0x4] =	wrdreg $0xC0  }
0xb1: {  	_ =	task [dreg:s9], $0x5FFFF  }
0xb2: {  	[dreg:$0x1] =	wrdreg $0xFFFFFFFF  }
0xb3: {  	[dreg:$0x0] =	wrdreg $0x60  }
0xb4: {  	[dreg:$0x2] =	wrdreg s15  }
0xb5: {  	[dreg:$0x3] =	wrdreg s17  }
0xb6: {  	[dreg:$0x4] =	wrdreg s16  }
0xb7: {  	[dreg:$0x5] =	wrdreg s24  }
0xb8: {  	[dreg:$0x6] =	wrdreg $0xA  }
0xb9: {  	_ =	task.clear_ibuf [dreg:s9], $0x7FFFF;
	_ =	strace $0x90000046  }
0xba: {  	s29 =	simm.s32 $0xA;
	_ =	strace $0x80000048  }
0xbb: {  	_ =	swait.ge [sflag:s29], $0x1  }
0xbc: {  	[sflag:s29] =	ssyncadd.s32 $0xFFFFFFFF  }
0xbd: {  	_ =	strace $0x90000048  }
0xbe: {  	_ =	sfence  }
0xbf: {  	s30 =	sld [smem:$0x0];
	_ =	sdelay $0x2  }
0xc0: {  	s31 =	sshll.u32 s1, $0xD;
	s1 =	sshrl.u32 s1, $0x2  }
0xc1: {  	s3 =	sand.u32 $0x4000, s31;
	s1 =	sadd.s32 s1, s30  }
0xc2: {  	s0 =	sor.u32 s3, s0;
	s1 =	sshll.u32 s1, $0x11  }
0xc3: {  	s0 =	sor.u32 s1, s0  }
0xc4: {  	s0 =	sadd.s32 $0x8F2B, s0  }
0xc5: {  	[sflag:s0] =	ssyncadd.remote.s32 $0x1  }
0xc6: {  	_ =	sfence.sel $0xFFFF  }
0xc7: {  	[dreg:$0x0] =	wrdreg $0xFFFFFFFF;
	(pc) =	sbr.abs _section_cstart, $3  }
0xc8: {  	[dreg:$0x1] =	wrdreg $0xFFFFFFFF  }
0xc9: {  	_ =	task.clear_ibuf [dreg:s9], $0x2FFFF;
	_ =	strace $0x9FFFFFFF  }
0xca: {  	(tm) =	ssettm $0x7FFFFFFF  }
0xcb: {  	_ =	shalt  }
tec
execute0_lowered:
.L_overlay_start_1:
0x0: {  	(tag) =	ssettag $0x1  }
0x1: {  	s1 =	rddreg [dreg:$0x0]  }
0x2: {  	s10 =	rddreg [dreg:$0x1]  }
0x3: {  	s2 =	rddreg [dreg:$0x2]  }
0x4: {  	s5 =	rddreg [dreg:$0x3]  }
0x5: {  	s0 =	rddreg [dreg:$0x4];
	s3 =	simm.s32 $0x0;
	s4 =	srdreg.scid  }
0x6: {  	s17 =	simm.s32 $0x1;
	s18 =	simm.s32 $0x2;
	s19 =	simm.s32 $0x3  }
0x7: {  	s20 =	simm.s32 $0x4;
	s21 =	simm.s32 $0x0;
	[smem:$0x7FF] =	sst s3  }
0x8: {  	s11 =	sand.u32 $0x1, s4;
	s4 =	stileid.u32;
	_ =	strace $0x80000047  }
0x9: {  	s6 =	sshll.u32 s11, $0xF;
	s7 =	ssub.s32 $0x2, s11;
	s12 =	sshll.u32 s11, $0x8  }
0xa: {  	s13 =	sshll.u32 s4, $0x4;
	s15 =	sshll.u32 s11, $0xB;
	s16 =	sshll.u32 s4, $0x7  }
0xb: {  	s11 =	sshll.u32 s11, $0x12;
	s29 =	sshll.u32 s4, $0xE;
	s30 =	sshll.u32 s4, $0xB  }
0xc: {  	s14 =	sadd.s32 s6, s5;
	s28 =	sshrl.u32 s7, $0x1;
	s8 =	sor.u32 s13, s12  }
0xd: {  	s5 =	sadd.s32 $0x143E00, s5;
	s11 =	sor.u32 s29, s11;
	s9 =	ssub.s32 s7, s28  }
.Ltmp0:
0xe: {  	s6 =	sadd.s32 s10, s8;
	s10 =	sadd.s32 s12, s10;
	(pc) =	sbr.rel .LBB2_1-.Ltmp0, $4  }
0xf: {  	s31 =	sadd.s32 s30, s14;
	s11 =	sor.u32 $0xFF600000, s11;
	s14 =	simm.s32 $0x80  }
0x10: {  	s7 =	sadd.s32 $0x200, s6;
	s8 =	smax.u32 s9, $0x1;
	s9 =	sor.u32 s16, s15  }
0x11: {  	s10 =	sadd.s32 s13, s10;
	s12 =	sadd.s32 $0x13E00, s31;
	s13 =	simm.s32 $0x5  }
0x12: {  	s15 =	simm.s32 $0x100;
	s16 =	simm.s32 $0x4100;
	s10 =	sadd.s32 $0x400, s10  }
.LBB2_6:
0x13: {  	s21 =	sadd.s32 $0x1, s21  }
0x14: {  	_ =	swait.ge [sflag:s19], $0x4000;
	p0 =	sne.s32 s21, s8  }
.Ltmp1:
0x15: {  	[sflag:s19] =	ssyncset.done $0x0;
	(pc) =	sbr.rel @!p0 .LBB2_7-.Ltmp1, $4  }
0x16: {  	[sflag:s19] =	ssyncadd.s32 $0xFFFFC000  }
0x17: {  	_ =	swait.ge [sflag:s20], $0x4000  }
0x18: {  	[sflag:s20] =	ssyncset.done $0x0  }
0x19: {  	[sflag:s20] =	ssyncadd.s32 $0xFFFFC000  }
.LBB2_1:
0x1a: {  	[tilespmem:s3], [sflag:$0x5] =	stream.linear.gather [hbm4b:s6+s3], $0x80, $0x38;
	[tilespmem:$0x8100] =	vst v63  }
0x1b: {  	_ =	swait.ge [sflag:s13], $0x80  }
0x1c: {  	[sflag:s13] =	ssyncset.done $0x0  }
0x1d: {  	[sflag:s13] =	ssyncadd.s32 $0xFFFFFF80  }
0x1e: {  	[tilespmem:s15], [sflag:$0x1] =	stream.indirect.gather [hbm4b:s1+s14], $0x80, s3, s14, $0xb8;
	[tilespmem:$0x8100] =	vst v63  }
0x1f: {  	_ = 	snop  }
0x20: {  	[tilespmem:s14], [sflag:$0x5] =	stream.linear.gather [hbm4b:s7+s3], $0x80, $0x38;
	[tilespmem:$0x8100] =	vst v63  }
.Ltmp2:
0x21: {  	_ = 	snop;
	(pc) =	sbr.rel .LBB2_2-.Ltmp2, $4  }
0x22: {  	s22 =	smov.u32 s12;
	_ =	swait.ge [sflag:s13], $0x80  }
0x23: {  	s23 =	smov.u32 s11;
	s24 =	smov.u32 s10;
	[sflag:s13] =	ssyncset.done $0x0  }
0x24: {  	s25 =	simm.s32 $0x0;
	s26 =	simm.s32 $0x0;
	[sflag:s13] =	ssyncadd.s32 $0xFFFFFF80  }
0x25: {  	[tilespmem:s16], [sflag:$0x2] =	stream.indirect.gather [hbm4b:s1+s14], $0x80, s14, s14, $0xb8;
	[tilespmem:$0x8100] =	vst v63  }
.LBB2_3:
0x26: {  	[hbm4b:s22+s3] =	stream.linear.scatter [tilespmem:s16], [sflag:$0x4], $0x4000, $0x38;
	[tilespmem:$0x8100] =	vst v63  }
.LBB2_5:
0x27: {  	s28 =	sadd.s32 s25, s9  }
0x28: {  	s28 =	sadd.s32 $0xFFFEE000, s28  }
0x29: {  	_ =	swait.ge [sflag:s19], $0x4000;
	s28 =	sshrl.u32 s28, $0x3  }
0x2a: {  	p0 =	slt.u32 s26, $0x9;
	[sflag:s19] =	ssyncset.done $0x0;
	s28 =	sadd.s32 s2, s28  }
0x2b: {  	[sflag:s19] =	ssyncadd.s32 $0xFFFFC000;
	s28 =	smov.u32 @p0 s24  }
0x2c: {  	[tilespmem:s3], [sflag:$0x5] =	stream.linear.gather [hbm4b:s28+s3], $0x80, $0x38;
	[tilespmem:$0x8100] =	vst v63  }
0x2d: {  	p0 =	sgt.u32 s26, $0x8;
	_ =	swait.ge [sflag:s13], $0x80  }
0x2e: {  	s28 =	sadd.s32 @p0 s25, s9;
	[sflag:s13] =	ssyncset.done $0x0  }
0x2f: {  	s28 =	sadd.s32 @p0 $0xFFFEF000, s28;
	[sflag:s13] =	ssyncadd.s32 $0xFFFFFF80  }
0x30: {  	[tilespmem:s15], [sflag:$0x1] =	stream.indirect.gather [hbm4b:s1+s14], $0x80, s3, s14, $0xb8;
	[tilespmem:$0x8100] =	vst v63  }
0x31: {  	s29 =	sadd.s32 @!p0 $0x200, s24;
	s28 =	sshrl.u32 @p0 s28, $0x3;
	_ =	swait.ge [sflag:s20], $0x4000  }
0x32: {  	s25 =	sadd.s32 $0x2000, s25;
	s28 =	sadd.s32 @p0 s2, s28;
	[sflag:s20] =	ssyncset.done $0x0  }
0x33: {  	s29 =	smov.u32 @p0 s28;
	p0 =	sne.s32 s25, $0x28000;
	[sflag:s20] =	ssyncadd.s32 $0xFFFFC000  }
0x34: {  	[tilespmem:s14], [sflag:$0x5] =	stream.linear.gather [hbm4b:s29+s3], $0x80, $0x38;
	[tilespmem:$0x8100] =	vst v63  }
.Ltmp3:
0x35: {  	_ = 	snop;
	(pc) =	sbr.rel @!p0 .LBB2_6-.Ltmp3, $4  }
0x36: {  	_ =	swait.ge [sflag:s13], $0x80  }
0x37: {  	s23 =	sadd.s32 $0x100000, s23;
	s22 =	sadd.s32 $0x20000, s22;
	[sflag:s13] =	ssyncset.done $0x0  }
0x38: {  	s26 =	sadd.s32 $0x1, s26;
	s24 =	sadd.s32 $0x400, s24;
	[sflag:s13] =	ssyncadd.s32 $0xFFFFFF80  }
0x39: {  	[tilespmem:s16], [sflag:$0x2] =	stream.indirect.gather [hbm4b:s1+s14], $0x80, s14, s14, $0xb8;
	[tilespmem:$0x8100] =	vst v63  }
.LBB2_2:
0x3a: {  	_ =	swait.ge [sflag:s17], $0x4000;
	s28 =	sshrl.u32 s23, $0x3;
	p0 =	sgt.u32 s26, $0x9  }
0x3b: {  	s29 =	sadd.s32 $0xFFFF0000, s22;
	[sflag:s17] =	ssyncset.done $0x0;
	s28 =	sadd.s32 s5, s28  }
.Ltmp4:
0x3c: {  	[sflag:s17] =	ssyncadd.s32 $0xFFFFC000;
	s29 =	smov.u32 @p0 s28;
	(pc) =	sbr.rel @!p0 .LBB2_3-.Ltmp4, $4  }
0x3d: {  	[hbm4b:s29+s3] =	stream.linear.scatter [tilespmem:s15], [sflag:$0x3], $0x4000, $0x38;
	[tilespmem:$0x8100] =	vst v63  }
0x3e: {  	_ =	swait.ge [sflag:s18], $0x4000  }
0x3f: {  	[sflag:s18] =	ssyncset.done $0x0  }
0x40: {  	[sflag:s18] =	ssyncadd.s32 $0xFFFFC000  }
0x41: {  	p0 =	seq.s32 s25, $0x26000  }
.Ltmp5:
0x42: {  	_ = 	snop;
	(pc) =	sbr.rel @!p0 .LBB2_5-.Ltmp5, $4  }
.Ltmp6:
0x43: {  	s28 =	sadd.s32 $0x80000, s23;
	(pc) =	sbr.rel @p0 .LBB2_6-.Ltmp6, $4  }
0x44: {  	s28 =	sshrl.u32 s28, $0x3  }
0x45: {  	s28 =	sadd.s32 s5, s28  }
0x46: {  	[hbm4b:s28+s3] =	stream.linear.scatter [tilespmem:s16], [sflag:$0x4], $0x4000, $0x38;
	[tilespmem:$0x8100] =	vst v63  }
0x47: {  	_ = 	snop  }
.LBB2_7:
0x48: {  	_ =	sfence.sel $0x180000  }
0x49: {  	[bflag:$0x0] =	sbarrier.arrive $0xFFFF  }
0x4a: {  	p0 =	sne.s32 s4, $0x0;
	_ =	strace $0x90000047  }
0x4b: {  	s0 =	sadd.s32 @!p0 $0x100000, s0;
	[bflag:$0x2] =	sbarrier.arrive $0xFFFF  }
0x4c: {  	[sflag:s0] =	ssyncadd.tile.s32 @!p0 $0x1;
	_ =	shalt  }
.Lfunc_end2:
_tile_overlayer_lowered:
.L_overlay_start_2:
0x4d: {  	(tag) =	ssettag $0x2  }
0x4e: {  	s0 =	rddreg [dreg:$0x0];
	s2 =	stileid.u32  }
0x4f: {  	s1 =	rddreg [dreg:$0x1];
	p0 =	sne.s32 s2, $0x0  }
0x50: {  	s3 =	rddreg [dreg:$0x2];
	[bflag:$0x3] =	sbarrier.arrive $0xFFFF;
	s2 =	simm.s32 @!p0 $0x1C05  }
0x51: {  	[timem:s3], [sflag:s2] =	dma.local @!p0 [hbm:s0], s1  }
0x52: {  	s0 =	simm.s32 @!p0 $0x5  }
0x53: {  	_ =	swait.ge @!p0 [sflag:s0], s1  }
0x54: {  	s1 =	ssub.s32 @!p0 $0x0, s1;
	[sflag:s0] =	ssyncset.done @!p0 $0x0  }
0x55: {  	[sflag:s0] =	ssyncadd.s32 @!p0 s1  }
0x56: {  	[bflag:$0x3] =	sbarrier.arrive $0xFFFF  }
0x57: {  	_ =	shalt  }

</sc_bundles>
